<compile_context>
chip_gen: v7x
topology: tpu7x:2x2x1
jax: 0.10.2.dev20260603
libtpu: 0.0.44.dev20260713+nightly
codegen_flags: <defaults>
</compile_context>

<pallas_src>
import functools

import jax
import jax.numpy as jnp
from jax import lax
from jax.experimental import pallas as pl
from jax.experimental.pallas import tpu as pltpu
from jax.experimental.pallas import tpu_sc as plsc

_NUM_NODES = 160000
_DIM = 256
_NSEG = 32
_LANES = 16

_NC = 2
_NS = 16
_ROWS = _NUM_NODES // (_NC * _NS)
_CHUNK = 200
_NCHUNK = _ROWS // _CHUNK
_NBUF = 2
_CVEC = _DIM // _LANES
_BSEARCH_STEPS = 13


def _partials_sc(node_features, receivers):
    mesh = plsc.VectorSubcoreMesh(core_axis_name="c", subcore_axis_name="s")

    @functools.partial(
        pl.kernel,
        mesh=mesh,
        out_type=jax.ShapeDtypeStruct((_NC * _NSEG * 2, _DIM // 2), jnp.float32),
        compiler_params=pltpu.CompilerParams(needs_layout_passes=False),
        scratch_types=[
            pltpu.VMEM((_ROWS,), jnp.int32),
            pltpu.VMEM((_CHUNK, _DIM // 2), jnp.float32),
            pltpu.VMEM((_CHUNK, _DIM // 2), jnp.float32),
            pltpu.VMEM((_CHUNK, _DIM // 2), jnp.float32),
            pltpu.VMEM((_CHUNK, _DIM // 2), jnp.float32),
            pltpu.VMEM((_NSEG * 2, _DIM // 2), jnp.float32),
            pltpu.VMEM((_NSEG * 2,), jnp.int32),
            pltpu.VMEM_SHARED((_NSEG * 2, _DIM // 2), jnp.float32),
            pltpu.SemaphoreType.DMA,
            pltpu.SemaphoreType.DMA,
            pltpu.SemaphoreType.DMA,
            pltpu.SemaphoreType.DMA,
            pltpu.SemaphoreType.DMA,
        ],
    )
    def k(nf_hbm, recv_hbm, out_hbm, recv_v, buf0l, buf0r, buf1l, buf1r,
          acc, idx_v, shared, sem0l, sem0r, sem1l, sem1r, semr):
        cid = lax.axis_index("c")
        sid = lax.axis_index("s")
        row0 = (cid * _NS + sid) * _ROWS
        bufs = ((buf0l, buf0r), (buf1l, buf1r))
        sems = ((sem0l, sem0r), (sem1l, sem1r))

        class _Pair:
            def __init__(self, copies):
                self.copies = copies

            def start(self):
                for c in self.copies:
                    c.start()

            def wait(self):
                for c in self.copies:
                    c.wait()

        def chunk_copy(k_idx, bi):
            rsl = pl.ds(row0 + k_idx * _CHUNK, _CHUNK)
            half = _DIM // 2
            return _Pair([
                pltpu.make_async_copy(nf_hbm.at[rsl, pl.ds(h * half, half)],
                                      bufs[bi][h], sems[bi][h])
                for h in range(2)])

        for bi in range(_NBUF):
            chunk_copy(bi, bi).start()
        recv_copy = pltpu.make_async_copy(
            recv_hbm.at[pl.ds(row0, _ROWS)], recv_v, semr)
        recv_copy.start()

        zeros = jnp.zeros((_LANES,), jnp.float32)
        for s in range(_NSEG * 2):
            for j in range(_CVEC // 2):
                acc[s, pl.ds(j * _LANES, _LANES)] = zeros

        lane = lax.broadcasted_iota(jnp.int32, (_LANES,), 0)
        for j in range(_NSEG * 2 // _LANES):
            idx_v[pl.ds(j * _LANES, _LANES)] = lane + j * _LANES

        @pl.when(sid == 0)
        def _():
            pltpu.sync_copy(acc, shared)

        plsc.subcore_barrier()

        recv_copy.wait()

        bounds = []
        for h in range(_NSEG // _LANES):
            seg = lane + h * _LANES
            lo = jnp.zeros((_LANES,), jnp.int32)
            hi = jnp.full((_LANES,), _ROWS, jnp.int32)
            for _ in range(_BSEARCH_STEPS):
                active = lo < hi
                mid = (lo + hi) >> 1
                midc = jnp.minimum(mid, _ROWS - 1)
                vals = plsc.load_gather(recv_v, [midc])
                go = vals < seg
                lo = jnp.where(active & go, mid + 1, lo)
                hi = jnp.where(active & (~go), mid, hi)
            bounds.append(lo)

        def bound_of(s):
            eq = lane == (s & (_LANES - 1))
            v0 = jnp.max(jnp.where(eq, bounds[0], 0))
            v1 = jnp.max(jnp.where(eq, bounds[1], 0))
            v = jnp.where(s < _LANES, v0, v1)
            return jnp.where(s >= _NSEG, jnp.int32(_ROWS), v)

        def flush(s, carry):
            sc = jnp.minimum(s, _NSEG - 1)
            for j in range(_CVEC):
                r = 2 * sc + (j // (_CVEC // 2))
                sl = pl.ds((j % (_CVEC // 2)) * _LANES, _LANES)
                acc[r, sl] = acc[r, sl] + carry[j]

        def process(k_idx, buf, state):
            base = k_idx * _CHUNK
            end = base + _CHUNK

            def cond(st):
                return st[0] < end

            def body(st):
                rp, s = st[0], st[1]
                carry = st[2:]
                bnext = bound_of(s + 1)
                hi = jnp.minimum(bnext, end)

                half = _CVEC // 2

                def row_body(i, c):
                    return tuple(
                        c[j] + buf[j // half][i - base,
                                              pl.ds((j % half) * _LANES,
                                                    _LANES)]
                        for j in range(_CVEC))

                carry = lax.fori_loop(rp, hi, row_body, carry)
                done = bnext <= end

                @pl.when(done)
                def _():
                    flush(s, carry)

                keep = jnp.where(done, jnp.float32(0), jnp.float32(1))
                carry = tuple(c * keep for c in carry)
                return (hi, jnp.where(done, s + 1, s)) + carry

            return lax.while_loop(cond, body, (jnp.int32(base),) + state)[1:]

        state = (jnp.int32(0),) + tuple(
            jnp.zeros((_LANES,), jnp.float32) for _ in range(_CVEC))

        def outer(g, state):
            for bi in range(_NBUF):
                k_idx = g * _NBUF + bi
                chunk_copy(k_idx, bi).wait()
                state = process(k_idx, bufs[bi], state)

                @pl.when(k_idx + _NBUF < _NCHUNK)
                def _(k_idx=k_idx, bi=bi):
                    chunk_copy(k_idx + _NBUF, bi).start()
            return state

        state = lax.fori_loop(0, _NCHUNK // _NBUF, outer, state)

        for last in range((_NCHUNK // _NBUF) * _NBUF, _NCHUNK):
            chunk_copy(last, last % _NBUF).wait()
            state = process(last, bufs[last % _NBUF], state)
        flush(state[0], state[1:])

        pltpu.sync_copy(acc, shared.at[idx_v], add=True)
        plsc.subcore_barrier()

        @pl.when(sid == 0)
        def _():
            pltpu.sync_copy(shared,
                            out_hbm.at[pl.ds(cid * _NSEG * 2, _NSEG * 2),
                                       pl.ds(0, _DIM // 2)])

    return k(node_features, receivers)


def _combine_tc(parts):
    def body(p_ref, o_ref):
        o_ref[...] = p_ref[0] + p_ref[1]

    return pl.pallas_call(
        body,
        out_shape=jax.ShapeDtypeStruct((_NSEG, _DIM), jnp.float32),
    )(parts)


@jax.jit
def kernel(node_features, receivers):
    if receivers.ndim == 2:
        receivers = receivers[:, 0]
    parts = _partials_sc(node_features, receivers)
    return _combine_tc(parts.reshape(_NC, _NSEG, _DIM))

# --- scband reference (transcript-rebuilt; emitter-appended) ---
"""Pipeline reference for scband-scatter-linear-4398046511290 (READ-ONLY COPY).

The authoritative reference and input builder live on the scoring server;
editing this copy changes nothing except your own understanding.
"""

import jax, jax.numpy as jnp
import numpy as np

INPUT_DIM = 256
NUM_NODES = 160000
DIM_SIZE = 32  # hardcoded in the original forward (scatter_sum dim_size=32)


def setup_inputs(seed: int = 0) -> dict:
    key = jax.random.key(seed)
    k1, k2 = jax.random.split(key)
    node_features = jax.random.normal(k1, (NUM_NODES, INPUT_DIM), dtype=jnp.float32)
    receivers = jnp.sort(jax.random.randint(k2, (NUM_NODES,), 0, DIME if False else DIM_SIZE, dtype=jnp.int32))
    return {"node_features": node_features, "receivers": receivers}


def reference(node_features, receivers):
    # torch: receivers.unsqueeze(1).expand(-1, input_dim); scatter_sum(src, index, dim=0, dim_size=32)
    # Expanding the index over the feature dim and scatter-summing along dim 0 is
    # exactly a row-wise segment sum into 32 segments.
    if receivers.ndim == 2:
        receivers = receivers[:, 0]
    shortcut_aggregated = jax.ops.segment_sum(node_features, receivers, num_segments=DIM_SIZE)
    return shortcut_aggregated

if __name__ == "__main__":
    import jax
    _d = setup_inputs()
    print(jax.jit(kernel)(*tuple(_d.values())))

</pallas_src>

<mosaic_0001>
#map = affine_map<(d0, d1) -> (0, 0)>
#map1 = affine_map<(d0, d1) -> (0)>
module attributes {stable_mosaic.version = 14 : i64} {
  func.func @k(%arg0: i32, %arg1: i32, %arg2: memref<160000x256xf32, #tpu.memory_space<hbm>>, %arg3: memref<160000xi32, #tpu.memory_space<hbm>>, %arg4: memref<128x128xf32, #tpu.memory_space<hbm>>, %arg5: memref<5000xi32, #tpu.memory_space<vmem>>, %arg6: memref<200x128xf32, #tpu.memory_space<vmem>>, %arg7: memref<200x128xf32, #tpu.memory_space<vmem>>, %arg8: memref<200x128xf32, #tpu.memory_space<vmem>>, %arg9: memref<200x128xf32, #tpu.memory_space<vmem>>, %arg10: memref<64x128xf32, #tpu.memory_space<vmem>>, %arg11: memref<64xi32, #tpu.memory_space<vmem>>, %arg12: memref<64x128xf32, #tpu.memory_space<vmem_shared>>, %arg13: memref<!tpu.dma_semaphore, #tpu.memory_space<semaphore_mem>>, %arg14: memref<!tpu.dma_semaphore, #tpu.memory_space<semaphore_mem>>, %arg15: memref<!tpu.dma_semaphore, #tpu.memory_space<semaphore_mem>>, %arg16: memref<!tpu.dma_semaphore, #tpu.memory_space<semaphore_mem>>, %arg17: memref<!tpu.dma_semaphore, #tpu.memory_space<semaphore_mem>>) attributes {dimension_semantics = [#tpu.dimension_semantics<core_parallel>, #tpu.dimension_semantics<subcore_parallel>], iteration_bounds = array<i64: 2, 16>, scalar_prefetch = 0 : i64, scratch_operands = 13 : i64, tpu.core_type = #tpu.core_type<sc_vector_subcore>, window_params = [{transform_indices = #map}, {transform_indices = #map1}, {transform_indices = #map}]} {
    %mul3A = arith.constant 16 : i32
    %mul3A_0 = arith.muli %arg0, %mul3A : i32
    %add3A = arith.addi %mul3A_0, %arg1 : i32
    %mul3A_1 = arith.constant 5000 : i32
    %mul3A_2 = arith.muli %add3A, %mul3A_1 : i32
    %add3A_3 = arith.constant 0 : i32
    %add3A_4 = arith.addi %mul3A_2, %add3A_3 : i32
    %dma_start3A = arith.constant 0 : i32
    %dma_start3A_5 = tpu.memref_slice %arg2[%add3A_4, %dma_start3A] : memref<160000x256xf32, #tpu.memory_space<hbm>> -> memref<200x128xf32, #tpu.memory_space<hbm>>
    %dma_start3A_6 = arith.constant 0 : i32
    %dma_start3A_7 = tpu.memref_slice %arg2[%add3A_4, %dma_start3A_6] : memref<160000x256xf32, #tpu.memory_space<hbm>> -> memref<200x128xf32, #tpu.memory_space<hbm>>
    tpu.enqueue_dma source(%dma_start3A_7 : memref<200x128xf32, #tpu.memory_space<hbm>>) target(%arg6 : memref<200x128xf32, #tpu.memory_space<vmem>>) target_semaphore(%arg13 : memref<!tpu.dma_semaphore, #tpu.memory_space<semaphore_mem>>)
    %dma_start3A_8 = arith.constant 128 : i32
    %dma_start3A_9 = tpu.memref_slice %arg2[%add3A_4, %dma_start3A_8] : memref<160000x256xf32, #tpu.memory_space<hbm>> -> memref<200x128xf32, #tpu.memory_space<hbm>>
    %dma_start3A_10 = arith.constant 128 : i32
    %dma_start3A_11 = tpu.memref_slice %arg2[%add3A_4, %dma_start3A_10] : memref<160000x256xf32, #tpu.memory_space<hbm>> -> memref<200x128xf32, #tpu.memory_space<hbm>>
    tpu.enqueue_dma source(%dma_start3A_11 : memref<200x128xf32, #tpu.memory_space<hbm>>) target(%arg7 : memref<200x128xf32, #tpu.memory_space<vmem>>) target_semaphore(%arg14 : memref<!tpu.dma_semaphore, #tpu.memory_space<semaphore_mem>>)
    %add3A_12 = arith.constant 200 : i32
    %add3A_13 = arith.addi %mul3A_2, %add3A_12 : i32
    %dma_start3A_14 = arith.constant 0 : i32
    %dma_start3A_15 = tpu.memref_slice %arg2[%add3A_13, %dma_start3A_14] : memref<160000x256xf32, #tpu.memory_space<hbm>> -> memref<200x128xf32, #tpu.memory_space<hbm>>
    %dma_start3A_16 = arith.constant 0 : i32
    %dma_start3A_17 = tpu.memref_slice %arg2[%add3A_13, %dma_start3A_16] : memref<160000x256xf32, #tpu.memory_space<hbm>> -> memref<200x128xf32, #tpu.memory_space<hbm>>
    tpu.enqueue_dma source(%dma_start3A_17 : memref<200x128xf32, #tpu.memory_space<hbm>>) target(%arg8 : memref<200x128xf32, #tpu.memory_space<vmem>>) target_semaphore(%arg15 : memref<!tpu.dma_semaphore, #tpu.memory_space<semaphore_mem>>)
    %dma_start3A_18 = arith.constant 128 : i32
    %dma_start3A_19 = tpu.memref_slice %arg2[%add3A_13, %dma_start3A_18] : memref<160000x256xf32, #tpu.memory_space<hbm>> -> memref<200x128xf32, #tpu.memory_space<hbm>>
    %dma_start3A_20 = arith.constant 128 : i32
    %dma_start3A_21 = tpu.memref_slice %arg2[%add3A_13, %dma_start3A_20] : memref<160000x256xf32, #tpu.memory_space<hbm>> -> memref<200x128xf32, #tpu.memory_space<hbm>>
    tpu.enqueue_dma source(%dma_start3A_21 : memref<200x128xf32, #tpu.memory_space<hbm>>) target(%arg9 : memref<200x128xf32, #tpu.memory_space<vmem>>) target_semaphore(%arg16 : memref<!tpu.dma_semaphore, #tpu.memory_space<semaphore_mem>>)
    %dma_start3A_22 = tpu.memref_slice %arg3[%mul3A_2] : memref<160000xi32, #tpu.memory_space<hbm>> -> memref<5000xi32, #tpu.memory_space<hbm>>
    %dma_start3A_23 = tpu.memref_slice %arg3[%mul3A_2] : memref<160000xi32, #tpu.memory_space<hbm>> -> memref<5000xi32, #tpu.memory_space<hbm>>
    tpu.enqueue_dma source(%dma_start3A_23 : memref<5000xi32, #tpu.memory_space<hbm>>) target(%arg5 : memref<5000xi32, #tpu.memory_space<vmem>>) target_semaphore(%arg17 : memref<!tpu.dma_semaphore, #tpu.memory_space<semaphore_mem>>)
    %broadcast_in_dim3A = arith.constant 0.000000e+00 : f32
    %broadcast_in_dim3A_24 = vector.broadcast %broadcast_in_dim3A : f32 to vector<16xf32>
    %swap3A = arith.constant 0 : i32
    %swap3A_25 = arith.index_cast %swap3A : i32 to index
    %swap3A_26 = arith.constant 0 : index
    %swap3A_27 = tpu.vector_load %arg10[%swap3A_25, %swap3A_26] {strides = array<i32>} : memref<64x128xf32, #tpu.memory_space<vmem>>, vector<16xf32>,
    tpu.vector_store %arg10[%swap3A_25, %swap3A_26], %broadcast_in_dim3A_24 {strides = array<i32>} : memref<64x128xf32, #tpu.memory_space<vmem>>, vector<16xf32>,
    %swap3A_28 = arith.constant 0 : i32
    %swap3A_29 = arith.index_cast %swap3A_28 : i32 to index
    %swap3A_30 = arith.constant 16 : index
    %swap3A_31 = tpu.vector_load %arg10[%swap3A_29, %swap3A_30] {strides = array<i32>} : memref<64x128xf32, #tpu.memory_space<vmem>>, vector<16xf32>,
    tpu.vector_store %arg10[%swap3A_29, %swap3A_30], %broadcast_in_dim3A_24 {strides = array<i32>} : memref<64x128xf32, #tpu.memory_space<vmem>>, vector<16xf32>,
    %swap3A_32 = arith.constant 0 : i32
    %swap3A_33 = arith.index_cast %swap3A_32 : i32 to index
    %swap3A_34 = arith.constant 32 : index
    %swap3A_35 = tpu.vector_load %arg10[%swap3A_33, %swap3A_34] {strides = array<i32>} : memref<64x128xf32, #tpu.memory_space<vmem>>, vector<16xf32>,
    tpu.vector_store %arg10[%swap3A_33, %swap3A_34], %broadcast_in_dim3A_24 {strides = array<i32>} : memref<64x128xf32, #tpu.memory_space<vmem>>, vector<16xf32>,
    %swap3A_36 = arith.constant 0 : i32
    %swap3A_37 = arith.index_cast %swap3A_36 : i32 to index
    %swap3A_38 = arith.constant 48 : index
    %swap3A_39 = tpu.vector_load %arg10[%swap3A_37, %swap3A_38] {strides = array<i32>} : memref<64x128xf32, #tpu.memory_space<vmem>>, vector<16xf32>,
    tpu.vector_store %arg10[%swap3A_37, %swap3A_38], %broadcast_in_dim3A_24 {strides = array<i32>} : memref<64x128xf32, #tpu.memory_space<vmem>>, vector<16xf32>,
    %swap3A_40 = arith.constant 0 : i32
    %swap3A_41 = arith.index_cast %swap3A_40 : i32 to index
    %swap3A_42 = arith.constant 64 : index
    %swap3A_43 = tpu.vector_load %arg10[%swap3A_41, %swap3A_42] {strides = array<i32>} : memref<64x128xf32, #tpu.memory_space<vmem>>, vector<16xf32>,
    tpu.vector_store %arg10[%swap3A_41, %swap3A_42], %broadcast_in_dim3A_24 {strides = array<i32>} : memref<64x128xf32, #tpu.memory_space<vmem>>, vector<16xf32>,
    %swap3A_44 = arith.constant 0 : i32
    %swap3A_45 = arith.index_cast %swap3A_44 : i32 to index
    %swap3A_46 = arith.constant 80 : index
    %swap3A_47 = tpu.vector_load %arg10[%swap3A_45, %swap3A_46] {strides = array<i32>} : memref<64x128xf32, #tpu.memory_space<vmem>>, vector<16xf32>,
    tpu.vector_store %arg10[%swap3A_45, %swap3A_46], %broadcast_in_dim3A_24 {strides = array<i32>} : memref<64x128xf32, #tpu.memory_space<vmem>>, vector<16xf32>,
    %swap3A_48 = arith.constant 0 : i32
    %swap3A_49 = arith.index_cast %swap3A_48 : i32 to index
    %swap3A_50 = arith.constant 96 : index
    %swap3A_51 = tpu.vector_load %arg10[%swap3A_49, %swap3A_50] {strides = array<i32>} : memref<64x128xf32, #tpu.memory_space<vmem>>, vector<16xf32>,
    tpu.vector_store %arg10[%swap3A_49, %swap3A_50], %broadcast_in_dim3A_24 {strides = array<i32>} : memref<64x128xf32, #tpu.memory_space<vmem>>, vector<16xf32>,
    %swap3A_52 = arith.constant 0 : i32
    %swap3A_53 = arith.index_cast %swap3A_52 : i32 to index
    %swap3A_54 = arith.constant 112 : index
    %swap3A_55 = tpu.vector_load %arg10[%swap3A_53, %swap3A_54] {strides = array<i32>} : memref<64x128xf32, #tpu.memory_space<vmem>>, vector<16xf32>,
    tpu.vector_store %arg10[%swap3A_53, %swap3A_54], %broadcast_in_dim3A_24 {strides = array<i32>} : memref<64x128xf32, #tpu.memory_space<vmem>>, vector<16xf32>,
    %swap3A_56 = arith.constant 1 : i32
    %swap3A_57 = arith.index_cast %swap3A_56 : i32 to index
    %swap3A_58 = arith.constant 0 : index
    %swap3A_59 = tpu.vector_load %arg10[%swap3A_57, %swap3A_58] {strides = array<i32>} : memref<64x128xf32, #tpu.memory_space<vmem>>, vector<16xf32>,
    tpu.vector_store %arg10[%swap3A_57, %swap3A_58], %broadcast_in_dim3A_24 {strides = array<i32>} : memref<64x128xf32, #tpu.memory_space<vmem>>, vector<16xf32>,
    %swap3A_60 = arith.constant 1 : i32
    %swap3A_61 = arith.index_cast %swap3A_60 : i32 to index
    %swap3A_62 = arith.constant 16 : index
    %swap3A_63 = tpu.vector_load %arg10[%swap3A_61, %swap3A_62] {strides = array<i32>} : memref<64x128xf32, #tpu.memory_space<vmem>>, vector<16xf32>,
    tpu.vector_store %arg10[%swap3A_61, %swap3A_62], %broadcast_in_dim3A_24 {strides = array<i32>} : memref<64x128xf32, #tpu.memory_space<vmem>>, vector<16xf32>,
    %swap3A_64 = arith.constant 1 : i32
    %swap3A_65 = arith.index_cast %swap3A_64 : i32 to index
    %swap3A_66 = arith.constant 32 : index
    %swap3A_67 = tpu.vector_load %arg10[%swap3A_65, %swap3A_66] {strides = array<i32>} : memref<64x128xf32, #tpu.memory_space<vmem>>, vector<16xf32>,
    tpu.vector_store %arg10[%swap3A_65, %swap3A_66], %broadcast_in_dim3A_24 {strides = array<i32>} : memref<64x128xf32, #tpu.memory_space<vmem>>, vector<16xf32>,
    %swap3A_68 = arith.constant 1 : i32
    %swap3A_69 = arith.index_cast %swap3A_68 : i32 to index
    %swap3A_70 = arith.constant 48 : index
    %swap3A_71 = tpu.vector_load %arg10[%swap3A_69, %swap3A_70] {strides = array<i32>} : memref<64x128xf32, #tpu.memory_space<vmem>>, vector<16xf32>,
    tpu.vector_store %arg10[%swap3A_69, %swap3A_70], %broadcast_in_dim3A_24 {strides = array<i32>} : memref<64x128xf32, #tpu.memory_space<vmem>>, vector<16xf32>,
    %swap3A_72 = arith.constant 1 : i32
    %swap3A_73 = arith.index_cast %swap3A_72 : i32 to index
    %swap3A_74 = arith.constant 64 : index
    %swap3A_75 = tpu.vector_load %arg10[%swap3A_73, %swap3A_74] {strides = array<i32>} : memref<64x128xf32, #tpu.memory_space<vmem>>, vector<16xf32>,
    tpu.vector_store %arg10[%swap3A_73, %swap3A_74], %broadcast_in_dim3A_24 {strides = array<i32>} : memref<64x128xf32, #tpu.memory_space<vmem>>, vector<16xf32>,
    %swap3A_76 = arith.constant 1 : i32
    %swap3A_77 = arith.index_cast %swap3A_76 : i32 to index
    %swap3A_78 = arith.constant 80 : index
    %swap3A_79 = tpu.vector_load %arg10[%swap3A_77, %swap3A_78] {strides = array<i32>} : memref<64x128xf32, #tpu.memory_space<vmem>>, vector<16xf32>,
    tpu.vector_store %arg10[%swap3A_77, %swap3A_78], %broadcast_in_dim3A_24 {strides = array<i32>} : memref<64x128xf32, #tpu.memory_space<vmem>>, vector<16xf32>,
    %swap3A_80 = arith.constant 1 : i32
    %swap3A_81 = arith.index_cast %swap3A_80 : i32 to index
    %swap3A_82 = arith.constant 96 : index
    %swap3A_83 = tpu.vector_load %arg10[%swap3A_81, %swap3A_82] {strides = array<i32>} : memref<64x128xf32, #tpu.memory_space<vmem>>, vector<16xf32>,
    tpu.vector_store %arg10[%swap3A_81, %swap3A_82], %broadcast_in_dim3A_24 {strides = array<i32>} : memref<64x128xf32, #tpu.memory_space<vmem>>, vector<16xf32>,
    %swap3A_84 = arith.constant 1 : i32
    %swap3A_85 = arith.index_cast %swap3A_84 : i32 to index
    %swap3A_86 = arith.constant 112 : index
    %swap3A_87 = tpu.vector_load %arg10[%swap3A_85, %swap3A_86] {strides = array<i32>} : memref<64x128xf32, #tpu.memory_space<vmem>>, vector<16xf32>,
    tpu.vector_store %arg10[%swap3A_85, %swap3A_86], %broadcast_in_dim3A_24 {strides = array<i32>} : memref<64x128xf32, #tpu.memory_space<vmem>>, vector<16xf32>,
    %swap3A_88 = arith.constant 2 : i32
    %swap3A_89 = arith.index_cast %swap3A_88 : i32 to index
    %swap3A_90 = arith.constant 0 : index
    %swap3A_91 = tpu.vector_load %arg10[%swap3A_89, %swap3A_90] {strides = array<i32>} : memref<64x128xf32, #tpu.memory_space<vmem>>, vector<16xf32>,
    tpu.vector_store %arg10[%swap3A_89, %swap3A_90], %broadcast_in_dim3A_24 {strides = array<i32>} : memref<64x128xf32, #tpu.memory_space<vmem>>, vector<16xf32>,
    %swap3A_92 = arith.constant 2 : i32
    %swap3A_93 = arith.index_cast %swap3A_92 : i32 to index
    %swap3A_94 = arith.constant 16 : index
    %swap3A_95 = tpu.vector_load %arg10[%swap3A_93, %swap3A_94] {strides = array<i32>} : memref<64x128xf32, #tpu.memory_space<vmem>>, vector<16xf32>,
    tpu.vector_store %arg10[%swap3A_93, %swap3A_94], %broadcast_in_dim3A_24 {strides = array<i32>} : memref<64x128xf32, #tpu.memory_space<vmem>>, vector<16xf32>,
    %swap3A_96 = arith.constant 2 : i32
    %swap3A_97 = arith.index_cast %swap3A_96 : i32 to index
    %swap3A_98 = arith.constant 32 : index
    %swap3A_99 = tpu.vector_load %arg10[%swap3A_97, %swap3A_98] {strides = array<i32>} : memref<64x128xf32, #tpu.memory_space<vmem>>, vector<16xf32>,
    tpu.vector_store %arg10[%swap3A_97, %swap3A_98], %broadcast_in_dim3A_24 {strides = array<i32>} : memref<64x128xf32, #tpu.memory_space<vmem>>, vector<16xf32>,
    %swap3A_100 = arith.constant 2 : i32
    %swap3A_101 = arith.index_cast %swap3A_100 : i32 to index
    %swap3A_102 = arith.constant 48 : index
    %swap3A_103 = tpu.vector_load %arg10[%swap3A_101, %swap3A_102] {strides = array<i32>} : memref<64x128xf32, #tpu.memory_space<vmem>>, vector<16xf32>,
    tpu.vector_store %arg10[%swap3A_101, %swap3A_102], %broadcast_in_dim3A_24 {strides = array<i32>} : memref<64x128xf32, #tpu.memory_space<vmem>>, vector<16xf32>,
    %swap3A_104 = arith.constant 2 : i32
    %swap3A_105 = arith.index_cast %swap3A_104 : i32 to index
    %swap3A_106 = arith.constant 64 : index
    %swap3A_107 = tpu.vector_load %arg10[%swap3A_105, %swap3A_106] {strides = array<i32>} : memref<64x128xf32, #tpu.memory_space<vmem>>, vector<16xf32>,
    tpu.vector_store %arg10[%swap3A_105, %swap3A_106], %broadcast_in_dim3A_24 {strides = array<i32>} : memref<64x128xf32, #tpu.memory_space<vmem>>, vector<16xf32>,
    %swap3A_108 = arith.constant 2 : i32
    %swap3A_109 = arith.index_cast %swap3A_108 : i32 to index
    %swap3A_110 = arith.constant 80 : index
    %swap3A_111 = tpu.vector_load %arg10[%swap3A_109, %swap3A_110] {strides = array<i32>} : memref<64x128xf32, #tpu.memory_space<vmem>>, vector<16xf32>,
    tpu.vector_store %arg10[%swap3A_109, %swap3A_110], %broadcast_in_dim3A_24 {strides = array<i32>} : memref<64x128xf32, #tpu.memory_space<vmem>>, vector<16xf32>,
    %swap3A_112 = arith.constant 2 : i32
    %swap3A_113 = arith.index_cast %swap3A_112 : i32 to index
    %swap3A_114 = arith.constant 96 : index
    %swap3A_115 = tpu.vector_load %arg10[%swap3A_113, %swap3A_114] {strides = array<i32>} : memref<64x128xf32, #tpu.memory_space<vmem>>, vector<16xf32>,
    tpu.vector_store %arg10[%swap3A_113, %swap3A_114], %broadcast_in_dim3A_24 {strides = array<i32>} : memref<64x128xf32, #tpu.memory_space<vmem>>, vector<16xf32>,
    %swap3A_116 = arith.constant 2 : i32
    %swap3A_117 = arith.index_cast %swap3A_116 : i32 to index
    %swap3A_118 = arith.constant 112 : index
    %swap3A_119 = tpu.vector_load %arg10[%swap3A_117, %swap3A_118] {strides = array<i32>} : memref<64x128xf32, #tpu.memory_space<vmem>>, vector<16xf32>,
    tpu.vector_store %arg10[%swap3A_117, %swap3A_118], %broadcast_in_dim3A_24 {strides = array<i32>} : memref<64x128xf32, #tpu.memory_space<vmem>>, vector<16xf32>,
    %swap3A_120 = arith.constant 3 : i32
    %swap3A_121 = arith.index_cast %swap3A_120 : i32 to index
    %swap3A_122 = arith.constant 0 : index
    %swap3A_123 = tpu.vector_load %arg10[%swap3A_121, %swap3A_122] {strides = array<i32>} : memref<64x128xf32, #tpu.memory_space<vmem>>, vector<16xf32>,
    tpu.vector_store %arg10[%swap3A_121, %swap3A_122], %broadcast_in_dim3A_24 {strides = array<i32>} : memref<64x128xf32, #tpu.memory_space<vmem>>, vector<16xf32>,
    %swap3A_124 = arith.constant 3 : i32
    %swap3A_125 = arith.index_cast %swap3A_124 : i32 to index
    %swap3A_126 = arith.constant 16 : index
    %swap3A_127 = tpu.vector_load %arg10[%swap3A_125, %swap3A_126] {strides = array<i32>} : memref<64x128xf32, #tpu.memory_space<vmem>>, vector<16xf32>,
    tpu.vector_store %arg10[%swap3A_125, %swap3A_126], %broadcast_in_dim3A_24 {strides = array<i32>} : memref<64x128xf32, #tpu.memory_space<vmem>>, vector<16xf32>,
    %swap3A_128 = arith.constant 3 : i32
    %swap3A_129 = arith.index_cast %swap3A_128 : i32 to index
    %swap3A_130 = arith.constant 32 : index
    %swap3A_131 = tpu.vector_load %arg10[%swap3A_129, %swap3A_130] {strides = array<i32>} : memref<64x128xf32, #tpu.memory_space<vmem>>, vector<16xf32>,
    tpu.vector_store %arg10[%swap3A_129, %swap3A_130], %broadcast_in_dim3A_24 {strides = array<i32>} : memref<64x128xf32, #tpu.memory_space<vmem>>, vector<16xf32>,
    %swap3A_132 = arith.constant 3 : i32
    %swap3A_133 = arith.index_cast %swap3A_132 : i32 to index
    %swap3A_134 = arith.constant 48 : index
    %swap3A_135 = tpu.vector_load %arg10[%swap3A_133, %swap3A_134] {strides = array<i32>} : memref<64x128xf32, #tpu.memory_space<vmem>>, vector<16xf32>,
    tpu.vector_store %arg10[%swap3A_133, %swap3A_134], %broadcast_in_dim3A_24 {strides = array<i32>} : memref<64x128xf32, #tpu.memory_space<vmem>>, vector<16xf32>,
    %swap3A_136 = arith.constant 3 : i32
    %swap3A_137 = arith.index_cast %swap3A_136 : i32 to index
    %swap3A_138 = arith.constant 64 : index
    %swap3A_139 = tpu.vector_load %arg10[%swap3A_137, %swap3A_138] {strides = array<i32>} : memref<64x128xf32, #tpu.memory_space<vmem>>, vector<16xf32>,
    tpu.vector_store %arg10[%swap3A_137, %swap3A_138], %broadcast_in_dim3A_24 {strides = array<i32>} : memref<64x128xf32, #tpu.memory_space<vmem>>, vector<16xf32>,
    %swap3A_140 = arith.constant 3 : i32
    %swap3A_141 = arith.index_cast %swap3A_140 : i32 to index
    %swap3A_142 = arith.constant 80 : index
    %swap3A_143 = tpu.vector_load %arg10[%swap3A_141, %swap3A_142] {strides = array<i32>} : memref<64x128xf32, #tpu.memory_space<vmem>>, vector<16xf32>,
    tpu.vector_store %arg10[%swap3A_141, %swap3A_142], %broadcast_in_dim3A_24 {strides = array<i32>} : memref<64x128xf32, #tpu.memory_space<vmem>>, vector<16xf32>,
    %swap3A_144 = arith.constant 3 : i32
    %swap3A_145 = arith.index_cast %swap3A_144 : i32 to index
    %swap3A_146 = arith.constant 96 : index
    %swap3A_147 = tpu.vector_load %arg10[%swap3A_145, %swap3A_146] {strides = array<i32>} : memref<64x128xf32, #tpu.memory_space<vmem>>, vector<16xf32>,
    tpu.vector_store %arg10[%swap3A_145, %swap3A_146], %broadcast_in_dim3A_24 {strides = array<i32>} : memref<64x128xf32, #tpu.memory_space<vmem>>, vector<16xf32>,
    %swap3A_148 = arith.constant 3 : i32
    %swap3A_149 = arith.index_cast %swap3A_148 : i32 to index
    %swap3A_150 = arith.constant 112 : index
    %swap3A_151 = tpu.vector_load %arg10[%swap3A_149, %swap3A_150] {strides = array<i32>} : memref<64x128xf32, #tpu.memory_space<vmem>>, vector<16xf32>,
    tpu.vector_store %arg10[%swap3A_149, %swap3A_150], %broadcast_in_dim3A_24 {strides = array<i32>} : memref<64x128xf32, #tpu.memory_space<vmem>>, vector<16xf32>,
    %swap3A_152 = arith.constant 4 : i32
    %swap3A_153 = arith.index_cast %swap3A_152 : i32 to index
    %swap3A_154 = arith.constant 0 : index
    %swap3A_155 = tpu.vector_load %arg10[%swap3A_153, %swap3A_154] {strides = array<i32>} : memref<64x128xf32, #tpu.memory_space<vmem>>, vector<16xf32>,
    tpu.vector_store %arg10[%swap3A_153, %swap3A_154], %broadcast_in_dim3A_24 {strides = array<i32>} : memref<64x128xf32, #tpu.memory_space<vmem>>, vector<16xf32>,
    %swap3A_156 = arith.constant 4 : i32
    %swap3A_157 = arith.index_cast %swap3A_156 : i32 to index
    %swap3A_158 = arith.constant 16 : index
    %swap3A_159 = tpu.vector_load %arg10[%swap3A_157, %swap3A_158] {strides = array<i32>} : memref<64x128xf32, #tpu.memory_space<vmem>>, vector<16xf32>,
    tpu.vector_store %arg10[%swap3A_157, %swap3A_158], %broadcast_in_dim3A_24 {strides = array<i32>} : memref<64x128xf32, #tpu.memory_space<vmem>>, vector<16xf32>,
    %swap3A_160 = arith.constant 4 : i32
    %swap3A_161 = arith.index_cast %swap3A_160 : i32 to index
    %swap3A_162 = arith.constant 32 : index
    %swap3A_163 = tpu.vector_load %arg10[%swap3A_161, %swap3A_162] {strides = array<i32>} : memref<64x128xf32, #tpu.memory_space<vmem>>, vector<16xf32>,
    tpu.vector_store %arg10[%swap3A_161, %swap3A_162], %broadcast_in_dim3A_24 {strides = array<i32>} : memref<64x128xf32, #tpu.memory_space<vmem>>, vector<16xf32>,
    %swap3A_164 = arith.constant 4 : i32
    %swap3A_165 = arith.index_cast %swap3A_164 : i32 to index
    %swap3A_166 = arith.constant 48 : index
    %swap3A_167 = tpu.vector_load %arg10[%swap3A_165, %swap3A_166] {strides = array<i32>} : memref<64x128xf32, #tpu.memory_space<vmem>>, vector<16xf32>,
    tpu.vector_store %arg10[%swap3A_165, %swap3A_166], %broadcast_in_dim3A_24 {strides = array<i32>} : memref<64x128xf32, #tpu.memory_space<vmem>>, vector<16xf32>,
    %swap3A_168 = arith.constant 4 : i32
    %swap3A_169 = arith.index_cast %swap3A_168 : i32 to index
    %swap3A_170 = arith.constant 64 : index
    %swap3A_171 = tpu.vector_load %arg10[%swap3A_169, %swap3A_170] {strides = array<i32>} : memref<64x128xf32, #tpu.memory_space<vmem>>, vector<16xf32>,
    tpu.vector_store %arg10[%swap3A_169, %swap3A_170], %broadcast_in_dim3A_24 {strides = array<i32>} : memref<64x128xf32, #tpu.memory_space<vmem>>, vector<16xf32>,
    %swap3A_172 = arith.constant 4 : i32
    %swap3A_173 = arith.index_cast %swap3A_172 : i32 to index
    %swap3A_174 = arith.constant 80 : index
    %swap3A_175 = tpu.vector_load %arg10[%swap3A_173, %swap3A_174] {strides = array<i32>} : memref<64x128xf32, #tpu.memory_space<vmem>>, vector<16xf32>,
    tpu.vector_store %arg10[%swap3A_173, %swap3A_174], %broadcast_in_dim3A_24 {strides = array<i32>} : memref<64x128xf32, #tpu.memory_space<vmem>>, vector<16xf32>,
    %swap3A_176 = arith.constant 4 : i32
    %swap3A_177 = arith.index_cast %swap3A_176 : i32 to index
    %swap3A_178 = arith.constant 96 : index
    %swap3A_179 = tpu.vector_load %arg10[%swap3A_177, %swap3A_178] {strides = array<i32>} : memref<64x128xf32, #tpu.memory_space<vmem>>, vector<16xf32>,
    tpu.vector_store %arg10[%swap3A_177, %swap3A_178], %broadcast_in_dim3A_24 {strides = array<i32>} : memref<64x128xf32, #tpu.memory_space<vmem>>, vector<16xf32>,
    %swap3A_180 = arith.constant 4 : i32
    %swap3A_181 = arith.index_cast %swap3A_180 : i32 to index
    %swap3A_182 = arith.constant 112 : index
    %swap3A_183 = tpu.vector_load %arg10[%swap3A_181, %swap3A_182] {strides = array<i32>} : memref<64x128xf32, #tpu.memory_space<vmem>>, vector<16xf32>,
    tpu.vector_store %arg10[%swap3A_181, %swap3A_182], %broadcast_in_dim3A_24 {strides = array<i32>} : memref<64x128xf32, #tpu.memory_space<vmem>>, vector<16xf32>,
    %swap3A_184 = arith.constant 5 : i32
    %swap3A_185 = arith.index_cast %swap3A_184 : i32 to index
    %swap3A_186 = arith.constant 0 : index
    %swap3A_187 = tpu.vector_load %arg10[%swap3A_185, %swap3A_186] {strides = array<i32>} : memref<64x128xf32, #tpu.memory_space<vmem>>, vector<16xf32>,
    tpu.vector_store %arg10[%swap3A_185, %swap3A_186], %broadcast_in_dim3A_24 {strides = array<i32>} : memref<64x128xf32, #tpu.memory_space<vmem>>, vector<16xf32>,
    %swap3A_188 = arith.constant 5 : i32
    %swap3A_189 = arith.index_cast %swap3A_188 : i32 to index
    %swap3A_190 = arith.constant 16 : index
    %swap3A_191 = tpu.vector_load %arg10[%swap3A_189, %swap3A_190] {strides = array<i32>} : memref<64x128xf32, #tpu.memory_space<vmem>>, vector<16xf32>,
    tpu.vector_store %arg10[%swap3A_189, %swap3A_190], %broadcast_in_dim3A_24 {strides = array<i32>} : memref<64x128xf32, #tpu.memory_space<vmem>>, vector<16xf32>,
    %swap3A_192 = arith.constant 5 : i32
    %swap3A_193 = arith.index_cast %swap3A_192 : i32 to index
    %swap3A_194 = arith.constant 32 : index
    %swap3A_195 = tpu.vector_load %arg10[%swap3A_193, %swap3A_194] {strides = array<i32>} : memref<64x128xf32, #tpu.memory_space<vmem>>, vector<16xf32>,
    tpu.vector_store %arg10[%swap3A_193, %swap3A_194], %broadcast_in_dim3A_24 {strides = array<i32>} : memref<64x128xf32, #tpu.memory_space<vmem>>, vector<16xf32>,
    %swap3A_196 = arith.constant 5 : i32
    %swap3A_197 = arith.index_cast %swap3A_196 : i32 to index
    %swap3A_198 = arith.constant 48 : index
    %swap3A_199 = tpu.vector_load %arg10[%swap3A_197, %swap3A_198] {strides = array<i32>} : memref<64x128xf32, #tpu.memory_space<vmem>>, vector<16xf32>,
    tpu.vector_store %arg10[%swap3A_197, %swap3A_198], %broadcast_in_dim3A_24 {strides = array<i32>} : memref<64x128xf32, #tpu.memory_space<vmem>>, vector<16xf32>,
    %swap3A_200 = arith.constant 5 : i32
    %swap3A_201 = arith.index_cast %swap3A_200 : i32 to index
    %swap3A_202 = arith.constant 64 : index
    %swap3A_203 = tpu.vector_load %arg10[%swap3A_201, %swap3A_202] {strides = array<i32>} : memref<64x128xf32, #tpu.memory_space<vmem>>, vector<16xf32>,
    tpu.vector_store %arg10[%swap3A_201, %swap3A_202], %broadcast_in_dim3A_24 {strides = array<i32>} : memref<64x128xf32, #tpu.memory_space<vmem>>, vector<16xf32>,
    %swap3A_204 = arith.constant 5 : i32
    %swap3A_205 = arith.index_cast %swap3A_204 : i32 to index
    %swap3A_206 = arith.constant 80 : index
    %swap3A_207 = tpu.vector_load %arg10[%swap3A_205, %swap3A_206] {strides = array<i32>} : memref<64x128xf32, #tpu.memory_space<vmem>>, vector<16xf32>,
    tpu.vector_store %arg10[%swap3A_205, %swap3A_206], %broadcast_in_dim3A_24 {strides = array<i32>} : memref<64x128xf32, #tpu.memory_space<vmem>>, vector<16xf32>,
    %swap3A_208 = arith.constant 5 : i32
    %swap3A_209 = arith.index_cast %swap3A_208 : i32 to index
    %swap3A_210 = arith.constant 96 : index
    %swap3A_211 = tpu.vector_load %arg10[%swap3A_209, %swap3A_210] {strides = array<i32>} : memref<64x128xf32, #tpu.memory_space<vmem>>, vector<16xf32>,
    tpu.vector_store %arg10[%swap3A_209, %swap3A_210], %broadcast_in_dim3A_24 {strides = array<i32>} : memref<64x128xf32, #tpu.memory_space<vmem>>, vector<16xf32>,
    %swap3A_212 = arith.constant 5 : i32
    %swap3A_213 = arith.index_cast %swap3A_212 : i32 to index
    %swap3A_214 = arith.constant 112 : index
    %swap3A_215 = tpu.vector_load %arg10[%swap3A_213, %swap3A_214] {strides = array<i32>} : memref<64x128xf32, #tpu.memory_space<vmem>>, vector<16xf32>,
    tpu.vector_store %arg10[%swap3A_213, %swap3A_214], %broadcast_in_dim3A_24 {strides = array<i32>} : memref<64x128xf32, #tpu.memory_space<vmem>>, vector<16xf32>,
    %swap3A_216 = arith.constant 6 : i32
    %swap3A_217 = arith.index_cast %swap3A_216 : i32 to index
    %swap3A_218 = arith.constant 0 : index
    %swap3A_219 = tpu.vector_load %arg10[%swap3A_217, %swap3A_218] {strides = array<i32>} : memref<64x128xf32, #tpu.memory_space<vmem>>, vector<16xf32>,
    tpu.vector_store %arg10[%swap3A_217, %swap3A_218], %broadcast_in_dim3A_24 {strides = array<i32>} : memref<64x128xf32, #tpu.memory_space<vmem>>, vector<16xf32>,
    %swap3A_220 = arith.constant 6 : i32
    %swap3A_221 = arith.index_cast %swap3A_220 : i32 to index
    %swap3A_222 = arith.constant 16 : index
    %swap3A_223 = tpu.vector_load %arg10[%swap3A_221, %swap3A_222] {strides = array<i32>} : memref<64x128xf32, #tpu.memory_space<vmem>>, vector<16xf32>,
    tpu.vector_store %arg10[%swap3A_221, %swap3A_222], %broadcast_in_dim3A_24 {strides = array<i32>} : memref<64x128xf32, #tpu.memory_space<vmem>>, vector<16xf32>,
    %swap3A_224 = arith.constant 6 : i32
    %swap3A_225 = arith.index_cast %swap3A_224 : i32 to index
    %swap3A_226 = arith.constant 32 : index
    %swap3A_227 = tpu.vector_load %arg10[%swap3A_225, %swap3A_226] {strides = array<i32>} : memref<64x128xf32, #tpu.memory_space<vmem>>, vector<16xf32>,
    tpu.vector_store %arg10[%swap3A_225, %swap3A_226], %broadcast_in_dim3A_24 {strides = array<i32>} : memref<64x128xf32, #tpu.memory_space<vmem>>, vector<16xf32>,
    %swap3A_228 = arith.constant 6 : i32
    %swap3A_229 = arith.index_cast %swap3A_228 : i32 to index
    %swap3A_230 = arith.constant 48 : index
    %swap3A_231 = tpu.vector_load %arg10[%swap3A_229, %swap3A_230] {strides = array<i32>} : memref<64x128xf32, #tpu.memory_space<vmem>>, vector<16xf32>,
    tpu.vector_store %arg10[%swap3A_229, %swap3A_230], %broadcast_in_dim3A_24 {strides = array<i32>} : memref<64x128xf32, #tpu.memory_space<vmem>>, vector<16xf32>,
    %swap3A_232 = arith.constant 6 : i32
    %swap3A_233 = arith.index_cast %swap3A_232 : i32 to index
    %swap3A_234 = arith.constant 64 : index
    %swap3A_235 = tpu.vector_load %arg10[%swap3A_233, %swap3A_234] {strides = array<i32>} : memref<64x128xf32, #tpu.memory_space<vmem>>, vector<16xf32>,
    tpu.vector_store %arg10[%swap3A_233, %swap3A_234], %broadcast_in_dim3A_24 {strides = array<i32>} : memref<64x128xf32, #tpu.memory_space<vmem>>, vector<16xf32>,
    %swap3A_236 = arith.constant 6 : i32
    %swap3A_237 = arith.index_cast %swap3A_236 : i32 to index
    %swap3A_238 = arith.constant 80 : index
    %swap3A_239 = tpu.vector_load %arg10[%swap3A_237, %swap3A_238] {strides = array<i32>} : memref<64x128xf32, #tpu.memory_space<vmem>>, vector<16xf32>,
    tpu.vector_store %arg10[%swap3A_237, %swap3A_238], %broadcast_in_dim3A_24 {strides = array<i32>} : memref<64x128xf32, #tpu.memory_space<vmem>>, vector<16xf32>,
    %swap3A_240 = arith.constant 6 : i32
    %swap3A_241 = arith.index_cast %swap3A_240 : i32 to index
    %swap3A_242 = arith.constant 96 : index
    %swap3A_243 = tpu.vector_load %arg10[%swap3A_241, %swap3A_242] {strides = array<i32>} : memref<64x128xf32, #tpu.memory_space<vmem>>, vector<16xf32>,
    tpu.vector_store %arg10[%swap3A_241, %swap3A_242], %broadcast_in_dim3A_24 {strides = array<i32>} : memref<64x128xf32, #tpu.memory_space<vmem>>, vector<16xf32>,
    %swap3A_244 = arith.constant 6 : i32
    %swap3A_245 = arith.index_cast %swap3A_244 : i32 to index
    %swap3A_246 = arith.constant 112 : index
    %swap3A_247 = tpu.vector_load %arg10[%swap3A_245, %swap3A_246] {strides = array<i32>} : memref<64x128xf32, #tpu.memory_space<vmem>>, vector<16xf32>,
    tpu.vector_store %arg10[%swap3A_245, %swap3A_246], %broadcast_in_dim3A_24 {strides = array<i32>} : memref<64x128xf32, #tpu.memory_space<vmem>>, vector<16xf32>,
    %swap3A_248 = arith.constant 7 : i32
    %swap3A_249 = arith.index_cast %swap3A_248 : i32 to index
    %swap3A_250 = arith.constant 0 : index
    %swap3A_251 = tpu.vector_load %arg10[%swap3A_249, %swap3A_250] {strides = array<i32>} : memref<64x128xf32, #tpu.memory_space<vmem>>, vector<16xf32>,
    tpu.vector_store %arg10[%swap3A_249, %swap3A_250], %broadcast_in_dim3A_24 {strides = array<i32>} : memref<64x128xf32, #tpu.memory_space<vmem>>, vector<16xf32>,
    %swap3A_252 = arith.constant 7 : i32
    %swap3A_253 = arith.index_cast %swap3A_252 : i32 to index
    %swap3A_254 = arith.constant 16 : index
    %swap3A_255 = tpu.vector_load %arg10[%swap3A_253, %swap3A_254] {strides = array<i32>} : memref<64x128xf32, #tpu.memory_space<vmem>>, vector<16xf32>,
    tpu.vector_store %arg10[%swap3A_253, %swap3A_254], %broadcast_in_dim3A_24 {strides = array<i32>} : memref<64x128xf32, #tpu.memory_space<vmem>>, vector<16xf32>,
    %swap3A_256 = arith.constant 7 : i32
    %swap3A_257 = arith.index_cast %swap3A_256 : i32 to index
    %swap3A_258 = arith.constant 32 : index
    %swap3A_259 = tpu.vector_load %arg10[%swap3A_257, %swap3A_258] {strides = array<i32>} : memref<64x128xf32, #tpu.memory_space<vmem>>, vector<16xf32>,
    tpu.vector_store %arg10[%swap3A_257, %swap3A_258], %broadcast_in_dim3A_24 {strides = array<i32>} : memref<64x128xf32, #tpu.memory_space<vmem>>, vector<16xf32>,
    %swap3A_260 = arith.constant 7 : i32
    %swap3A_261 = arith.index_cast %swap3A_260 : i32 to index
    %swap3A_262 = arith.constant 48 : index
    %swap3A_263 = tpu.vector_load %arg10[%swap3A_261, %swap3A_262] {strides = array<i32>} : memref<64x128xf32, #tpu.memory_space<vmem>>, vector<16xf32>,
    tpu.vector_store %arg10[%swap3A_261, %swap3A_262], %broadcast_in_dim3A_24 {strides = array<i32>} : memref<64x128xf32, #tpu.memory_space<vmem>>, vector<16xf32>,
    %swap3A_264 = arith.constant 7 : i32
    %swap3A_265 = arith.index_cast %swap3A_264 : i32 to index
    %swap3A_266 = arith.constant 64 : index
    %swap3A_267 = tpu.vector_load %arg10[%swap3A_265, %swap3A_266] {strides = array<i32>} : memref<64x128xf32, #tpu.memory_space<vmem>>, vector<16xf32>,
    tpu.vector_store %arg10[%swap3A_265, %swap3A_266], %broadcast_in_dim3A_24 {strides = array<i32>} : memref<64x128xf32, #tpu.memory_space<vmem>>, vector<16xf32>,
    %swap3A_268 = arith.constant 7 : i32
    %swap3A_269 = arith.index_cast %swap3A_268 : i32 to index
    %swap3A_270 = arith.constant 80 : index
    %swap3A_271 = tpu.vector_load %arg10[%swap3A_269, %swap3A_270] {strides = array<i32>} : memref<64x128xf32, #tpu.memory_space<vmem>>, vector<16xf32>,
    tpu.vector_store %arg10[%swap3A_269, %swap3A_270], %broadcast_in_dim3A_24 {strides = array<i32>} : memref<64x128xf32, #tpu.memory_space<vmem>>, vector<16xf32>,
    %swap3A_272 = arith.constant 7 : i32
    %swap3A_273 = arith.index_cast %swap3A_272 : i32 to index
    %swap3A_274 = arith.constant 96 : index
    %swap3A_275 = tpu.vector_load %arg10[%swap3A_273, %swap3A_274] {strides = array<i32>} : memref<64x128xf32, #tpu.memory_space<vmem>>, vector<16xf32>,
    tpu.vector_store %arg10[%swap3A_273, %swap3A_274], %broadcast_in_dim3A_24 {strides = array<i32>} : memref<64x128xf32, #tpu.memory_space<vmem>>, vector<16xf32>,
    %swap3A_276 = arith.constant 7 : i32
    %swap3A_277 = arith.index_cast %swap3A_276 : i32 to index
    %swap3A_278 = arith.constant 112 : index
    %swap3A_279 = tpu.vector_load %arg10[%swap3A_277, %swap3A_278] {strides = array<i32>} : memref<64x128xf32, #tpu.memory_space<vmem>>, vector<16xf32>,
    tpu.vector_store %arg10[%swap3A_277, %swap3A_278], %broadcast_in_dim3A_24 {strides = array<i32>} : memref<64x128xf32, #tpu.memory_space<vmem>>, vector<16xf32>,
    %swap3A_280 = arith.constant 8 : i32
    %swap3A_281 = arith.index_cast %swap3A_280 : i32 to index
    %swap3A_282 = arith.constant 0 : index
    %swap3A_283 = tpu.vector_load %arg10[%swap3A_281, %swap3A_282] {strides = array<i32>} : memref<64x128xf32, #tpu.memory_space<vmem>>, vector<16xf32>,
    tpu.vector_store %arg10[%swap3A_281, %swap3A_282], %broadcast_in_dim3A_24 {strides = array<i32>} : memref<64x128xf32, #tpu.memory_space<vmem>>, vector<16xf32>,
    %swap3A_284 = arith.constant 8 : i32
    %swap3A_285 = arith.index_cast %swap3A_284 : i32 to index
    %swap3A_286 = arith.constant 16 : index
    %swap3A_287 = tpu.vector_load %arg10[%swap3A_285, %swap3A_286] {strides = array<i32>} : memref<64x128xf32, #tpu.memory_space<vmem>>, vector<16xf32>,
    tpu.vector_store %arg10[%swap3A_285, %swap3A_286], %broadcast_in_dim3A_24 {strides = array<i32>} : memref<64x128xf32, #tpu.memory_space<vmem>>, vector<16xf32>,
    %swap3A_288 = arith.constant 8 : i32
    %swap3A_289 = arith.index_cast %swap3A_288 : i32 to index
    %swap3A_290 = arith.constant 32 : index
    %swap3A_291 = tpu.vector_load %arg10[%swap3A_289, %swap3A_290] {strides = array<i32>} : memref<64x128xf32, #tpu.memory_space<vmem>>, vector<16xf32>,
    tpu.vector_store %arg10[%swap3A_289, %swap3A_290], %broadcast_in_dim3A_24 {strides = array<i32>} : memref<64x128xf32, #tpu.memory_space<vmem>>, vector<16xf32>,
    %swap3A_292 = arith.constant 8 : i32
    %swap3A_293 = arith.index_cast %swap3A_292 : i32 to index
    %swap3A_294 = arith.constant 48 : index
    %swap3A_295 = tpu.vector_load %arg10[%swap3A_293, %swap3A_294] {strides = array<i32>} : memref<64x128xf32, #tpu.memory_space<vmem>>, vector<16xf32>,
    tpu.vector_store %arg10[%swap3A_293, %swap3A_294], %broadcast_in_dim3A_24 {strides = array<i32>} : memref<64x128xf32, #tpu.memory_space<vmem>>, vector<16xf32>,
    %swap3A_296 = arith.constant 8 : i32
    %swap3A_297 = arith.index_cast %swap3A_296 : i32 to index
    %swap3A_298 = arith.constant 64 : index
    %swap3A_299 = tpu.vector_load %arg10[%swap3A_297, %swap3A_298] {strides = array<i32>} : memref<64x128xf32, #tpu.memory_space<vmem>>, vector<16xf32>,
    tpu.vector_store %arg10[%swap3A_297, %swap3A_298], %broadcast_in_dim3A_24 {strides = array<i32>} : memref<64x128xf32, #tpu.memory_space<vmem>>, vector<16xf32>,
    %swap3A_300 = arith.constant 8 : i32
    %swap3A_301 = arith.index_cast %swap3A_300 : i32 to index
    %swap3A_302 = arith.constant 80 : index
    %swap3A_303 = tpu.vector_load %arg10[%swap3A_301, %swap3A_302] {strides = array<i32>} : memref<64x128xf32, #tpu.memory_space<vmem>>, vector<16xf32>,
    tpu.vector_store %arg10[%swap3A_301, %swap3A_302], %broadcast_in_dim3A_24 {strides = array<i32>} : memref<64x128xf32, #tpu.memory_space<vmem>>, vector<16xf32>,
    %swap3A_304 = arith.constant 8 : i32
    %swap3A_305 = arith.index_cast %swap3A_304 : i32 to index
    %swap3A_306 = arith.constant 96 : index
    %swap3A_307 = tpu.vector_load %arg10[%swap3A_305, %swap3A_306] {strides = array<i32>} : memref<64x128xf32, #tpu.memory_space<vmem>>, vector<16xf32>,
    tpu.vector_store %arg10[%swap3A_305, %swap3A_306], %broadcast_in_dim3A_24 {strides = array<i32>} : memref<64x128xf32, #tpu.memory_space<vmem>>, vector<16xf32>,
    %swap3A_308 = arith.constant 8 : i32
    %swap3A_309 = arith.index_cast %swap3A_308 : i32 to index
    %swap3A_310 = arith.constant 112 : index
    %swap3A_311 = tpu.vector_load %arg10[%swap3A_309, %swap3A_310] {strides = array<i32>} : memref<64x128xf32, #tpu.memory_space<vmem>>, vector<16xf32>,
    tpu.vector_store %arg10[%swap3A_309, %swap3A_310], %broadcast_in_dim3A_24 {strides = array<i32>} : memref<64x128xf32, #tpu.memory_space<vmem>>, vector<16xf32>,
    %swap3A_312 = arith.constant 9 : i32
    %swap3A_313 = arith.index_cast %swap3A_312 : i32 to index
    %swap3A_314 = arith.constant 0 : index
    %swap3A_315 = tpu.vector_load %arg10[%swap3A_313, %swap3A_314] {strides = array<i32>} : memref<64x128xf32, #tpu.memory_space<vmem>>, vector<16xf32>,
    tpu.vector_store %arg10[%swap3A_313, %swap3A_314], %broadcast_in_dim3A_24 {strides = array<i32>} : memref<64x128xf32, #tpu.memory_space<vmem>>, vector<16xf32>,
    %swap3A_316 = arith.constant 9 : i32
    %swap3A_317 = arith.index_cast %swap3A_316 : i32 to index
    %swap3A_318 = arith.constant 16 : index
    %swap3A_319 = tpu.vector_load %arg10[%swap3A_317, %swap3A_318] {strides = array<i32>} : memref<64x128xf32, #tpu.memory_space<vmem>>, vector<16xf32>,
    tpu.vector_store %arg10[%swap3A_317, %swap3A_318], %broadcast_in_dim3A_24 {strides = array<i32>} : memref<64x128xf32, #tpu.memory_space<vmem>>, vector<16xf32>,
    %swap3A_320 = arith.constant 9 : i32
    %swap3A_321 = arith.index_cast %swap3A_320 : i32 to index
    %swap3A_322 = arith.constant 32 : index
    %swap3A_323 = tpu.vector_load %arg10[%swap3A_321, %swap3A_322] {strides = array<i32>} : memref<64x128xf32, #tpu.memory_space<vmem>>, vector<16xf32>,
    tpu.vector_store %arg10[%swap3A_321, %swap3A_322], %broadcast_in_dim3A_24 {strides = array<i32>} : memref<64x128xf32, #tpu.memory_space<vmem>>, vector<16xf32>,
    %swap3A_324 = arith.constant 9 : i32
    %swap3A_325 = arith.index_cast %swap3A_324 : i32 to index
    %swap3A_326 = arith.constant 48 : index
    %swap3A_327 = tpu.vector_load %arg10[%swap3A_325, %swap3A_326] {strides = array<i32>} : memref<64x128xf32, #tpu.memory_space<vmem>>, vector<16xf32>,
    tpu.vector_store %arg10[%swap3A_325, %swap3A_326], %broadcast_in_dim3A_24 {strides = array<i32>} : memref<64x128xf32, #tpu.memory_space<vmem>>, vector<16xf32>,
    %swap3A_328 = arith.constant 9 : i32
    %swap3A_329 = arith.index_cast %swap3A_328 : i32 to index
    %swap3A_330 = arith.constant 64 : index
    %swap3A_331 = tpu.vector_load %arg10[%swap3A_329, %swap3A_330] {strides = array<i32>} : memref<64x128xf32, #tpu.memory_space<vmem>>, vector<16xf32>,
    tpu.vector_store %arg10[%swap3A_329, %swap3A_330], %broadcast_in_dim3A_24 {strides = array<i32>} : memref<64x128xf32, #tpu.memory_space<vmem>>, vector<16xf32>,
    %swap3A_332 = arith.constant 9 : i32
    %swap3A_333 = arith.index_cast %swap3A_332 : i32 to index
    %swap3A_334 = arith.constant 80 : index
    %swap3A_335 = tpu.vector_load %arg10[%swap3A_333, %swap3A_334] {strides = array<i32>} : memref<64x128xf32, #tpu.memory_space<vmem>>, vector<16xf32>,
    tpu.vector_store %arg10[%swap3A_333, %swap3A_334], %broadcast_in_dim3A_24 {strides = array<i32>} : memref<64x128xf32, #tpu.memory_space<vmem>>, vector<16xf32>,
    %swap3A_336 = arith.constant 9 : i32
    %swap3A_337 = arith.index_cast %swap3A_336 : i32 to index
    %swap3A_338 = arith.constant 96 : index
    %swap3A_339 = tpu.vector_load %arg10[%swap3A_337, %swap3A_338] {strides = array<i32>} : memref<64x128xf32, #tpu.memory_space<vmem>>, vector<16xf32>,
    tpu.vector_store %arg10[%swap3A_337, %swap3A_338], %broadcast_in_dim3A_24 {strides = array<i32>} : memref<64x128xf32, #tpu.memory_space<vmem>>, vector<16xf32>,
    %swap3A_340 = arith.constant 9 : i32
    %swap3A_341 = arith.index_cast %swap3A_340 : i32 to index
    %swap3A_342 = arith.constant 112 : index
    %swap3A_343 = tpu.vector_load %arg10[%swap3A_341, %swap3A_342] {strides = array<i32>} : memref<64x128xf32, #tpu.memory_space<vmem>>, vector<16xf32>,
    tpu.vector_store %arg10[%swap3A_341, %swap3A_342], %broadcast_in_dim3A_24 {strides = array<i32>} : memref<64x128xf32, #tpu.memory_space<vmem>>, vector<16xf32>,
    %swap3A_344 = arith.constant 10 : i32
    %swap3A_345 = arith.index_cast %swap3A_344 : i32 to index
    %swap3A_346 = arith.constant 0 : index
    %swap3A_347 = tpu.vector_load %arg10[%swap3A_345, %swap3A_346] {strides = array<i32>} : memref<64x128xf32, #tpu.memory_space<vmem>>, vector<16xf32>,
    tpu.vector_store %arg10[%swap3A_345, %swap3A_346], %broadcast_in_dim3A_24 {strides = array<i32>} : memref<64x128xf32, #tpu.memory_space<vmem>>, vector<16xf32>,
    %swap3A_348 = arith.constant 10 : i32
    %swap3A_349 = arith.index_cast %swap3A_348 : i32 to index
    %swap3A_350 = arith.constant 16 : index
    %swap3A_351 = tpu.vector_load %arg10[%swap3A_349, %swap3A_350] {strides = array<i32>} : memref<64x128xf32, #tpu.memory_space<vmem>>, vector<16xf32>,
    tpu.vector_store %arg10[%swap3A_349, %swap3A_350], %broadcast_in_dim3A_24 {strides = array<i32>} : memref<64x128xf32, #tpu.memory_space<vmem>>, vector<16xf32>,
    %swap3A_352 = arith.constant 10 : i32
    %swap3A_353 = arith.index_cast %swap3A_352 : i32 to index
    %swap3A_354 = arith.constant 32 : index
    %swap3A_355 = tpu.vector_load %arg10[%swap3A_353, %swap3A_354] {strides = array<i32>} : memref<64x128xf32, #tpu.memory_space<vmem>>, vector<16xf32>,
    tpu.vector_store %arg10[%swap3A_353, %swap3A_354], %broadcast_in_dim3A_24 {strides = array<i32>} : memref<64x128xf32, #tpu.memory_space<vmem>>, vector<16xf32>,
    %swap3A_356 = arith.constant 10 : i32
    %swap3A_357 = arith.index_cast %swap3A_356 : i32 to index
    %swap3A_358 = arith.constant 48 : index
    %swap3A_359 = tpu.vector_load %arg10[%swap3A_357, %swap3A_358] {strides = array<i32>} : memref<64x128xf32, #tpu.memory_space<vmem>>, vector<16xf32>,
    tpu.vector_store %arg10[%swap3A_357, %swap3A_358], %broadcast_in_dim3A_24 {strides = array<i32>} : memref<64x128xf32, #tpu.memory_space<vmem>>, vector<16xf32>,
    %swap3A_360 = arith.constant 10 : i32
    %swap3A_361 = arith.index_cast %swap3A_360 : i32 to index
    %swap3A_362 = arith.constant 64 : index
    %swap3A_363 = tpu.vector_load %arg10[%swap3A_361, %swap3A_362] {strides = array<i32>} : memref<64x128xf32, #tpu.memory_space<vmem>>, vector<16xf32>,
    tpu.vector_store %arg10[%swap3A_361, %swap3A_362], %broadcast_in_dim3A_24 {strides = array<i32>} : memref<64x128xf32, #tpu.memory_space<vmem>>, vector<16xf32>,
    %swap3A_364 = arith.constant 10 : i32
    %swap3A_365 = arith.index_cast %swap3A_364 : i32 to index
    %swap3A_366 = arith.constant 80 : index
    %swap3A_367 = tpu.vector_load %arg10[%swap3A_365, %swap3A_366] {strides = array<i32>} : memref<64x128xf32, #tpu.memory_space<vmem>>, vector<16xf32>,
    tpu.vector_store %arg10[%swap3A_365, %swap3A_366], %broadcast_in_dim3A_24 {strides = array<i32>} : memref<64x128xf32, #tpu.memory_space<vmem>>, vector<16xf32>,
    %swap3A_368 = arith.constant 10 : i32
    %swap3A_369 = arith.index_cast %swap3A_368 : i32 to index
    %swap3A_370 = arith.constant 96 : index
    %swap3A_371 = tpu.vector_load %arg10[%swap3A_369, %swap3A_370] {strides = array<i32>} : memref<64x128xf32, #tpu.memory_space<vmem>>, vector<16xf32>,
    tpu.vector_store %arg10[%swap3A_369, %swap3A_370], %broadcast_in_dim3A_24 {strides = array<i32>} : memref<64x128xf32, #tpu.memory_space<vmem>>, vector<16xf32>,
    %swap3A_372 = arith.constant 10 : i32
    %swap3A_373 = arith.index_cast %swap3A_372 : i32 to index
    %swap3A_374 = arith.constant 112 : index
    %swap3A_375 = tpu.vector_load %arg10[%swap3A_373, %swap3A_374] {strides = array<i32>} : memref<64x128xf32, #tpu.memory_space<vmem>>, vector<16xf32>,
    tpu.vector_store %arg10[%swap3A_373, %swap3A_374], %broadcast_in_dim3A_24 {strides = array<i32>} : memref<64x128xf32, #tpu.memory_space<vmem>>, vector<16xf32>,
    %swap3A_376 = arith.constant 11 : i32
    %swap3A_377 = arith.index_cast %swap3A_376 : i32 to index
    %swap3A_378 = arith.constant 0 : index
    %swap3A_379 = tpu.vector_load %arg10[%swap3A_377, %swap3A_378] {strides = array<i32>} : memref<64x128xf32, #tpu.memory_space<vmem>>, vector<16xf32>,
    tpu.vector_store %arg10[%swap3A_377, %swap3A_378], %broadcast_in_dim3A_24 {strides = array<i32>} : memref<64x128xf32, #tpu.memory_space<vmem>>, vector<16xf32>,
    %swap3A_380 = arith.constant 11 : i32
    %swap3A_381 = arith.index_cast %swap3A_380 : i32 to index
    %swap3A_382 = arith.constant 16 : index
    %swap3A_383 = tpu.vector_load %arg10[%swap3A_381, %swap3A_382] {strides = array<i32>} : memref<64x128xf32, #tpu.memory_space<vmem>>, vector<16xf32>,
    tpu.vector_store %arg10[%swap3A_381, %swap3A_382], %broadcast_in_dim3A_24 {strides = array<i32>} : memref<64x128xf32, #tpu.memory_space<vmem>>, vector<16xf32>,
    %swap3A_384 = arith.constant 11 : i32
    %swap3A_385 = arith.index_cast %swap3A_384 : i32 to index
    %swap3A_386 = arith.constant 32 : index
    %swap3A_387 = tpu.vector_load %arg10[%swap3A_385, %swap3A_386] {strides = array<i32>} : memref<64x128xf32, #tpu.memory_space<vmem>>, vector<16xf32>,
    tpu.vector_store %arg10[%swap3A_385, %swap3A_386], %broadcast_in_dim3A_24 {strides = array<i32>} : memref<64x128xf32, #tpu.memory_space<vmem>>, vector<16xf32>,
    %swap3A_388 = arith.constant 11 : i32
    %swap3A_389 = arith.index_cast %swap3A_388 : i32 to index
    %swap3A_390 = arith.constant 48 : index
    %swap3A_391 = tpu.vector_load %arg10[%swap3A_389, %swap3A_390] {strides = array<i32>} : memref<64x128xf32, #tpu.memory_space<vmem>>, vector<16xf32>,
    tpu.vector_store %arg10[%swap3A_389, %swap3A_390], %broadcast_in_dim3A_24 {strides = array<i32>} : memref<64x128xf32, #tpu.memory_space<vmem>>, vector<16xf32>,
    %swap3A_392 = arith.constant 11 : i32
    %swap3A_393 = arith.index_cast %swap3A_392 : i32 to index
    %swap3A_394 = arith.constant 64 : index
    %swap3A_395 = tpu.vector_load %arg10[%swap3A_393, %swap3A_394] {strides = array<i32>} : memref<64x128xf32, #tpu.memory_space<vmem>>, vector<16xf32>,
    tpu.vector_store %arg10[%swap3A_393, %swap3A_394], %broadcast_in_dim3A_24 {strides = array<i32>} : memref<64x128xf32, #tpu.memory_space<vmem>>, vector<16xf32>,
    %swap3A_396 = arith.constant 11 : i32
    %swap3A_397 = arith.index_cast %swap3A_396 : i32 to index
    %swap3A_398 = arith.constant 80 : index
    %swap3A_399 = tpu.vector_load %arg10[%swap3A_397, %swap3A_398] {strides = array<i32>} : memref<64x128xf32, #tpu.memory_space<vmem>>, vector<16xf32>,
    tpu.vector_store %arg10[%swap3A_397, %swap3A_398], %broadcast_in_dim3A_24 {strides = array<i32>} : memref<64x128xf32, #tpu.memory_space<vmem>>, vector<16xf32>,
    %swap3A_400 = arith.constant 11 : i32
    %swap3A_401 = arith.index_cast %swap3A_400 : i32 to index
    %swap3A_402 = arith.constant 96 : index
    %swap3A_403 = tpu.vector_load %arg10[%swap3A_401, %swap3A_402] {strides = array<i32>} : memref<64x128xf32, #tpu.memory_space<vmem>>, vector<16xf32>,
    tpu.vector_store %arg10[%swap3A_401, %swap3A_402], %broadcast_in_dim3A_24 {strides = array<i32>} : memref<64x128xf32, #tpu.memory_space<vmem>>, vector<16xf32>,
    %swap3A_404 = arith.constant 11 : i32
    %swap3A_405 = arith.index_cast %swap3A_404 : i32 to index
    %swap3A_406 = arith.constant 112 : index
    %swap3A_407 = tpu.vector_load %arg10[%swap3A_405, %swap3A_406] {strides = array<i32>} : memref<64x128xf32, #tpu.memory_space<vmem>>, vector<16xf32>,
    tpu.vector_store %arg10[%swap3A_405, %swap3A_406], %broadcast_in_dim3A_24 {strides = array<i32>} : memref<64x128xf32, #tpu.memory_space<vmem>>, vector<16xf32>,
    %swap3A_408 = arith.constant 12 : i32
    %swap3A_409 = arith.index_cast %swap3A_408 : i32 to index
    %swap3A_410 = arith.constant 0 : index
    %swap3A_411 = tpu.vector_load %arg10[%swap3A_409, %swap3A_410] {strides = array<i32>} : memref<64x128xf32, #tpu.memory_space<vmem>>, vector<16xf32>,
    tpu.vector_store %arg10[%swap3A_409, %swap3A_410], %broadcast_in_dim3A_24 {strides = array<i32>} : memref<64x128xf32, #tpu.memory_space<vmem>>, vector<16xf32>,
    %swap3A_412 = arith.constant 12 : i32
    %swap3A_413 = arith.index_cast %swap3A_412 : i32 to index
    %swap3A_414 = arith.constant 16 : index
    %swap3A_415 = tpu.vector_load %arg10[%swap3A_413, %swap3A_414] {strides = array<i32>} : memref<64x128xf32, #tpu.memory_space<vmem>>, vector<16xf32>,
    tpu.vector_store %arg10[%swap3A_413, %swap3A_414], %broadcast_in_dim3A_24 {strides = array<i32>} : memref<64x128xf32, #tpu.memory_space<vmem>>, vector<16xf32>,
    %swap3A_416 = arith.constant 12 : i32
    %swap3A_417 = arith.index_cast %swap3A_416 : i32 to index
    %swap3A_418 = arith.constant 32 : index
    %swap3A_419 = tpu.vector_load %arg10[%swap3A_417, %swap3A_418] {strides = array<i32>} : memref<64x128xf32, #tpu.memory_space<vmem>>, vector<16xf32>,
    tpu.vector_store %arg10[%swap3A_417, %swap3A_418], %broadcast_in_dim3A_24 {strides = array<i32>} : memref<64x128xf32, #tpu.memory_space<vmem>>, vector<16xf32>,
    %swap3A_420 = arith.constant 12 : i32
    %swap3A_421 = arith.index_cast %swap3A_420 : i32 to index
    %swap3A_422 = arith.constant 48 : index
    %swap3A_423 = tpu.vector_load %arg10[%swap3A_421, %swap3A_422] {strides = array<i32>} : memref<64x128xf32, #tpu.memory_space<vmem>>, vector<16xf32>,
    tpu.vector_store %arg10[%swap3A_421, %swap3A_422], %broadcast_in_dim3A_24 {strides = array<i32>} : memref<64x128xf32, #tpu.memory_space<vmem>>, vector<16xf32>,
    %swap3A_424 = arith.constant 12 : i32
    %swap3A_425 = arith.index_cast %swap3A_424 : i32 to index
    %swap3A_426 = arith.constant 64 : index
    %swap3A_427 = tpu.vector_load %arg10[%swap3A_425, %swap3A_426] {strides = array<i32>} : memref<64x128xf32, #tpu.memory_space<vmem>>, vector<16xf32>,
    tpu.vector_store %arg10[%swap3A_425, %swap3A_426], %broadcast_in_dim3A_24 {strides = array<i32>} : memref<64x128xf32, #tpu.memory_space<vmem>>, vector<16xf32>,
    %swap3A_428 = arith.constant 12 : i32
    %swap3A_429 = arith.index_cast %swap3A_428 : i32 to index
    %swap3A_430 = arith.constant 80 : index
    %swap3A_431 = tpu.vector_load %arg10[%swap3A_429, %swap3A_430] {strides = array<i32>} : memref<64x128xf32, #tpu.memory_space<vmem>>, vector<16xf32>,
    tpu.vector_store %arg10[%swap3A_429, %swap3A_430], %broadcast_in_dim3A_24 {strides = array<i32>} : memref<64x128xf32, #tpu.memory_space<vmem>>, vector<16xf32>,
    %swap3A_432 = arith.constant 12 : i32
    %swap3A_433 = arith.index_cast %swap3A_432 : i32 to index
    %swap3A_434 = arith.constant 96 : index
    %swap3A_435 = tpu.vector_load %arg10[%swap3A_433, %swap3A_434] {strides = array<i32>} : memref<64x128xf32, #tpu.memory_space<vmem>>, vector<16xf32>,
    tpu.vector_store %arg10[%swap3A_433, %swap3A_434], %broadcast_in_dim3A_24 {strides = array<i32>} : memref<64x128xf32, #tpu.memory_space<vmem>>, vector<16xf32>,
    %swap3A_436 = arith.constant 12 : i32
    %swap3A_437 = arith.index_cast %swap3A_436 : i32 to index
    %swap3A_438 = arith.constant 112 : index
    %swap3A_439 = tpu.vector_load %arg10[%swap3A_437, %swap3A_438] {strides = array<i32>} : memref<64x128xf32, #tpu.memory_space<vmem>>, vector<16xf32>,
    tpu.vector_store %arg10[%swap3A_437, %swap3A_438], %broadcast_in_dim3A_24 {strides = array<i32>} : memref<64x128xf32, #tpu.memory_space<vmem>>, vector<16xf32>,
    %swap3A_440 = arith.constant 13 : i32
    %swap3A_441 = arith.index_cast %swap3A_440 : i32 to index
    %swap3A_442 = arith.constant 0 : index
    %swap3A_443 = tpu.vector_load %arg10[%swap3A_441, %swap3A_442] {strides = array<i32>} : memref<64x128xf32, #tpu.memory_space<vmem>>, vector<16xf32>,
    tpu.vector_store %arg10[%swap3A_441, %swap3A_442], %broadcast_in_dim3A_24 {strides = array<i32>} : memref<64x128xf32, #tpu.memory_space<vmem>>, vector<16xf32>,
    %swap3A_444 = arith.constant 13 : i32
    %swap3A_445 = arith.index_cast %swap3A_444 : i32 to index
    %swap3A_446 = arith.constant 16 : index
    %swap3A_447 = tpu.vector_load %arg10[%swap3A_445, %swap3A_446] {strides = array<i32>} : memref<64x128xf32, #tpu.memory_space<vmem>>, vector<16xf32>,
    tpu.vector_store %arg10[%swap3A_445, %swap3A_446], %broadcast_in_dim3A_24 {strides = array<i32>} : memref<64x128xf32, #tpu.memory_space<vmem>>, vector<16xf32>,
    %swap3A_448 = arith.constant 13 : i32
    %swap3A_449 = arith.index_cast %swap3A_448 : i32 to index
    %swap3A_450 = arith.constant 32 : index
    %swap3A_451 = tpu.vector_load %arg10[%swap3A_449, %swap3A_450] {strides = array<i32>} : memref<64x128xf32, #tpu.memory_space<vmem>>, vector<16xf32>,
    tpu.vector_store %arg10[%swap3A_449, %swap3A_450], %broadcast_in_dim3A_24 {strides = array<i32>} : memref<64x128xf32, #tpu.memory_space<vmem>>, vector<16xf32>,
    %swap3A_452 = arith.constant 13 : i32
    %swap3A_453 = arith.index_cast %swap3A_452 : i32 to index
    %swap3A_454 = arith.constant 48 : index
    %swap3A_455 = tpu.vector_load %arg10[%swap3A_453, %swap3A_454] {strides = array<i32>} : memref<64x128xf32, #tpu.memory_space<vmem>>, vector<16xf32>,
    tpu.vector_store %arg10[%swap3A_453, %swap3A_454], %broadcast_in_dim3A_24 {strides = array<i32>} : memref<64x128xf32, #tpu.memory_space<vmem>>, vector<16xf32>,
    %swap3A_456 = arith.constant 13 : i32
    %swap3A_457 = arith.index_cast %swap3A_456 : i32 to index
    %swap3A_458 = arith.constant 64 : index
    %swap3A_459 = tpu.vector_load %arg10[%swap3A_457, %swap3A_458] {strides = array<i32>} : memref<64x128xf32, #tpu.memory_space<vmem>>, vector<16xf32>,
    tpu.vector_store %arg10[%swap3A_457, %swap3A_458], %broadcast_in_dim3A_24 {strides = array<i32>} : memref<64x128xf32, #tpu.memory_space<vmem>>, vector<16xf32>,
    %swap3A_460 = arith.constant 13 : i32
    %swap3A_461 = arith.index_cast %swap3A_460 : i32 to index
    %swap3A_462 = arith.constant 80 : index
    %swap3A_463 = tpu.vector_load %arg10[%swap3A_461, %swap3A_462] {strides = array<i32>} : memref<64x128xf32, #tpu.memory_space<vmem>>, vector<16xf32>,
    tpu.vector_store %arg10[%swap3A_461, %swap3A_462], %broadcast_in_dim3A_24 {strides = array<i32>} : memref<64x128xf32, #tpu.memory_space<vmem>>, vector<16xf32>,
    %swap3A_464 = arith.constant 13 : i32
    %swap3A_465 = arith.index_cast %swap3A_464 : i32 to index
    %swap3A_466 = arith.constant 96 : index
    %swap3A_467 = tpu.vector_load %arg10[%swap3A_465, %swap3A_466] {strides = array<i32>} : memref<64x128xf32, #tpu.memory_space<vmem>>, vector<16xf32>,
    tpu.vector_store %arg10[%swap3A_465, %swap3A_466], %broadcast_in_dim3A_24 {strides = array<i32>} : memref<64x128xf32, #tpu.memory_space<vmem>>, vector<16xf32>,
    %swap3A_468 = arith.constant 13 : i32
    %swap3A_469 = arith.index_cast %swap3A_468 : i32 to index
    %swap3A_470 = arith.constant 112 : index
    %swap3A_471 = tpu.vector_load %arg10[%swap3A_469, %swap3A_470] {strides = array<i32>} : memref<64x128xf32, #tpu.memory_space<vmem>>, vector<16xf32>,
    tpu.vector_store %arg10[%swap3A_469, %swap3A_470], %broadcast_in_dim3A_24 {strides = array<i32>} : memref<64x128xf32, #tpu.memory_space<vmem>>, vector<16xf32>,
    %swap3A_472 = arith.constant 14 : i32
    %swap3A_473 = arith.index_cast %swap3A_472 : i32 to index
    %swap3A_474 = arith.constant 0 : index
    %swap3A_475 = tpu.vector_load %arg10[%swap3A_473, %swap3A_474] {strides = array<i32>} : memref<64x128xf32, #tpu.memory_space<vmem>>, vector<16xf32>,
    tpu.vector_store %arg10[%swap3A_473, %swap3A_474], %broadcast_in_dim3A_24 {strides = array<i32>} : memref<64x128xf32, #tpu.memory_space<vmem>>, vector<16xf32>,
    %swap3A_476 = arith.constant 14 : i32
    %swap3A_477 = arith.index_cast %swap3A_476 : i32 to index
    %swap3A_478 = arith.constant 16 : index
    %swap3A_479 = tpu.vector_load %arg10[%swap3A_477, %swap3A_478] {strides = array<i32>} : memref<64x128xf32, #tpu.memory_space<vmem>>, vector<16xf32>,
    tpu.vector_store %arg10[%swap3A_477, %swap3A_478], %broadcast_in_dim3A_24 {strides = array<i32>} : memref<64x128xf32, #tpu.memory_space<vmem>>, vector<16xf32>,
    %swap3A_480 = arith.constant 14 : i32
    %swap3A_481 = arith.index_cast %swap3A_480 : i32 to index
    %swap3A_482 = arith.constant 32 : index
    %swap3A_483 = tpu.vector_load %arg10[%swap3A_481, %swap3A_482] {strides = array<i32>} : memref<64x128xf32, #tpu.memory_space<vmem>>, vector<16xf32>,
    tpu.vector_store %arg10[%swap3A_481, %swap3A_482], %broadcast_in_dim3A_24 {strides = array<i32>} : memref<64x128xf32, #tpu.memory_space<vmem>>, vector<16xf32>,
    %swap3A_484 = arith.constant 14 : i32
    %swap3A_485 = arith.index_cast %swap3A_484 : i32 to index
    %swap3A_486 = arith.constant 48 : index
    %swap3A_487 = tpu.vector_load %arg10[%swap3A_485, %swap3A_486] {strides = array<i32>} : memref<64x128xf32, #tpu.memory_space<vmem>>, vector<16xf32>,
    tpu.vector_store %arg10[%swap3A_485, %swap3A_486], %broadcast_in_dim3A_24 {strides = array<i32>} : memref<64x128xf32, #tpu.memory_space<vmem>>, vector<16xf32>,
    %swap3A_488 = arith.constant 14 : i32
    %swap3A_489 = arith.index_cast %swap3A_488 : i32 to index
    %swap3A_490 = arith.constant 64 : index
    %swap3A_491 = tpu.vector_load %arg10[%swap3A_489, %swap3A_490] {strides = array<i32>} : memref<64x128xf32, #tpu.memory_space<vmem>>, vector<16xf32>,
    tpu.vector_store %arg10[%swap3A_489, %swap3A_490], %broadcast_in_dim3A_24 {strides = array<i32>} : memref<64x128xf32, #tpu.memory_space<vmem>>, vector<16xf32>,
    %swap3A_492 = arith.constant 14 : i32
    %swap3A_493 = arith.index_cast %swap3A_492 : i32 to index
    %swap3A_494 = arith.constant 80 : index
    %swap3A_495 = tpu.vector_load %arg10[%swap3A_493, %swap3A_494] {strides = array<i32>} : memref<64x128xf32, #tpu.memory_space<vmem>>, vector<16xf32>,
    tpu.vector_store %arg10[%swap3A_493, %swap3A_494], %broadcast_in_dim3A_24 {strides = array<i32>} : memref<64x128xf32, #tpu.memory_space<vmem>>, vector<16xf32>,
    %swap3A_496 = arith.constant 14 : i32
    %swap3A_497 = arith.index_cast %swap3A_496 : i32 to index
    %swap3A_498 = arith.constant 96 : index
    %swap3A_499 = tpu.vector_load %arg10[%swap3A_497, %swap3A_498] {strides = array<i32>} : memref<64x128xf32, #tpu.memory_space<vmem>>, vector<16xf32>,
    tpu.vector_store %arg10[%swap3A_497, %swap3A_498], %broadcast_in_dim3A_24 {strides = array<i32>} : memref<64x128xf32, #tpu.memory_space<vmem>>, vector<16xf32>,
    %swap3A_500 = arith.constant 14 : i32
    %swap3A_501 = arith.index_cast %swap3A_500 : i32 to index
    %swap3A_502 = arith.constant 112 : index
    %swap3A_503 = tpu.vector_load %arg10[%swap3A_501, %swap3A_502] {strides = array<i32>} : memref<64x128xf32, #tpu.memory_space<vmem>>, vector<16xf32>,
    tpu.vector_store %arg10[%swap3A_501, %swap3A_502], %broadcast_in_dim3A_24 {strides = array<i32>} : memref<64x128xf32, #tpu.memory_space<vmem>>, vector<16xf32>,
    %swap3A_504 = arith.constant 15 : i32
    %swap3A_505 = arith.index_cast %swap3A_504 : i32 to index
    %swap3A_506 = arith.constant 0 : index
    %swap3A_507 = tpu.vector_load %arg10[%swap3A_505, %swap3A_506] {strides = array<i32>} : memref<64x128xf32, #tpu.memory_space<vmem>>, vector<16xf32>,
    tpu.vector_store %arg10[%swap3A_505, %swap3A_506], %broadcast_in_dim3A_24 {strides = array<i32>} : memref<64x128xf32, #tpu.memory_space<vmem>>, vector<16xf32>,
    %swap3A_508 = arith.constant 15 : i32
    %swap3A_509 = arith.index_cast %swap3A_508 : i32 to index
    %swap3A_510 = arith.constant 16 : index
    %swap3A_511 = tpu.vector_load %arg10[%swap3A_509, %swap3A_510] {strides = array<i32>} : memref<64x128xf32, #tpu.memory_space<vmem>>, vector<16xf32>,
    tpu.vector_store %arg10[%swap3A_509, %swap3A_510], %broadcast_in_dim3A_24 {strides = array<i32>} : memref<64x128xf32, #tpu.memory_space<vmem>>, vector<16xf32>,
    %swap3A_512 = arith.constant 15 : i32
    %swap3A_513 = arith.index_cast %swap3A_512 : i32 to index
    %swap3A_514 = arith.constant 32 : index
    %swap3A_515 = tpu.vector_load %arg10[%swap3A_513, %swap3A_514] {strides = array<i32>} : memref<64x128xf32, #tpu.memory_space<vmem>>, vector<16xf32>,
    tpu.vector_store %arg10[%swap3A_513, %swap3A_514], %broadcast_in_dim3A_24 {strides = array<i32>} : memref<64x128xf32, #tpu.memory_space<vmem>>, vector<16xf32>,
    %swap3A_516 = arith.constant 15 : i32
    %swap3A_517 = arith.index_cast %swap3A_516 : i32 to index
    %swap3A_518 = arith.constant 48 : index
    %swap3A_519 = tpu.vector_load %arg10[%swap3A_517, %swap3A_518] {strides = array<i32>} : memref<64x128xf32, #tpu.memory_space<vmem>>, vector<16xf32>,
    tpu.vector_store %arg10[%swap3A_517, %swap3A_518], %broadcast_in_dim3A_24 {strides = array<i32>} : memref<64x128xf32, #tpu.memory_space<vmem>>, vector<16xf32>,
    %swap3A_520 = arith.constant 15 : i32
    %swap3A_521 = arith.index_cast %swap3A_520 : i32 to index
    %swap3A_522 = arith.constant 64 : index
    %swap3A_523 = tpu.vector_load %arg10[%swap3A_521, %swap3A_522] {strides = array<i32>} : memref<64x128xf32, #tpu.memory_space<vmem>>, vector<16xf32>,
    tpu.vector_store %arg10[%swap3A_521, %swap3A_522], %broadcast_in_dim3A_24 {strides = array<i32>} : memref<64x128xf32, #tpu.memory_space<vmem>>, vector<16xf32>,
    %swap3A_524 = arith.constant 15 : i32
    %swap3A_525 = arith.index_cast %swap3A_524 : i32 to index
    %swap3A_526 = arith.constant 80 : index
    %swap3A_527 = tpu.vector_load %arg10[%swap3A_525, %swap3A_526] {strides = array<i32>} : memref<64x128xf32, #tpu.memory_space<vmem>>, vector<16xf32>,
    tpu.vector_store %arg10[%swap3A_525, %swap3A_526], %broadcast_in_dim3A_24 {strides = array<i32>} : memref<64x128xf32, #tpu.memory_space<vmem>>, vector<16xf32>,
    %swap3A_528 = arith.constant 15 : i32
    %swap3A_529 = arith.index_cast %swap3A_528 : i32 to index
    %swap3A_530 = arith.constant 96 : index
    %swap3A_531 = tpu.vector_load %arg10[%swap3A_529, %swap3A_530] {strides = array<i32>} : memref<64x128xf32, #tpu.memory_space<vmem>>, vector<16xf32>,
    tpu.vector_store %arg10[%swap3A_529, %swap3A_530], %broadcast_in_dim3A_24 {strides = array<i32>} : memref<64x128xf32, #tpu.memory_space<vmem>>, vector<16xf32>,
    %swap3A_532 = arith.constant 15 : i32
    %swap3A_533 = arith.index_cast %swap3A_532 : i32 to index
    %swap3A_534 = arith.constant 112 : index
    %swap3A_535 = tpu.vector_load %arg10[%swap3A_533, %swap3A_534] {strides = array<i32>} : memref<64x128xf32, #tpu.memory_space<vmem>>, vector<16xf32>,
    tpu.vector_store %arg10[%swap3A_533, %swap3A_534], %broadcast_in_dim3A_24 {strides = array<i32>} : memref<64x128xf32, #tpu.memory_space<vmem>>, vector<16xf32>,
    %swap3A_536 = arith.constant 16 : i32
    %swap3A_537 = arith.index_cast %swap3A_536 : i32 to index
    %swap3A_538 = arith.constant 0 : index
    %swap3A_539 = tpu.vector_load %arg10[%swap3A_537, %swap3A_538] {strides = array<i32>} : memref<64x128xf32, #tpu.memory_space<vmem>>, vector<16xf32>,
    tpu.vector_store %arg10[%swap3A_537, %swap3A_538], %broadcast_in_dim3A_24 {strides = array<i32>} : memref<64x128xf32, #tpu.memory_space<vmem>>, vector<16xf32>,
    %swap3A_540 = arith.constant 16 : i32
    %swap3A_541 = arith.index_cast %swap3A_540 : i32 to index
    %swap3A_542 = arith.constant 16 : index
    %swap3A_543 = tpu.vector_load %arg10[%swap3A_541, %swap3A_542] {strides = array<i32>} : memref<64x128xf32, #tpu.memory_space<vmem>>, vector<16xf32>,
    tpu.vector_store %arg10[%swap3A_541, %swap3A_542], %broadcast_in_dim3A_24 {strides = array<i32>} : memref<64x128xf32, #tpu.memory_space<vmem>>, vector<16xf32>,
    %swap3A_544 = arith.constant 16 : i32
    %swap3A_545 = arith.index_cast %swap3A_544 : i32 to index
    %swap3A_546 = arith.constant 32 : index
    %swap3A_547 = tpu.vector_load %arg10[%swap3A_545, %swap3A_546] {strides = array<i32>} : memref<64x128xf32, #tpu.memory_space<vmem>>, vector<16xf32>,
    tpu.vector_store %arg10[%swap3A_545, %swap3A_546], %broadcast_in_dim3A_24 {strides = array<i32>} : memref<64x128xf32, #tpu.memory_space<vmem>>, vector<16xf32>,
    %swap3A_548 = arith.constant 16 : i32
    %swap3A_549 = arith.index_cast %swap3A_548 : i32 to index
    %swap3A_550 = arith.constant 48 : index
    %swap3A_551 = tpu.vector_load %arg10[%swap3A_549, %swap3A_550] {strides = array<i32>} : memref<64x128xf32, #tpu.memory_space<vmem>>, vector<16xf32>,
    tpu.vector_store %arg10[%swap3A_549, %swap3A_550], %broadcast_in_dim3A_24 {strides = array<i32>} : memref<64x128xf32, #tpu.memory_space<vmem>>, vector<16xf32>,
    %swap3A_552 = arith.constant 16 : i32
    %swap3A_553 = arith.index_cast %swap3A_552 : i32 to index
    %swap3A_554 = arith.constant 64 : index
    %swap3A_555 = tpu.vector_load %arg10[%swap3A_553, %swap3A_554] {strides = array<i32>} : memref<64x128xf32, #tpu.memory_space<vmem>>, vector<16xf32>,
    tpu.vector_store %arg10[%swap3A_553, %swap3A_554], %broadcast_in_dim3A_24 {strides = array<i32>} : memref<64x128xf32, #tpu.memory_space<vmem>>, vector<16xf32>,
    %swap3A_556 = arith.constant 16 : i32
    %swap3A_557 = arith.index_cast %swap3A_556 : i32 to index
    %swap3A_558 = arith.constant 80 : index
    %swap3A_559 = tpu.vector_load %arg10[%swap3A_557, %swap3A_558] {strides = array<i32>} : memref<64x128xf32, #tpu.memory_space<vmem>>, vector<16xf32>,
    tpu.vector_store %arg10[%swap3A_557, %swap3A_558], %broadcast_in_dim3A_24 {strides = array<i32>} : memref<64x128xf32, #tpu.memory_space<vmem>>, vector<16xf32>,
    %swap3A_560 = arith.constant 16 : i32
    %swap3A_561 = arith.index_cast %swap3A_560 : i32 to index
    %swap3A_562 = arith.constant 96 : index
    %swap3A_563 = tpu.vector_load %arg10[%swap3A_561, %swap3A_562] {strides = array<i32>} : memref<64x128xf32, #tpu.memory_space<vmem>>, vector<16xf32>,
    tpu.vector_store %arg10[%swap3A_561, %swap3A_562], %broadcast_in_dim3A_24 {strides = array<i32>} : memref<64x128xf32, #tpu.memory_space<vmem>>, vector<16xf32>,
    %swap3A_564 = arith.constant 16 : i32
    %swap3A_565 = arith.index_cast %swap3A_564 : i32 to index
    %swap3A_566 = arith.constant 112 : index
    %swap3A_567 = tpu.vector_load %arg10[%swap3A_565, %swap3A_566] {strides = array<i32>} : memref<64x128xf32, #tpu.memory_space<vmem>>, vector<16xf32>,
    tpu.vector_store %arg10[%swap3A_565, %swap3A_566], %broadcast_in_dim3A_24 {strides = array<i32>} : memref<64x128xf32, #tpu.memory_space<vmem>>, vector<16xf32>,
    %swap3A_568 = arith.constant 17 : i32
    %swap3A_569 = arith.index_cast %swap3A_568 : i32 to index
    %swap3A_570 = arith.constant 0 : index
    %swap3A_571 = tpu.vector_load %arg10[%swap3A_569, %swap3A_570] {strides = array<i32>} : memref<64x128xf32, #tpu.memory_space<vmem>>, vector<16xf32>,
    tpu.vector_store %arg10[%swap3A_569, %swap3A_570], %broadcast_in_dim3A_24 {strides = array<i32>} : memref<64x128xf32, #tpu.memory_space<vmem>>, vector<16xf32>,
    %swap3A_572 = arith.constant 17 : i32
    %swap3A_573 = arith.index_cast %swap3A_572 : i32 to index
    %swap3A_574 = arith.constant 16 : index
    %swap3A_575 = tpu.vector_load %arg10[%swap3A_573, %swap3A_574] {strides = array<i32>} : memref<64x128xf32, #tpu.memory_space<vmem>>, vector<16xf32>,
    tpu.vector_store %arg10[%swap3A_573, %swap3A_574], %broadcast_in_dim3A_24 {strides = array<i32>} : memref<64x128xf32, #tpu.memory_space<vmem>>, vector<16xf32>,
    %swap3A_576 = arith.constant 17 : i32
    %swap3A_577 = arith.index_cast %swap3A_576 : i32 to index
    %swap3A_578 = arith.constant 32 : index
    %swap3A_579 = tpu.vector_load %arg10[%swap3A_577, %swap3A_578] {strides = array<i32>} : memref<64x128xf32, #tpu.memory_space<vmem>>, vector<16xf32>,
    tpu.vector_store %arg10[%swap3A_577, %swap3A_578], %broadcast_in_dim3A_24 {strides = array<i32>} : memref<64x128xf32, #tpu.memory_space<vmem>>, vector<16xf32>,
    %swap3A_580 = arith.constant 17 : i32
    %swap3A_581 = arith.index_cast %swap3A_580 : i32 to index
    %swap3A_582 = arith.constant 48 : index
    %swap3A_583 = tpu.vector_load %arg10[%swap3A_581, %swap3A_582] {strides = array<i32>} : memref<64x128xf32, #tpu.memory_space<vmem>>, vector<16xf32>,
    tpu.vector_store %arg10[%swap3A_581, %swap3A_582], %broadcast_in_dim3A_24 {strides = array<i32>} : memref<64x128xf32, #tpu.memory_space<vmem>>, vector<16xf32>,
    %swap3A_584 = arith.constant 17 : i32
    %swap3A_585 = arith.index_cast %swap3A_584 : i32 to index
    %swap3A_586 = arith.constant 64 : index
    %swap3A_587 = tpu.vector_load %arg10[%swap3A_585, %swap3A_586] {strides = array<i32>} : memref<64x128xf32, #tpu.memory_space<vmem>>, vector<16xf32>,
    tpu.vector_store %arg10[%swap3A_585, %swap3A_586], %broadcast_in_dim3A_24 {strides = array<i32>} : memref<64x128xf32, #tpu.memory_space<vmem>>, vector<16xf32>,
    %swap3A_588 = arith.constant 17 : i32
    %swap3A_589 = arith.index_cast %swap3A_588 : i32 to index
    %swap3A_590 = arith.constant 80 : index
    %swap3A_591 = tpu.vector_load %arg10[%swap3A_589, %swap3A_590] {strides = array<i32>} : memref<64x128xf32, #tpu.memory_space<vmem>>, vector<16xf32>,
    tpu.vector_store %arg10[%swap3A_589, %swap3A_590], %broadcast_in_dim3A_24 {strides = array<i32>} : memref<64x128xf32, #tpu.memory_space<vmem>>, vector<16xf32>,
    %swap3A_592 = arith.constant 17 : i32
    %swap3A_593 = arith.index_cast %swap3A_592 : i32 to index
    %swap3A_594 = arith.constant 96 : index
    %swap3A_595 = tpu.vector_load %arg10[%swap3A_593, %swap3A_594] {strides = array<i32>} : memref<64x128xf32, #tpu.memory_space<vmem>>, vector<16xf32>,
    tpu.vector_store %arg10[%swap3A_593, %swap3A_594], %broadcast_in_dim3A_24 {strides = array<i32>} : memref<64x128xf32, #tpu.memory_space<vmem>>, vector<16xf32>,
    %swap3A_596 = arith.constant 17 : i32
    %swap3A_597 = arith.index_cast %swap3A_596 : i32 to index
    %swap3A_598 = arith.constant 112 : index
    %swap3A_599 = tpu.vector_load %arg10[%swap3A_597, %swap3A_598] {strides = array<i32>} : memref<64x128xf32, #tpu.memory_space<vmem>>, vector<16xf32>,
    tpu.vector_store %arg10[%swap3A_597, %swap3A_598], %broadcast_in_dim3A_24 {strides = array<i32>} : memref<64x128xf32, #tpu.memory_space<vmem>>, vector<16xf32>,
    %swap3A_600 = arith.constant 18 : i32
    %swap3A_601 = arith.index_cast %swap3A_600 : i32 to index
    %swap3A_602 = arith.constant 0 : index
    %swap3A_603 = tpu.vector_load %arg10[%swap3A_601, %swap3A_602] {strides = array<i32>} : memref<64x128xf32, #tpu.memory_space<vmem>>, vector<16xf32>,
    tpu.vector_store %arg10[%swap3A_601, %swap3A_602], %broadcast_in_dim3A_24 {strides = array<i32>} : memref<64x128xf32, #tpu.memory_space<vmem>>, vector<16xf32>,
    %swap3A_604 = arith.constant 18 : i32
    %swap3A_605 = arith.index_cast %swap3A_604 : i32 to index
    %swap3A_606 = arith.constant 16 : index
    %swap3A_607 = tpu.vector_load %arg10[%swap3A_605, %swap3A_606] {strides = array<i32>} : memref<64x128xf32, #tpu.memory_space<vmem>>, vector<16xf32>,
    tpu.vector_store %arg10[%swap3A_605, %swap3A_606], %broadcast_in_dim3A_24 {strides = array<i32>} : memref<64x128xf32, #tpu.memory_space<vmem>>, vector<16xf32>,
    %swap3A_608 = arith.constant 18 : i32
    %swap3A_609 = arith.index_cast %swap3A_608 : i32 to index
    %swap3A_610 = arith.constant 32 : index
    %swap3A_611 = tpu.vector_load %arg10[%swap3A_609, %swap3A_610] {strides = array<i32>} : memref<64x128xf32, #tpu.memory_space<vmem>>, vector<16xf32>,
    tpu.vector_store %arg10[%swap3A_609, %swap3A_610], %broadcast_in_dim3A_24 {strides = array<i32>} : memref<64x128xf32, #tpu.memory_space<vmem>>, vector<16xf32>,
    %swap3A_612 = arith.constant 18 : i32
    %swap3A_613 = arith.index_cast %swap3A_612 : i32 to index
    %swap3A_614 = arith.constant 48 : index
    %swap3A_615 = tpu.vector_load %arg10[%swap3A_613, %swap3A_614] {strides = array<i32>} : memref<64x128xf32, #tpu.memory_space<vmem>>, vector<16xf32>,
    tpu.vector_store %arg10[%swap3A_613, %swap3A_614], %broadcast_in_dim3A_24 {strides = array<i32>} : memref<64x128xf32, #tpu.memory_space<vmem>>, vector<16xf32>,
    %swap3A_616 = arith.constant 18 : i32
    %swap3A_617 = arith.index_cast %swap3A_616 : i32 to index
    %swap3A_618 = arith.constant 64 : index
    %swap3A_619 = tpu.vector_load %arg10[%swap3A_617, %swap3A_618] {strides = array<i32>} : memref<64x128xf32, #tpu.memory_space<vmem>>, vector<16xf32>,
    tpu.vector_store %arg10[%swap3A_617, %swap3A_618], %broadcast_in_dim3A_24 {strides = array<i32>} : memref<64x128xf32, #tpu.memory_space<vmem>>, vector<16xf32>,
    %swap3A_620 = arith.constant 18 : i32
    %swap3A_621 = arith.index_cast %swap3A_620 : i32 to index
    %swap3A_622 = arith.constant 80 : index
    %swap3A_623 = tpu.vector_load %arg10[%swap3A_621, %swap3A_622] {strides = array<i32>} : memref<64x128xf32, #tpu.memory_space<vmem>>, vector<16xf32>,
    tpu.vector_store %arg10[%swap3A_621, %swap3A_622], %broadcast_in_dim3A_24 {strides = array<i32>} : memref<64x128xf32, #tpu.memory_space<vmem>>, vector<16xf32>,
    %swap3A_624 = arith.constant 18 : i32
    %swap3A_625 = arith.index_cast %swap3A_624 : i32 to index
    %swap3A_626 = arith.constant 96 : index
    %swap3A_627 = tpu.vector_load %arg10[%swap3A_625, %swap3A_626] {strides = array<i32>} : memref<64x128xf32, #tpu.memory_space<vmem>>, vector<16xf32>,
    tpu.vector_store %arg10[%swap3A_625, %swap3A_626], %broadcast_in_dim3A_24 {strides = array<i32>} : memref<64x128xf32, #tpu.memory_space<vmem>>, vector<16xf32>,
    %swap3A_628 = arith.constant 18 : i32
    %swap3A_629 = arith.index_cast %swap3A_628 : i32 to index
    %swap3A_630 = arith.constant 112 : index
    %swap3A_631 = tpu.vector_load %arg10[%swap3A_629, %swap3A_630] {strides = array<i32>} : memref<64x128xf32, #tpu.memory_space<vmem>>, vector<16xf32>,
    tpu.vector_store %arg10[%swap3A_629, %swap3A_630], %broadcast_in_dim3A_24 {strides = array<i32>} : memref<64x128xf32, #tpu.memory_space<vmem>>, vector<16xf32>,
    %swap3A_632 = arith.constant 19 : i32
    %swap3A_633 = arith.index_cast %swap3A_632 : i32 to index
    %swap3A_634 = arith.constant 0 : index
    %swap3A_635 = tpu.vector_load %arg10[%swap3A_633, %swap3A_634] {strides = array<i32>} : memref<64x128xf32, #tpu.memory_space<vmem>>, vector<16xf32>,
    tpu.vector_store %arg10[%swap3A_633, %swap3A_634], %broadcast_in_dim3A_24 {strides = array<i32>} : memref<64x128xf32, #tpu.memory_space<vmem>>, vector<16xf32>,
    %swap3A_636 = arith.constant 19 : i32
    %swap3A_637 = arith.index_cast %swap3A_636 : i32 to index
    %swap3A_638 = arith.constant 16 : index
    %swap3A_639 = tpu.vector_load %arg10[%swap3A_637, %swap3A_638] {strides = array<i32>} : memref<64x128xf32, #tpu.memory_space<vmem>>, vector<16xf32>,
    tpu.vector_store %arg10[%swap3A_637, %swap3A_638], %broadcast_in_dim3A_24 {strides = array<i32>} : memref<64x128xf32, #tpu.memory_space<vmem>>, vector<16xf32>,
    %swap3A_640 = arith.constant 19 : i32
    %swap3A_641 = arith.index_cast %swap3A_640 : i32 to index
    %swap3A_642 = arith.constant 32 : index
    %swap3A_643 = tpu.vector_load %arg10[%swap3A_641, %swap3A_642] {strides = array<i32>} : memref<64x128xf32, #tpu.memory_space<vmem>>, vector<16xf32>,
    tpu.vector_store %arg10[%swap3A_641, %swap3A_642], %broadcast_in_dim3A_24 {strides = array<i32>} : memref<64x128xf32, #tpu.memory_space<vmem>>, vector<16xf32>,
    %swap3A_644 = arith.constant 19 : i32
    %swap3A_645 = arith.index_cast %swap3A_644 : i32 to index
    %swap3A_646 = arith.constant 48 : index
    %swap3A_647 = tpu.vector_load %arg10[%swap3A_645, %swap3A_646] {strides = array<i32>} : memref<64x128xf32, #tpu.memory_space<vmem>>, vector<16xf32>,
    tpu.vector_store %arg10[%swap3A_645, %swap3A_646], %broadcast_in_dim3A_24 {strides = array<i32>} : memref<64x128xf32, #tpu.memory_space<vmem>>, vector<16xf32>,
    %swap3A_648 = arith.constant 19 : i32
    %swap3A_649 = arith.index_cast %swap3A_648 : i32 to index
    %swap3A_650 = arith.constant 64 : index
    %swap3A_651 = tpu.vector_load %arg10[%swap3A_649, %swap3A_650] {strides = array<i32>} : memref<64x128xf32, #tpu.memory_space<vmem>>, vector<16xf32>,
    tpu.vector_store %arg10[%swap3A_649, %swap3A_650], %broadcast_in_dim3A_24 {strides = array<i32>} : memref<64x128xf32, #tpu.memory_space<vmem>>, vector<16xf32>,
    %swap3A_652 = arith.constant 19 : i32
    %swap3A_653 = arith.index_cast %swap3A_652 : i32 to index
    %swap3A_654 = arith.constant 80 : index
    %swap3A_655 = tpu.vector_load %arg10[%swap3A_653, %swap3A_654] {strides = array<i32>} : memref<64x128xf32, #tpu.memory_space<vmem>>, vector<16xf32>,
    tpu.vector_store %arg10[%swap3A_653, %swap3A_654], %broadcast_in_dim3A_24 {strides = array<i32>} : memref<64x128xf32, #tpu.memory_space<vmem>>, vector<16xf32>,
    %swap3A_656 = arith.constant 19 : i32
    %swap3A_657 = arith.index_cast %swap3A_656 : i32 to index
    %swap3A_658 = arith.constant 96 : index
    %swap3A_659 = tpu.vector_load %arg10[%swap3A_657, %swap3A_658] {strides = array<i32>} : memref<64x128xf32, #tpu.memory_space<vmem>>, vector<16xf32>,
    tpu.vector_store %arg10[%swap3A_657, %swap3A_658], %broadcast_in_dim3A_24 {strides = array<i32>} : memref<64x128xf32, #tpu.memory_space<vmem>>, vector<16xf32>,
    %swap3A_660 = arith.constant 19 : i32
    %swap3A_661 = arith.index_cast %swap3A_660 : i32 to index
    %swap3A_662 = arith.constant 112 : index
    %swap3A_663 = tpu.vector_load %arg10[%swap3A_661, %swap3A_662] {strides = array<i32>} : memref<64x128xf32, #tpu.memory_space<vmem>>, vector<16xf32>,
    tpu.vector_store %arg10[%swap3A_661, %swap3A_662], %broadcast_in_dim3A_24 {strides = array<i32>} : memref<64x128xf32, #tpu.memory_space<vmem>>, vector<16xf32>,
    %swap3A_664 = arith.constant 20 : i32
    %swap3A_665 = arith.index_cast %swap3A_664 : i32 to index
    %swap3A_666 = arith.constant 0 : index
    %swap3A_667 = tpu.vector_load %arg10[%swap3A_665, %swap3A_666] {strides = array<i32>} : memref<64x128xf32, #tpu.memory_space<vmem>>, vector<16xf32>,
    tpu.vector_store %arg10[%swap3A_665, %swap3A_666], %broadcast_in_dim3A_24 {strides = array<i32>} : memref<64x128xf32, #tpu.memory_space<vmem>>, vector<16xf32>,
    %swap3A_668 = arith.constant 20 : i32
    %swap3A_669 = arith.index_cast %swap3A_668 : i32 to index
    %swap3A_670 = arith.constant 16 : index
    %swap3A_671 = tpu.vector_load %arg10[%swap3A_669, %swap3A_670] {strides = array<i32>} : memref<64x128xf32, #tpu.memory_space<vmem>>, vector<16xf32>,
    tpu.vector_store %arg10[%swap3A_669, %swap3A_670], %broadcast_in_dim3A_24 {strides = array<i32>} : memref<64x128xf32, #tpu.memory_space<vmem>>, vector<16xf32>,
    %swap3A_672 = arith.constant 20 : i32
    %swap3A_673 = arith.index_cast %swap3A_672 : i32 to index
    %swap3A_674 = arith.constant 32 : index
    %swap3A_675 = tpu.vector_load %arg10[%swap3A_673, %swap3A_674] {strides = array<i32>} : memref<64x128xf32, #tpu.memory_space<vmem>>, vector<16xf32>,
    tpu.vector_store %arg10[%swap3A_673, %swap3A_674], %broadcast_in_dim3A_24 {strides = array<i32>} : memref<64x128xf32, #tpu.memory_space<vmem>>, vector<16xf32>,
    %swap3A_676 = arith.constant 20 : i32
    %swap3A_677 = arith.index_cast %swap3A_676 : i32 to index
    %swap3A_678 = arith.constant 48 : index
    %swap3A_679 = tpu.vector_load %arg10[%swap3A_677, %swap3A_678] {strides = array<i32>} : memref<64x128xf32, #tpu.memory_space<vmem>>, vector<16xf32>,
    tpu.vector_store %arg10[%swap3A_677, %swap3A_678], %broadcast_in_dim3A_24 {strides = array<i32>} : memref<64x128xf32, #tpu.memory_space<vmem>>, vector<16xf32>,
    %swap3A_680 = arith.constant 20 : i32
    %swap3A_681 = arith.index_cast %swap3A_680 : i32 to index
    %swap3A_682 = arith.constant 64 : index
    %swap3A_683 = tpu.vector_load %arg10[%swap3A_681, %swap3A_682] {strides = array<i32>} : memref<64x128xf32, #tpu.memory_space<vmem>>, vector<16xf32>,
    tpu.vector_store %arg10[%swap3A_681, %swap3A_682], %broadcast_in_dim3A_24 {strides = array<i32>} : memref<64x128xf32, #tpu.memory_space<vmem>>, vector<16xf32>,
    %swap3A_684 = arith.constant 20 : i32
    %swap3A_685 = arith.index_cast %swap3A_684 : i32 to index
    %swap3A_686 = arith.constant 80 : index
    %swap3A_687 = tpu.vector_load %arg10[%swap3A_685, %swap3A_686] {strides = array<i32>} : memref<64x128xf32, #tpu.memory_space<vmem>>, vector<16xf32>,
    tpu.vector_store %arg10[%swap3A_685, %swap3A_686], %broadcast_in_dim3A_24 {strides = array<i32>} : memref<64x128xf32, #tpu.memory_space<vmem>>, vector<16xf32>,
    %swap3A_688 = arith.constant 20 : i32
    %swap3A_689 = arith.index_cast %swap3A_688 : i32 to index
    %swap3A_690 = arith.constant 96 : index
    %swap3A_691 = tpu.vector_load %arg10[%swap3A_689, %swap3A_690] {strides = array<i32>} : memref<64x128xf32, #tpu.memory_space<vmem>>, vector<16xf32>,
    tpu.vector_store %arg10[%swap3A_689, %swap3A_690], %broadcast_in_dim3A_24 {strides = array<i32>} : memref<64x128xf32, #tpu.memory_space<vmem>>, vector<16xf32>,
    %swap3A_692 = arith.constant 20 : i32
    %swap3A_693 = arith.index_cast %swap3A_692 : i32 to index
    %swap3A_694 = arith.constant 112 : index
    %swap3A_695 = tpu.vector_load %arg10[%swap3A_693, %swap3A_694] {strides = array<i32>} : memref<64x128xf32, #tpu.memory_space<vmem>>, vector<16xf32>,
    tpu.vector_store %arg10[%swap3A_693, %swap3A_694], %broadcast_in_dim3A_24 {strides = array<i32>} : memref<64x128xf32, #tpu.memory_space<vmem>>, vector<16xf32>,
    %swap3A_696 = arith.constant 21 : i32
    %swap3A_697 = arith.index_cast %swap3A_696 : i32 to index
    %swap3A_698 = arith.constant 0 : index
    %swap3A_699 = tpu.vector_load %arg10[%swap3A_697, %swap3A_698] {strides = array<i32>} : memref<64x128xf32, #tpu.memory_space<vmem>>, vector<16xf32>,
    tpu.vector_store %arg10[%swap3A_697, %swap3A_698], %broadcast_in_dim3A_24 {strides = array<i32>} : memref<64x128xf32, #tpu.memory_space<vmem>>, vector<16xf32>,
    %swap3A_700 = arith.constant 21 : i32
    %swap3A_701 = arith.index_cast %swap3A_700 : i32 to index
    %swap3A_702 = arith.constant 16 : index
    %swap3A_703 = tpu.vector_load %arg10[%swap3A_701, %swap3A_702] {strides = array<i32>} : memref<64x128xf32, #tpu.memory_space<vmem>>, vector<16xf32>,
    tpu.vector_store %arg10[%swap3A_701, %swap3A_702], %broadcast_in_dim3A_24 {strides = array<i32>} : memref<64x128xf32, #tpu.memory_space<vmem>>, vector<16xf32>,
    %swap3A_704 = arith.constant 21 : i32
    %swap3A_705 = arith.index_cast %swap3A_704 : i32 to index
    %swap3A_706 = arith.constant 32 : index
    %swap3A_707 = tpu.vector_load %arg10[%swap3A_705, %swap3A_706] {strides = array<i32>} : memref<64x128xf32, #tpu.memory_space<vmem>>, vector<16xf32>,
    tpu.vector_store %arg10[%swap3A_705, %swap3A_706], %broadcast_in_dim3A_24 {strides = array<i32>} : memref<64x128xf32, #tpu.memory_space<vmem>>, vector<16xf32>,
    %swap3A_708 = arith.constant 21 : i32
    %swap3A_709 = arith.index_cast %swap3A_708 : i32 to index
    %swap3A_710 = arith.constant 48 : index
    %swap3A_711 = tpu.vector_load %arg10[%swap3A_709, %swap3A_710] {strides = array<i32>} : memref<64x128xf32, #tpu.memory_space<vmem>>, vector<16xf32>,
    tpu.vector_store %arg10[%swap3A_709, %swap3A_710], %broadcast_in_dim3A_24 {strides = array<i32>} : memref<64x128xf32, #tpu.memory_space<vmem>>, vector<16xf32>,
    %swap3A_712 = arith.constant 21 : i32
    %swap3A_713 = arith.index_cast %swap3A_712 : i32 to index
    %swap3A_714 = arith.constant 64 : index
    %swap3A_715 = tpu.vector_load %arg10[%swap3A_713, %swap3A_714] {strides = array<i32>} : memref<64x128xf32, #tpu.memory_space<vmem>>, vector<16xf32>,
    tpu.vector_store %arg10[%swap3A_713, %swap3A_714], %broadcast_in_dim3A_24 {strides = array<i32>} : memref<64x128xf32, #tpu.memory_space<vmem>>, vector<16xf32>,
    %swap3A_716 = arith.constant 21 : i32
    %swap3A_717 = arith.index_cast %swap3A_716 : i32 to index
    %swap3A_718 = arith.constant 80 : index
    %swap3A_719 = tpu.vector_load %arg10[%swap3A_717, %swap3A_718] {strides = array<i32>} : memref<64x128xf32, #tpu.memory_space<vmem>>, vector<16xf32>,
    tpu.vector_store %arg10[%swap3A_717, %swap3A_718], %broadcast_in_dim3A_24 {strides = array<i32>} : memref<64x128xf32, #tpu.memory_space<vmem>>, vector<16xf32>,
    %swap3A_720 = arith.constant 21 : i32
    %swap3A_721 = arith.index_cast %swap3A_720 : i32 to index
    %swap3A_722 = arith.constant 96 : index
    %swap3A_723 = tpu.vector_load %arg10[%swap3A_721, %swap3A_722] {strides = array<i32>} : memref<64x128xf32, #tpu.memory_space<vmem>>, vector<16xf32>,
    tpu.vector_store %arg10[%swap3A_721, %swap3A_722], %broadcast_in_dim3A_24 {strides = array<i32>} : memref<64x128xf32, #tpu.memory_space<vmem>>, vector<16xf32>,
    %swap3A_724 = arith.constant 21 : i32
    %swap3A_725 = arith.index_cast %swap3A_724 : i32 to index
    %swap3A_726 = arith.constant 112 : index
    %swap3A_727 = tpu.vector_load %arg10[%swap3A_725, %swap3A_726] {strides = array<i32>} : memref<64x128xf32, #tpu.memory_space<vmem>>, vector<16xf32>,
    tpu.vector_store %arg10[%swap3A_725, %swap3A_726], %broadcast_in_dim3A_24 {strides = array<i32>} : memref<64x128xf32, #tpu.memory_space<vmem>>, vector<16xf32>,
    %swap3A_728 = arith.constant 22 : i32
    %swap3A_729 = arith.index_cast %swap3A_728 : i32 to index
    %swap3A_730 = arith.constant 0 : index
    %swap3A_731 = tpu.vector_load %arg10[%swap3A_729, %swap3A_730] {strides = array<i32>} : memref<64x128xf32, #tpu.memory_space<vmem>>, vector<16xf32>,
    tpu.vector_store %arg10[%swap3A_729, %swap3A_730], %broadcast_in_dim3A_24 {strides = array<i32>} : memref<64x128xf32, #tpu.memory_space<vmem>>, vector<16xf32>,
    %swap3A_732 = arith.constant 22 : i32
    %swap3A_733 = arith.index_cast %swap3A_732 : i32 to index
    %swap3A_734 = arith.constant 16 : index
    %swap3A_735 = tpu.vector_load %arg10[%swap3A_733, %swap3A_734] {strides = array<i32>} : memref<64x128xf32, #tpu.memory_space<vmem>>, vector<16xf32>,
    tpu.vector_store %arg10[%swap3A_733, %swap3A_734], %broadcast_in_dim3A_24 {strides = array<i32>} : memref<64x128xf32, #tpu.memory_space<vmem>>, vector<16xf32>,
    %swap3A_736 = arith.constant 22 : i32
    %swap3A_737 = arith.index_cast %swap3A_736 : i32 to index
    %swap3A_738 = arith.constant 32 : index
    %swap3A_739 = tpu.vector_load %arg10[%swap3A_737, %swap3A_738] {strides = array<i32>} : memref<64x128xf32, #tpu.memory_space<vmem>>, vector<16xf32>,
    tpu.vector_store %arg10[%swap3A_737, %swap3A_738], %broadcast_in_dim3A_24 {strides = array<i32>} : memref<64x128xf32, #tpu.memory_space<vmem>>, vector<16xf32>,
    %swap3A_740 = arith.constant 22 : i32
    %swap3A_741 = arith.index_cast %swap3A_740 : i32 to index
    %swap3A_742 = arith.constant 48 : index
    %swap3A_743 = tpu.vector_load %arg10[%swap3A_741, %swap3A_742] {strides = array<i32>} : memref<64x128xf32, #tpu.memory_space<vmem>>, vector<16xf32>,
    tpu.vector_store %arg10[%swap3A_741, %swap3A_742], %broadcast_in_dim3A_24 {strides = array<i32>} : memref<64x128xf32, #tpu.memory_space<vmem>>, vector<16xf32>,
    %swap3A_744 = arith.constant 22 : i32
    %swap3A_745 = arith.index_cast %swap3A_744 : i32 to index
    %swap3A_746 = arith.constant 64 : index
    %swap3A_747 = tpu.vector_load %arg10[%swap3A_745, %swap3A_746] {strides = array<i32>} : memref<64x128xf32, #tpu.memory_space<vmem>>, vector<16xf32>,
    tpu.vector_store %arg10[%swap3A_745, %swap3A_746], %broadcast_in_dim3A_24 {strides = array<i32>} : memref<64x128xf32, #tpu.memory_space<vmem>>, vector<16xf32>,
    %swap3A_748 = arith.constant 22 : i32
    %swap3A_749 = arith.index_cast %swap3A_748 : i32 to index
    %swap3A_750 = arith.constant 80 : index
    %swap3A_751 = tpu.vector_load %arg10[%swap3A_749, %swap3A_750] {strides = array<i32>} : memref<64x128xf32, #tpu.memory_space<vmem>>, vector<16xf32>,
    tpu.vector_store %arg10[%swap3A_749, %swap3A_750], %broadcast_in_dim3A_24 {strides = array<i32>} : memref<64x128xf32, #tpu.memory_space<vmem>>, vector<16xf32>,
    %swap3A_752 = arith.constant 22 : i32
    %swap3A_753 = arith.index_cast %swap3A_752 : i32 to index
    %swap3A_754 = arith.constant 96 : index
    %swap3A_755 = tpu.vector_load %arg10[%swap3A_753, %swap3A_754] {strides = array<i32>} : memref<64x128xf32, #tpu.memory_space<vmem>>, vector<16xf32>,
    tpu.vector_store %arg10[%swap3A_753, %swap3A_754], %broadcast_in_dim3A_24 {strides = array<i32>} : memref<64x128xf32, #tpu.memory_space<vmem>>, vector<16xf32>,
    %swap3A_756 = arith.constant 22 : i32
    %swap3A_757 = arith.index_cast %swap3A_756 : i32 to index
    %swap3A_758 = arith.constant 112 : index
    %swap3A_759 = tpu.vector_load %arg10[%swap3A_757, %swap3A_758] {strides = array<i32>} : memref<64x128xf32, #tpu.memory_space<vmem>>, vector<16xf32>,
    tpu.vector_store %arg10[%swap3A_757, %swap3A_758], %broadcast_in_dim3A_24 {strides = array<i32>} : memref<64x128xf32, #tpu.memory_space<vmem>>, vector<16xf32>,
    %swap3A_760 = arith.constant 23 : i32
    %swap3A_761 = arith.index_cast %swap3A_760 : i32 to index
    %swap3A_762 = arith.constant 0 : index
    %swap3A_763 = tpu.vector_load %arg10[%swap3A_761, %swap3A_762] {strides = array<i32>} : memref<64x128xf32, #tpu.memory_space<vmem>>, vector<16xf32>,
    tpu.vector_store %arg10[%swap3A_761, %swap3A_762], %broadcast_in_dim3A_24 {strides = array<i32>} : memref<64x128xf32, #tpu.memory_space<vmem>>, vector<16xf32>,
    %swap3A_764 = arith.constant 23 : i32
    %swap3A_765 = arith.index_cast %swap3A_764 : i32 to index
    %swap3A_766 = arith.constant 16 : index
    %swap3A_767 = tpu.vector_load %arg10[%swap3A_765, %swap3A_766] {strides = array<i32>} : memref<64x128xf32, #tpu.memory_space<vmem>>, vector<16xf32>,
    tpu.vector_store %arg10[%swap3A_765, %swap3A_766], %broadcast_in_dim3A_24 {strides = array<i32>} : memref<64x128xf32, #tpu.memory_space<vmem>>, vector<16xf32>,
    %swap3A_768 = arith.constant 23 : i32
    %swap3A_769 = arith.index_cast %swap3A_768 : i32 to index
    %swap3A_770 = arith.constant 32 : index
    %swap3A_771 = tpu.vector_load %arg10[%swap3A_769, %swap3A_770] {strides = array<i32>} : memref<64x128xf32, #tpu.memory_space<vmem>>, vector<16xf32>,
    tpu.vector_store %arg10[%swap3A_769, %swap3A_770], %broadcast_in_dim3A_24 {strides = array<i32>} : memref<64x128xf32, #tpu.memory_space<vmem>>, vector<16xf32>,
    %swap3A_772 = arith.constant 23 : i32
    %swap3A_773 = arith.index_cast %swap3A_772 : i32 to index
    %swap3A_774 = arith.constant 48 : index
    %swap3A_775 = tpu.vector_load %arg10[%swap3A_773, %swap3A_774] {strides = array<i32>} : memref<64x128xf32, #tpu.memory_space<vmem>>, vector<16xf32>,
    tpu.vector_store %arg10[%swap3A_773, %swap3A_774], %broadcast_in_dim3A_24 {strides = array<i32>} : memref<64x128xf32, #tpu.memory_space<vmem>>, vector<16xf32>,
    %swap3A_776 = arith.constant 23 : i32
    %swap3A_777 = arith.index_cast %swap3A_776 : i32 to index
    %swap3A_778 = arith.constant 64 : index
    %swap3A_779 = tpu.vector_load %arg10[%swap3A_777, %swap3A_778] {strides = array<i32>} : memref<64x128xf32, #tpu.memory_space<vmem>>, vector<16xf32>,
    tpu.vector_store %arg10[%swap3A_777, %swap3A_778], %broadcast_in_dim3A_24 {strides = array<i32>} : memref<64x128xf32, #tpu.memory_space<vmem>>, vector<16xf32>,
    %swap3A_780 = arith.constant 23 : i32
    %swap3A_781 = arith.index_cast %swap3A_780 : i32 to index
    %swap3A_782 = arith.constant 80 : index
    %swap3A_783 = tpu.vector_load %arg10[%swap3A_781, %swap3A_782] {strides = array<i32>} : memref<64x128xf32, #tpu.memory_space<vmem>>, vector<16xf32>,
    tpu.vector_store %arg10[%swap3A_781, %swap3A_782], %broadcast_in_dim3A_24 {strides = array<i32>} : memref<64x128xf32, #tpu.memory_space<vmem>>, vector<16xf32>,
    %swap3A_784 = arith.constant 23 : i32
    %swap3A_785 = arith.index_cast %swap3A_784 : i32 to index
    %swap3A_786 = arith.constant 96 : index
    %swap3A_787 = tpu.vector_load %arg10[%swap3A_785, %swap3A_786] {strides = array<i32>} : memref<64x128xf32, #tpu.memory_space<vmem>>, vector<16xf32>,
    tpu.vector_store %arg10[%swap3A_785, %swap3A_786], %broadcast_in_dim3A_24 {strides = array<i32>} : memref<64x128xf32, #tpu.memory_space<vmem>>, vector<16xf32>,
    %swap3A_788 = arith.constant 23 : i32
    %swap3A_789 = arith.index_cast %swap3A_788 : i32 to index
    %swap3A_790 = arith.constant 112 : index
    %swap3A_791 = tpu.vector_load %arg10[%swap3A_789, %swap3A_790] {strides = array<i32>} : memref<64x128xf32, #tpu.memory_space<vmem>>, vector<16xf32>,
    tpu.vector_store %arg10[%swap3A_789, %swap3A_790], %broadcast_in_dim3A_24 {strides = array<i32>} : memref<64x128xf32, #tpu.memory_space<vmem>>, vector<16xf32>,
    %swap3A_792 = arith.constant 24 : i32
    %swap3A_793 = arith.index_cast %swap3A_792 : i32 to index
    %swap3A_794 = arith.constant 0 : index
    %swap3A_795 = tpu.vector_load %arg10[%swap3A_793, %swap3A_794] {strides = array<i32>} : memref<64x128xf32, #tpu.memory_space<vmem>>, vector<16xf32>,
    tpu.vector_store %arg10[%swap3A_793, %swap3A_794], %broadcast_in_dim3A_24 {strides = array<i32>} : memref<64x128xf32, #tpu.memory_space<vmem>>, vector<16xf32>,
    %swap3A_796 = arith.constant 24 : i32
    %swap3A_797 = arith.index_cast %swap3A_796 : i32 to index
    %swap3A_798 = arith.constant 16 : index
    %swap3A_799 = tpu.vector_load %arg10[%swap3A_797, %swap3A_798] {strides = array<i32>} : memref<64x128xf32, #tpu.memory_space<vmem>>, vector<16xf32>,
    tpu.vector_store %arg10[%swap3A_797, %swap3A_798], %broadcast_in_dim3A_24 {strides = array<i32>} : memref<64x128xf32, #tpu.memory_space<vmem>>, vector<16xf32>,
    %swap3A_800 = arith.constant 24 : i32
    %swap3A_801 = arith.index_cast %swap3A_800 : i32 to index
    %swap3A_802 = arith.constant 32 : index
    %swap3A_803 = tpu.vector_load %arg10[%swap3A_801, %swap3A_802] {strides = array<i32>} : memref<64x128xf32, #tpu.memory_space<vmem>>, vector<16xf32>,
    tpu.vector_store %arg10[%swap3A_801, %swap3A_802], %broadcast_in_dim3A_24 {strides = array<i32>} : memref<64x128xf32, #tpu.memory_space<vmem>>, vector<16xf32>,
    %swap3A_804 = arith.constant 24 : i32
    %swap3A_805 = arith.index_cast %swap3A_804 : i32 to index
    %swap3A_806 = arith.constant 48 : index
    %swap3A_807 = tpu.vector_load %arg10[%swap3A_805, %swap3A_806] {strides = array<i32>} : memref<64x128xf32, #tpu.memory_space<vmem>>, vector<16xf32>,
    tpu.vector_store %arg10[%swap3A_805, %swap3A_806], %broadcast_in_dim3A_24 {strides = array<i32>} : memref<64x128xf32, #tpu.memory_space<vmem>>, vector<16xf32>,
    %swap3A_808 = arith.constant 24 : i32
    %swap3A_809 = arith.index_cast %swap3A_808 : i32 to index
    %swap3A_810 = arith.constant 64 : index
    %swap3A_811 = tpu.vector_load %arg10[%swap3A_809, %swap3A_810] {strides = array<i32>} : memref<64x128xf32, #tpu.memory_space<vmem>>, vector<16xf32>,
    tpu.vector_store %arg10[%swap3A_809, %swap3A_810], %broadcast_in_dim3A_24 {strides = array<i32>} : memref<64x128xf32, #tpu.memory_space<vmem>>, vector<16xf32>,
    %swap3A_812 = arith.constant 24 : i32
    %swap3A_813 = arith.index_cast %swap3A_812 : i32 to index
    %swap3A_814 = arith.constant 80 : index
    %swap3A_815 = tpu.vector_load %arg10[%swap3A_813, %swap3A_814] {strides = array<i32>} : memref<64x128xf32, #tpu.memory_space<vmem>>, vector<16xf32>,
    tpu.vector_store %arg10[%swap3A_813, %swap3A_814], %broadcast_in_dim3A_24 {strides = array<i32>} : memref<64x128xf32, #tpu.memory_space<vmem>>, vector<16xf32>,
    %swap3A_816 = arith.constant 24 : i32
    %swap3A_817 = arith.index_cast %swap3A_816 : i32 to index
    %swap3A_818 = arith.constant 96 : index
    %swap3A_819 = tpu.vector_load %arg10[%swap3A_817, %swap3A_818] {strides = array<i32>} : memref<64x128xf32, #tpu.memory_space<vmem>>, vector<16xf32>,
    tpu.vector_store %arg10[%swap3A_817, %swap3A_818], %broadcast_in_dim3A_24 {strides = array<i32>} : memref<64x128xf32, #tpu.memory_space<vmem>>, vector<16xf32>,
    %swap3A_820 = arith.constant 24 : i32
    %swap3A_821 = arith.index_cast %swap3A_820 : i32 to index
    %swap3A_822 = arith.constant 112 : index
    %swap3A_823 = tpu.vector_load %arg10[%swap3A_821, %swap3A_822] {strides = array<i32>} : memref<64x128xf32, #tpu.memory_space<vmem>>, vector<16xf32>,
    tpu.vector_store %arg10[%swap3A_821, %swap3A_822], %broadcast_in_dim3A_24 {strides = array<i32>} : memref<64x128xf32, #tpu.memory_space<vmem>>, vector<16xf32>,
    %swap3A_824 = arith.constant 25 : i32
    %swap3A_825 = arith.index_cast %swap3A_824 : i32 to index
    %swap3A_826 = arith.constant 0 : index
    %swap3A_827 = tpu.vector_load %arg10[%swap3A_825, %swap3A_826] {strides = array<i32>} : memref<64x128xf32, #tpu.memory_space<vmem>>, vector<16xf32>,
    tpu.vector_store %arg10[%swap3A_825, %swap3A_826], %broadcast_in_dim3A_24 {strides = array<i32>} : memref<64x128xf32, #tpu.memory_space<vmem>>, vector<16xf32>,
    %swap3A_828 = arith.constant 25 : i32
    %swap3A_829 = arith.index_cast %swap3A_828 : i32 to index
    %swap3A_830 = arith.constant 16 : index
    %swap3A_831 = tpu.vector_load %arg10[%swap3A_829, %swap3A_830] {strides = array<i32>} : memref<64x128xf32, #tpu.memory_space<vmem>>, vector<16xf32>,
    tpu.vector_store %arg10[%swap3A_829, %swap3A_830], %broadcast_in_dim3A_24 {strides = array<i32>} : memref<64x128xf32, #tpu.memory_space<vmem>>, vector<16xf32>,
    %swap3A_832 = arith.constant 25 : i32
    %swap3A_833 = arith.index_cast %swap3A_832 : i32 to index
    %swap3A_834 = arith.constant 32 : index
    %swap3A_835 = tpu.vector_load %arg10[%swap3A_833, %swap3A_834] {strides = array<i32>} : memref<64x128xf32, #tpu.memory_space<vmem>>, vector<16xf32>,
    tpu.vector_store %arg10[%swap3A_833, %swap3A_834], %broadcast_in_dim3A_24 {strides = array<i32>} : memref<64x128xf32, #tpu.memory_space<vmem>>, vector<16xf32>,
    %swap3A_836 = arith.constant 25 : i32
    %swap3A_837 = arith.index_cast %swap3A_836 : i32 to index
    %swap3A_838 = arith.constant 48 : index
    %swap3A_839 = tpu.vector_load %arg10[%swap3A_837, %swap3A_838] {strides = array<i32>} : memref<64x128xf32, #tpu.memory_space<vmem>>, vector<16xf32>,
    tpu.vector_store %arg10[%swap3A_837, %swap3A_838], %broadcast_in_dim3A_24 {strides = array<i32>} : memref<64x128xf32, #tpu.memory_space<vmem>>, vector<16xf32>,
    %swap3A_840 = arith.constant 25 : i32
    %swap3A_841 = arith.index_cast %swap3A_840 : i32 to index
    %swap3A_842 = arith.constant 64 : index
    %swap3A_843 = tpu.vector_load %arg10[%swap3A_841, %swap3A_842] {strides = array<i32>} : memref<64x128xf32, #tpu.memory_space<vmem>>, vector<16xf32>,
    tpu.vector_store %arg10[%swap3A_841, %swap3A_842], %broadcast_in_dim3A_24 {strides = array<i32>} : memref<64x128xf32, #tpu.memory_space<vmem>>, vector<16xf32>,
    %swap3A_844 = arith.constant 25 : i32
    %swap3A_845 = arith.index_cast %swap3A_844 : i32 to index
    %swap3A_846 = arith.constant 80 : index
    %swap3A_847 = tpu.vector_load %arg10[%swap3A_845, %swap3A_846] {strides = array<i32>} : memref<64x128xf32, #tpu.memory_space<vmem>>, vector<16xf32>,
    tpu.vector_store %arg10[%swap3A_845, %swap3A_846], %broadcast_in_dim3A_24 {strides = array<i32>} : memref<64x128xf32, #tpu.memory_space<vmem>>, vector<16xf32>,
    %swap3A_848 = arith.constant 25 : i32
    %swap3A_849 = arith.index_cast %swap3A_848 : i32 to index
    %swap3A_850 = arith.constant 96 : index
    %swap3A_851 = tpu.vector_load %arg10[%swap3A_849, %swap3A_850] {strides = array<i32>} : memref<64x128xf32, #tpu.memory_space<vmem>>, vector<16xf32>,
    tpu.vector_store %arg10[%swap3A_849, %swap3A_850], %broadcast_in_dim3A_24 {strides = array<i32>} : memref<64x128xf32, #tpu.memory_space<vmem>>, vector<16xf32>,
    %swap3A_852 = arith.constant 25 : i32
    %swap3A_853 = arith.index_cast %swap3A_852 : i32 to index
    %swap3A_854 = arith.constant 112 : index
    %swap3A_855 = tpu.vector_load %arg10[%swap3A_853, %swap3A_854] {strides = array<i32>} : memref<64x128xf32, #tpu.memory_space<vmem>>, vector<16xf32>,
    tpu.vector_store %arg10[%swap3A_853, %swap3A_854], %broadcast_in_dim3A_24 {strides = array<i32>} : memref<64x128xf32, #tpu.memory_space<vmem>>, vector<16xf32>,
    %swap3A_856 = arith.constant 26 : i32
    %swap3A_857 = arith.index_cast %swap3A_856 : i32 to index
    %swap3A_858 = arith.constant 0 : index
    %swap3A_859 = tpu.vector_load %arg10[%swap3A_857, %swap3A_858] {strides = array<i32>} : memref<64x128xf32, #tpu.memory_space<vmem>>, vector<16xf32>,
    tpu.vector_store %arg10[%swap3A_857, %swap3A_858], %broadcast_in_dim3A_24 {strides = array<i32>} : memref<64x128xf32, #tpu.memory_space<vmem>>, vector<16xf32>,
    %swap3A_860 = arith.constant 26 : i32
    %swap3A_861 = arith.index_cast %swap3A_860 : i32 to index
    %swap3A_862 = arith.constant 16 : index
    %swap3A_863 = tpu.vector_load %arg10[%swap3A_861, %swap3A_862] {strides = array<i32>} : memref<64x128xf32, #tpu.memory_space<vmem>>, vector<16xf32>,
    tpu.vector_store %arg10[%swap3A_861, %swap3A_862], %broadcast_in_dim3A_24 {strides = array<i32>} : memref<64x128xf32, #tpu.memory_space<vmem>>, vector<16xf32>,
    %swap3A_864 = arith.constant 26 : i32
    %swap3A_865 = arith.index_cast %swap3A_864 : i32 to index
    %swap3A_866 = arith.constant 32 : index
    %swap3A_867 = tpu.vector_load %arg10[%swap3A_865, %swap3A_866] {strides = array<i32>} : memref<64x128xf32, #tpu.memory_space<vmem>>, vector<16xf32>,
    tpu.vector_store %arg10[%swap3A_865, %swap3A_866], %broadcast_in_dim3A_24 {strides = array<i32>} : memref<64x128xf32, #tpu.memory_space<vmem>>, vector<16xf32>,
    %swap3A_868 = arith.constant 26 : i32
    %swap3A_869 = arith.index_cast %swap3A_868 : i32 to index
    %swap3A_870 = arith.constant 48 : index
    %swap3A_871 = tpu.vector_load %arg10[%swap3A_869, %swap3A_870] {strides = array<i32>} : memref<64x128xf32, #tpu.memory_space<vmem>>, vector<16xf32>,
    tpu.vector_store %arg10[%swap3A_869, %swap3A_870], %broadcast_in_dim3A_24 {strides = array<i32>} : memref<64x128xf32, #tpu.memory_space<vmem>>, vector<16xf32>,
    %swap3A_872 = arith.constant 26 : i32
    %swap3A_873 = arith.index_cast %swap3A_872 : i32 to index
    %swap3A_874 = arith.constant 64 : index
    %swap3A_875 = tpu.vector_load %arg10[%swap3A_873, %swap3A_874] {strides = array<i32>} : memref<64x128xf32, #tpu.memory_space<vmem>>, vector<16xf32>,
    tpu.vector_store %arg10[%swap3A_873, %swap3A_874], %broadcast_in_dim3A_24 {strides = array<i32>} : memref<64x128xf32, #tpu.memory_space<vmem>>, vector<16xf32>,
    %swap3A_876 = arith.constant 26 : i32
    %swap3A_877 = arith.index_cast %swap3A_876 : i32 to index
    %swap3A_878 = arith.constant 80 : index
    %swap3A_879 = tpu.vector_load %arg10[%swap3A_877, %swap3A_878] {strides = array<i32>} : memref<64x128xf32, #tpu.memory_space<vmem>>, vector<16xf32>,
    tpu.vector_store %arg10[%swap3A_877, %swap3A_878], %broadcast_in_dim3A_24 {strides = array<i32>} : memref<64x128xf32, #tpu.memory_space<vmem>>, vector<16xf32>,
    %swap3A_880 = arith.constant 26 : i32
    %swap3A_881 = arith.index_cast %swap3A_880 : i32 to index
    %swap3A_882 = arith.constant 96 : index
    %swap3A_883 = tpu.vector_load %arg10[%swap3A_881, %swap3A_882] {strides = array<i32>} : memref<64x128xf32, #tpu.memory_space<vmem>>, vector<16xf32>,
    tpu.vector_store %arg10[%swap3A_881, %swap3A_882], %broadcast_in_dim3A_24 {strides = array<i32>} : memref<64x128xf32, #tpu.memory_space<vmem>>, vector<16xf32>,
    %swap3A_884 = arith.constant 26 : i32
    %swap3A_885 = arith.index_cast %swap3A_884 : i32 to index
    %swap3A_886 = arith.constant 112 : index
    %swap3A_887 = tpu.vector_load %arg10[%swap3A_885, %swap3A_886] {strides = array<i32>} : memref<64x128xf32, #tpu.memory_space<vmem>>, vector<16xf32>,
    tpu.vector_store %arg10[%swap3A_885, %swap3A_886], %broadcast_in_dim3A_24 {strides = array<i32>} : memref<64x128xf32, #tpu.memory_space<vmem>>, vector<16xf32>,
    %swap3A_888 = arith.constant 27 : i32
    %swap3A_889 = arith.index_cast %swap3A_888 : i32 to index
    %swap3A_890 = arith.constant 0 : index
    %swap3A_891 = tpu.vector_load %arg10[%swap3A_889, %swap3A_890] {strides = array<i32>} : memref<64x128xf32, #tpu.memory_space<vmem>>, vector<16xf32>,
    tpu.vector_store %arg10[%swap3A_889, %swap3A_890], %broadcast_in_dim3A_24 {strides = array<i32>} : memref<64x128xf32, #tpu.memory_space<vmem>>, vector<16xf32>,
    %swap3A_892 = arith.constant 27 : i32
    %swap3A_893 = arith.index_cast %swap3A_892 : i32 to index
    %swap3A_894 = arith.constant 16 : index
    %swap3A_895 = tpu.vector_load %arg10[%swap3A_893, %swap3A_894] {strides = array<i32>} : memref<64x128xf32, #tpu.memory_space<vmem>>, vector<16xf32>,
    tpu.vector_store %arg10[%swap3A_893, %swap3A_894], %broadcast_in_dim3A_24 {strides = array<i32>} : memref<64x128xf32, #tpu.memory_space<vmem>>, vector<16xf32>,
    %swap3A_896 = arith.constant 27 : i32
    %swap3A_897 = arith.index_cast %swap3A_896 : i32 to index
    %swap3A_898 = arith.constant 32 : index
    %swap3A_899 = tpu.vector_load %arg10[%swap3A_897, %swap3A_898] {strides = array<i32>} : memref<64x128xf32, #tpu.memory_space<vmem>>, vector<16xf32>,
    tpu.vector_store %arg10[%swap3A_897, %swap3A_898], %broadcast_in_dim3A_24 {strides = array<i32>} : memref<64x128xf32, #tpu.memory_space<vmem>>, vector<16xf32>,
    %swap3A_900 = arith.constant 27 : i32
    %swap3A_901 = arith.index_cast %swap3A_900 : i32 to index
    %swap3A_902 = arith.constant 48 : index
    %swap3A_903 = tpu.vector_load %arg10[%swap3A_901, %swap3A_902] {strides = array<i32>} : memref<64x128xf32, #tpu.memory_space<vmem>>, vector<16xf32>,
    tpu.vector_store %arg10[%swap3A_901, %swap3A_902], %broadcast_in_dim3A_24 {strides = array<i32>} : memref<64x128xf32, #tpu.memory_space<vmem>>, vector<16xf32>,
    %swap3A_904 = arith.constant 27 : i32
    %swap3A_905 = arith.index_cast %swap3A_904 : i32 to index
    %swap3A_906 = arith.constant 64 : index
    %swap3A_907 = tpu.vector_load %arg10[%swap3A_905, %swap3A_906] {strides = array<i32>} : memref<64x128xf32, #tpu.memory_space<vmem>>, vector<16xf32>,
    tpu.vector_store %arg10[%swap3A_905, %swap3A_906], %broadcast_in_dim3A_24 {strides = array<i32>} : memref<64x128xf32, #tpu.memory_space<vmem>>, vector<16xf32>,
    %swap3A_908 = arith.constant 27 : i32
    %swap3A_909 = arith.index_cast %swap3A_908 : i32 to index
    %swap3A_910 = arith.constant 80 : index
    %swap3A_911 = tpu.vector_load %arg10[%swap3A_909, %swap3A_910] {strides = array<i32>} : memref<64x128xf32, #tpu.memory_space<vmem>>, vector<16xf32>,
    tpu.vector_store %arg10[%swap3A_909, %swap3A_910], %broadcast_in_dim3A_24 {strides = array<i32>} : memref<64x128xf32, #tpu.memory_space<vmem>>, vector<16xf32>,
    %swap3A_912 = arith.constant 27 : i32
    %swap3A_913 = arith.index_cast %swap3A_912 : i32 to index
    %swap3A_914 = arith.constant 96 : index
    %swap3A_915 = tpu.vector_load %arg10[%swap3A_913, %swap3A_914] {strides = array<i32>} : memref<64x128xf32, #tpu.memory_space<vmem>>, vector<16xf32>,
    tpu.vector_store %arg10[%swap3A_913, %swap3A_914], %broadcast_in_dim3A_24 {strides = array<i32>} : memref<64x128xf32, #tpu.memory_space<vmem>>, vector<16xf32>,
    %swap3A_916 = arith.constant 27 : i32
    %swap3A_917 = arith.index_cast %swap3A_916 : i32 to index
    %swap3A_918 = arith.constant 112 : index
    %swap3A_919 = tpu.vector_load %arg10[%swap3A_917, %swap3A_918] {strides = array<i32>} : memref<64x128xf32, #tpu.memory_space<vmem>>, vector<16xf32>,
    tpu.vector_store %arg10[%swap3A_917, %swap3A_918], %broadcast_in_dim3A_24 {strides = array<i32>} : memref<64x128xf32, #tpu.memory_space<vmem>>, vector<16xf32>,
    %swap3A_920 = arith.constant 28 : i32
    %swap3A_921 = arith.index_cast %swap3A_920 : i32 to index
    %swap3A_922 = arith.constant 0 : index
    %swap3A_923 = tpu.vector_load %arg10[%swap3A_921, %swap3A_922] {strides = array<i32>} : memref<64x128xf32, #tpu.memory_space<vmem>>, vector<16xf32>,
    tpu.vector_store %arg10[%swap3A_921, %swap3A_922], %broadcast_in_dim3A_24 {strides = array<i32>} : memref<64x128xf32, #tpu.memory_space<vmem>>, vector<16xf32>,
    %swap3A_924 = arith.constant 28 : i32
    %swap3A_925 = arith.index_cast %swap3A_924 : i32 to index
    %swap3A_926 = arith.constant 16 : index
    %swap3A_927 = tpu.vector_load %arg10[%swap3A_925, %swap3A_926] {strides = array<i32>} : memref<64x128xf32, #tpu.memory_space<vmem>>, vector<16xf32>,
    tpu.vector_store %arg10[%swap3A_925, %swap3A_926], %broadcast_in_dim3A_24 {strides = array<i32>} : memref<64x128xf32, #tpu.memory_space<vmem>>, vector<16xf32>,
    %swap3A_928 = arith.constant 28 : i32
    %swap3A_929 = arith.index_cast %swap3A_928 : i32 to index
    %swap3A_930 = arith.constant 32 : index
    %swap3A_931 = tpu.vector_load %arg10[%swap3A_929, %swap3A_930] {strides = array<i32>} : memref<64x128xf32, #tpu.memory_space<vmem>>, vector<16xf32>,
    tpu.vector_store %arg10[%swap3A_929, %swap3A_930], %broadcast_in_dim3A_24 {strides = array<i32>} : memref<64x128xf32, #tpu.memory_space<vmem>>, vector<16xf32>,
    %swap3A_932 = arith.constant 28 : i32
    %swap3A_933 = arith.index_cast %swap3A_932 : i32 to index
    %swap3A_934 = arith.constant 48 : index
    %swap3A_935 = tpu.vector_load %arg10[%swap3A_933, %swap3A_934] {strides = array<i32>} : memref<64x128xf32, #tpu.memory_space<vmem>>, vector<16xf32>,
    tpu.vector_store %arg10[%swap3A_933, %swap3A_934], %broadcast_in_dim3A_24 {strides = array<i32>} : memref<64x128xf32, #tpu.memory_space<vmem>>, vector<16xf32>,
    %swap3A_936 = arith.constant 28 : i32
    %swap3A_937 = arith.index_cast %swap3A_936 : i32 to index
    %swap3A_938 = arith.constant 64 : index
    %swap3A_939 = tpu.vector_load %arg10[%swap3A_937, %swap3A_938] {strides = array<i32>} : memref<64x128xf32, #tpu.memory_space<vmem>>, vector<16xf32>,
    tpu.vector_store %arg10[%swap3A_937, %swap3A_938], %broadcast_in_dim3A_24 {strides = array<i32>} : memref<64x128xf32, #tpu.memory_space<vmem>>, vector<16xf32>,
    %swap3A_940 = arith.constant 28 : i32
    %swap3A_941 = arith.index_cast %swap3A_940 : i32 to index
    %swap3A_942 = arith.constant 80 : index
    %swap3A_943 = tpu.vector_load %arg10[%swap3A_941, %swap3A_942] {strides = array<i32>} : memref<64x128xf32, #tpu.memory_space<vmem>>, vector<16xf32>,
    tpu.vector_store %arg10[%swap3A_941, %swap3A_942], %broadcast_in_dim3A_24 {strides = array<i32>} : memref<64x128xf32, #tpu.memory_space<vmem>>, vector<16xf32>,
    %swap3A_944 = arith.constant 28 : i32
    %swap3A_945 = arith.index_cast %swap3A_944 : i32 to index
    %swap3A_946 = arith.constant 96 : index
    %swap3A_947 = tpu.vector_load %arg10[%swap3A_945, %swap3A_946] {strides = array<i32>} : memref<64x128xf32, #tpu.memory_space<vmem>>, vector<16xf32>,
    tpu.vector_store %arg10[%swap3A_945, %swap3A_946], %broadcast_in_dim3A_24 {strides = array<i32>} : memref<64x128xf32, #tpu.memory_space<vmem>>, vector<16xf32>,
    %swap3A_948 = arith.constant 28 : i32
    %swap3A_949 = arith.index_cast %swap3A_948 : i32 to index
    %swap3A_950 = arith.constant 112 : index
    %swap3A_951 = tpu.vector_load %arg10[%swap3A_949, %swap3A_950] {strides = array<i32>} : memref<64x128xf32, #tpu.memory_space<vmem>>, vector<16xf32>,
    tpu.vector_store %arg10[%swap3A_949, %swap3A_950], %broadcast_in_dim3A_24 {strides = array<i32>} : memref<64x128xf32, #tpu.memory_space<vmem>>, vector<16xf32>,
    %swap3A_952 = arith.constant 29 : i32
    %swap3A_953 = arith.index_cast %swap3A_952 : i32 to index
    %swap3A_954 = arith.constant 0 : index
    %swap3A_955 = tpu.vector_load %arg10[%swap3A_953, %swap3A_954] {strides = array<i32>} : memref<64x128xf32, #tpu.memory_space<vmem>>, vector<16xf32>,
    tpu.vector_store %arg10[%swap3A_953, %swap3A_954], %broadcast_in_dim3A_24 {strides = array<i32>} : memref<64x128xf32, #tpu.memory_space<vmem>>, vector<16xf32>,
    %swap3A_956 = arith.constant 29 : i32
    %swap3A_957 = arith.index_cast %swap3A_956 : i32 to index
    %swap3A_958 = arith.constant 16 : index
    %swap3A_959 = tpu.vector_load %arg10[%swap3A_957, %swap3A_958] {strides = array<i32>} : memref<64x128xf32, #tpu.memory_space<vmem>>, vector<16xf32>,
    tpu.vector_store %arg10[%swap3A_957, %swap3A_958], %broadcast_in_dim3A_24 {strides = array<i32>} : memref<64x128xf32, #tpu.memory_space<vmem>>, vector<16xf32>,
    %swap3A_960 = arith.constant 29 : i32
    %swap3A_961 = arith.index_cast %swap3A_960 : i32 to index
    %swap3A_962 = arith.constant 32 : index
    %swap3A_963 = tpu.vector_load %arg10[%swap3A_961, %swap3A_962] {strides = array<i32>} : memref<64x128xf32, #tpu.memory_space<vmem>>, vector<16xf32>,
    tpu.vector_store %arg10[%swap3A_961, %swap3A_962], %broadcast_in_dim3A_24 {strides = array<i32>} : memref<64x128xf32, #tpu.memory_space<vmem>>, vector<16xf32>,
    %swap3A_964 = arith.constant 29 : i32
    %swap3A_965 = arith.index_cast %swap3A_964 : i32 to index
    %swap3A_966 = arith.constant 48 : index
    %swap3A_967 = tpu.vector_load %arg10[%swap3A_965, %swap3A_966] {strides = array<i32>} : memref<64x128xf32, #tpu.memory_space<vmem>>, vector<16xf32>,
    tpu.vector_store %arg10[%swap3A_965, %swap3A_966], %broadcast_in_dim3A_24 {strides = array<i32>} : memref<64x128xf32, #tpu.memory_space<vmem>>, vector<16xf32>,
    %swap3A_968 = arith.constant 29 : i32
    %swap3A_969 = arith.index_cast %swap3A_968 : i32 to index
    %swap3A_970 = arith.constant 64 : index
    %swap3A_971 = tpu.vector_load %arg10[%swap3A_969, %swap3A_970] {strides = array<i32>} : memref<64x128xf32, #tpu.memory_space<vmem>>, vector<16xf32>,
    tpu.vector_store %arg10[%swap3A_969, %swap3A_970], %broadcast_in_dim3A_24 {strides = array<i32>} : memref<64x128xf32, #tpu.memory_space<vmem>>, vector<16xf32>,
    %swap3A_972 = arith.constant 29 : i32
    %swap3A_973 = arith.index_cast %swap3A_972 : i32 to index
    %swap3A_974 = arith.constant 80 : index
    %swap3A_975 = tpu.vector_load %arg10[%swap3A_973, %swap3A_974] {strides = array<i32>} : memref<64x128xf32, #tpu.memory_space<vmem>>, vector<16xf32>,
    tpu.vector_store %arg10[%swap3A_973, %swap3A_974], %broadcast_in_dim3A_24 {strides = array<i32>} : memref<64x128xf32, #tpu.memory_space<vmem>>, vector<16xf32>,
    %swap3A_976 = arith.constant 29 : i32
    %swap3A_977 = arith.index_cast %swap3A_976 : i32 to index
    %swap3A_978 = arith.constant 96 : index
    %swap3A_979 = tpu.vector_load %arg10[%swap3A_977, %swap3A_978] {strides = array<i32>} : memref<64x128xf32, #tpu.memory_space<vmem>>, vector<16xf32>,
    tpu.vector_store %arg10[%swap3A_977, %swap3A_978], %broadcast_in_dim3A_24 {strides = array<i32>} : memref<64x128xf32, #tpu.memory_space<vmem>>, vector<16xf32>,
    %swap3A_980 = arith.constant 29 : i32
    %swap3A_981 = arith.index_cast %swap3A_980 : i32 to index
    %swap3A_982 = arith.constant 112 : index
    %swap3A_983 = tpu.vector_load %arg10[%swap3A_981, %swap3A_982] {strides = array<i32>} : memref<64x128xf32, #tpu.memory_space<vmem>>, vector<16xf32>,
    tpu.vector_store %arg10[%swap3A_981, %swap3A_982], %broadcast_in_dim3A_24 {strides = array<i32>} : memref<64x128xf32, #tpu.memory_space<vmem>>, vector<16xf32>,
    %swap3A_984 = arith.constant 30 : i32
    %swap3A_985 = arith.index_cast %swap3A_984 : i32 to index
    %swap3A_986 = arith.constant 0 : index
    %swap3A_987 = tpu.vector_load %arg10[%swap3A_985, %swap3A_986] {strides = array<i32>} : memref<64x128xf32, #tpu.memory_space<vmem>>, vector<16xf32>,
    tpu.vector_store %arg10[%swap3A_985, %swap3A_986], %broadcast_in_dim3A_24 {strides = array<i32>} : memref<64x128xf32, #tpu.memory_space<vmem>>, vector<16xf32>,
    %swap3A_988 = arith.constant 30 : i32
    %swap3A_989 = arith.index_cast %swap3A_988 : i32 to index
    %swap3A_990 = arith.constant 16 : index
    %swap3A_991 = tpu.vector_load %arg10[%swap3A_989, %swap3A_990] {strides = array<i32>} : memref<64x128xf32, #tpu.memory_space<vmem>>, vector<16xf32>,
    tpu.vector_store %arg10[%swap3A_989, %swap3A_990], %broadcast_in_dim3A_24 {strides = array<i32>} : memref<64x128xf32, #tpu.memory_space<vmem>>, vector<16xf32>,
    %swap3A_992 = arith.constant 30 : i32
    %swap3A_993 = arith.index_cast %swap3A_992 : i32 to index
    %swap3A_994 = arith.constant 32 : index
    %swap3A_995 = tpu.vector_load %arg10[%swap3A_993, %swap3A_994] {strides = array<i32>} : memref<64x128xf32, #tpu.memory_space<vmem>>, vector<16xf32>,
    tpu.vector_store %arg10[%swap3A_993, %swap3A_994], %broadcast_in_dim3A_24 {strides = array<i32>} : memref<64x128xf32, #tpu.memory_space<vmem>>, vector<16xf32>,
    %swap3A_996 = arith.constant 30 : i32
    %swap3A_997 = arith.index_cast %swap3A_996 : i32 to index
    %swap3A_998 = arith.constant 48 : index
    %swap3A_999 = tpu.vector_load %arg10[%swap3A_997, %swap3A_998] {strides = array<i32>} : memref<64x128xf32, #tpu.memory_space<vmem>>, vector<16xf32>,
    tpu.vector_store %arg10[%swap3A_997, %swap3A_998], %broadcast_in_dim3A_24 {strides = array<i32>} : memref<64x128xf32, #tpu.memory_space<vmem>>, vector<16xf32>,
    %swap3A_1000 = arith.constant 30 : i32
    %swap3A_1001 = arith.index_cast %swap3A_1000 : i32 to index
    %swap3A_1002 = arith.constant 64 : index
    %swap3A_1003 = tpu.vector_load %arg10[%swap3A_1001, %swap3A_1002] {strides = array<i32>} : memref<64x128xf32, #tpu.memory_space<vmem>>, vector<16xf32>,
    tpu.vector_store %arg10[%swap3A_1001, %swap3A_1002], %broadcast_in_dim3A_24 {strides = array<i32>} : memref<64x128xf32, #tpu.memory_space<vmem>>, vector<16xf32>,
    %swap3A_1004 = arith.constant 30 : i32
    %swap3A_1005 = arith.index_cast %swap3A_1004 : i32 to index
    %swap3A_1006 = arith.constant 80 : index
    %swap3A_1007 = tpu.vector_load %arg10[%swap3A_1005, %swap3A_1006] {strides = array<i32>} : memref<64x128xf32, #tpu.memory_space<vmem>>, vector<16xf32>,
    tpu.vector_store %arg10[%swap3A_1005, %swap3A_1006], %broadcast_in_dim3A_24 {strides = array<i32>} : memref<64x128xf32, #tpu.memory_space<vmem>>, vector<16xf32>,
    %swap3A_1008 = arith.constant 30 : i32
    %swap3A_1009 = arith.index_cast %swap3A_1008 : i32 to index
    %swap3A_1010 = arith.constant 96 : index
    %swap3A_1011 = tpu.vector_load %arg10[%swap3A_1009, %swap3A_1010] {strides = array<i32>} : memref<64x128xf32, #tpu.memory_space<vmem>>, vector<16xf32>,
    tpu.vector_store %arg10[%swap3A_1009, %swap3A_1010], %broadcast_in_dim3A_24 {strides = array<i32>} : memref<64x128xf32, #tpu.memory_space<vmem>>, vector<16xf32>,
    %swap3A_1012 = arith.constant 30 : i32
    %swap3A_1013 = arith.index_cast %swap3A_1012 : i32 to index
    %swap3A_1014 = arith.constant 112 : index
    %swap3A_1015 = tpu.vector_load %arg10[%swap3A_1013, %swap3A_1014] {strides = array<i32>} : memref<64x128xf32, #tpu.memory_space<vmem>>, vector<16xf32>,
    tpu.vector_store %arg10[%swap3A_1013, %swap3A_1014], %broadcast_in_dim3A_24 {strides = array<i32>} : memref<64x128xf32, #tpu.memory_space<vmem>>, vector<16xf32>,
    %swap3A_1016 = arith.constant 31 : i32
    %swap3A_1017 = arith.index_cast %swap3A_1016 : i32 to index
    %swap3A_1018 = arith.constant 0 : index
    %swap3A_1019 = tpu.vector_load %arg10[%swap3A_1017, %swap3A_1018] {strides = array<i32>} : memref<64x128xf32, #tpu.memory_space<vmem>>, vector<16xf32>,
    tpu.vector_store %arg10[%swap3A_1017, %swap3A_1018], %broadcast_in_dim3A_24 {strides = array<i32>} : memref<64x128xf32, #tpu.memory_space<vmem>>, vector<16xf32>,
    %swap3A_1020 = arith.constant 31 : i32
    %swap3A_1021 = arith.index_cast %swap3A_1020 : i32 to index
    %swap3A_1022 = arith.constant 16 : index
    %swap3A_1023 = tpu.vector_load %arg10[%swap3A_1021, %swap3A_1022] {strides = array<i32>} : memref<64x128xf32, #tpu.memory_space<vmem>>, vector<16xf32>,
    tpu.vector_store %arg10[%swap3A_1021, %swap3A_1022], %broadcast_in_dim3A_24 {strides = array<i32>} : memref<64x128xf32, #tpu.memory_space<vmem>>, vector<16xf32>,
    %swap3A_1024 = arith.constant 31 : i32
    %swap3A_1025 = arith.index_cast %swap3A_1024 : i32 to index
    %swap3A_1026 = arith.constant 32 : index
    %swap3A_1027 = tpu.vector_load %arg10[%swap3A_1025, %swap3A_1026] {strides = array<i32>} : memref<64x128xf32, #tpu.memory_space<vmem>>, vector<16xf32>,
    tpu.vector_store %arg10[%swap3A_1025, %swap3A_1026], %broadcast_in_dim3A_24 {strides = array<i32>} : memref<64x128xf32, #tpu.memory_space<vmem>>, vector<16xf32>,
    %swap3A_1028 = arith.constant 31 : i32
    %swap3A_1029 = arith.index_cast %swap3A_1028 : i32 to index
    %swap3A_1030 = arith.constant 48 : index
    %swap3A_1031 = tpu.vector_load %arg10[%swap3A_1029, %swap3A_1030] {strides = array<i32>} : memref<64x128xf32, #tpu.memory_space<vmem>>, vector<16xf32>,
    tpu.vector_store %arg10[%swap3A_1029, %swap3A_1030], %broadcast_in_dim3A_24 {strides = array<i32>} : memref<64x128xf32, #tpu.memory_space<vmem>>, vector<16xf32>,
    %swap3A_1032 = arith.constant 31 : i32
    %swap3A_1033 = arith.index_cast %swap3A_1032 : i32 to index
    %swap3A_1034 = arith.constant 64 : index
    %swap3A_1035 = tpu.vector_load %arg10[%swap3A_1033, %swap3A_1034] {strides = array<i32>} : memref<64x128xf32, #tpu.memory_space<vmem>>, vector<16xf32>,
    tpu.vector_store %arg10[%swap3A_1033, %swap3A_1034], %broadcast_in_dim3A_24 {strides = array<i32>} : memref<64x128xf32, #tpu.memory_space<vmem>>, vector<16xf32>,
    %swap3A_1036 = arith.constant 31 : i32
    %swap3A_1037 = arith.index_cast %swap3A_1036 : i32 to index
    %swap3A_1038 = arith.constant 80 : index
    %swap3A_1039 = tpu.vector_load %arg10[%swap3A_1037, %swap3A_1038] {strides = array<i32>} : memref<64x128xf32, #tpu.memory_space<vmem>>, vector<16xf32>,
    tpu.vector_store %arg10[%swap3A_1037, %swap3A_1038], %broadcast_in_dim3A_24 {strides = array<i32>} : memref<64x128xf32, #tpu.memory_space<vmem>>, vector<16xf32>,
    %swap3A_1040 = arith.constant 31 : i32
    %swap3A_1041 = arith.index_cast %swap3A_1040 : i32 to index
    %swap3A_1042 = arith.constant 96 : index
    %swap3A_1043 = tpu.vector_load %arg10[%swap3A_1041, %swap3A_1042] {strides = array<i32>} : memref<64x128xf32, #tpu.memory_space<vmem>>, vector<16xf32>,
    tpu.vector_store %arg10[%swap3A_1041, %swap3A_1042], %broadcast_in_dim3A_24 {strides = array<i32>} : memref<64x128xf32, #tpu.memory_space<vmem>>, vector<16xf32>,
    %swap3A_1044 = arith.constant 31 : i32
    %swap3A_1045 = arith.index_cast %swap3A_1044 : i32 to index
    %swap3A_1046 = arith.constant 112 : index
    %swap3A_1047 = tpu.vector_load %arg10[%swap3A_1045, %swap3A_1046] {strides = array<i32>} : memref<64x128xf32, #tpu.memory_space<vmem>>, vector<16xf32>,
    tpu.vector_store %arg10[%swap3A_1045, %swap3A_1046], %broadcast_in_dim3A_24 {strides = array<i32>} : memref<64x128xf32, #tpu.memory_space<vmem>>, vector<16xf32>,
    %swap3A_1048 = arith.constant 32 : i32
    %swap3A_1049 = arith.index_cast %swap3A_1048 : i32 to index
    %swap3A_1050 = arith.constant 0 : index
    %swap3A_1051 = tpu.vector_load %arg10[%swap3A_1049, %swap3A_1050] {strides = array<i32>} : memref<64x128xf32, #tpu.memory_space<vmem>>, vector<16xf32>,
    tpu.vector_store %arg10[%swap3A_1049, %swap3A_1050], %broadcast_in_dim3A_24 {strides = array<i32>} : memref<64x128xf32, #tpu.memory_space<vmem>>, vector<16xf32>,
    %swap3A_1052 = arith.constant 32 : i32
    %swap3A_1053 = arith.index_cast %swap3A_1052 : i32 to index
    %swap3A_1054 = arith.constant 16 : index
    %swap3A_1055 = tpu.vector_load %arg10[%swap3A_1053, %swap3A_1054] {strides = array<i32>} : memref<64x128xf32, #tpu.memory_space<vmem>>, vector<16xf32>,
    tpu.vector_store %arg10[%swap3A_1053, %swap3A_1054], %broadcast_in_dim3A_24 {strides = array<i32>} : memref<64x128xf32, #tpu.memory_space<vmem>>, vector<16xf32>,
    %swap3A_1056 = arith.constant 32 : i32
    %swap3A_1057 = arith.index_cast %swap3A_1056 : i32 to index
    %swap3A_1058 = arith.constant 32 : index
    %swap3A_1059 = tpu.vector_load %arg10[%swap3A_1057, %swap3A_1058] {strides = array<i32>} : memref<64x128xf32, #tpu.memory_space<vmem>>, vector<16xf32>,
    tpu.vector_store %arg10[%swap3A_1057, %swap3A_1058], %broadcast_in_dim3A_24 {strides = array<i32>} : memref<64x128xf32, #tpu.memory_space<vmem>>, vector<16xf32>,
    %swap3A_1060 = arith.constant 32 : i32
    %swap3A_1061 = arith.index_cast %swap3A_1060 : i32 to index
    %swap3A_1062 = arith.constant 48 : index
    %swap3A_1063 = tpu.vector_load %arg10[%swap3A_1061, %swap3A_1062] {strides = array<i32>} : memref<64x128xf32, #tpu.memory_space<vmem>>, vector<16xf32>,
    tpu.vector_store %arg10[%swap3A_1061, %swap3A_1062], %broadcast_in_dim3A_24 {strides = array<i32>} : memref<64x128xf32, #tpu.memory_space<vmem>>, vector<16xf32>,
    %swap3A_1064 = arith.constant 32 : i32
    %swap3A_1065 = arith.index_cast %swap3A_1064 : i32 to index
    %swap3A_1066 = arith.constant 64 : index
    %swap3A_1067 = tpu.vector_load %arg10[%swap3A_1065, %swap3A_1066] {strides = array<i32>} : memref<64x128xf32, #tpu.memory_space<vmem>>, vector<16xf32>,
    tpu.vector_store %arg10[%swap3A_1065, %swap3A_1066], %broadcast_in_dim3A_24 {strides = array<i32>} : memref<64x128xf32, #tpu.memory_space<vmem>>, vector<16xf32>,
    %swap3A_1068 = arith.constant 32 : i32
    %swap3A_1069 = arith.index_cast %swap3A_1068 : i32 to index
    %swap3A_1070 = arith.constant 80 : index
    %swap3A_1071 = tpu.vector_load %arg10[%swap3A_1069, %swap3A_1070] {strides = array<i32>} : memref<64x128xf32, #tpu.memory_space<vmem>>, vector<16xf32>,
    tpu.vector_store %arg10[%swap3A_1069, %swap3A_1070], %broadcast_in_dim3A_24 {strides = array<i32>} : memref<64x128xf32, #tpu.memory_space<vmem>>, vector<16xf32>,
    %swap3A_1072 = arith.constant 32 : i32
    %swap3A_1073 = arith.index_cast %swap3A_1072 : i32 to index
    %swap3A_1074 = arith.constant 96 : index
    %swap3A_1075 = tpu.vector_load %arg10[%swap3A_1073, %swap3A_1074] {strides = array<i32>} : memref<64x128xf32, #tpu.memory_space<vmem>>, vector<16xf32>,
    tpu.vector_store %arg10[%swap3A_1073, %swap3A_1074], %broadcast_in_dim3A_24 {strides = array<i32>} : memref<64x128xf32, #tpu.memory_space<vmem>>, vector<16xf32>,
    %swap3A_1076 = arith.constant 32 : i32
    %swap3A_1077 = arith.index_cast %swap3A_1076 : i32 to index
    %swap3A_1078 = arith.constant 112 : index
    %swap3A_1079 = tpu.vector_load %arg10[%swap3A_1077, %swap3A_1078] {strides = array<i32>} : memref<64x128xf32, #tpu.memory_space<vmem>>, vector<16xf32>,
    tpu.vector_store %arg10[%swap3A_1077, %swap3A_1078], %broadcast_in_dim3A_24 {strides = array<i32>} : memref<64x128xf32, #tpu.memory_space<vmem>>, vector<16xf32>,
    %swap3A_1080 = arith.constant 33 : i32
    %swap3A_1081 = arith.index_cast %swap3A_1080 : i32 to index
    %swap3A_1082 = arith.constant 0 : index
    %swap3A_1083 = tpu.vector_load %arg10[%swap3A_1081, %swap3A_1082] {strides = array<i32>} : memref<64x128xf32, #tpu.memory_space<vmem>>, vector<16xf32>,
    tpu.vector_store %arg10[%swap3A_1081, %swap3A_1082], %broadcast_in_dim3A_24 {strides = array<i32>} : memref<64x128xf32, #tpu.memory_space<vmem>>, vector<16xf32>,
    %swap3A_1084 = arith.constant 33 : i32
    %swap3A_1085 = arith.index_cast %swap3A_1084 : i32 to index
    %swap3A_1086 = arith.constant 16 : index
    %swap3A_1087 = tpu.vector_load %arg10[%swap3A_1085, %swap3A_1086] {strides = array<i32>} : memref<64x128xf32, #tpu.memory_space<vmem>>, vector<16xf32>,
    tpu.vector_store %arg10[%swap3A_1085, %swap3A_1086], %broadcast_in_dim3A_24 {strides = array<i32>} : memref<64x128xf32, #tpu.memory_space<vmem>>, vector<16xf32>,
    %swap3A_1088 = arith.constant 33 : i32
    %swap3A_1089 = arith.index_cast %swap3A_1088 : i32 to index
    %swap3A_1090 = arith.constant 32 : index
    %swap3A_1091 = tpu.vector_load %arg10[%swap3A_1089, %swap3A_1090] {strides = array<i32>} : memref<64x128xf32, #tpu.memory_space<vmem>>, vector<16xf32>,
    tpu.vector_store %arg10[%swap3A_1089, %swap3A_1090], %broadcast_in_dim3A_24 {strides = array<i32>} : memref<64x128xf32, #tpu.memory_space<vmem>>, vector<16xf32>,
    %swap3A_1092 = arith.constant 33 : i32
    %swap3A_1093 = arith.index_cast %swap3A_1092 : i32 to index
    %swap3A_1094 = arith.constant 48 : index
    %swap3A_1095 = tpu.vector_load %arg10[%swap3A_1093, %swap3A_1094] {strides = array<i32>} : memref<64x128xf32, #tpu.memory_space<vmem>>, vector<16xf32>,
    tpu.vector_store %arg10[%swap3A_1093, %swap3A_1094], %broadcast_in_dim3A_24 {strides = array<i32>} : memref<64x128xf32, #tpu.memory_space<vmem>>, vector<16xf32>,
    %swap3A_1096 = arith.constant 33 : i32
    %swap3A_1097 = arith.index_cast %swap3A_1096 : i32 to index
    %swap3A_1098 = arith.constant 64 : index
    %swap3A_1099 = tpu.vector_load %arg10[%swap3A_1097, %swap3A_1098] {strides = array<i32>} : memref<64x128xf32, #tpu.memory_space<vmem>>, vector<16xf32>,
    tpu.vector_store %arg10[%swap3A_1097, %swap3A_1098], %broadcast_in_dim3A_24 {strides = array<i32>} : memref<64x128xf32, #tpu.memory_space<vmem>>, vector<16xf32>,
    %swap3A_1100 = arith.constant 33 : i32
    %swap3A_1101 = arith.index_cast %swap3A_1100 : i32 to index
    %swap3A_1102 = arith.constant 80 : index
    %swap3A_1103 = tpu.vector_load %arg10[%swap3A_1101, %swap3A_1102] {strides = array<i32>} : memref<64x128xf32, #tpu.memory_space<vmem>>, vector<16xf32>,
    tpu.vector_store %arg10[%swap3A_1101, %swap3A_1102], %broadcast_in_dim3A_24 {strides = array<i32>} : memref<64x128xf32, #tpu.memory_space<vmem>>, vector<16xf32>,
    %swap3A_1104 = arith.constant 33 : i32
    %swap3A_1105 = arith.index_cast %swap3A_1104 : i32 to index
    %swap3A_1106 = arith.constant 96 : index
    %swap3A_1107 = tpu.vector_load %arg10[%swap3A_1105, %swap3A_1106] {strides = array<i32>} : memref<64x128xf32, #tpu.memory_space<vmem>>, vector<16xf32>,
    tpu.vector_store %arg10[%swap3A_1105, %swap3A_1106], %broadcast_in_dim3A_24 {strides = array<i32>} : memref<64x128xf32, #tpu.memory_space<vmem>>, vector<16xf32>,
    %swap3A_1108 = arith.constant 33 : i32
    %swap3A_1109 = arith.index_cast %swap3A_1108 : i32 to index
    %swap3A_1110 = arith.constant 112 : index
    %swap3A_1111 = tpu.vector_load %arg10[%swap3A_1109, %swap3A_1110] {strides = array<i32>} : memref<64x128xf32, #tpu.memory_space<vmem>>, vector<16xf32>,
    tpu.vector_store %arg10[%swap3A_1109, %swap3A_1110], %broadcast_in_dim3A_24 {strides = array<i32>} : memref<64x128xf32, #tpu.memory_space<vmem>>, vector<16xf32>,
    %swap3A_1112 = arith.constant 34 : i32
    %swap3A_1113 = arith.index_cast %swap3A_1112 : i32 to index
    %swap3A_1114 = arith.constant 0 : index
    %swap3A_1115 = tpu.vector_load %arg10[%swap3A_1113, %swap3A_1114] {strides = array<i32>} : memref<64x128xf32, #tpu.memory_space<vmem>>, vector<16xf32>,
    tpu.vector_store %arg10[%swap3A_1113, %swap3A_1114], %broadcast_in_dim3A_24 {strides = array<i32>} : memref<64x128xf32, #tpu.memory_space<vmem>>, vector<16xf32>,
    %swap3A_1116 = arith.constant 34 : i32
    %swap3A_1117 = arith.index_cast %swap3A_1116 : i32 to index
    %swap3A_1118 = arith.constant 16 : index
    %swap3A_1119 = tpu.vector_load %arg10[%swap3A_1117, %swap3A_1118] {strides = array<i32>} : memref<64x128xf32, #tpu.memory_space<vmem>>, vector<16xf32>,
    tpu.vector_store %arg10[%swap3A_1117, %swap3A_1118], %broadcast_in_dim3A_24 {strides = array<i32>} : memref<64x128xf32, #tpu.memory_space<vmem>>, vector<16xf32>,
    %swap3A_1120 = arith.constant 34 : i32
    %swap3A_1121 = arith.index_cast %swap3A_1120 : i32 to index
    %swap3A_1122 = arith.constant 32 : index
    %swap3A_1123 = tpu.vector_load %arg10[%swap3A_1121, %swap3A_1122] {strides = array<i32>} : memref<64x128xf32, #tpu.memory_space<vmem>>, vector<16xf32>,
    tpu.vector_store %arg10[%swap3A_1121, %swap3A_1122], %broadcast_in_dim3A_24 {strides = array<i32>} : memref<64x128xf32, #tpu.memory_space<vmem>>, vector<16xf32>,
    %swap3A_1124 = arith.constant 34 : i32
    %swap3A_1125 = arith.index_cast %swap3A_1124 : i32 to index
    %swap3A_1126 = arith.constant 48 : index
    %swap3A_1127 = tpu.vector_load %arg10[%swap3A_1125, %swap3A_1126] {strides = array<i32>} : memref<64x128xf32, #tpu.memory_space<vmem>>, vector<16xf32>,
    tpu.vector_store %arg10[%swap3A_1125, %swap3A_1126], %broadcast_in_dim3A_24 {strides = array<i32>} : memref<64x128xf32, #tpu.memory_space<vmem>>, vector<16xf32>,
    %swap3A_1128 = arith.constant 34 : i32
    %swap3A_1129 = arith.index_cast %swap3A_1128 : i32 to index
    %swap3A_1130 = arith.constant 64 : index
    %swap3A_1131 = tpu.vector_load %arg10[%swap3A_1129, %swap3A_1130] {strides = array<i32>} : memref<64x128xf32, #tpu.memory_space<vmem>>, vector<16xf32>,
    tpu.vector_store %arg10[%swap3A_1129, %swap3A_1130], %broadcast_in_dim3A_24 {strides = array<i32>} : memref<64x128xf32, #tpu.memory_space<vmem>>, vector<16xf32>,
    %swap3A_1132 = arith.constant 34 : i32
    %swap3A_1133 = arith.index_cast %swap3A_1132 : i32 to index
    %swap3A_1134 = arith.constant 80 : index
    %swap3A_1135 = tpu.vector_load %arg10[%swap3A_1133, %swap3A_1134] {strides = array<i32>} : memref<64x128xf32, #tpu.memory_space<vmem>>, vector<16xf32>,
    tpu.vector_store %arg10[%swap3A_1133, %swap3A_1134], %broadcast_in_dim3A_24 {strides = array<i32>} : memref<64x128xf32, #tpu.memory_space<vmem>>, vector<16xf32>,
    %swap3A_1136 = arith.constant 34 : i32
    %swap3A_1137 = arith.index_cast %swap3A_1136 : i32 to index
    %swap3A_1138 = arith.constant 96 : index
    %swap3A_1139 = tpu.vector_load %arg10[%swap3A_1137, %swap3A_1138] {strides = array<i32>} : memref<64x128xf32, #tpu.memory_space<vmem>>, vector<16xf32>,
    tpu.vector_store %arg10[%swap3A_1137, %swap3A_1138], %broadcast_in_dim3A_24 {strides = array<i32>} : memref<64x128xf32, #tpu.memory_space<vmem>>, vector<16xf32>,
    %swap3A_1140 = arith.constant 34 : i32
    %swap3A_1141 = arith.index_cast %swap3A_1140 : i32 to index
    %swap3A_1142 = arith.constant 112 : index
    %swap3A_1143 = tpu.vector_load %arg10[%swap3A_1141, %swap3A_1142] {strides = array<i32>} : memref<64x128xf32, #tpu.memory_space<vmem>>, vector<16xf32>,
    tpu.vector_store %arg10[%swap3A_1141, %swap3A_1142], %broadcast_in_dim3A_24 {strides = array<i32>} : memref<64x128xf32, #tpu.memory_space<vmem>>, vector<16xf32>,
    %swap3A_1144 = arith.constant 35 : i32
    %swap3A_1145 = arith.index_cast %swap3A_1144 : i32 to index
    %swap3A_1146 = arith.constant 0 : index
    %swap3A_1147 = tpu.vector_load %arg10[%swap3A_1145, %swap3A_1146] {strides = array<i32>} : memref<64x128xf32, #tpu.memory_space<vmem>>, vector<16xf32>,
    tpu.vector_store %arg10[%swap3A_1145, %swap3A_1146], %broadcast_in_dim3A_24 {strides = array<i32>} : memref<64x128xf32, #tpu.memory_space<vmem>>, vector<16xf32>,
    %swap3A_1148 = arith.constant 35 : i32
    %swap3A_1149 = arith.index_cast %swap3A_1148 : i32 to index
    %swap3A_1150 = arith.constant 16 : index
    %swap3A_1151 = tpu.vector_load %arg10[%swap3A_1149, %swap3A_1150] {strides = array<i32>} : memref<64x128xf32, #tpu.memory_space<vmem>>, vector<16xf32>,
    tpu.vector_store %arg10[%swap3A_1149, %swap3A_1150], %broadcast_in_dim3A_24 {strides = array<i32>} : memref<64x128xf32, #tpu.memory_space<vmem>>, vector<16xf32>,
    %swap3A_1152 = arith.constant 35 : i32
    %swap3A_1153 = arith.index_cast %swap3A_1152 : i32 to index
    %swap3A_1154 = arith.constant 32 : index
    %swap3A_1155 = tpu.vector_load %arg10[%swap3A_1153, %swap3A_1154] {strides = array<i32>} : memref<64x128xf32, #tpu.memory_space<vmem>>, vector<16xf32>,
    tpu.vector_store %arg10[%swap3A_1153, %swap3A_1154], %broadcast_in_dim3A_24 {strides = array<i32>} : memref<64x128xf32, #tpu.memory_space<vmem>>, vector<16xf32>,
    %swap3A_1156 = arith.constant 35 : i32
    %swap3A_1157 = arith.index_cast %swap3A_1156 : i32 to index
    %swap3A_1158 = arith.constant 48 : index
    %swap3A_1159 = tpu.vector_load %arg10[%swap3A_1157, %swap3A_1158] {strides = array<i32>} : memref<64x128xf32, #tpu.memory_space<vmem>>, vector<16xf32>,
    tpu.vector_store %arg10[%swap3A_1157, %swap3A_1158], %broadcast_in_dim3A_24 {strides = array<i32>} : memref<64x128xf32, #tpu.memory_space<vmem>>, vector<16xf32>,
    %swap3A_1160 = arith.constant 35 : i32
    %swap3A_1161 = arith.index_cast %swap3A_1160 : i32 to index
    %swap3A_1162 = arith.constant 64 : index
    %swap3A_1163 = tpu.vector_load %arg10[%swap3A_1161, %swap3A_1162] {strides = array<i32>} : memref<64x128xf32, #tpu.memory_space<vmem>>, vector<16xf32>,
    tpu.vector_store %arg10[%swap3A_1161, %swap3A_1162], %broadcast_in_dim3A_24 {strides = array<i32>} : memref<64x128xf32, #tpu.memory_space<vmem>>, vector<16xf32>,
    %swap3A_1164 = arith.constant 35 : i32
    %swap3A_1165 = arith.index_cast %swap3A_1164 : i32 to index
    %swap3A_1166 = arith.constant 80 : index
    %swap3A_1167 = tpu.vector_load %arg10[%swap3A_1165, %swap3A_1166] {strides = array<i32>} : memref<64x128xf32, #tpu.memory_space<vmem>>, vector<16xf32>,
    tpu.vector_store %arg10[%swap3A_1165, %swap3A_1166], %broadcast_in_dim3A_24 {strides = array<i32>} : memref<64x128xf32, #tpu.memory_space<vmem>>, vector<16xf32>,
    %swap3A_1168 = arith.constant 35 : i32
    %swap3A_1169 = arith.index_cast %swap3A_1168 : i32 to index
    %swap3A_1170 = arith.constant 96 : index
    %swap3A_1171 = tpu.vector_load %arg10[%swap3A_1169, %swap3A_1170] {strides = array<i32>} : memref<64x128xf32, #tpu.memory_space<vmem>>, vector<16xf32>,
    tpu.vector_store %arg10[%swap3A_1169, %swap3A_1170], %broadcast_in_dim3A_24 {strides = array<i32>} : memref<64x128xf32, #tpu.memory_space<vmem>>, vector<16xf32>,
    %swap3A_1172 = arith.constant 35 : i32
    %swap3A_1173 = arith.index_cast %swap3A_1172 : i32 to index
    %swap3A_1174 = arith.constant 112 : index
    %swap3A_1175 = tpu.vector_load %arg10[%swap3A_1173, %swap3A_1174] {strides = array<i32>} : memref<64x128xf32, #tpu.memory_space<vmem>>, vector<16xf32>,
    tpu.vector_store %arg10[%swap3A_1173, %swap3A_1174], %broadcast_in_dim3A_24 {strides = array<i32>} : memref<64x128xf32, #tpu.memory_space<vmem>>, vector<16xf32>,
    %swap3A_1176 = arith.constant 36 : i32
    %swap3A_1177 = arith.index_cast %swap3A_1176 : i32 to index
    %swap3A_1178 = arith.constant 0 : index
    %swap3A_1179 = tpu.vector_load %arg10[%swap3A_1177, %swap3A_1178] {strides = array<i32>} : memref<64x128xf32, #tpu.memory_space<vmem>>, vector<16xf32>,
    tpu.vector_store %arg10[%swap3A_1177, %swap3A_1178], %broadcast_in_dim3A_24 {strides = array<i32>} : memref<64x128xf32, #tpu.memory_space<vmem>>, vector<16xf32>,
    %swap3A_1180 = arith.constant 36 : i32
    %swap3A_1181 = arith.index_cast %swap3A_1180 : i32 to index
    %swap3A_1182 = arith.constant 16 : index
    %swap3A_1183 = tpu.vector_load %arg10[%swap3A_1181, %swap3A_1182] {strides = array<i32>} : memref<64x128xf32, #tpu.memory_space<vmem>>, vector<16xf32>,
    tpu.vector_store %arg10[%swap3A_1181, %swap3A_1182], %broadcast_in_dim3A_24 {strides = array<i32>} : memref<64x128xf32, #tpu.memory_space<vmem>>, vector<16xf32>,
    %swap3A_1184 = arith.constant 36 : i32
    %swap3A_1185 = arith.index_cast %swap3A_1184 : i32 to index
    %swap3A_1186 = arith.constant 32 : index
    %swap3A_1187 = tpu.vector_load %arg10[%swap3A_1185, %swap3A_1186] {strides = array<i32>} : memref<64x128xf32, #tpu.memory_space<vmem>>, vector<16xf32>,
    tpu.vector_store %arg10[%swap3A_1185, %swap3A_1186], %broadcast_in_dim3A_24 {strides = array<i32>} : memref<64x128xf32, #tpu.memory_space<vmem>>, vector<16xf32>,
    %swap3A_1188 = arith.constant 36 : i32
    %swap3A_1189 = arith.index_cast %swap3A_1188 : i32 to index
    %swap3A_1190 = arith.constant 48 : index
    %swap3A_1191 = tpu.vector_load %arg10[%swap3A_1189, %swap3A_1190] {strides = array<i32>} : memref<64x128xf32, #tpu.memory_space<vmem>>, vector<16xf32>,
    tpu.vector_store %arg10[%swap3A_1189, %swap3A_1190], %broadcast_in_dim3A_24 {strides = array<i32>} : memref<64x128xf32, #tpu.memory_space<vmem>>, vector<16xf32>,
    %swap3A_1192 = arith.constant 36 : i32
    %swap3A_1193 = arith.index_cast %swap3A_1192 : i32 to index
    %swap3A_1194 = arith.constant 64 : index
    %swap3A_1195 = tpu.vector_load %arg10[%swap3A_1193, %swap3A_1194] {strides = array<i32>} : memref<64x128xf32, #tpu.memory_space<vmem>>, vector<16xf32>,
    tpu.vector_store %arg10[%swap3A_1193, %swap3A_1194], %broadcast_in_dim3A_24 {strides = array<i32>} : memref<64x128xf32, #tpu.memory_space<vmem>>, vector<16xf32>,
    %swap3A_1196 = arith.constant 36 : i32
    %swap3A_1197 = arith.index_cast %swap3A_1196 : i32 to index
    %swap3A_1198 = arith.constant 80 : index
    %swap3A_1199 = tpu.vector_load %arg10[%swap3A_1197, %swap3A_1198] {strides = array<i32>} : memref<64x128xf32, #tpu.memory_space<vmem>>, vector<16xf32>,
    tpu.vector_store %arg10[%swap3A_1197, %swap3A_1198], %broadcast_in_dim3A_24 {strides = array<i32>} : memref<64x128xf32, #tpu.memory_space<vmem>>, vector<16xf32>,
    %swap3A_1200 = arith.constant 36 : i32
    %swap3A_1201 = arith.index_cast %swap3A_1200 : i32 to index
    %swap3A_1202 = arith.constant 96 : index
    %swap3A_1203 = tpu.vector_load %arg10[%swap3A_1201, %swap3A_1202] {strides = array<i32>} : memref<64x128xf32, #tpu.memory_space<vmem>>, vector<16xf32>,
    tpu.vector_store %arg10[%swap3A_1201, %swap3A_1202], %broadcast_in_dim3A_24 {strides = array<i32>} : memref<64x128xf32, #tpu.memory_space<vmem>>, vector<16xf32>,
    %swap3A_1204 = arith.constant 36 : i32
    %swap3A_1205 = arith.index_cast %swap3A_1204 : i32 to index
    %swap3A_1206 = arith.constant 112 : index
    %swap3A_1207 = tpu.vector_load %arg10[%swap3A_1205, %swap3A_1206] {strides = array<i32>} : memref<64x128xf32, #tpu.memory_space<vmem>>, vector<16xf32>,
    tpu.vector_store %arg10[%swap3A_1205, %swap3A_1206], %broadcast_in_dim3A_24 {strides = array<i32>} : memref<64x128xf32, #tpu.memory_space<vmem>>, vector<16xf32>,
    %swap3A_1208 = arith.constant 37 : i32
    %swap3A_1209 = arith.index_cast %swap3A_1208 : i32 to index
    %swap3A_1210 = arith.constant 0 : index
    %swap3A_1211 = tpu.vector_load %arg10[%swap3A_1209, %swap3A_1210] {strides = array<i32>} : memref<64x128xf32, #tpu.memory_space<vmem>>, vector<16xf32>,
    tpu.vector_store %arg10[%swap3A_1209, %swap3A_1210], %broadcast_in_dim3A_24 {strides = array<i32>} : memref<64x128xf32, #tpu.memory_space<vmem>>, vector<16xf32>,
    %swap3A_1212 = arith.constant 37 : i32
    %swap3A_1213 = arith.index_cast %swap3A_1212 : i32 to index
    %swap3A_1214 = arith.constant 16 : index
    %swap3A_1215 = tpu.vector_load %arg10[%swap3A_1213, %swap3A_1214] {strides = array<i32>} : memref<64x128xf32, #tpu.memory_space<vmem>>, vector<16xf32>,
    tpu.vector_store %arg10[%swap3A_1213, %swap3A_1214], %broadcast_in_dim3A_24 {strides = array<i32>} : memref<64x128xf32, #tpu.memory_space<vmem>>, vector<16xf32>,
    %swap3A_1216 = arith.constant 37 : i32
    %swap3A_1217 = arith.index_cast %swap3A_1216 : i32 to index
    %swap3A_1218 = arith.constant 32 : index
    %swap3A_1219 = tpu.vector_load %arg10[%swap3A_1217, %swap3A_1218] {strides = array<i32>} : memref<64x128xf32, #tpu.memory_space<vmem>>, vector<16xf32>,
    tpu.vector_store %arg10[%swap3A_1217, %swap3A_1218], %broadcast_in_dim3A_24 {strides = array<i32>} : memref<64x128xf32, #tpu.memory_space<vmem>>, vector<16xf32>,
    %swap3A_1220 = arith.constant 37 : i32
    %swap3A_1221 = arith.index_cast %swap3A_1220 : i32 to index
    %swap3A_1222 = arith.constant 48 : index
    %swap3A_1223 = tpu.vector_load %arg10[%swap3A_1221, %swap3A_1222] {strides = array<i32>} : memref<64x128xf32, #tpu.memory_space<vmem>>, vector<16xf32>,
    tpu.vector_store %arg10[%swap3A_1221, %swap3A_1222], %broadcast_in_dim3A_24 {strides = array<i32>} : memref<64x128xf32, #tpu.memory_space<vmem>>, vector<16xf32>,
    %swap3A_1224 = arith.constant 37 : i32
    %swap3A_1225 = arith.index_cast %swap3A_1224 : i32 to index
    %swap3A_1226 = arith.constant 64 : index
    %swap3A_1227 = tpu.vector_load %arg10[%swap3A_1225, %swap3A_1226] {strides = array<i32>} : memref<64x128xf32, #tpu.memory_space<vmem>>, vector<16xf32>,
    tpu.vector_store %arg10[%swap3A_1225, %swap3A_1226], %broadcast_in_dim3A_24 {strides = array<i32>} : memref<64x128xf32, #tpu.memory_space<vmem>>, vector<16xf32>,
    %swap3A_1228 = arith.constant 37 : i32
    %swap3A_1229 = arith.index_cast %swap3A_1228 : i32 to index
    %swap3A_1230 = arith.constant 80 : index
    %swap3A_1231 = tpu.vector_load %arg10[%swap3A_1229, %swap3A_1230] {strides = array<i32>} : memref<64x128xf32, #tpu.memory_space<vmem>>, vector<16xf32>,
    tpu.vector_store %arg10[%swap3A_1229, %swap3A_1230], %broadcast_in_dim3A_24 {strides = array<i32>} : memref<64x128xf32, #tpu.memory_space<vmem>>, vector<16xf32>,
    %swap3A_1232 = arith.constant 37 : i32
    %swap3A_1233 = arith.index_cast %swap3A_1232 : i32 to index
    %swap3A_1234 = arith.constant 96 : index
    %swap3A_1235 = tpu.vector_load %arg10[%swap3A_1233, %swap3A_1234] {strides = array<i32>} : memref<64x128xf32, #tpu.memory_space<vmem>>, vector<16xf32>,
    tpu.vector_store %arg10[%swap3A_1233, %swap3A_1234], %broadcast_in_dim3A_24 {strides = array<i32>} : memref<64x128xf32, #tpu.memory_space<vmem>>, vector<16xf32>,
    %swap3A_1236 = arith.constant 37 : i32
    %swap3A_1237 = arith.index_cast %swap3A_1236 : i32 to index
    %swap3A_1238 = arith.constant 112 : index
    %swap3A_1239 = tpu.vector_load %arg10[%swap3A_1237, %swap3A_1238] {strides = array<i32>} : memref<64x128xf32, #tpu.memory_space<vmem>>, vector<16xf32>,
    tpu.vector_store %arg10[%swap3A_1237, %swap3A_1238], %broadcast_in_dim3A_24 {strides = array<i32>} : memref<64x128xf32, #tpu.memory_space<vmem>>, vector<16xf32>,
    %swap3A_1240 = arith.constant 38 : i32
    %swap3A_1241 = arith.index_cast %swap3A_1240 : i32 to index
    %swap3A_1242 = arith.constant 0 : index
    %swap3A_1243 = tpu.vector_load %arg10[%swap3A_1241, %swap3A_1242] {strides = array<i32>} : memref<64x128xf32, #tpu.memory_space<vmem>>, vector<16xf32>,
    tpu.vector_store %arg10[%swap3A_1241, %swap3A_1242], %broadcast_in_dim3A_24 {strides = array<i32>} : memref<64x128xf32, #tpu.memory_space<vmem>>, vector<16xf32>,
    %swap3A_1244 = arith.constant 38 : i32
    %swap3A_1245 = arith.index_cast %swap3A_1244 : i32 to index
    %swap3A_1246 = arith.constant 16 : index
    %swap3A_1247 = tpu.vector_load %arg10[%swap3A_1245, %swap3A_1246] {strides = array<i32>} : memref<64x128xf32, #tpu.memory_space<vmem>>, vector<16xf32>,
    tpu.vector_store %arg10[%swap3A_1245, %swap3A_1246], %broadcast_in_dim3A_24 {strides = array<i32>} : memref<64x128xf32, #tpu.memory_space<vmem>>, vector<16xf32>,
    %swap3A_1248 = arith.constant 38 : i32
    %swap3A_1249 = arith.index_cast %swap3A_1248 : i32 to index
    %swap3A_1250 = arith.constant 32 : index
    %swap3A_1251 = tpu.vector_load %arg10[%swap3A_1249, %swap3A_1250] {strides = array<i32>} : memref<64x128xf32, #tpu.memory_space<vmem>>, vector<16xf32>,
    tpu.vector_store %arg10[%swap3A_1249, %swap3A_1250], %broadcast_in_dim3A_24 {strides = array<i32>} : memref<64x128xf32, #tpu.memory_space<vmem>>, vector<16xf32>,
    %swap3A_1252 = arith.constant 38 : i32
    %swap3A_1253 = arith.index_cast %swap3A_1252 : i32 to index
    %swap3A_1254 = arith.constant 48 : index
    %swap3A_1255 = tpu.vector_load %arg10[%swap3A_1253, %swap3A_1254] {strides = array<i32>} : memref<64x128xf32, #tpu.memory_space<vmem>>, vector<16xf32>,
    tpu.vector_store %arg10[%swap3A_1253, %swap3A_1254], %broadcast_in_dim3A_24 {strides = array<i32>} : memref<64x128xf32, #tpu.memory_space<vmem>>, vector<16xf32>,
    %swap3A_1256 = arith.constant 38 : i32
    %swap3A_1257 = arith.index_cast %swap3A_1256 : i32 to index
    %swap3A_1258 = arith.constant 64 : index
    %swap3A_1259 = tpu.vector_load %arg10[%swap3A_1257, %swap3A_1258] {strides = array<i32>} : memref<64x128xf32, #tpu.memory_space<vmem>>, vector<16xf32>,
    tpu.vector_store %arg10[%swap3A_1257, %swap3A_1258], %broadcast_in_dim3A_24 {strides = array<i32>} : memref<64x128xf32, #tpu.memory_space<vmem>>, vector<16xf32>,
    %swap3A_1260 = arith.constant 38 : i32
    %swap3A_1261 = arith.index_cast %swap3A_1260 : i32 to index
    %swap3A_1262 = arith.constant 80 : index
    %swap3A_1263 = tpu.vector_load %arg10[%swap3A_1261, %swap3A_1262] {strides = array<i32>} : memref<64x128xf32, #tpu.memory_space<vmem>>, vector<16xf32>,
    tpu.vector_store %arg10[%swap3A_1261, %swap3A_1262], %broadcast_in_dim3A_24 {strides = array<i32>} : memref<64x128xf32, #tpu.memory_space<vmem>>, vector<16xf32>,
    %swap3A_1264 = arith.constant 38 : i32
    %swap3A_1265 = arith.index_cast %swap3A_1264 : i32 to index
    %swap3A_1266 = arith.constant 96 : index
    %swap3A_1267 = tpu.vector_load %arg10[%swap3A_1265, %swap3A_1266] {strides = array<i32>} : memref<64x128xf32, #tpu.memory_space<vmem>>, vector<16xf32>,
    tpu.vector_store %arg10[%swap3A_1265, %swap3A_1266], %broadcast_in_dim3A_24 {strides = array<i32>} : memref<64x128xf32, #tpu.memory_space<vmem>>, vector<16xf32>,
    %swap3A_1268 = arith.constant 38 : i32
    %swap3A_1269 = arith.index_cast %swap3A_1268 : i32 to index
    %swap3A_1270 = arith.constant 112 : index
    %swap3A_1271 = tpu.vector_load %arg10[%swap3A_1269, %swap3A_1270] {strides = array<i32>} : memref<64x128xf32, #tpu.memory_space<vmem>>, vector<16xf32>,
    tpu.vector_store %arg10[%swap3A_1269, %swap3A_1270], %broadcast_in_dim3A_24 {strides = array<i32>} : memref<64x128xf32, #tpu.memory_space<vmem>>, vector<16xf32>,
    %swap3A_1272 = arith.constant 39 : i32
    %swap3A_1273 = arith.index_cast %swap3A_1272 : i32 to index
    %swap3A_1274 = arith.constant 0 : index
    %swap3A_1275 = tpu.vector_load %arg10[%swap3A_1273, %swap3A_1274] {strides = array<i32>} : memref<64x128xf32, #tpu.memory_space<vmem>>, vector<16xf32>,
    tpu.vector_store %arg10[%swap3A_1273, %swap3A_1274], %broadcast_in_dim3A_24 {strides = array<i32>} : memref<64x128xf32, #tpu.memory_space<vmem>>, vector<16xf32>,
    %swap3A_1276 = arith.constant 39 : i32
    %swap3A_1277 = arith.index_cast %swap3A_1276 : i32 to index
    %swap3A_1278 = arith.constant 16 : index
    %swap3A_1279 = tpu.vector_load %arg10[%swap3A_1277, %swap3A_1278] {strides = array<i32>} : memref<64x128xf32, #tpu.memory_space<vmem>>, vector<16xf32>,
    tpu.vector_store %arg10[%swap3A_1277, %swap3A_1278], %broadcast_in_dim3A_24 {strides = array<i32>} : memref<64x128xf32, #tpu.memory_space<vmem>>, vector<16xf32>,
    %swap3A_1280 = arith.constant 39 : i32
    %swap3A_1281 = arith.index_cast %swap3A_1280 : i32 to index
    %swap3A_1282 = arith.constant 32 : index
    %swap3A_1283 = tpu.vector_load %arg10[%swap3A_1281, %swap3A_1282] {strides = array<i32>} : memref<64x128xf32, #tpu.memory_space<vmem>>, vector<16xf32>,
    tpu.vector_store %arg10[%swap3A_1281, %swap3A_1282], %broadcast_in_dim3A_24 {strides = array<i32>} : memref<64x128xf32, #tpu.memory_space<vmem>>, vector<16xf32>,
    %swap3A_1284 = arith.constant 39 : i32
    %swap3A_1285 = arith.index_cast %swap3A_1284 : i32 to index
    %swap3A_1286 = arith.constant 48 : index
    %swap3A_1287 = tpu.vector_load %arg10[%swap3A_1285, %swap3A_1286] {strides = array<i32>} : memref<64x128xf32, #tpu.memory_space<vmem>>, vector<16xf32>,
    tpu.vector_store %arg10[%swap3A_1285, %swap3A_1286], %broadcast_in_dim3A_24 {strides = array<i32>} : memref<64x128xf32, #tpu.memory_space<vmem>>, vector<16xf32>,
    %swap3A_1288 = arith.constant 39 : i32
    %swap3A_1289 = arith.index_cast %swap3A_1288 : i32 to index
    %swap3A_1290 = arith.constant 64 : index
    %swap3A_1291 = tpu.vector_load %arg10[%swap3A_1289, %swap3A_1290] {strides = array<i32>} : memref<64x128xf32, #tpu.memory_space<vmem>>, vector<16xf32>,
    tpu.vector_store %arg10[%swap3A_1289, %swap3A_1290], %broadcast_in_dim3A_24 {strides = array<i32>} : memref<64x128xf32, #tpu.memory_space<vmem>>, vector<16xf32>,
    %swap3A_1292 = arith.constant 39 : i32
    %swap3A_1293 = arith.index_cast %swap3A_1292 : i32 to index
    %swap3A_1294 = arith.constant 80 : index
    %swap3A_1295 = tpu.vector_load %arg10[%swap3A_1293, %swap3A_1294] {strides = array<i32>} : memref<64x128xf32, #tpu.memory_space<vmem>>, vector<16xf32>,
    tpu.vector_store %arg10[%swap3A_1293, %swap3A_1294], %broadcast_in_dim3A_24 {strides = array<i32>} : memref<64x128xf32, #tpu.memory_space<vmem>>, vector<16xf32>,
    %swap3A_1296 = arith.constant 39 : i32
    %swap3A_1297 = arith.index_cast %swap3A_1296 : i32 to index
    %swap3A_1298 = arith.constant 96 : index
    %swap3A_1299 = tpu.vector_load %arg10[%swap3A_1297, %swap3A_1298] {strides = array<i32>} : memref<64x128xf32, #tpu.memory_space<vmem>>, vector<16xf32>,
    tpu.vector_store %arg10[%swap3A_1297, %swap3A_1298], %broadcast_in_dim3A_24 {strides = array<i32>} : memref<64x128xf32, #tpu.memory_space<vmem>>, vector<16xf32>,
    %swap3A_1300 = arith.constant 39 : i32
    %swap3A_1301 = arith.index_cast %swap3A_1300 : i32 to index
    %swap3A_1302 = arith.constant 112 : index
    %swap3A_1303 = tpu.vector_load %arg10[%swap3A_1301, %swap3A_1302] {strides = array<i32>} : memref<64x128xf32, #tpu.memory_space<vmem>>, vector<16xf32>,
    tpu.vector_store %arg10[%swap3A_1301, %swap3A_1302], %broadcast_in_dim3A_24 {strides = array<i32>} : memref<64x128xf32, #tpu.memory_space<vmem>>, vector<16xf32>,
    %swap3A_1304 = arith.constant 40 : i32
    %swap3A_1305 = arith.index_cast %swap3A_1304 : i32 to index
    %swap3A_1306 = arith.constant 0 : index
    %swap3A_1307 = tpu.vector_load %arg10[%swap3A_1305, %swap3A_1306] {strides = array<i32>} : memref<64x128xf32, #tpu.memory_space<vmem>>, vector<16xf32>,
    tpu.vector_store %arg10[%swap3A_1305, %swap3A_1306], %broadcast_in_dim3A_24 {strides = array<i32>} : memref<64x128xf32, #tpu.memory_space<vmem>>, vector<16xf32>,
    %swap3A_1308 = arith.constant 40 : i32
    %swap3A_1309 = arith.index_cast %swap3A_1308 : i32 to index
    %swap3A_1310 = arith.constant 16 : index
    %swap3A_1311 = tpu.vector_load %arg10[%swap3A_1309, %swap3A_1310] {strides = array<i32>} : memref<64x128xf32, #tpu.memory_space<vmem>>, vector<16xf32>,
    tpu.vector_store %arg10[%swap3A_1309, %swap3A_1310], %broadcast_in_dim3A_24 {strides = array<i32>} : memref<64x128xf32, #tpu.memory_space<vmem>>, vector<16xf32>,
    %swap3A_1312 = arith.constant 40 : i32
    %swap3A_1313 = arith.index_cast %swap3A_1312 : i32 to index
    %swap3A_1314 = arith.constant 32 : index
    %swap3A_1315 = tpu.vector_load %arg10[%swap3A_1313, %swap3A_1314] {strides = array<i32>} : memref<64x128xf32, #tpu.memory_space<vmem>>, vector<16xf32>,
    tpu.vector_store %arg10[%swap3A_1313, %swap3A_1314], %broadcast_in_dim3A_24 {strides = array<i32>} : memref<64x128xf32, #tpu.memory_space<vmem>>, vector<16xf32>,
    %swap3A_1316 = arith.constant 40 : i32
    %swap3A_1317 = arith.index_cast %swap3A_1316 : i32 to index
    %swap3A_1318 = arith.constant 48 : index
    %swap3A_1319 = tpu.vector_load %arg10[%swap3A_1317, %swap3A_1318] {strides = array<i32>} : memref<64x128xf32, #tpu.memory_space<vmem>>, vector<16xf32>,
    tpu.vector_store %arg10[%swap3A_1317, %swap3A_1318], %broadcast_in_dim3A_24 {strides = array<i32>} : memref<64x128xf32, #tpu.memory_space<vmem>>, vector<16xf32>,
    %swap3A_1320 = arith.constant 40 : i32
    %swap3A_1321 = arith.index_cast %swap3A_1320 : i32 to index
    %swap3A_1322 = arith.constant 64 : index
    %swap3A_1323 = tpu.vector_load %arg10[%swap3A_1321, %swap3A_1322] {strides = array<i32>} : memref<64x128xf32, #tpu.memory_space<vmem>>, vector<16xf32>,
    tpu.vector_store %arg10[%swap3A_1321, %swap3A_1322], %broadcast_in_dim3A_24 {strides = array<i32>} : memref<64x128xf32, #tpu.memory_space<vmem>>, vector<16xf32>,
    %swap3A_1324 = arith.constant 40 : i32
    %swap3A_1325 = arith.index_cast %swap3A_1324 : i32 to index
    %swap3A_1326 = arith.constant 80 : index
    %swap3A_1327 = tpu.vector_load %arg10[%swap3A_1325, %swap3A_1326] {strides = array<i32>} : memref<64x128xf32, #tpu.memory_space<vmem>>, vector<16xf32>,
    tpu.vector_store %arg10[%swap3A_1325, %swap3A_1326], %broadcast_in_dim3A_24 {strides = array<i32>} : memref<64x128xf32, #tpu.memory_space<vmem>>, vector<16xf32>,
    %swap3A_1328 = arith.constant 40 : i32
    %swap3A_1329 = arith.index_cast %swap3A_1328 : i32 to index
    %swap3A_1330 = arith.constant 96 : index
    %swap3A_1331 = tpu.vector_load %arg10[%swap3A_1329, %swap3A_1330] {strides = array<i32>} : memref<64x128xf32, #tpu.memory_space<vmem>>, vector<16xf32>,
    tpu.vector_store %arg10[%swap3A_1329, %swap3A_1330], %broadcast_in_dim3A_24 {strides = array<i32>} : memref<64x128xf32, #tpu.memory_space<vmem>>, vector<16xf32>,
    %swap3A_1332 = arith.constant 40 : i32
    %swap3A_1333 = arith.index_cast %swap3A_1332 : i32 to index
    %swap3A_1334 = arith.constant 112 : index
    %swap3A_1335 = tpu.vector_load %arg10[%swap3A_1333, %swap3A_1334] {strides = array<i32>} : memref<64x128xf32, #tpu.memory_space<vmem>>, vector<16xf32>,
    tpu.vector_store %arg10[%swap3A_1333, %swap3A_1334], %broadcast_in_dim3A_24 {strides = array<i32>} : memref<64x128xf32, #tpu.memory_space<vmem>>, vector<16xf32>,
    %swap3A_1336 = arith.constant 41 : i32
    %swap3A_1337 = arith.index_cast %swap3A_1336 : i32 to index
    %swap3A_1338 = arith.constant 0 : index
    %swap3A_1339 = tpu.vector_load %arg10[%swap3A_1337, %swap3A_1338] {strides = array<i32>} : memref<64x128xf32, #tpu.memory_space<vmem>>, vector<16xf32>,
    tpu.vector_store %arg10[%swap3A_1337, %swap3A_1338], %broadcast_in_dim3A_24 {strides = array<i32>} : memref<64x128xf32, #tpu.memory_space<vmem>>, vector<16xf32>,
    %swap3A_1340 = arith.constant 41 : i32
    %swap3A_1341 = arith.index_cast %swap3A_1340 : i32 to index
    %swap3A_1342 = arith.constant 16 : index
    %swap3A_1343 = tpu.vector_load %arg10[%swap3A_1341, %swap3A_1342] {strides = array<i32>} : memref<64x128xf32, #tpu.memory_space<vmem>>, vector<16xf32>,
    tpu.vector_store %arg10[%swap3A_1341, %swap3A_1342], %broadcast_in_dim3A_24 {strides = array<i32>} : memref<64x128xf32, #tpu.memory_space<vmem>>, vector<16xf32>,
    %swap3A_1344 = arith.constant 41 : i32
    %swap3A_1345 = arith.index_cast %swap3A_1344 : i32 to index
    %swap3A_1346 = arith.constant 32 : index
    %swap3A_1347 = tpu.vector_load %arg10[%swap3A_1345, %swap3A_1346] {strides = array<i32>} : memref<64x128xf32, #tpu.memory_space<vmem>>, vector<16xf32>,
    tpu.vector_store %arg10[%swap3A_1345, %swap3A_1346], %broadcast_in_dim3A_24 {strides = array<i32>} : memref<64x128xf32, #tpu.memory_space<vmem>>, vector<16xf32>,
    %swap3A_1348 = arith.constant 41 : i32
    %swap3A_1349 = arith.index_cast %swap3A_1348 : i32 to index
    %swap3A_1350 = arith.constant 48 : index
    %swap3A_1351 = tpu.vector_load %arg10[%swap3A_1349, %swap3A_1350] {strides = array<i32>} : memref<64x128xf32, #tpu.memory_space<vmem>>, vector<16xf32>,
    tpu.vector_store %arg10[%swap3A_1349, %swap3A_1350], %broadcast_in_dim3A_24 {strides = array<i32>} : memref<64x128xf32, #tpu.memory_space<vmem>>, vector<16xf32>,
    %swap3A_1352 = arith.constant 41 : i32
    %swap3A_1353 = arith.index_cast %swap3A_1352 : i32 to index
    %swap3A_1354 = arith.constant 64 : index
    %swap3A_1355 = tpu.vector_load %arg10[%swap3A_1353, %swap3A_1354] {strides = array<i32>} : memref<64x128xf32, #tpu.memory_space<vmem>>, vector<16xf32>,
    tpu.vector_store %arg10[%swap3A_1353, %swap3A_1354], %broadcast_in_dim3A_24 {strides = array<i32>} : memref<64x128xf32, #tpu.memory_space<vmem>>, vector<16xf32>,
    %swap3A_1356 = arith.constant 41 : i32
    %swap3A_1357 = arith.index_cast %swap3A_1356 : i32 to index
    %swap3A_1358 = arith.constant 80 : index
    %swap3A_1359 = tpu.vector_load %arg10[%swap3A_1357, %swap3A_1358] {strides = array<i32>} : memref<64x128xf32, #tpu.memory_space<vmem>>, vector<16xf32>,
    tpu.vector_store %arg10[%swap3A_1357, %swap3A_1358], %broadcast_in_dim3A_24 {strides = array<i32>} : memref<64x128xf32, #tpu.memory_space<vmem>>, vector<16xf32>,
    %swap3A_1360 = arith.constant 41 : i32
    %swap3A_1361 = arith.index_cast %swap3A_1360 : i32 to index
    %swap3A_1362 = arith.constant 96 : index
    %swap3A_1363 = tpu.vector_load %arg10[%swap3A_1361, %swap3A_1362] {strides = array<i32>} : memref<64x128xf32, #tpu.memory_space<vmem>>, vector<16xf32>,
    tpu.vector_store %arg10[%swap3A_1361, %swap3A_1362], %broadcast_in_dim3A_24 {strides = array<i32>} : memref<64x128xf32, #tpu.memory_space<vmem>>, vector<16xf32>,
    %swap3A_1364 = arith.constant 41 : i32
    %swap3A_1365 = arith.index_cast %swap3A_1364 : i32 to index
    %swap3A_1366 = arith.constant 112 : index
    %swap3A_1367 = tpu.vector_load %arg10[%swap3A_1365, %swap3A_1366] {strides = array<i32>} : memref<64x128xf32, #tpu.memory_space<vmem>>, vector<16xf32>,
    tpu.vector_store %arg10[%swap3A_1365, %swap3A_1366], %broadcast_in_dim3A_24 {strides = array<i32>} : memref<64x128xf32, #tpu.memory_space<vmem>>, vector<16xf32>,
    %swap3A_1368 = arith.constant 42 : i32
    %swap3A_1369 = arith.index_cast %swap3A_1368 : i32 to index
    %swap3A_1370 = arith.constant 0 : index
    %swap3A_1371 = tpu.vector_load %arg10[%swap3A_1369, %swap3A_1370] {strides = array<i32>} : memref<64x128xf32, #tpu.memory_space<vmem>>, vector<16xf32>,
    tpu.vector_store %arg10[%swap3A_1369, %swap3A_1370], %broadcast_in_dim3A_24 {strides = array<i32>} : memref<64x128xf32, #tpu.memory_space<vmem>>, vector<16xf32>,
    %swap3A_1372 = arith.constant 42 : i32
    %swap3A_1373 = arith.index_cast %swap3A_1372 : i32 to index
    %swap3A_1374 = arith.constant 16 : index
    %swap3A_1375 = tpu.vector_load %arg10[%swap3A_1373, %swap3A_1374] {strides = array<i32>} : memref<64x128xf32, #tpu.memory_space<vmem>>, vector<16xf32>,
    tpu.vector_store %arg10[%swap3A_1373, %swap3A_1374], %broadcast_in_dim3A_24 {strides = array<i32>} : memref<64x128xf32, #tpu.memory_space<vmem>>, vector<16xf32>,
    %swap3A_1376 = arith.constant 42 : i32
    %swap3A_1377 = arith.index_cast %swap3A_1376 : i32 to index
    %swap3A_1378 = arith.constant 32 : index
    %swap3A_1379 = tpu.vector_load %arg10[%swap3A_1377, %swap3A_1378] {strides = array<i32>} : memref<64x128xf32, #tpu.memory_space<vmem>>, vector<16xf32>,
    tpu.vector_store %arg10[%swap3A_1377, %swap3A_1378], %broadcast_in_dim3A_24 {strides = array<i32>} : memref<64x128xf32, #tpu.memory_space<vmem>>, vector<16xf32>,
    %swap3A_1380 = arith.constant 42 : i32
    %swap3A_1381 = arith.index_cast %swap3A_1380 : i32 to index
    %swap3A_1382 = arith.constant 48 : index
    %swap3A_1383 = tpu.vector_load %arg10[%swap3A_1381, %swap3A_1382] {strides = array<i32>} : memref<64x128xf32, #tpu.memory_space<vmem>>, vector<16xf32>,
    tpu.vector_store %arg10[%swap3A_1381, %swap3A_1382], %broadcast_in_dim3A_24 {strides = array<i32>} : memref<64x128xf32, #tpu.memory_space<vmem>>, vector<16xf32>,
    %swap3A_1384 = arith.constant 42 : i32
    %swap3A_1385 = arith.index_cast %swap3A_1384 : i32 to index
    %swap3A_1386 = arith.constant 64 : index
    %swap3A_1387 = tpu.vector_load %arg10[%swap3A_1385, %swap3A_1386] {strides = array<i32>} : memref<64x128xf32, #tpu.memory_space<vmem>>, vector<16xf32>,
    tpu.vector_store %arg10[%swap3A_1385, %swap3A_1386], %broadcast_in_dim3A_24 {strides = array<i32>} : memref<64x128xf32, #tpu.memory_space<vmem>>, vector<16xf32>,
    %swap3A_1388 = arith.constant 42 : i32
    %swap3A_1389 = arith.index_cast %swap3A_1388 : i32 to index
    %swap3A_1390 = arith.constant 80 : index
    %swap3A_1391 = tpu.vector_load %arg10[%swap3A_1389, %swap3A_1390] {strides = array<i32>} : memref<64x128xf32, #tpu.memory_space<vmem>>, vector<16xf32>,
    tpu.vector_store %arg10[%swap3A_1389, %swap3A_1390], %broadcast_in_dim3A_24 {strides = array<i32>} : memref<64x128xf32, #tpu.memory_space<vmem>>, vector<16xf32>,
    %swap3A_1392 = arith.constant 42 : i32
    %swap3A_1393 = arith.index_cast %swap3A_1392 : i32 to index
    %swap3A_1394 = arith.constant 96 : index
    %swap3A_1395 = tpu.vector_load %arg10[%swap3A_1393, %swap3A_1394] {strides = array<i32>} : memref<64x128xf32, #tpu.memory_space<vmem>>, vector<16xf32>,
    tpu.vector_store %arg10[%swap3A_1393, %swap3A_1394], %broadcast_in_dim3A_24 {strides = array<i32>} : memref<64x128xf32, #tpu.memory_space<vmem>>, vector<16xf32>,
    %swap3A_1396 = arith.constant 42 : i32
    %swap3A_1397 = arith.index_cast %swap3A_1396 : i32 to index
    %swap3A_1398 = arith.constant 112 : index
    %swap3A_1399 = tpu.vector_load %arg10[%swap3A_1397, %swap3A_1398] {strides = array<i32>} : memref<64x128xf32, #tpu.memory_space<vmem>>, vector<16xf32>,
    tpu.vector_store %arg10[%swap3A_1397, %swap3A_1398], %broadcast_in_dim3A_24 {strides = array<i32>} : memref<64x128xf32, #tpu.memory_space<vmem>>, vector<16xf32>,
    %swap3A_1400 = arith.constant 43 : i32
    %swap3A_1401 = arith.index_cast %swap3A_1400 : i32 to index
    %swap3A_1402 = arith.constant 0 : index
    %swap3A_1403 = tpu.vector_load %arg10[%swap3A_1401, %swap3A_1402] {strides = array<i32>} : memref<64x128xf32, #tpu.memory_space<vmem>>, vector<16xf32>,
    tpu.vector_store %arg10[%swap3A_1401, %swap3A_1402], %broadcast_in_dim3A_24 {strides = array<i32>} : memref<64x128xf32, #tpu.memory_space<vmem>>, vector<16xf32>,
    %swap3A_1404 = arith.constant 43 : i32
    %swap3A_1405 = arith.index_cast %swap3A_1404 : i32 to index
    %swap3A_1406 = arith.constant 16 : index
    %swap3A_1407 = tpu.vector_load %arg10[%swap3A_1405, %swap3A_1406] {strides = array<i32>} : memref<64x128xf32, #tpu.memory_space<vmem>>, vector<16xf32>,
    tpu.vector_store %arg10[%swap3A_1405, %swap3A_1406], %broadcast_in_dim3A_24 {strides = array<i32>} : memref<64x128xf32, #tpu.memory_space<vmem>>, vector<16xf32>,
    %swap3A_1408 = arith.constant 43 : i32
    %swap3A_1409 = arith.index_cast %swap3A_1408 : i32 to index
    %swap3A_1410 = arith.constant 32 : index
    %swap3A_1411 = tpu.vector_load %arg10[%swap3A_1409, %swap3A_1410] {strides = array<i32>} : memref<64x128xf32, #tpu.memory_space<vmem>>, vector<16xf32>,
    tpu.vector_store %arg10[%swap3A_1409, %swap3A_1410], %broadcast_in_dim3A_24 {strides = array<i32>} : memref<64x128xf32, #tpu.memory_space<vmem>>, vector<16xf32>,
    %swap3A_1412 = arith.constant 43 : i32
    %swap3A_1413 = arith.index_cast %swap3A_1412 : i32 to index
    %swap3A_1414 = arith.constant 48 : index
    %swap3A_1415 = tpu.vector_load %arg10[%swap3A_1413, %swap3A_1414] {strides = array<i32>} : memref<64x128xf32, #tpu.memory_space<vmem>>, vector<16xf32>,
    tpu.vector_store %arg10[%swap3A_1413, %swap3A_1414], %broadcast_in_dim3A_24 {strides = array<i32>} : memref<64x128xf32, #tpu.memory_space<vmem>>, vector<16xf32>,
    %swap3A_1416 = arith.constant 43 : i32
    %swap3A_1417 = arith.index_cast %swap3A_1416 : i32 to index
    %swap3A_1418 = arith.constant 64 : index
    %swap3A_1419 = tpu.vector_load %arg10[%swap3A_1417, %swap3A_1418] {strides = array<i32>} : memref<64x128xf32, #tpu.memory_space<vmem>>, vector<16xf32>,
    tpu.vector_store %arg10[%swap3A_1417, %swap3A_1418], %broadcast_in_dim3A_24 {strides = array<i32>} : memref<64x128xf32, #tpu.memory_space<vmem>>, vector<16xf32>,
    %swap3A_1420 = arith.constant 43 : i32
    %swap3A_1421 = arith.index_cast %swap3A_1420 : i32 to index
    %swap3A_1422 = arith.constant 80 : index
    %swap3A_1423 = tpu.vector_load %arg10[%swap3A_1421, %swap3A_1422] {strides = array<i32>} : memref<64x128xf32, #tpu.memory_space<vmem>>, vector<16xf32>,
    tpu.vector_store %arg10[%swap3A_1421, %swap3A_1422], %broadcast_in_dim3A_24 {strides = array<i32>} : memref<64x128xf32, #tpu.memory_space<vmem>>, vector<16xf32>,
    %swap3A_1424 = arith.constant 43 : i32
    %swap3A_1425 = arith.index_cast %swap3A_1424 : i32 to index
    %swap3A_1426 = arith.constant 96 : index
    %swap3A_1427 = tpu.vector_load %arg10[%swap3A_1425, %swap3A_1426] {strides = array<i32>} : memref<64x128xf32, #tpu.memory_space<vmem>>, vector<16xf32>,
    tpu.vector_store %arg10[%swap3A_1425, %swap3A_1426], %broadcast_in_dim3A_24 {strides = array<i32>} : memref<64x128xf32, #tpu.memory_space<vmem>>, vector<16xf32>,
    %swap3A_1428 = arith.constant 43 : i32
    %swap3A_1429 = arith.index_cast %swap3A_1428 : i32 to index
    %swap3A_1430 = arith.constant 112 : index
    %swap3A_1431 = tpu.vector_load %arg10[%swap3A_1429, %swap3A_1430] {strides = array<i32>} : memref<64x128xf32, #tpu.memory_space<vmem>>, vector<16xf32>,
    tpu.vector_store %arg10[%swap3A_1429, %swap3A_1430], %broadcast_in_dim3A_24 {strides = array<i32>} : memref<64x128xf32, #tpu.memory_space<vmem>>, vector<16xf32>,
    %swap3A_1432 = arith.constant 44 : i32
    %swap3A_1433 = arith.index_cast %swap3A_1432 : i32 to index
    %swap3A_1434 = arith.constant 0 : index
    %swap3A_1435 = tpu.vector_load %arg10[%swap3A_1433, %swap3A_1434] {strides = array<i32>} : memref<64x128xf32, #tpu.memory_space<vmem>>, vector<16xf32>,
    tpu.vector_store %arg10[%swap3A_1433, %swap3A_1434], %broadcast_in_dim3A_24 {strides = array<i32>} : memref<64x128xf32, #tpu.memory_space<vmem>>, vector<16xf32>,
    %swap3A_1436 = arith.constant 44 : i32
    %swap3A_1437 = arith.index_cast %swap3A_1436 : i32 to index
    %swap3A_1438 = arith.constant 16 : index
    %swap3A_1439 = tpu.vector_load %arg10[%swap3A_1437, %swap3A_1438] {strides = array<i32>} : memref<64x128xf32, #tpu.memory_space<vmem>>, vector<16xf32>,
    tpu.vector_store %arg10[%swap3A_1437, %swap3A_1438], %broadcast_in_dim3A_24 {strides = array<i32>} : memref<64x128xf32, #tpu.memory_space<vmem>>, vector<16xf32>,
    %swap3A_1440 = arith.constant 44 : i32
    %swap3A_1441 = arith.index_cast %swap3A_1440 : i32 to index
    %swap3A_1442 = arith.constant 32 : index
    %swap3A_1443 = tpu.vector_load %arg10[%swap3A_1441, %swap3A_1442] {strides = array<i32>} : memref<64x128xf32, #tpu.memory_space<vmem>>, vector<16xf32>,
    tpu.vector_store %arg10[%swap3A_1441, %swap3A_1442], %broadcast_in_dim3A_24 {strides = array<i32>} : memref<64x128xf32, #tpu.memory_space<vmem>>, vector<16xf32>,
    %swap3A_1444 = arith.constant 44 : i32
    %swap3A_1445 = arith.index_cast %swap3A_1444 : i32 to index
    %swap3A_1446 = arith.constant 48 : index
    %swap3A_1447 = tpu.vector_load %arg10[%swap3A_1445, %swap3A_1446] {strides = array<i32>} : memref<64x128xf32, #tpu.memory_space<vmem>>, vector<16xf32>,
    tpu.vector_store %arg10[%swap3A_1445, %swap3A_1446], %broadcast_in_dim3A_24 {strides = array<i32>} : memref<64x128xf32, #tpu.memory_space<vmem>>, vector<16xf32>,
    %swap3A_1448 = arith.constant 44 : i32
    %swap3A_1449 = arith.index_cast %swap3A_1448 : i32 to index
    %swap3A_1450 = arith.constant 64 : index
    %swap3A_1451 = tpu.vector_load %arg10[%swap3A_1449, %swap3A_1450] {strides = array<i32>} : memref<64x128xf32, #tpu.memory_space<vmem>>, vector<16xf32>,
    tpu.vector_store %arg10[%swap3A_1449, %swap3A_1450], %broadcast_in_dim3A_24 {strides = array<i32>} : memref<64x128xf32, #tpu.memory_space<vmem>>, vector<16xf32>,
    %swap3A_1452 = arith.constant 44 : i32
    %swap3A_1453 = arith.index_cast %swap3A_1452 : i32 to index
    %swap3A_1454 = arith.constant 80 : index
    %swap3A_1455 = tpu.vector_load %arg10[%swap3A_1453, %swap3A_1454] {strides = array<i32>} : memref<64x128xf32, #tpu.memory_space<vmem>>, vector<16xf32>,
    tpu.vector_store %arg10[%swap3A_1453, %swap3A_1454], %broadcast_in_dim3A_24 {strides = array<i32>} : memref<64x128xf32, #tpu.memory_space<vmem>>, vector<16xf32>,
    %swap3A_1456 = arith.constant 44 : i32
    %swap3A_1457 = arith.index_cast %swap3A_1456 : i32 to index
    %swap3A_1458 = arith.constant 96 : index
    %swap3A_1459 = tpu.vector_load %arg10[%swap3A_1457, %swap3A_1458] {strides = array<i32>} : memref<64x128xf32, #tpu.memory_space<vmem>>, vector<16xf32>,
    tpu.vector_store %arg10[%swap3A_1457, %swap3A_1458], %broadcast_in_dim3A_24 {strides = array<i32>} : memref<64x128xf32, #tpu.memory_space<vmem>>, vector<16xf32>,
    %swap3A_1460 = arith.constant 44 : i32
    %swap3A_1461 = arith.index_cast %swap3A_1460 : i32 to index
    %swap3A_1462 = arith.constant 112 : index
    %swap3A_1463 = tpu.vector_load %arg10[%swap3A_1461, %swap3A_1462] {strides = array<i32>} : memref<64x128xf32, #tpu.memory_space<vmem>>, vector<16xf32>,
    tpu.vector_store %arg10[%swap3A_1461, %swap3A_1462], %broadcast_in_dim3A_24 {strides = array<i32>} : memref<64x128xf32, #tpu.memory_space<vmem>>, vector<16xf32>,
    %swap3A_1464 = arith.constant 45 : i32
    %swap3A_1465 = arith.index_cast %swap3A_1464 : i32 to index
    %swap3A_1466 = arith.constant 0 : index
    %swap3A_1467 = tpu.vector_load %arg10[%swap3A_1465, %swap3A_1466] {strides = array<i32>} : memref<64x128xf32, #tpu.memory_space<vmem>>, vector<16xf32>,
    tpu.vector_store %arg10[%swap3A_1465, %swap3A_1466], %broadcast_in_dim3A_24 {strides = array<i32>} : memref<64x128xf32, #tpu.memory_space<vmem>>, vector<16xf32>,
    %swap3A_1468 = arith.constant 45 : i32
    %swap3A_1469 = arith.index_cast %swap3A_1468 : i32 to index
    %swap3A_1470 = arith.constant 16 : index
    %swap3A_1471 = tpu.vector_load %arg10[%swap3A_1469, %swap3A_1470] {strides = array<i32>} : memref<64x128xf32, #tpu.memory_space<vmem>>, vector<16xf32>,
    tpu.vector_store %arg10[%swap3A_1469, %swap3A_1470], %broadcast_in_dim3A_24 {strides = array<i32>} : memref<64x128xf32, #tpu.memory_space<vmem>>, vector<16xf32>,
    %swap3A_1472 = arith.constant 45 : i32
    %swap3A_1473 = arith.index_cast %swap3A_1472 : i32 to index
    %swap3A_1474 = arith.constant 32 : index
    %swap3A_1475 = tpu.vector_load %arg10[%swap3A_1473, %swap3A_1474] {strides = array<i32>} : memref<64x128xf32, #tpu.memory_space<vmem>>, vector<16xf32>,
    tpu.vector_store %arg10[%swap3A_1473, %swap3A_1474], %broadcast_in_dim3A_24 {strides = array<i32>} : memref<64x128xf32, #tpu.memory_space<vmem>>, vector<16xf32>,
    %swap3A_1476 = arith.constant 45 : i32
    %swap3A_1477 = arith.index_cast %swap3A_1476 : i32 to index
    %swap3A_1478 = arith.constant 48 : index
    %swap3A_1479 = tpu.vector_load %arg10[%swap3A_1477, %swap3A_1478] {strides = array<i32>} : memref<64x128xf32, #tpu.memory_space<vmem>>, vector<16xf32>,
    tpu.vector_store %arg10[%swap3A_1477, %swap3A_1478], %broadcast_in_dim3A_24 {strides = array<i32>} : memref<64x128xf32, #tpu.memory_space<vmem>>, vector<16xf32>,
    %swap3A_1480 = arith.constant 45 : i32
    %swap3A_1481 = arith.index_cast %swap3A_1480 : i32 to index
    %swap3A_1482 = arith.constant 64 : index
    %swap3A_1483 = tpu.vector_load %arg10[%swap3A_1481, %swap3A_1482] {strides = array<i32>} : memref<64x128xf32, #tpu.memory_space<vmem>>, vector<16xf32>,
    tpu.vector_store %arg10[%swap3A_1481, %swap3A_1482], %broadcast_in_dim3A_24 {strides = array<i32>} : memref<64x128xf32, #tpu.memory_space<vmem>>, vector<16xf32>,
    %swap3A_1484 = arith.constant 45 : i32
    %swap3A_1485 = arith.index_cast %swap3A_1484 : i32 to index
    %swap3A_1486 = arith.constant 80 : index
    %swap3A_1487 = tpu.vector_load %arg10[%swap3A_1485, %swap3A_1486] {strides = array<i32>} : memref<64x128xf32, #tpu.memory_space<vmem>>, vector<16xf32>,
    tpu.vector_store %arg10[%swap3A_1485, %swap3A_1486], %broadcast_in_dim3A_24 {strides = array<i32>} : memref<64x128xf32, #tpu.memory_space<vmem>>, vector<16xf32>,
    %swap3A_1488 = arith.constant 45 : i32
    %swap3A_1489 = arith.index_cast %swap3A_1488 : i32 to index
    %swap3A_1490 = arith.constant 96 : index
    %swap3A_1491 = tpu.vector_load %arg10[%swap3A_1489, %swap3A_1490] {strides = array<i32>} : memref<64x128xf32, #tpu.memory_space<vmem>>, vector<16xf32>,
    tpu.vector_store %arg10[%swap3A_1489, %swap3A_1490], %broadcast_in_dim3A_24 {strides = array<i32>} : memref<64x128xf32, #tpu.memory_space<vmem>>, vector<16xf32>,
    %swap3A_1492 = arith.constant 45 : i32
    %swap3A_1493 = arith.index_cast %swap3A_1492 : i32 to index
    %swap3A_1494 = arith.constant 112 : index
    %swap3A_1495 = tpu.vector_load %arg10[%swap3A_1493, %swap3A_1494] {strides = array<i32>} : memref<64x128xf32, #tpu.memory_space<vmem>>, vector<16xf32>,
    tpu.vector_store %arg10[%swap3A_1493, %swap3A_1494], %broadcast_in_dim3A_24 {strides = array<i32>} : memref<64x128xf32, #tpu.memory_space<vmem>>, vector<16xf32>,
    %swap3A_1496 = arith.constant 46 : i32
    %swap3A_1497 = arith.index_cast %swap3A_1496 : i32 to index
    %swap3A_1498 = arith.constant 0 : index
    %swap3A_1499 = tpu.vector_load %arg10[%swap3A_1497, %swap3A_1498] {strides = array<i32>} : memref<64x128xf32, #tpu.memory_space<vmem>>, vector<16xf32>,
    tpu.vector_store %arg10[%swap3A_1497, %swap3A_1498], %broadcast_in_dim3A_24 {strides = array<i32>} : memref<64x128xf32, #tpu.memory_space<vmem>>, vector<16xf32>,
    %swap3A_1500 = arith.constant 46 : i32
    %swap3A_1501 = arith.index_cast %swap3A_1500 : i32 to index
    %swap3A_1502 = arith.constant 16 : index
    %swap3A_1503 = tpu.vector_load %arg10[%swap3A_1501, %swap3A_1502] {strides = array<i32>} : memref<64x128xf32, #tpu.memory_space<vmem>>, vector<16xf32>,
    tpu.vector_store %arg10[%swap3A_1501, %swap3A_1502], %broadcast_in_dim3A_24 {strides = array<i32>} : memref<64x128xf32, #tpu.memory_space<vmem>>, vector<16xf32>,
    %swap3A_1504 = arith.constant 46 : i32
    %swap3A_1505 = arith.index_cast %swap3A_1504 : i32 to index
    %swap3A_1506 = arith.constant 32 : index
    %swap3A_1507 = tpu.vector_load %arg10[%swap3A_1505, %swap3A_1506] {strides = array<i32>} : memref<64x128xf32, #tpu.memory_space<vmem>>, vector<16xf32>,
    tpu.vector_store %arg10[%swap3A_1505, %swap3A_1506], %broadcast_in_dim3A_24 {strides = array<i32>} : memref<64x128xf32, #tpu.memory_space<vmem>>, vector<16xf32>,
    %swap3A_1508 = arith.constant 46 : i32
    %swap3A_1509 = arith.index_cast %swap3A_1508 : i32 to index
    %swap3A_1510 = arith.constant 48 : index
    %swap3A_1511 = tpu.vector_load %arg10[%swap3A_1509, %swap3A_1510] {strides = array<i32>} : memref<64x128xf32, #tpu.memory_space<vmem>>, vector<16xf32>,
    tpu.vector_store %arg10[%swap3A_1509, %swap3A_1510], %broadcast_in_dim3A_24 {strides = array<i32>} : memref<64x128xf32, #tpu.memory_space<vmem>>, vector<16xf32>,
    %swap3A_1512 = arith.constant 46 : i32
    %swap3A_1513 = arith.index_cast %swap3A_1512 : i32 to index
    %swap3A_1514 = arith.constant 64 : index
    %swap3A_1515 = tpu.vector_load %arg10[%swap3A_1513, %swap3A_1514] {strides = array<i32>} : memref<64x128xf32, #tpu.memory_space<vmem>>, vector<16xf32>,
    tpu.vector_store %arg10[%swap3A_1513, %swap3A_1514], %broadcast_in_dim3A_24 {strides = array<i32>} : memref<64x128xf32, #tpu.memory_space<vmem>>, vector<16xf32>,
    %swap3A_1516 = arith.constant 46 : i32
    %swap3A_1517 = arith.index_cast %swap3A_1516 : i32 to index
    %swap3A_1518 = arith.constant 80 : index
    %swap3A_1519 = tpu.vector_load %arg10[%swap3A_1517, %swap3A_1518] {strides = array<i32>} : memref<64x128xf32, #tpu.memory_space<vmem>>, vector<16xf32>,
    tpu.vector_store %arg10[%swap3A_1517, %swap3A_1518], %broadcast_in_dim3A_24 {strides = array<i32>} : memref<64x128xf32, #tpu.memory_space<vmem>>, vector<16xf32>,
    %swap3A_1520 = arith.constant 46 : i32
    %swap3A_1521 = arith.index_cast %swap3A_1520 : i32 to index
    %swap3A_1522 = arith.constant 96 : index
    %swap3A_1523 = tpu.vector_load %arg10[%swap3A_1521, %swap3A_1522] {strides = array<i32>} : memref<64x128xf32, #tpu.memory_space<vmem>>, vector<16xf32>,
    tpu.vector_store %arg10[%swap3A_1521, %swap3A_1522], %broadcast_in_dim3A_24 {strides = array<i32>} : memref<64x128xf32, #tpu.memory_space<vmem>>, vector<16xf32>,
    %swap3A_1524 = arith.constant 46 : i32
    %swap3A_1525 = arith.index_cast %swap3A_1524 : i32 to index
    %swap3A_1526 = arith.constant 112 : index
    %swap3A_1527 = tpu.vector_load %arg10[%swap3A_1525, %swap3A_1526] {strides = array<i32>} : memref<64x128xf32, #tpu.memory_space<vmem>>, vector<16xf32>,
    tpu.vector_store %arg10[%swap3A_1525, %swap3A_1526], %broadcast_in_dim3A_24 {strides = array<i32>} : memref<64x128xf32, #tpu.memory_space<vmem>>, vector<16xf32>,
    %swap3A_1528 = arith.constant 47 : i32
    %swap3A_1529 = arith.index_cast %swap3A_1528 : i32 to index
    %swap3A_1530 = arith.constant 0 : index
    %swap3A_1531 = tpu.vector_load %arg10[%swap3A_1529, %swap3A_1530] {strides = array<i32>} : memref<64x128xf32, #tpu.memory_space<vmem>>, vector<16xf32>,
    tpu.vector_store %arg10[%swap3A_1529, %swap3A_1530], %broadcast_in_dim3A_24 {strides = array<i32>} : memref<64x128xf32, #tpu.memory_space<vmem>>, vector<16xf32>,
    %swap3A_1532 = arith.constant 47 : i32
    %swap3A_1533 = arith.index_cast %swap3A_1532 : i32 to index
    %swap3A_1534 = arith.constant 16 : index
    %swap3A_1535 = tpu.vector_load %arg10[%swap3A_1533, %swap3A_1534] {strides = array<i32>} : memref<64x128xf32, #tpu.memory_space<vmem>>, vector<16xf32>,
    tpu.vector_store %arg10[%swap3A_1533, %swap3A_1534], %broadcast_in_dim3A_24 {strides = array<i32>} : memref<64x128xf32, #tpu.memory_space<vmem>>, vector<16xf32>,
    %swap3A_1536 = arith.constant 47 : i32
    %swap3A_1537 = arith.index_cast %swap3A_1536 : i32 to index
    %swap3A_1538 = arith.constant 32 : index
    %swap3A_1539 = tpu.vector_load %arg10[%swap3A_1537, %swap3A_1538] {strides = array<i32>} : memref<64x128xf32, #tpu.memory_space<vmem>>, vector<16xf32>,
    tpu.vector_store %arg10[%swap3A_1537, %swap3A_1538], %broadcast_in_dim3A_24 {strides = array<i32>} : memref<64x128xf32, #tpu.memory_space<vmem>>, vector<16xf32>,
    %swap3A_1540 = arith.constant 47 : i32
    %swap3A_1541 = arith.index_cast %swap3A_1540 : i32 to index
    %swap3A_1542 = arith.constant 48 : index
    %swap3A_1543 = tpu.vector_load %arg10[%swap3A_1541, %swap3A_1542] {strides = array<i32>} : memref<64x128xf32, #tpu.memory_space<vmem>>, vector<16xf32>,
    tpu.vector_store %arg10[%swap3A_1541, %swap3A_1542], %broadcast_in_dim3A_24 {strides = array<i32>} : memref<64x128xf32, #tpu.memory_space<vmem>>, vector<16xf32>,
    %swap3A_1544 = arith.constant 47 : i32
    %swap3A_1545 = arith.index_cast %swap3A_1544 : i32 to index
    %swap3A_1546 = arith.constant 64 : index
    %swap3A_1547 = tpu.vector_load %arg10[%swap3A_1545, %swap3A_1546] {strides = array<i32>} : memref<64x128xf32, #tpu.memory_space<vmem>>, vector<16xf32>,
    tpu.vector_store %arg10[%swap3A_1545, %swap3A_1546], %broadcast_in_dim3A_24 {strides = array<i32>} : memref<64x128xf32, #tpu.memory_space<vmem>>, vector<16xf32>,
    %swap3A_1548 = arith.constant 47 : i32
    %swap3A_1549 = arith.index_cast %swap3A_1548 : i32 to index
    %swap3A_1550 = arith.constant 80 : index
    %swap3A_1551 = tpu.vector_load %arg10[%swap3A_1549, %swap3A_1550] {strides = array<i32>} : memref<64x128xf32, #tpu.memory_space<vmem>>, vector<16xf32>,
    tpu.vector_store %arg10[%swap3A_1549, %swap3A_1550], %broadcast_in_dim3A_24 {strides = array<i32>} : memref<64x128xf32, #tpu.memory_space<vmem>>, vector<16xf32>,
    %swap3A_1552 = arith.constant 47 : i32
    %swap3A_1553 = arith.index_cast %swap3A_1552 : i32 to index
    %swap3A_1554 = arith.constant 96 : index
    %swap3A_1555 = tpu.vector_load %arg10[%swap3A_1553, %swap3A_1554] {strides = array<i32>} : memref<64x128xf32, #tpu.memory_space<vmem>>, vector<16xf32>,
    tpu.vector_store %arg10[%swap3A_1553, %swap3A_1554], %broadcast_in_dim3A_24 {strides = array<i32>} : memref<64x128xf32, #tpu.memory_space<vmem>>, vector<16xf32>,
    %swap3A_1556 = arith.constant 47 : i32
    %swap3A_1557 = arith.index_cast %swap3A_1556 : i32 to index
    %swap3A_1558 = arith.constant 112 : index
    %swap3A_1559 = tpu.vector_load %arg10[%swap3A_1557, %swap3A_1558] {strides = array<i32>} : memref<64x128xf32, #tpu.memory_space<vmem>>, vector<16xf32>,
    tpu.vector_store %arg10[%swap3A_1557, %swap3A_1558], %broadcast_in_dim3A_24 {strides = array<i32>} : memref<64x128xf32, #tpu.memory_space<vmem>>, vector<16xf32>,
    %swap3A_1560 = arith.constant 48 : i32
    %swap3A_1561 = arith.index_cast %swap3A_1560 : i32 to index
    %swap3A_1562 = arith.constant 0 : index
    %swap3A_1563 = tpu.vector_load %arg10[%swap3A_1561, %swap3A_1562] {strides = array<i32>} : memref<64x128xf32, #tpu.memory_space<vmem>>, vector<16xf32>,
    tpu.vector_store %arg10[%swap3A_1561, %swap3A_1562], %broadcast_in_dim3A_24 {strides = array<i32>} : memref<64x128xf32, #tpu.memory_space<vmem>>, vector<16xf32>,
    %swap3A_1564 = arith.constant 48 : i32
    %swap3A_1565 = arith.index_cast %swap3A_1564 : i32 to index
    %swap3A_1566 = arith.constant 16 : index
    %swap3A_1567 = tpu.vector_load %arg10[%swap3A_1565, %swap3A_1566] {strides = array<i32>} : memref<64x128xf32, #tpu.memory_space<vmem>>, vector<16xf32>,
    tpu.vector_store %arg10[%swap3A_1565, %swap3A_1566], %broadcast_in_dim3A_24 {strides = array<i32>} : memref<64x128xf32, #tpu.memory_space<vmem>>, vector<16xf32>,
    %swap3A_1568 = arith.constant 48 : i32
    %swap3A_1569 = arith.index_cast %swap3A_1568 : i32 to index
    %swap3A_1570 = arith.constant 32 : index
    %swap3A_1571 = tpu.vector_load %arg10[%swap3A_1569, %swap3A_1570] {strides = array<i32>} : memref<64x128xf32, #tpu.memory_space<vmem>>, vector<16xf32>,
    tpu.vector_store %arg10[%swap3A_1569, %swap3A_1570], %broadcast_in_dim3A_24 {strides = array<i32>} : memref<64x128xf32, #tpu.memory_space<vmem>>, vector<16xf32>,
    %swap3A_1572 = arith.constant 48 : i32
    %swap3A_1573 = arith.index_cast %swap3A_1572 : i32 to index
    %swap3A_1574 = arith.constant 48 : index
    %swap3A_1575 = tpu.vector_load %arg10[%swap3A_1573, %swap3A_1574] {strides = array<i32>} : memref<64x128xf32, #tpu.memory_space<vmem>>, vector<16xf32>,
    tpu.vector_store %arg10[%swap3A_1573, %swap3A_1574], %broadcast_in_dim3A_24 {strides = array<i32>} : memref<64x128xf32, #tpu.memory_space<vmem>>, vector<16xf32>,
    %swap3A_1576 = arith.constant 48 : i32
    %swap3A_1577 = arith.index_cast %swap3A_1576 : i32 to index
    %swap3A_1578 = arith.constant 64 : index
    %swap3A_1579 = tpu.vector_load %arg10[%swap3A_1577, %swap3A_1578] {strides = array<i32>} : memref<64x128xf32, #tpu.memory_space<vmem>>, vector<16xf32>,
    tpu.vector_store %arg10[%swap3A_1577, %swap3A_1578], %broadcast_in_dim3A_24 {strides = array<i32>} : memref<64x128xf32, #tpu.memory_space<vmem>>, vector<16xf32>,
    %swap3A_1580 = arith.constant 48 : i32
    %swap3A_1581 = arith.index_cast %swap3A_1580 : i32 to index
    %swap3A_1582 = arith.constant 80 : index
    %swap3A_1583 = tpu.vector_load %arg10[%swap3A_1581, %swap3A_1582] {strides = array<i32>} : memref<64x128xf32, #tpu.memory_space<vmem>>, vector<16xf32>,
    tpu.vector_store %arg10[%swap3A_1581, %swap3A_1582], %broadcast_in_dim3A_24 {strides = array<i32>} : memref<64x128xf32, #tpu.memory_space<vmem>>, vector<16xf32>,
    %swap3A_1584 = arith.constant 48 : i32
    %swap3A_1585 = arith.index_cast %swap3A_1584 : i32 to index
    %swap3A_1586 = arith.constant 96 : index
    %swap3A_1587 = tpu.vector_load %arg10[%swap3A_1585, %swap3A_1586] {strides = array<i32>} : memref<64x128xf32, #tpu.memory_space<vmem>>, vector<16xf32>,
    tpu.vector_store %arg10[%swap3A_1585, %swap3A_1586], %broadcast_in_dim3A_24 {strides = array<i32>} : memref<64x128xf32, #tpu.memory_space<vmem>>, vector<16xf32>,
    %swap3A_1588 = arith.constant 48 : i32
    %swap3A_1589 = arith.index_cast %swap3A_1588 : i32 to index
    %swap3A_1590 = arith.constant 112 : index
    %swap3A_1591 = tpu.vector_load %arg10[%swap3A_1589, %swap3A_1590] {strides = array<i32>} : memref<64x128xf32, #tpu.memory_space<vmem>>, vector<16xf32>,
    tpu.vector_store %arg10[%swap3A_1589, %swap3A_1590], %broadcast_in_dim3A_24 {strides = array<i32>} : memref<64x128xf32, #tpu.memory_space<vmem>>, vector<16xf32>,
    %swap3A_1592 = arith.constant 49 : i32
    %swap3A_1593 = arith.index_cast %swap3A_1592 : i32 to index
    %swap3A_1594 = arith.constant 0 : index
    %swap3A_1595 = tpu.vector_load %arg10[%swap3A_1593, %swap3A_1594] {strides = array<i32>} : memref<64x128xf32, #tpu.memory_space<vmem>>, vector<16xf32>,
    tpu.vector_store %arg10[%swap3A_1593, %swap3A_1594], %broadcast_in_dim3A_24 {strides = array<i32>} : memref<64x128xf32, #tpu.memory_space<vmem>>, vector<16xf32>,
    %swap3A_1596 = arith.constant 49 : i32
    %swap3A_1597 = arith.index_cast %swap3A_1596 : i32 to index
    %swap3A_1598 = arith.constant 16 : index
    %swap3A_1599 = tpu.vector_load %arg10[%swap3A_1597, %swap3A_1598] {strides = array<i32>} : memref<64x128xf32, #tpu.memory_space<vmem>>, vector<16xf32>,
    tpu.vector_store %arg10[%swap3A_1597, %swap3A_1598], %broadcast_in_dim3A_24 {strides = array<i32>} : memref<64x128xf32, #tpu.memory_space<vmem>>, vector<16xf32>,
    %swap3A_1600 = arith.constant 49 : i32
    %swap3A_1601 = arith.index_cast %swap3A_1600 : i32 to index
    %swap3A_1602 = arith.constant 32 : index
    %swap3A_1603 = tpu.vector_load %arg10[%swap3A_1601, %swap3A_1602] {strides = array<i32>} : memref<64x128xf32, #tpu.memory_space<vmem>>, vector<16xf32>,
    tpu.vector_store %arg10[%swap3A_1601, %swap3A_1602], %broadcast_in_dim3A_24 {strides = array<i32>} : memref<64x128xf32, #tpu.memory_space<vmem>>, vector<16xf32>,
    %swap3A_1604 = arith.constant 49 : i32
    %swap3A_1605 = arith.index_cast %swap3A_1604 : i32 to index
    %swap3A_1606 = arith.constant 48 : index
    %swap3A_1607 = tpu.vector_load %arg10[%swap3A_1605, %swap3A_1606] {strides = array<i32>} : memref<64x128xf32, #tpu.memory_space<vmem>>, vector<16xf32>,
    tpu.vector_store %arg10[%swap3A_1605, %swap3A_1606], %broadcast_in_dim3A_24 {strides = array<i32>} : memref<64x128xf32, #tpu.memory_space<vmem>>, vector<16xf32>,
    %swap3A_1608 = arith.constant 49 : i32
    %swap3A_1609 = arith.index_cast %swap3A_1608 : i32 to index
    %swap3A_1610 = arith.constant 64 : index
    %swap3A_1611 = tpu.vector_load %arg10[%swap3A_1609, %swap3A_1610] {strides = array<i32>} : memref<64x128xf32, #tpu.memory_space<vmem>>, vector<16xf32>,
    tpu.vector_store %arg10[%swap3A_1609, %swap3A_1610], %broadcast_in_dim3A_24 {strides = array<i32>} : memref<64x128xf32, #tpu.memory_space<vmem>>, vector<16xf32>,
    %swap3A_1612 = arith.constant 49 : i32
    %swap3A_1613 = arith.index_cast %swap3A_1612 : i32 to index
    %swap3A_1614 = arith.constant 80 : index
    %swap3A_1615 = tpu.vector_load %arg10[%swap3A_1613, %swap3A_1614] {strides = array<i32>} : memref<64x128xf32, #tpu.memory_space<vmem>>, vector<16xf32>,
    tpu.vector_store %arg10[%swap3A_1613, %swap3A_1614], %broadcast_in_dim3A_24 {strides = array<i32>} : memref<64x128xf32, #tpu.memory_space<vmem>>, vector<16xf32>,
    %swap3A_1616 = arith.constant 49 : i32
    %swap3A_1617 = arith.index_cast %swap3A_1616 : i32 to index
    %swap3A_1618 = arith.constant 96 : index
    %swap3A_1619 = tpu.vector_load %arg10[%swap3A_1617, %swap3A_1618] {strides = array<i32>} : memref<64x128xf32, #tpu.memory_space<vmem>>, vector<16xf32>,
    tpu.vector_store %arg10[%swap3A_1617, %swap3A_1618], %broadcast_in_dim3A_24 {strides = array<i32>} : memref<64x128xf32, #tpu.memory_space<vmem>>, vector<16xf32>,
    %swap3A_1620 = arith.constant 49 : i32
    %swap3A_1621 = arith.index_cast %swap3A_1620 : i32 to index
    %swap3A_1622 = arith.constant 112 : index
    %swap3A_1623 = tpu.vector_load %arg10[%swap3A_1621, %swap3A_1622] {strides = array<i32>} : memref<64x128xf32, #tpu.memory_space<vmem>>, vector<16xf32>,
    tpu.vector_store %arg10[%swap3A_1621, %swap3A_1622], %broadcast_in_dim3A_24 {strides = array<i32>} : memref<64x128xf32, #tpu.memory_space<vmem>>, vector<16xf32>,
    %swap3A_1624 = arith.constant 50 : i32
    %swap3A_1625 = arith.index_cast %swap3A_1624 : i32 to index
    %swap3A_1626 = arith.constant 0 : index
    %swap3A_1627 = tpu.vector_load %arg10[%swap3A_1625, %swap3A_1626] {strides = array<i32>} : memref<64x128xf32, #tpu.memory_space<vmem>>, vector<16xf32>,
    tpu.vector_store %arg10[%swap3A_1625, %swap3A_1626], %broadcast_in_dim3A_24 {strides = array<i32>} : memref<64x128xf32, #tpu.memory_space<vmem>>, vector<16xf32>,
    %swap3A_1628 = arith.constant 50 : i32
    %swap3A_1629 = arith.index_cast %swap3A_1628 : i32 to index
    %swap3A_1630 = arith.constant 16 : index
    %swap3A_1631 = tpu.vector_load %arg10[%swap3A_1629, %swap3A_1630] {strides = array<i32>} : memref<64x128xf32, #tpu.memory_space<vmem>>, vector<16xf32>,
    tpu.vector_store %arg10[%swap3A_1629, %swap3A_1630], %broadcast_in_dim3A_24 {strides = array<i32>} : memref<64x128xf32, #tpu.memory_space<vmem>>, vector<16xf32>,
    %swap3A_1632 = arith.constant 50 : i32
    %swap3A_1633 = arith.index_cast %swap3A_1632 : i32 to index
    %swap3A_1634 = arith.constant 32 : index
    %swap3A_1635 = tpu.vector_load %arg10[%swap3A_1633, %swap3A_1634] {strides = array<i32>} : memref<64x128xf32, #tpu.memory_space<vmem>>, vector<16xf32>,
    tpu.vector_store %arg10[%swap3A_1633, %swap3A_1634], %broadcast_in_dim3A_24 {strides = array<i32>} : memref<64x128xf32, #tpu.memory_space<vmem>>, vector<16xf32>,
    %swap3A_1636 = arith.constant 50 : i32
    %swap3A_1637 = arith.index_cast %swap3A_1636 : i32 to index
    %swap3A_1638 = arith.constant 48 : index
    %swap3A_1639 = tpu.vector_load %arg10[%swap3A_1637, %swap3A_1638] {strides = array<i32>} : memref<64x128xf32, #tpu.memory_space<vmem>>, vector<16xf32>,
    tpu.vector_store %arg10[%swap3A_1637, %swap3A_1638], %broadcast_in_dim3A_24 {strides = array<i32>} : memref<64x128xf32, #tpu.memory_space<vmem>>, vector<16xf32>,
    %swap3A_1640 = arith.constant 50 : i32
    %swap3A_1641 = arith.index_cast %swap3A_1640 : i32 to index
    %swap3A_1642 = arith.constant 64 : index
    %swap3A_1643 = tpu.vector_load %arg10[%swap3A_1641, %swap3A_1642] {strides = array<i32>} : memref<64x128xf32, #tpu.memory_space<vmem>>, vector<16xf32>,
    tpu.vector_store %arg10[%swap3A_1641, %swap3A_1642], %broadcast_in_dim3A_24 {strides = array<i32>} : memref<64x128xf32, #tpu.memory_space<vmem>>, vector<16xf32>,
    %swap3A_1644 = arith.constant 50 : i32
    %swap3A_1645 = arith.index_cast %swap3A_1644 : i32 to index
    %swap3A_1646 = arith.constant 80 : index
    %swap3A_1647 = tpu.vector_load %arg10[%swap3A_1645, %swap3A_1646] {strides = array<i32>} : memref<64x128xf32, #tpu.memory_space<vmem>>, vector<16xf32>,
    tpu.vector_store %arg10[%swap3A_1645, %swap3A_1646], %broadcast_in_dim3A_24 {strides = array<i32>} : memref<64x128xf32, #tpu.memory_space<vmem>>, vector<16xf32>,
    %swap3A_1648 = arith.constant 50 : i32
    %swap3A_1649 = arith.index_cast %swap3A_1648 : i32 to index
    %swap3A_1650 = arith.constant 96 : index
    %swap3A_1651 = tpu.vector_load %arg10[%swap3A_1649, %swap3A_1650] {strides = array<i32>} : memref<64x128xf32, #tpu.memory_space<vmem>>, vector<16xf32>,
    tpu.vector_store %arg10[%swap3A_1649, %swap3A_1650], %broadcast_in_dim3A_24 {strides = array<i32>} : memref<64x128xf32, #tpu.memory_space<vmem>>, vector<16xf32>,
    %swap3A_1652 = arith.constant 50 : i32
    %swap3A_1653 = arith.index_cast %swap3A_1652 : i32 to index
    %swap3A_1654 = arith.constant 112 : index
    %swap3A_1655 = tpu.vector_load %arg10[%swap3A_1653, %swap3A_1654] {strides = array<i32>} : memref<64x128xf32, #tpu.memory_space<vmem>>, vector<16xf32>,
    tpu.vector_store %arg10[%swap3A_1653, %swap3A_1654], %broadcast_in_dim3A_24 {strides = array<i32>} : memref<64x128xf32, #tpu.memory_space<vmem>>, vector<16xf32>,
    %swap3A_1656 = arith.constant 51 : i32
    %swap3A_1657 = arith.index_cast %swap3A_1656 : i32 to index
    %swap3A_1658 = arith.constant 0 : index
    %swap3A_1659 = tpu.vector_load %arg10[%swap3A_1657, %swap3A_1658] {strides = array<i32>} : memref<64x128xf32, #tpu.memory_space<vmem>>, vector<16xf32>,
    tpu.vector_store %arg10[%swap3A_1657, %swap3A_1658], %broadcast_in_dim3A_24 {strides = array<i32>} : memref<64x128xf32, #tpu.memory_space<vmem>>, vector<16xf32>,
    %swap3A_1660 = arith.constant 51 : i32
    %swap3A_1661 = arith.index_cast %swap3A_1660 : i32 to index
    %swap3A_1662 = arith.constant 16 : index
    %swap3A_1663 = tpu.vector_load %arg10[%swap3A_1661, %swap3A_1662] {strides = array<i32>} : memref<64x128xf32, #tpu.memory_space<vmem>>, vector<16xf32>,
    tpu.vector_store %arg10[%swap3A_1661, %swap3A_1662], %broadcast_in_dim3A_24 {strides = array<i32>} : memref<64x128xf32, #tpu.memory_space<vmem>>, vector<16xf32>,
    %swap3A_1664 = arith.constant 51 : i32
    %swap3A_1665 = arith.index_cast %swap3A_1664 : i32 to index
    %swap3A_1666 = arith.constant 32 : index
    %swap3A_1667 = tpu.vector_load %arg10[%swap3A_1665, %swap3A_1666] {strides = array<i32>} : memref<64x128xf32, #tpu.memory_space<vmem>>, vector<16xf32>,
    tpu.vector_store %arg10[%swap3A_1665, %swap3A_1666], %broadcast_in_dim3A_24 {strides = array<i32>} : memref<64x128xf32, #tpu.memory_space<vmem>>, vector<16xf32>,
    %swap3A_1668 = arith.constant 51 : i32
    %swap3A_1669 = arith.index_cast %swap3A_1668 : i32 to index
    %swap3A_1670 = arith.constant 48 : index
    %swap3A_1671 = tpu.vector_load %arg10[%swap3A_1669, %swap3A_1670] {strides = array<i32>} : memref<64x128xf32, #tpu.memory_space<vmem>>, vector<16xf32>,
    tpu.vector_store %arg10[%swap3A_1669, %swap3A_1670], %broadcast_in_dim3A_24 {strides = array<i32>} : memref<64x128xf32, #tpu.memory_space<vmem>>, vector<16xf32>,
    %swap3A_1672 = arith.constant 51 : i32
    %swap3A_1673 = arith.index_cast %swap3A_1672 : i32 to index
    %swap3A_1674 = arith.constant 64 : index
    %swap3A_1675 = tpu.vector_load %arg10[%swap3A_1673, %swap3A_1674] {strides = array<i32>} : memref<64x128xf32, #tpu.memory_space<vmem>>, vector<16xf32>,
    tpu.vector_store %arg10[%swap3A_1673, %swap3A_1674], %broadcast_in_dim3A_24 {strides = array<i32>} : memref<64x128xf32, #tpu.memory_space<vmem>>, vector<16xf32>,
    %swap3A_1676 = arith.constant 51 : i32
    %swap3A_1677 = arith.index_cast %swap3A_1676 : i32 to index
    %swap3A_1678 = arith.constant 80 : index
    %swap3A_1679 = tpu.vector_load %arg10[%swap3A_1677, %swap3A_1678] {strides = array<i32>} : memref<64x128xf32, #tpu.memory_space<vmem>>, vector<16xf32>,
    tpu.vector_store %arg10[%swap3A_1677, %swap3A_1678], %broadcast_in_dim3A_24 {strides = array<i32>} : memref<64x128xf32, #tpu.memory_space<vmem>>, vector<16xf32>,
    %swap3A_1680 = arith.constant 51 : i32
    %swap3A_1681 = arith.index_cast %swap3A_1680 : i32 to index
    %swap3A_1682 = arith.constant 96 : index
    %swap3A_1683 = tpu.vector_load %arg10[%swap3A_1681, %swap3A_1682] {strides = array<i32>} : memref<64x128xf32, #tpu.memory_space<vmem>>, vector<16xf32>,
    tpu.vector_store %arg10[%swap3A_1681, %swap3A_1682], %broadcast_in_dim3A_24 {strides = array<i32>} : memref<64x128xf32, #tpu.memory_space<vmem>>, vector<16xf32>,
    %swap3A_1684 = arith.constant 51 : i32
    %swap3A_1685 = arith.index_cast %swap3A_1684 : i32 to index
    %swap3A_1686 = arith.constant 112 : index
    %swap3A_1687 = tpu.vector_load %arg10[%swap3A_1685, %swap3A_1686] {strides = array<i32>} : memref<64x128xf32, #tpu.memory_space<vmem>>, vector<16xf32>,
    tpu.vector_store %arg10[%swap3A_1685, %swap3A_1686], %broadcast_in_dim3A_24 {strides = array<i32>} : memref<64x128xf32, #tpu.memory_space<vmem>>, vector<16xf32>,
    %swap3A_1688 = arith.constant 52 : i32
    %swap3A_1689 = arith.index_cast %swap3A_1688 : i32 to index
    %swap3A_1690 = arith.constant 0 : index
    %swap3A_1691 = tpu.vector_load %arg10[%swap3A_1689, %swap3A_1690] {strides = array<i32>} : memref<64x128xf32, #tpu.memory_space<vmem>>, vector<16xf32>,
    tpu.vector_store %arg10[%swap3A_1689, %swap3A_1690], %broadcast_in_dim3A_24 {strides = array<i32>} : memref<64x128xf32, #tpu.memory_space<vmem>>, vector<16xf32>,
    %swap3A_1692 = arith.constant 52 : i32
    %swap3A_1693 = arith.index_cast %swap3A_1692 : i32 to index
    %swap3A_1694 = arith.constant 16 : index
    %swap3A_1695 = tpu.vector_load %arg10[%swap3A_1693, %swap3A_1694] {strides = array<i32>} : memref<64x128xf32, #tpu.memory_space<vmem>>, vector<16xf32>,
    tpu.vector_store %arg10[%swap3A_1693, %swap3A_1694], %broadcast_in_dim3A_24 {strides = array<i32>} : memref<64x128xf32, #tpu.memory_space<vmem>>, vector<16xf32>,
    %swap3A_1696 = arith.constant 52 : i32
    %swap3A_1697 = arith.index_cast %swap3A_1696 : i32 to index
    %swap3A_1698 = arith.constant 32 : index
    %swap3A_1699 = tpu.vector_load %arg10[%swap3A_1697, %swap3A_1698] {strides = array<i32>} : memref<64x128xf32, #tpu.memory_space<vmem>>, vector<16xf32>,
    tpu.vector_store %arg10[%swap3A_1697, %swap3A_1698], %broadcast_in_dim3A_24 {strides = array<i32>} : memref<64x128xf32, #tpu.memory_space<vmem>>, vector<16xf32>,
    %swap3A_1700 = arith.constant 52 : i32
    %swap3A_1701 = arith.index_cast %swap3A_1700 : i32 to index
    %swap3A_1702 = arith.constant 48 : index
    %swap3A_1703 = tpu.vector_load %arg10[%swap3A_1701, %swap3A_1702] {strides = array<i32>} : memref<64x128xf32, #tpu.memory_space<vmem>>, vector<16xf32>,
    tpu.vector_store %arg10[%swap3A_1701, %swap3A_1702], %broadcast_in_dim3A_24 {strides = array<i32>} : memref<64x128xf32, #tpu.memory_space<vmem>>, vector<16xf32>,
    %swap3A_1704 = arith.constant 52 : i32
    %swap3A_1705 = arith.index_cast %swap3A_1704 : i32 to index
    %swap3A_1706 = arith.constant 64 : index
    %swap3A_1707 = tpu.vector_load %arg10[%swap3A_1705, %swap3A_1706] {strides = array<i32>} : memref<64x128xf32, #tpu.memory_space<vmem>>, vector<16xf32>,
    tpu.vector_store %arg10[%swap3A_1705, %swap3A_1706], %broadcast_in_dim3A_24 {strides = array<i32>} : memref<64x128xf32, #tpu.memory_space<vmem>>, vector<16xf32>,
    %swap3A_1708 = arith.constant 52 : i32
    %swap3A_1709 = arith.index_cast %swap3A_1708 : i32 to index
    %swap3A_1710 = arith.constant 80 : index
    %swap3A_1711 = tpu.vector_load %arg10[%swap3A_1709, %swap3A_1710] {strides = array<i32>} : memref<64x128xf32, #tpu.memory_space<vmem>>, vector<16xf32>,
    tpu.vector_store %arg10[%swap3A_1709, %swap3A_1710], %broadcast_in_dim3A_24 {strides = array<i32>} : memref<64x128xf32, #tpu.memory_space<vmem>>, vector<16xf32>,
    %swap3A_1712 = arith.constant 52 : i32
    %swap3A_1713 = arith.index_cast %swap3A_1712 : i32 to index
    %swap3A_1714 = arith.constant 96 : index
    %swap3A_1715 = tpu.vector_load %arg10[%swap3A_1713, %swap3A_1714] {strides = array<i32>} : memref<64x128xf32, #tpu.memory_space<vmem>>, vector<16xf32>,
    tpu.vector_store %arg10[%swap3A_1713, %swap3A_1714], %broadcast_in_dim3A_24 {strides = array<i32>} : memref<64x128xf32, #tpu.memory_space<vmem>>, vector<16xf32>,
    %swap3A_1716 = arith.constant 52 : i32
    %swap3A_1717 = arith.index_cast %swap3A_1716 : i32 to index
    %swap3A_1718 = arith.constant 112 : index
    %swap3A_1719 = tpu.vector_load %arg10[%swap3A_1717, %swap3A_1718] {strides = array<i32>} : memref<64x128xf32, #tpu.memory_space<vmem>>, vector<16xf32>,
    tpu.vector_store %arg10[%swap3A_1717, %swap3A_1718], %broadcast_in_dim3A_24 {strides = array<i32>} : memref<64x128xf32, #tpu.memory_space<vmem>>, vector<16xf32>,
    %swap3A_1720 = arith.constant 53 : i32
    %swap3A_1721 = arith.index_cast %swap3A_1720 : i32 to index
    %swap3A_1722 = arith.constant 0 : index
    %swap3A_1723 = tpu.vector_load %arg10[%swap3A_1721, %swap3A_1722] {strides = array<i32>} : memref<64x128xf32, #tpu.memory_space<vmem>>, vector<16xf32>,
    tpu.vector_store %arg10[%swap3A_1721, %swap3A_1722], %broadcast_in_dim3A_24 {strides = array<i32>} : memref<64x128xf32, #tpu.memory_space<vmem>>, vector<16xf32>,
    %swap3A_1724 = arith.constant 53 : i32
    %swap3A_1725 = arith.index_cast %swap3A_1724 : i32 to index
    %swap3A_1726 = arith.constant 16 : index
    %swap3A_1727 = tpu.vector_load %arg10[%swap3A_1725, %swap3A_1726] {strides = array<i32>} : memref<64x128xf32, #tpu.memory_space<vmem>>, vector<16xf32>,
    tpu.vector_store %arg10[%swap3A_1725, %swap3A_1726], %broadcast_in_dim3A_24 {strides = array<i32>} : memref<64x128xf32, #tpu.memory_space<vmem>>, vector<16xf32>,
    %swap3A_1728 = arith.constant 53 : i32
    %swap3A_1729 = arith.index_cast %swap3A_1728 : i32 to index
    %swap3A_1730 = arith.constant 32 : index
    %swap3A_1731 = tpu.vector_load %arg10[%swap3A_1729, %swap3A_1730] {strides = array<i32>} : memref<64x128xf32, #tpu.memory_space<vmem>>, vector<16xf32>,
    tpu.vector_store %arg10[%swap3A_1729, %swap3A_1730], %broadcast_in_dim3A_24 {strides = array<i32>} : memref<64x128xf32, #tpu.memory_space<vmem>>, vector<16xf32>,
    %swap3A_1732 = arith.constant 53 : i32
    %swap3A_1733 = arith.index_cast %swap3A_1732 : i32 to index
    %swap3A_1734 = arith.constant 48 : index
    %swap3A_1735 = tpu.vector_load %arg10[%swap3A_1733, %swap3A_1734] {strides = array<i32>} : memref<64x128xf32, #tpu.memory_space<vmem>>, vector<16xf32>,
    tpu.vector_store %arg10[%swap3A_1733, %swap3A_1734], %broadcast_in_dim3A_24 {strides = array<i32>} : memref<64x128xf32, #tpu.memory_space<vmem>>, vector<16xf32>,
    %swap3A_1736 = arith.constant 53 : i32
    %swap3A_1737 = arith.index_cast %swap3A_1736 : i32 to index
    %swap3A_1738 = arith.constant 64 : index
    %swap3A_1739 = tpu.vector_load %arg10[%swap3A_1737, %swap3A_1738] {strides = array<i32>} : memref<64x128xf32, #tpu.memory_space<vmem>>, vector<16xf32>,
    tpu.vector_store %arg10[%swap3A_1737, %swap3A_1738], %broadcast_in_dim3A_24 {strides = array<i32>} : memref<64x128xf32, #tpu.memory_space<vmem>>, vector<16xf32>,
    %swap3A_1740 = arith.constant 53 : i32
    %swap3A_1741 = arith.index_cast %swap3A_1740 : i32 to index
    %swap3A_1742 = arith.constant 80 : index
    %swap3A_1743 = tpu.vector_load %arg10[%swap3A_1741, %swap3A_1742] {strides = array<i32>} : memref<64x128xf32, #tpu.memory_space<vmem>>, vector<16xf32>,
    tpu.vector_store %arg10[%swap3A_1741, %swap3A_1742], %broadcast_in_dim3A_24 {strides = array<i32>} : memref<64x128xf32, #tpu.memory_space<vmem>>, vector<16xf32>,
    %swap3A_1744 = arith.constant 53 : i32
    %swap3A_1745 = arith.index_cast %swap3A_1744 : i32 to index
    %swap3A_1746 = arith.constant 96 : index
    %swap3A_1747 = tpu.vector_load %arg10[%swap3A_1745, %swap3A_1746] {strides = array<i32>} : memref<64x128xf32, #tpu.memory_space<vmem>>, vector<16xf32>,
    tpu.vector_store %arg10[%swap3A_1745, %swap3A_1746], %broadcast_in_dim3A_24 {strides = array<i32>} : memref<64x128xf32, #tpu.memory_space<vmem>>, vector<16xf32>,
    %swap3A_1748 = arith.constant 53 : i32
    %swap3A_1749 = arith.index_cast %swap3A_1748 : i32 to index
    %swap3A_1750 = arith.constant 112 : index
    %swap3A_1751 = tpu.vector_load %arg10[%swap3A_1749, %swap3A_1750] {strides = array<i32>} : memref<64x128xf32, #tpu.memory_space<vmem>>, vector<16xf32>,
    tpu.vector_store %arg10[%swap3A_1749, %swap3A_1750], %broadcast_in_dim3A_24 {strides = array<i32>} : memref<64x128xf32, #tpu.memory_space<vmem>>, vector<16xf32>,
    %swap3A_1752 = arith.constant 54 : i32
    %swap3A_1753 = arith.index_cast %swap3A_1752 : i32 to index
    %swap3A_1754 = arith.constant 0 : index
    %swap3A_1755 = tpu.vector_load %arg10[%swap3A_1753, %swap3A_1754] {strides = array<i32>} : memref<64x128xf32, #tpu.memory_space<vmem>>, vector<16xf32>,
    tpu.vector_store %arg10[%swap3A_1753, %swap3A_1754], %broadcast_in_dim3A_24 {strides = array<i32>} : memref<64x128xf32, #tpu.memory_space<vmem>>, vector<16xf32>,
    %swap3A_1756 = arith.constant 54 : i32
    %swap3A_1757 = arith.index_cast %swap3A_1756 : i32 to index
    %swap3A_1758 = arith.constant 16 : index
    %swap3A_1759 = tpu.vector_load %arg10[%swap3A_1757, %swap3A_1758] {strides = array<i32>} : memref<64x128xf32, #tpu.memory_space<vmem>>, vector<16xf32>,
    tpu.vector_store %arg10[%swap3A_1757, %swap3A_1758], %broadcast_in_dim3A_24 {strides = array<i32>} : memref<64x128xf32, #tpu.memory_space<vmem>>, vector<16xf32>,
    %swap3A_1760 = arith.constant 54 : i32
    %swap3A_1761 = arith.index_cast %swap3A_1760 : i32 to index
    %swap3A_1762 = arith.constant 32 : index
    %swap3A_1763 = tpu.vector_load %arg10[%swap3A_1761, %swap3A_1762] {strides = array<i32>} : memref<64x128xf32, #tpu.memory_space<vmem>>, vector<16xf32>,
    tpu.vector_store %arg10[%swap3A_1761, %swap3A_1762], %broadcast_in_dim3A_24 {strides = array<i32>} : memref<64x128xf32, #tpu.memory_space<vmem>>, vector<16xf32>,
    %swap3A_1764 = arith.constant 54 : i32
    %swap3A_1765 = arith.index_cast %swap3A_1764 : i32 to index
    %swap3A_1766 = arith.constant 48 : index
    %swap3A_1767 = tpu.vector_load %arg10[%swap3A_1765, %swap3A_1766] {strides = array<i32>} : memref<64x128xf32, #tpu.memory_space<vmem>>, vector<16xf32>,
    tpu.vector_store %arg10[%swap3A_1765, %swap3A_1766], %broadcast_in_dim3A_24 {strides = array<i32>} : memref<64x128xf32, #tpu.memory_space<vmem>>, vector<16xf32>,
    %swap3A_1768 = arith.constant 54 : i32
    %swap3A_1769 = arith.index_cast %swap3A_1768 : i32 to index
    %swap3A_1770 = arith.constant 64 : index
    %swap3A_1771 = tpu.vector_load %arg10[%swap3A_1769, %swap3A_1770] {strides = array<i32>} : memref<64x128xf32, #tpu.memory_space<vmem>>, vector<16xf32>,
    tpu.vector_store %arg10[%swap3A_1769, %swap3A_1770], %broadcast_in_dim3A_24 {strides = array<i32>} : memref<64x128xf32, #tpu.memory_space<vmem>>, vector<16xf32>,
    %swap3A_1772 = arith.constant 54 : i32
    %swap3A_1773 = arith.index_cast %swap3A_1772 : i32 to index
    %swap3A_1774 = arith.constant 80 : index
    %swap3A_1775 = tpu.vector_load %arg10[%swap3A_1773, %swap3A_1774] {strides = array<i32>} : memref<64x128xf32, #tpu.memory_space<vmem>>, vector<16xf32>,
    tpu.vector_store %arg10[%swap3A_1773, %swap3A_1774], %broadcast_in_dim3A_24 {strides = array<i32>} : memref<64x128xf32, #tpu.memory_space<vmem>>, vector<16xf32>,
    %swap3A_1776 = arith.constant 54 : i32
    %swap3A_1777 = arith.index_cast %swap3A_1776 : i32 to index
    %swap3A_1778 = arith.constant 96 : index
    %swap3A_1779 = tpu.vector_load %arg10[%swap3A_1777, %swap3A_1778] {strides = array<i32>} : memref<64x128xf32, #tpu.memory_space<vmem>>, vector<16xf32>,
    tpu.vector_store %arg10[%swap3A_1777, %swap3A_1778], %broadcast_in_dim3A_24 {strides = array<i32>} : memref<64x128xf32, #tpu.memory_space<vmem>>, vector<16xf32>,
    %swap3A_1780 = arith.constant 54 : i32
    %swap3A_1781 = arith.index_cast %swap3A_1780 : i32 to index
    %swap3A_1782 = arith.constant 112 : index
    %swap3A_1783 = tpu.vector_load %arg10[%swap3A_1781, %swap3A_1782] {strides = array<i32>} : memref<64x128xf32, #tpu.memory_space<vmem>>, vector<16xf32>,
    tpu.vector_store %arg10[%swap3A_1781, %swap3A_1782], %broadcast_in_dim3A_24 {strides = array<i32>} : memref<64x128xf32, #tpu.memory_space<vmem>>, vector<16xf32>,
    %swap3A_1784 = arith.constant 55 : i32
    %swap3A_1785 = arith.index_cast %swap3A_1784 : i32 to index
    %swap3A_1786 = arith.constant 0 : index
    %swap3A_1787 = tpu.vector_load %arg10[%swap3A_1785, %swap3A_1786] {strides = array<i32>} : memref<64x128xf32, #tpu.memory_space<vmem>>, vector<16xf32>,
    tpu.vector_store %arg10[%swap3A_1785, %swap3A_1786], %broadcast_in_dim3A_24 {strides = array<i32>} : memref<64x128xf32, #tpu.memory_space<vmem>>, vector<16xf32>,
    %swap3A_1788 = arith.constant 55 : i32
    %swap3A_1789 = arith.index_cast %swap3A_1788 : i32 to index
    %swap3A_1790 = arith.constant 16 : index
    %swap3A_1791 = tpu.vector_load %arg10[%swap3A_1789, %swap3A_1790] {strides = array<i32>} : memref<64x128xf32, #tpu.memory_space<vmem>>, vector<16xf32>,
    tpu.vector_store %arg10[%swap3A_1789, %swap3A_1790], %broadcast_in_dim3A_24 {strides = array<i32>} : memref<64x128xf32, #tpu.memory_space<vmem>>, vector<16xf32>,
    %swap3A_1792 = arith.constant 55 : i32
    %swap3A_1793 = arith.index_cast %swap3A_1792 : i32 to index
    %swap3A_1794 = arith.constant 32 : index
    %swap3A_1795 = tpu.vector_load %arg10[%swap3A_1793, %swap3A_1794] {strides = array<i32>} : memref<64x128xf32, #tpu.memory_space<vmem>>, vector<16xf32>,
    tpu.vector_store %arg10[%swap3A_1793, %swap3A_1794], %broadcast_in_dim3A_24 {strides = array<i32>} : memref<64x128xf32, #tpu.memory_space<vmem>>, vector<16xf32>,
    %swap3A_1796 = arith.constant 55 : i32
    %swap3A_1797 = arith.index_cast %swap3A_1796 : i32 to index
    %swap3A_1798 = arith.constant 48 : index
    %swap3A_1799 = tpu.vector_load %arg10[%swap3A_1797, %swap3A_1798] {strides = array<i32>} : memref<64x128xf32, #tpu.memory_space<vmem>>, vector<16xf32>,
    tpu.vector_store %arg10[%swap3A_1797, %swap3A_1798], %broadcast_in_dim3A_24 {strides = array<i32>} : memref<64x128xf32, #tpu.memory_space<vmem>>, vector<16xf32>,
    %swap3A_1800 = arith.constant 55 : i32
    %swap3A_1801 = arith.index_cast %swap3A_1800 : i32 to index
    %swap3A_1802 = arith.constant 64 : index
    %swap3A_1803 = tpu.vector_load %arg10[%swap3A_1801, %swap3A_1802] {strides = array<i32>} : memref<64x128xf32, #tpu.memory_space<vmem>>, vector<16xf32>,
    tpu.vector_store %arg10[%swap3A_1801, %swap3A_1802], %broadcast_in_dim3A_24 {strides = array<i32>} : memref<64x128xf32, #tpu.memory_space<vmem>>, vector<16xf32>,
    %swap3A_1804 = arith.constant 55 : i32
    %swap3A_1805 = arith.index_cast %swap3A_1804 : i32 to index
    %swap3A_1806 = arith.constant 80 : index
    %swap3A_1807 = tpu.vector_load %arg10[%swap3A_1805, %swap3A_1806] {strides = array<i32>} : memref<64x128xf32, #tpu.memory_space<vmem>>, vector<16xf32>,
    tpu.vector_store %arg10[%swap3A_1805, %swap3A_1806], %broadcast_in_dim3A_24 {strides = array<i32>} : memref<64x128xf32, #tpu.memory_space<vmem>>, vector<16xf32>,
    %swap3A_1808 = arith.constant 55 : i32
    %swap3A_1809 = arith.index_cast %swap3A_1808 : i32 to index
    %swap3A_1810 = arith.constant 96 : index
    %swap3A_1811 = tpu.vector_load %arg10[%swap3A_1809, %swap3A_1810] {strides = array<i32>} : memref<64x128xf32, #tpu.memory_space<vmem>>, vector<16xf32>,
    tpu.vector_store %arg10[%swap3A_1809, %swap3A_1810], %broadcast_in_dim3A_24 {strides = array<i32>} : memref<64x128xf32, #tpu.memory_space<vmem>>, vector<16xf32>,
    %swap3A_1812 = arith.constant 55 : i32
    %swap3A_1813 = arith.index_cast %swap3A_1812 : i32 to index
    %swap3A_1814 = arith.constant 112 : index
    %swap3A_1815 = tpu.vector_load %arg10[%swap3A_1813, %swap3A_1814] {strides = array<i32>} : memref<64x128xf32, #tpu.memory_space<vmem>>, vector<16xf32>,
    tpu.vector_store %arg10[%swap3A_1813, %swap3A_1814], %broadcast_in_dim3A_24 {strides = array<i32>} : memref<64x128xf32, #tpu.memory_space<vmem>>, vector<16xf32>,
    %swap3A_1816 = arith.constant 56 : i32
    %swap3A_1817 = arith.index_cast %swap3A_1816 : i32 to index
    %swap3A_1818 = arith.constant 0 : index
    %swap3A_1819 = tpu.vector_load %arg10[%swap3A_1817, %swap3A_1818] {strides = array<i32>} : memref<64x128xf32, #tpu.memory_space<vmem>>, vector<16xf32>,
    tpu.vector_store %arg10[%swap3A_1817, %swap3A_1818], %broadcast_in_dim3A_24 {strides = array<i32>} : memref<64x128xf32, #tpu.memory_space<vmem>>, vector<16xf32>,
    %swap3A_1820 = arith.constant 56 : i32
    %swap3A_1821 = arith.index_cast %swap3A_1820 : i32 to index
    %swap3A_1822 = arith.constant 16 : index
    %swap3A_1823 = tpu.vector_load %arg10[%swap3A_1821, %swap3A_1822] {strides = array<i32>} : memref<64x128xf32, #tpu.memory_space<vmem>>, vector<16xf32>,
    tpu.vector_store %arg10[%swap3A_1821, %swap3A_1822], %broadcast_in_dim3A_24 {strides = array<i32>} : memref<64x128xf32, #tpu.memory_space<vmem>>, vector<16xf32>,
    %swap3A_1824 = arith.constant 56 : i32
    %swap3A_1825 = arith.index_cast %swap3A_1824 : i32 to index
    %swap3A_1826 = arith.constant 32 : index
    %swap3A_1827 = tpu.vector_load %arg10[%swap3A_1825, %swap3A_1826] {strides = array<i32>} : memref<64x128xf32, #tpu.memory_space<vmem>>, vector<16xf32>,
    tpu.vector_store %arg10[%swap3A_1825, %swap3A_1826], %broadcast_in_dim3A_24 {strides = array<i32>} : memref<64x128xf32, #tpu.memory_space<vmem>>, vector<16xf32>,
    %swap3A_1828 = arith.constant 56 : i32
    %swap3A_1829 = arith.index_cast %swap3A_1828 : i32 to index
    %swap3A_1830 = arith.constant 48 : index
    %swap3A_1831 = tpu.vector_load %arg10[%swap3A_1829, %swap3A_1830] {strides = array<i32>} : memref<64x128xf32, #tpu.memory_space<vmem>>, vector<16xf32>,
    tpu.vector_store %arg10[%swap3A_1829, %swap3A_1830], %broadcast_in_dim3A_24 {strides = array<i32>} : memref<64x128xf32, #tpu.memory_space<vmem>>, vector<16xf32>,
    %swap3A_1832 = arith.constant 56 : i32
    %swap3A_1833 = arith.index_cast %swap3A_1832 : i32 to index
    %swap3A_1834 = arith.constant 64 : index
    %swap3A_1835 = tpu.vector_load %arg10[%swap3A_1833, %swap3A_1834] {strides = array<i32>} : memref<64x128xf32, #tpu.memory_space<vmem>>, vector<16xf32>,
    tpu.vector_store %arg10[%swap3A_1833, %swap3A_1834], %broadcast_in_dim3A_24 {strides = array<i32>} : memref<64x128xf32, #tpu.memory_space<vmem>>, vector<16xf32>,
    %swap3A_1836 = arith.constant 56 : i32
    %swap3A_1837 = arith.index_cast %swap3A_1836 : i32 to index
    %swap3A_1838 = arith.constant 80 : index
    %swap3A_1839 = tpu.vector_load %arg10[%swap3A_1837, %swap3A_1838] {strides = array<i32>} : memref<64x128xf32, #tpu.memory_space<vmem>>, vector<16xf32>,
    tpu.vector_store %arg10[%swap3A_1837, %swap3A_1838], %broadcast_in_dim3A_24 {strides = array<i32>} : memref<64x128xf32, #tpu.memory_space<vmem>>, vector<16xf32>,
    %swap3A_1840 = arith.constant 56 : i32
    %swap3A_1841 = arith.index_cast %swap3A_1840 : i32 to index
    %swap3A_1842 = arith.constant 96 : index
    %swap3A_1843 = tpu.vector_load %arg10[%swap3A_1841, %swap3A_1842] {strides = array<i32>} : memref<64x128xf32, #tpu.memory_space<vmem>>, vector<16xf32>,
    tpu.vector_store %arg10[%swap3A_1841, %swap3A_1842], %broadcast_in_dim3A_24 {strides = array<i32>} : memref<64x128xf32, #tpu.memory_space<vmem>>, vector<16xf32>,
    %swap3A_1844 = arith.constant 56 : i32
    %swap3A_1845 = arith.index_cast %swap3A_1844 : i32 to index
    %swap3A_1846 = arith.constant 112 : index
    %swap3A_1847 = tpu.vector_load %arg10[%swap3A_1845, %swap3A_1846] {strides = array<i32>} : memref<64x128xf32, #tpu.memory_space<vmem>>, vector<16xf32>,
    tpu.vector_store %arg10[%swap3A_1845, %swap3A_1846], %broadcast_in_dim3A_24 {strides = array<i32>} : memref<64x128xf32, #tpu.memory_space<vmem>>, vector<16xf32>,
    %swap3A_1848 = arith.constant 57 : i32
    %swap3A_1849 = arith.index_cast %swap3A_1848 : i32 to index
    %swap3A_1850 = arith.constant 0 : index
    %swap3A_1851 = tpu.vector_load %arg10[%swap3A_1849, %swap3A_1850] {strides = array<i32>} : memref<64x128xf32, #tpu.memory_space<vmem>>, vector<16xf32>,
    tpu.vector_store %arg10[%swap3A_1849, %swap3A_1850], %broadcast_in_dim3A_24 {strides = array<i32>} : memref<64x128xf32, #tpu.memory_space<vmem>>, vector<16xf32>,
    %swap3A_1852 = arith.constant 57 : i32
    %swap3A_1853 = arith.index_cast %swap3A_1852 : i32 to index
    %swap3A_1854 = arith.constant 16 : index
    %swap3A_1855 = tpu.vector_load %arg10[%swap3A_1853, %swap3A_1854] {strides = array<i32>} : memref<64x128xf32, #tpu.memory_space<vmem>>, vector<16xf32>,
    tpu.vector_store %arg10[%swap3A_1853, %swap3A_1854], %broadcast_in_dim3A_24 {strides = array<i32>} : memref<64x128xf32, #tpu.memory_space<vmem>>, vector<16xf32>,
    %swap3A_1856 = arith.constant 57 : i32
    %swap3A_1857 = arith.index_cast %swap3A_1856 : i32 to index
    %swap3A_1858 = arith.constant 32 : index
    %swap3A_1859 = tpu.vector_load %arg10[%swap3A_1857, %swap3A_1858] {strides = array<i32>} : memref<64x128xf32, #tpu.memory_space<vmem>>, vector<16xf32>,
    tpu.vector_store %arg10[%swap3A_1857, %swap3A_1858], %broadcast_in_dim3A_24 {strides = array<i32>} : memref<64x128xf32, #tpu.memory_space<vmem>>, vector<16xf32>,
    %swap3A_1860 = arith.constant 57 : i32
    %swap3A_1861 = arith.index_cast %swap3A_1860 : i32 to index
    %swap3A_1862 = arith.constant 48 : index
    %swap3A_1863 = tpu.vector_load %arg10[%swap3A_1861, %swap3A_1862] {strides = array<i32>} : memref<64x128xf32, #tpu.memory_space<vmem>>, vector<16xf32>,
    tpu.vector_store %arg10[%swap3A_1861, %swap3A_1862], %broadcast_in_dim3A_24 {strides = array<i32>} : memref<64x128xf32, #tpu.memory_space<vmem>>, vector<16xf32>,
    %swap3A_1864 = arith.constant 57 : i32
    %swap3A_1865 = arith.index_cast %swap3A_1864 : i32 to index
    %swap3A_1866 = arith.constant 64 : index
    %swap3A_1867 = tpu.vector_load %arg10[%swap3A_1865, %swap3A_1866] {strides = array<i32>} : memref<64x128xf32, #tpu.memory_space<vmem>>, vector<16xf32>,
    tpu.vector_store %arg10[%swap3A_1865, %swap3A_1866], %broadcast_in_dim3A_24 {strides = array<i32>} : memref<64x128xf32, #tpu.memory_space<vmem>>, vector<16xf32>,
    %swap3A_1868 = arith.constant 57 : i32
    %swap3A_1869 = arith.index_cast %swap3A_1868 : i32 to index
    %swap3A_1870 = arith.constant 80 : index
    %swap3A_1871 = tpu.vector_load %arg10[%swap3A_1869, %swap3A_1870] {strides = array<i32>} : memref<64x128xf32, #tpu.memory_space<vmem>>, vector<16xf32>,
    tpu.vector_store %arg10[%swap3A_1869, %swap3A_1870], %broadcast_in_dim3A_24 {strides = array<i32>} : memref<64x128xf32, #tpu.memory_space<vmem>>, vector<16xf32>,
    %swap3A_1872 = arith.constant 57 : i32
    %swap3A_1873 = arith.index_cast %swap3A_1872 : i32 to index
    %swap3A_1874 = arith.constant 96 : index
    %swap3A_1875 = tpu.vector_load %arg10[%swap3A_1873, %swap3A_1874] {strides = array<i32>} : memref<64x128xf32, #tpu.memory_space<vmem>>, vector<16xf32>,
    tpu.vector_store %arg10[%swap3A_1873, %swap3A_1874], %broadcast_in_dim3A_24 {strides = array<i32>} : memref<64x128xf32, #tpu.memory_space<vmem>>, vector<16xf32>,
    %swap3A_1876 = arith.constant 57 : i32
    %swap3A_1877 = arith.index_cast %swap3A_1876 : i32 to index
    %swap3A_1878 = arith.constant 112 : index
    %swap3A_1879 = tpu.vector_load %arg10[%swap3A_1877, %swap3A_1878] {strides = array<i32>} : memref<64x128xf32, #tpu.memory_space<vmem>>, vector<16xf32>,
    tpu.vector_store %arg10[%swap3A_1877, %swap3A_1878], %broadcast_in_dim3A_24 {strides = array<i32>} : memref<64x128xf32, #tpu.memory_space<vmem>>, vector<16xf32>,
    %swap3A_1880 = arith.constant 58 : i32
    %swap3A_1881 = arith.index_cast %swap3A_1880 : i32 to index
    %swap3A_1882 = arith.constant 0 : index
    %swap3A_1883 = tpu.vector_load %arg10[%swap3A_1881, %swap3A_1882] {strides = array<i32>} : memref<64x128xf32, #tpu.memory_space<vmem>>, vector<16xf32>,
    tpu.vector_store %arg10[%swap3A_1881, %swap3A_1882], %broadcast_in_dim3A_24 {strides = array<i32>} : memref<64x128xf32, #tpu.memory_space<vmem>>, vector<16xf32>,
    %swap3A_1884 = arith.constant 58 : i32
    %swap3A_1885 = arith.index_cast %swap3A_1884 : i32 to index
    %swap3A_1886 = arith.constant 16 : index
    %swap3A_1887 = tpu.vector_load %arg10[%swap3A_1885, %swap3A_1886] {strides = array<i32>} : memref<64x128xf32, #tpu.memory_space<vmem>>, vector<16xf32>,
    tpu.vector_store %arg10[%swap3A_1885, %swap3A_1886], %broadcast_in_dim3A_24 {strides = array<i32>} : memref<64x128xf32, #tpu.memory_space<vmem>>, vector<16xf32>,
    %swap3A_1888 = arith.constant 58 : i32
    %swap3A_1889 = arith.index_cast %swap3A_1888 : i32 to index
    %swap3A_1890 = arith.constant 32 : index
    %swap3A_1891 = tpu.vector_load %arg10[%swap3A_1889, %swap3A_1890] {strides = array<i32>} : memref<64x128xf32, #tpu.memory_space<vmem>>, vector<16xf32>,
    tpu.vector_store %arg10[%swap3A_1889, %swap3A_1890], %broadcast_in_dim3A_24 {strides = array<i32>} : memref<64x128xf32, #tpu.memory_space<vmem>>, vector<16xf32>,
    %swap3A_1892 = arith.constant 58 : i32
    %swap3A_1893 = arith.index_cast %swap3A_1892 : i32 to index
    %swap3A_1894 = arith.constant 48 : index
    %swap3A_1895 = tpu.vector_load %arg10[%swap3A_1893, %swap3A_1894] {strides = array<i32>} : memref<64x128xf32, #tpu.memory_space<vmem>>, vector<16xf32>,
    tpu.vector_store %arg10[%swap3A_1893, %swap3A_1894], %broadcast_in_dim3A_24 {strides = array<i32>} : memref<64x128xf32, #tpu.memory_space<vmem>>, vector<16xf32>,
    %swap3A_1896 = arith.constant 58 : i32
    %swap3A_1897 = arith.index_cast %swap3A_1896 : i32 to index
    %swap3A_1898 = arith.constant 64 : index
    %swap3A_1899 = tpu.vector_load %arg10[%swap3A_1897, %swap3A_1898] {strides = array<i32>} : memref<64x128xf32, #tpu.memory_space<vmem>>, vector<16xf32>,
    tpu.vector_store %arg10[%swap3A_1897, %swap3A_1898], %broadcast_in_dim3A_24 {strides = array<i32>} : memref<64x128xf32, #tpu.memory_space<vmem>>, vector<16xf32>,
    %swap3A_1900 = arith.constant 58 : i32
    %swap3A_1901 = arith.index_cast %swap3A_1900 : i32 to index
    %swap3A_1902 = arith.constant 80 : index
    %swap3A_1903 = tpu.vector_load %arg10[%swap3A_1901, %swap3A_1902] {strides = array<i32>} : memref<64x128xf32, #tpu.memory_space<vmem>>, vector<16xf32>,
    tpu.vector_store %arg10[%swap3A_1901, %swap3A_1902], %broadcast_in_dim3A_24 {strides = array<i32>} : memref<64x128xf32, #tpu.memory_space<vmem>>, vector<16xf32>,
    %swap3A_1904 = arith.constant 58 : i32
    %swap3A_1905 = arith.index_cast %swap3A_1904 : i32 to index
    %swap3A_1906 = arith.constant 96 : index
    %swap3A_1907 = tpu.vector_load %arg10[%swap3A_1905, %swap3A_1906] {strides = array<i32>} : memref<64x128xf32, #tpu.memory_space<vmem>>, vector<16xf32>,
    tpu.vector_store %arg10[%swap3A_1905, %swap3A_1906], %broadcast_in_dim3A_24 {strides = array<i32>} : memref<64x128xf32, #tpu.memory_space<vmem>>, vector<16xf32>,
    %swap3A_1908 = arith.constant 58 : i32
    %swap3A_1909 = arith.index_cast %swap3A_1908 : i32 to index
    %swap3A_1910 = arith.constant 112 : index
    %swap3A_1911 = tpu.vector_load %arg10[%swap3A_1909, %swap3A_1910] {strides = array<i32>} : memref<64x128xf32, #tpu.memory_space<vmem>>, vector<16xf32>,
    tpu.vector_store %arg10[%swap3A_1909, %swap3A_1910], %broadcast_in_dim3A_24 {strides = array<i32>} : memref<64x128xf32, #tpu.memory_space<vmem>>, vector<16xf32>,
    %swap3A_1912 = arith.constant 59 : i32
    %swap3A_1913 = arith.index_cast %swap3A_1912 : i32 to index
    %swap3A_1914 = arith.constant 0 : index
    %swap3A_1915 = tpu.vector_load %arg10[%swap3A_1913, %swap3A_1914] {strides = array<i32>} : memref<64x128xf32, #tpu.memory_space<vmem>>, vector<16xf32>,
    tpu.vector_store %arg10[%swap3A_1913, %swap3A_1914], %broadcast_in_dim3A_24 {strides = array<i32>} : memref<64x128xf32, #tpu.memory_space<vmem>>, vector<16xf32>,
    %swap3A_1916 = arith.constant 59 : i32
    %swap3A_1917 = arith.index_cast %swap3A_1916 : i32 to index
    %swap3A_1918 = arith.constant 16 : index
    %swap3A_1919 = tpu.vector_load %arg10[%swap3A_1917, %swap3A_1918] {strides = array<i32>} : memref<64x128xf32, #tpu.memory_space<vmem>>, vector<16xf32>,
    tpu.vector_store %arg10[%swap3A_1917, %swap3A_1918], %broadcast_in_dim3A_24 {strides = array<i32>} : memref<64x128xf32, #tpu.memory_space<vmem>>, vector<16xf32>,
    %swap3A_1920 = arith.constant 59 : i32
    %swap3A_1921 = arith.index_cast %swap3A_1920 : i32 to index
    %swap3A_1922 = arith.constant 32 : index
    %swap3A_1923 = tpu.vector_load %arg10[%swap3A_1921, %swap3A_1922] {strides = array<i32>} : memref<64x128xf32, #tpu.memory_space<vmem>>, vector<16xf32>,
    tpu.vector_store %arg10[%swap3A_1921, %swap3A_1922], %broadcast_in_dim3A_24 {strides = array<i32>} : memref<64x128xf32, #tpu.memory_space<vmem>>, vector<16xf32>,
    %swap3A_1924 = arith.constant 59 : i32
    %swap3A_1925 = arith.index_cast %swap3A_1924 : i32 to index
    %swap3A_1926 = arith.constant 48 : index
    %swap3A_1927 = tpu.vector_load %arg10[%swap3A_1925, %swap3A_1926] {strides = array<i32>} : memref<64x128xf32, #tpu.memory_space<vmem>>, vector<16xf32>,
    tpu.vector_store %arg10[%swap3A_1925, %swap3A_1926], %broadcast_in_dim3A_24 {strides = array<i32>} : memref<64x128xf32, #tpu.memory_space<vmem>>, vector<16xf32>,
    %swap3A_1928 = arith.constant 59 : i32
    %swap3A_1929 = arith.index_cast %swap3A_1928 : i32 to index
    %swap3A_1930 = arith.constant 64 : index
    %swap3A_1931 = tpu.vector_load %arg10[%swap3A_1929, %swap3A_1930] {strides = array<i32>} : memref<64x128xf32, #tpu.memory_space<vmem>>, vector<16xf32>,
    tpu.vector_store %arg10[%swap3A_1929, %swap3A_1930], %broadcast_in_dim3A_24 {strides = array<i32>} : memref<64x128xf32, #tpu.memory_space<vmem>>, vector<16xf32>,
    %swap3A_1932 = arith.constant 59 : i32
    %swap3A_1933 = arith.index_cast %swap3A_1932 : i32 to index
    %swap3A_1934 = arith.constant 80 : index
    %swap3A_1935 = tpu.vector_load %arg10[%swap3A_1933, %swap3A_1934] {strides = array<i32>} : memref<64x128xf32, #tpu.memory_space<vmem>>, vector<16xf32>,
    tpu.vector_store %arg10[%swap3A_1933, %swap3A_1934], %broadcast_in_dim3A_24 {strides = array<i32>} : memref<64x128xf32, #tpu.memory_space<vmem>>, vector<16xf32>,
    %swap3A_1936 = arith.constant 59 : i32
    %swap3A_1937 = arith.index_cast %swap3A_1936 : i32 to index
    %swap3A_1938 = arith.constant 96 : index
    %swap3A_1939 = tpu.vector_load %arg10[%swap3A_1937, %swap3A_1938] {strides = array<i32>} : memref<64x128xf32, #tpu.memory_space<vmem>>, vector<16xf32>,
    tpu.vector_store %arg10[%swap3A_1937, %swap3A_1938], %broadcast_in_dim3A_24 {strides = array<i32>} : memref<64x128xf32, #tpu.memory_space<vmem>>, vector<16xf32>,
    %swap3A_1940 = arith.constant 59 : i32
    %swap3A_1941 = arith.index_cast %swap3A_1940 : i32 to index
    %swap3A_1942 = arith.constant 112 : index
    %swap3A_1943 = tpu.vector_load %arg10[%swap3A_1941, %swap3A_1942] {strides = array<i32>} : memref<64x128xf32, #tpu.memory_space<vmem>>, vector<16xf32>,
    tpu.vector_store %arg10[%swap3A_1941, %swap3A_1942], %broadcast_in_dim3A_24 {strides = array<i32>} : memref<64x128xf32, #tpu.memory_space<vmem>>, vector<16xf32>,
    %swap3A_1944 = arith.constant 60 : i32
    %swap3A_1945 = arith.index_cast %swap3A_1944 : i32 to index
    %swap3A_1946 = arith.constant 0 : index
    %swap3A_1947 = tpu.vector_load %arg10[%swap3A_1945, %swap3A_1946] {strides = array<i32>} : memref<64x128xf32, #tpu.memory_space<vmem>>, vector<16xf32>,
    tpu.vector_store %arg10[%swap3A_1945, %swap3A_1946], %broadcast_in_dim3A_24 {strides = array<i32>} : memref<64x128xf32, #tpu.memory_space<vmem>>, vector<16xf32>,
    %swap3A_1948 = arith.constant 60 : i32
    %swap3A_1949 = arith.index_cast %swap3A_1948 : i32 to index
    %swap3A_1950 = arith.constant 16 : index
    %swap3A_1951 = tpu.vector_load %arg10[%swap3A_1949, %swap3A_1950] {strides = array<i32>} : memref<64x128xf32, #tpu.memory_space<vmem>>, vector<16xf32>,
    tpu.vector_store %arg10[%swap3A_1949, %swap3A_1950], %broadcast_in_dim3A_24 {strides = array<i32>} : memref<64x128xf32, #tpu.memory_space<vmem>>, vector<16xf32>,
    %swap3A_1952 = arith.constant 60 : i32
    %swap3A_1953 = arith.index_cast %swap3A_1952 : i32 to index
    %swap3A_1954 = arith.constant 32 : index
    %swap3A_1955 = tpu.vector_load %arg10[%swap3A_1953, %swap3A_1954] {strides = array<i32>} : memref<64x128xf32, #tpu.memory_space<vmem>>, vector<16xf32>,
    tpu.vector_store %arg10[%swap3A_1953, %swap3A_1954], %broadcast_in_dim3A_24 {strides = array<i32>} : memref<64x128xf32, #tpu.memory_space<vmem>>, vector<16xf32>,
    %swap3A_1956 = arith.constant 60 : i32
    %swap3A_1957 = arith.index_cast %swap3A_1956 : i32 to index
    %swap3A_1958 = arith.constant 48 : index
    %swap3A_1959 = tpu.vector_load %arg10[%swap3A_1957, %swap3A_1958] {strides = array<i32>} : memref<64x128xf32, #tpu.memory_space<vmem>>, vector<16xf32>,
    tpu.vector_store %arg10[%swap3A_1957, %swap3A_1958], %broadcast_in_dim3A_24 {strides = array<i32>} : memref<64x128xf32, #tpu.memory_space<vmem>>, vector<16xf32>,
    %swap3A_1960 = arith.constant 60 : i32
    %swap3A_1961 = arith.index_cast %swap3A_1960 : i32 to index
    %swap3A_1962 = arith.constant 64 : index
    %swap3A_1963 = tpu.vector_load %arg10[%swap3A_1961, %swap3A_1962] {strides = array<i32>} : memref<64x128xf32, #tpu.memory_space<vmem>>, vector<16xf32>,
    tpu.vector_store %arg10[%swap3A_1961, %swap3A_1962], %broadcast_in_dim3A_24 {strides = array<i32>} : memref<64x128xf32, #tpu.memory_space<vmem>>, vector<16xf32>,
    %swap3A_1964 = arith.constant 60 : i32
    %swap3A_1965 = arith.index_cast %swap3A_1964 : i32 to index
    %swap3A_1966 = arith.constant 80 : index
    %swap3A_1967 = tpu.vector_load %arg10[%swap3A_1965, %swap3A_1966] {strides = array<i32>} : memref<64x128xf32, #tpu.memory_space<vmem>>, vector<16xf32>,
    tpu.vector_store %arg10[%swap3A_1965, %swap3A_1966], %broadcast_in_dim3A_24 {strides = array<i32>} : memref<64x128xf32, #tpu.memory_space<vmem>>, vector<16xf32>,
    %swap3A_1968 = arith.constant 60 : i32
    %swap3A_1969 = arith.index_cast %swap3A_1968 : i32 to index
    %swap3A_1970 = arith.constant 96 : index
    %swap3A_1971 = tpu.vector_load %arg10[%swap3A_1969, %swap3A_1970] {strides = array<i32>} : memref<64x128xf32, #tpu.memory_space<vmem>>, vector<16xf32>,
    tpu.vector_store %arg10[%swap3A_1969, %swap3A_1970], %broadcast_in_dim3A_24 {strides = array<i32>} : memref<64x128xf32, #tpu.memory_space<vmem>>, vector<16xf32>,
    %swap3A_1972 = arith.constant 60 : i32
    %swap3A_1973 = arith.index_cast %swap3A_1972 : i32 to index
    %swap3A_1974 = arith.constant 112 : index
    %swap3A_1975 = tpu.vector_load %arg10[%swap3A_1973, %swap3A_1974] {strides = array<i32>} : memref<64x128xf32, #tpu.memory_space<vmem>>, vector<16xf32>,
    tpu.vector_store %arg10[%swap3A_1973, %swap3A_1974], %broadcast_in_dim3A_24 {strides = array<i32>} : memref<64x128xf32, #tpu.memory_space<vmem>>, vector<16xf32>,
    %swap3A_1976 = arith.constant 61 : i32
    %swap3A_1977 = arith.index_cast %swap3A_1976 : i32 to index
    %swap3A_1978 = arith.constant 0 : index
    %swap3A_1979 = tpu.vector_load %arg10[%swap3A_1977, %swap3A_1978] {strides = array<i32>} : memref<64x128xf32, #tpu.memory_space<vmem>>, vector<16xf32>,
    tpu.vector_store %arg10[%swap3A_1977, %swap3A_1978], %broadcast_in_dim3A_24 {strides = array<i32>} : memref<64x128xf32, #tpu.memory_space<vmem>>, vector<16xf32>,
    %swap3A_1980 = arith.constant 61 : i32
    %swap3A_1981 = arith.index_cast %swap3A_1980 : i32 to index
    %swap3A_1982 = arith.constant 16 : index
    %swap3A_1983 = tpu.vector_load %arg10[%swap3A_1981, %swap3A_1982] {strides = array<i32>} : memref<64x128xf32, #tpu.memory_space<vmem>>, vector<16xf32>,
    tpu.vector_store %arg10[%swap3A_1981, %swap3A_1982], %broadcast_in_dim3A_24 {strides = array<i32>} : memref<64x128xf32, #tpu.memory_space<vmem>>, vector<16xf32>,
    %swap3A_1984 = arith.constant 61 : i32
    %swap3A_1985 = arith.index_cast %swap3A_1984 : i32 to index
    %swap3A_1986 = arith.constant 32 : index
    %swap3A_1987 = tpu.vector_load %arg10[%swap3A_1985, %swap3A_1986] {strides = array<i32>} : memref<64x128xf32, #tpu.memory_space<vmem>>, vector<16xf32>,
    tpu.vector_store %arg10[%swap3A_1985, %swap3A_1986], %broadcast_in_dim3A_24 {strides = array<i32>} : memref<64x128xf32, #tpu.memory_space<vmem>>, vector<16xf32>,
    %swap3A_1988 = arith.constant 61 : i32
    %swap3A_1989 = arith.index_cast %swap3A_1988 : i32 to index
    %swap3A_1990 = arith.constant 48 : index
    %swap3A_1991 = tpu.vector_load %arg10[%swap3A_1989, %swap3A_1990] {strides = array<i32>} : memref<64x128xf32, #tpu.memory_space<vmem>>, vector<16xf32>,
    tpu.vector_store %arg10[%swap3A_1989, %swap3A_1990], %broadcast_in_dim3A_24 {strides = array<i32>} : memref<64x128xf32, #tpu.memory_space<vmem>>, vector<16xf32>,
    %swap3A_1992 = arith.constant 61 : i32
    %swap3A_1993 = arith.index_cast %swap3A_1992 : i32 to index
    %swap3A_1994 = arith.constant 64 : index
    %swap3A_1995 = tpu.vector_load %arg10[%swap3A_1993, %swap3A_1994] {strides = array<i32>} : memref<64x128xf32, #tpu.memory_space<vmem>>, vector<16xf32>,
    tpu.vector_store %arg10[%swap3A_1993, %swap3A_1994], %broadcast_in_dim3A_24 {strides = array<i32>} : memref<64x128xf32, #tpu.memory_space<vmem>>, vector<16xf32>,
    %swap3A_1996 = arith.constant 61 : i32
    %swap3A_1997 = arith.index_cast %swap3A_1996 : i32 to index
    %swap3A_1998 = arith.constant 80 : index
    %swap3A_1999 = tpu.vector_load %arg10[%swap3A_1997, %swap3A_1998] {strides = array<i32>} : memref<64x128xf32, #tpu.memory_space<vmem>>, vector<16xf32>,
    tpu.vector_store %arg10[%swap3A_1997, %swap3A_1998], %broadcast_in_dim3A_24 {strides = array<i32>} : memref<64x128xf32, #tpu.memory_space<vmem>>, vector<16xf32>,
    %swap3A_2000 = arith.constant 61 : i32
    %swap3A_2001 = arith.index_cast %swap3A_2000 : i32 to index
    %swap3A_2002 = arith.constant 96 : index
    %swap3A_2003 = tpu.vector_load %arg10[%swap3A_2001, %swap3A_2002] {strides = array<i32>} : memref<64x128xf32, #tpu.memory_space<vmem>>, vector<16xf32>,
    tpu.vector_store %arg10[%swap3A_2001, %swap3A_2002], %broadcast_in_dim3A_24 {strides = array<i32>} : memref<64x128xf32, #tpu.memory_space<vmem>>, vector<16xf32>,
    %swap3A_2004 = arith.constant 61 : i32
    %swap3A_2005 = arith.index_cast %swap3A_2004 : i32 to index
    %swap3A_2006 = arith.constant 112 : index
    %swap3A_2007 = tpu.vector_load %arg10[%swap3A_2005, %swap3A_2006] {strides = array<i32>} : memref<64x128xf32, #tpu.memory_space<vmem>>, vector<16xf32>,
    tpu.vector_store %arg10[%swap3A_2005, %swap3A_2006], %broadcast_in_dim3A_24 {strides = array<i32>} : memref<64x128xf32, #tpu.memory_space<vmem>>, vector<16xf32>,
    %swap3A_2008 = arith.constant 62 : i32
    %swap3A_2009 = arith.index_cast %swap3A_2008 : i32 to index
    %swap3A_2010 = arith.constant 0 : index
    %swap3A_2011 = tpu.vector_load %arg10[%swap3A_2009, %swap3A_2010] {strides = array<i32>} : memref<64x128xf32, #tpu.memory_space<vmem>>, vector<16xf32>,
    tpu.vector_store %arg10[%swap3A_2009, %swap3A_2010], %broadcast_in_dim3A_24 {strides = array<i32>} : memref<64x128xf32, #tpu.memory_space<vmem>>, vector<16xf32>,
    %swap3A_2012 = arith.constant 62 : i32
    %swap3A_2013 = arith.index_cast %swap3A_2012 : i32 to index
    %swap3A_2014 = arith.constant 16 : index
    %swap3A_2015 = tpu.vector_load %arg10[%swap3A_2013, %swap3A_2014] {strides = array<i32>} : memref<64x128xf32, #tpu.memory_space<vmem>>, vector<16xf32>,
    tpu.vector_store %arg10[%swap3A_2013, %swap3A_2014], %broadcast_in_dim3A_24 {strides = array<i32>} : memref<64x128xf32, #tpu.memory_space<vmem>>, vector<16xf32>,
    %swap3A_2016 = arith.constant 62 : i32
    %swap3A_2017 = arith.index_cast %swap3A_2016 : i32 to index
    %swap3A_2018 = arith.constant 32 : index
    %swap3A_2019 = tpu.vector_load %arg10[%swap3A_2017, %swap3A_2018] {strides = array<i32>} : memref<64x128xf32, #tpu.memory_space<vmem>>, vector<16xf32>,
    tpu.vector_store %arg10[%swap3A_2017, %swap3A_2018], %broadcast_in_dim3A_24 {strides = array<i32>} : memref<64x128xf32, #tpu.memory_space<vmem>>, vector<16xf32>,
    %swap3A_2020 = arith.constant 62 : i32
    %swap3A_2021 = arith.index_cast %swap3A_2020 : i32 to index
    %swap3A_2022 = arith.constant 48 : index
    %swap3A_2023 = tpu.vector_load %arg10[%swap3A_2021, %swap3A_2022] {strides = array<i32>} : memref<64x128xf32, #tpu.memory_space<vmem>>, vector<16xf32>,
    tpu.vector_store %arg10[%swap3A_2021, %swap3A_2022], %broadcast_in_dim3A_24 {strides = array<i32>} : memref<64x128xf32, #tpu.memory_space<vmem>>, vector<16xf32>,
    %swap3A_2024 = arith.constant 62 : i32
    %swap3A_2025 = arith.index_cast %swap3A_2024 : i32 to index
    %swap3A_2026 = arith.constant 64 : index
    %swap3A_2027 = tpu.vector_load %arg10[%swap3A_2025, %swap3A_2026] {strides = array<i32>} : memref<64x128xf32, #tpu.memory_space<vmem>>, vector<16xf32>,
    tpu.vector_store %arg10[%swap3A_2025, %swap3A_2026], %broadcast_in_dim3A_24 {strides = array<i32>} : memref<64x128xf32, #tpu.memory_space<vmem>>, vector<16xf32>,
    %swap3A_2028 = arith.constant 62 : i32
    %swap3A_2029 = arith.index_cast %swap3A_2028 : i32 to index
    %swap3A_2030 = arith.constant 80 : index
    %swap3A_2031 = tpu.vector_load %arg10[%swap3A_2029, %swap3A_2030] {strides = array<i32>} : memref<64x128xf32, #tpu.memory_space<vmem>>, vector<16xf32>,
    tpu.vector_store %arg10[%swap3A_2029, %swap3A_2030], %broadcast_in_dim3A_24 {strides = array<i32>} : memref<64x128xf32, #tpu.memory_space<vmem>>, vector<16xf32>,
    %swap3A_2032 = arith.constant 62 : i32
    %swap3A_2033 = arith.index_cast %swap3A_2032 : i32 to index
    %swap3A_2034 = arith.constant 96 : index
    %swap3A_2035 = tpu.vector_load %arg10[%swap3A_2033, %swap3A_2034] {strides = array<i32>} : memref<64x128xf32, #tpu.memory_space<vmem>>, vector<16xf32>,
    tpu.vector_store %arg10[%swap3A_2033, %swap3A_2034], %broadcast_in_dim3A_24 {strides = array<i32>} : memref<64x128xf32, #tpu.memory_space<vmem>>, vector<16xf32>,
    %swap3A_2036 = arith.constant 62 : i32
    %swap3A_2037 = arith.index_cast %swap3A_2036 : i32 to index
    %swap3A_2038 = arith.constant 112 : index
    %swap3A_2039 = tpu.vector_load %arg10[%swap3A_2037, %swap3A_2038] {strides = array<i32>} : memref<64x128xf32, #tpu.memory_space<vmem>>, vector<16xf32>,
    tpu.vector_store %arg10[%swap3A_2037, %swap3A_2038], %broadcast_in_dim3A_24 {strides = array<i32>} : memref<64x128xf32, #tpu.memory_space<vmem>>, vector<16xf32>,
    %swap3A_2040 = arith.constant 63 : i32
    %swap3A_2041 = arith.index_cast %swap3A_2040 : i32 to index
    %swap3A_2042 = arith.constant 0 : index
    %swap3A_2043 = tpu.vector_load %arg10[%swap3A_2041, %swap3A_2042] {strides = array<i32>} : memref<64x128xf32, #tpu.memory_space<vmem>>, vector<16xf32>,
    tpu.vector_store %arg10[%swap3A_2041, %swap3A_2042], %broadcast_in_dim3A_24 {strides = array<i32>} : memref<64x128xf32, #tpu.memory_space<vmem>>, vector<16xf32>,
    %swap3A_2044 = arith.constant 63 : i32
    %swap3A_2045 = arith.index_cast %swap3A_2044 : i32 to index
    %swap3A_2046 = arith.constant 16 : index
    %swap3A_2047 = tpu.vector_load %arg10[%swap3A_2045, %swap3A_2046] {strides = array<i32>} : memref<64x128xf32, #tpu.memory_space<vmem>>, vector<16xf32>,
    tpu.vector_store %arg10[%swap3A_2045, %swap3A_2046], %broadcast_in_dim3A_24 {strides = array<i32>} : memref<64x128xf32, #tpu.memory_space<vmem>>, vector<16xf32>,
    %swap3A_2048 = arith.constant 63 : i32
    %swap3A_2049 = arith.index_cast %swap3A_2048 : i32 to index
    %swap3A_2050 = arith.constant 32 : index
    %swap3A_2051 = tpu.vector_load %arg10[%swap3A_2049, %swap3A_2050] {strides = array<i32>} : memref<64x128xf32, #tpu.memory_space<vmem>>, vector<16xf32>,
    tpu.vector_store %arg10[%swap3A_2049, %swap3A_2050], %broadcast_in_dim3A_24 {strides = array<i32>} : memref<64x128xf32, #tpu.memory_space<vmem>>, vector<16xf32>,
    %swap3A_2052 = arith.constant 63 : i32
    %swap3A_2053 = arith.index_cast %swap3A_2052 : i32 to index
    %swap3A_2054 = arith.constant 48 : index
    %swap3A_2055 = tpu.vector_load %arg10[%swap3A_2053, %swap3A_2054] {strides = array<i32>} : memref<64x128xf32, #tpu.memory_space<vmem>>, vector<16xf32>,
    tpu.vector_store %arg10[%swap3A_2053, %swap3A_2054], %broadcast_in_dim3A_24 {strides = array<i32>} : memref<64x128xf32, #tpu.memory_space<vmem>>, vector<16xf32>,
    %swap3A_2056 = arith.constant 63 : i32
    %swap3A_2057 = arith.index_cast %swap3A_2056 : i32 to index
    %swap3A_2058 = arith.constant 64 : index
    %swap3A_2059 = tpu.vector_load %arg10[%swap3A_2057, %swap3A_2058] {strides = array<i32>} : memref<64x128xf32, #tpu.memory_space<vmem>>, vector<16xf32>,
    tpu.vector_store %arg10[%swap3A_2057, %swap3A_2058], %broadcast_in_dim3A_24 {strides = array<i32>} : memref<64x128xf32, #tpu.memory_space<vmem>>, vector<16xf32>,
    %swap3A_2060 = arith.constant 63 : i32
    %swap3A_2061 = arith.index_cast %swap3A_2060 : i32 to index
    %swap3A_2062 = arith.constant 80 : index
    %swap3A_2063 = tpu.vector_load %arg10[%swap3A_2061, %swap3A_2062] {strides = array<i32>} : memref<64x128xf32, #tpu.memory_space<vmem>>, vector<16xf32>,
    tpu.vector_store %arg10[%swap3A_2061, %swap3A_2062], %broadcast_in_dim3A_24 {strides = array<i32>} : memref<64x128xf32, #tpu.memory_space<vmem>>, vector<16xf32>,
    %swap3A_2064 = arith.constant 63 : i32
    %swap3A_2065 = arith.index_cast %swap3A_2064 : i32 to index
    %swap3A_2066 = arith.constant 96 : index
    %swap3A_2067 = tpu.vector_load %arg10[%swap3A_2065, %swap3A_2066] {strides = array<i32>} : memref<64x128xf32, #tpu.memory_space<vmem>>, vector<16xf32>,
    tpu.vector_store %arg10[%swap3A_2065, %swap3A_2066], %broadcast_in_dim3A_24 {strides = array<i32>} : memref<64x128xf32, #tpu.memory_space<vmem>>, vector<16xf32>,
    %swap3A_2068 = arith.constant 63 : i32
    %swap3A_2069 = arith.index_cast %swap3A_2068 : i32 to index
    %swap3A_2070 = arith.constant 112 : index
    %swap3A_2071 = tpu.vector_load %arg10[%swap3A_2069, %swap3A_2070] {strides = array<i32>} : memref<64x128xf32, #tpu.memory_space<vmem>>, vector<16xf32>,
    tpu.vector_store %arg10[%swap3A_2069, %swap3A_2070], %broadcast_in_dim3A_24 {strides = array<i32>} : memref<64x128xf32, #tpu.memory_space<vmem>>, vector<16xf32>,
    %iota3A = tpu.iota {dimensions = array<i32: 0>} : vector<16xi32>
    %add3A_2072 = arith.constant 0 : i32
    %add3A_2073 = vector.broadcast %add3A_2072 : i32 to vector<16xi32>
    %add3A_2074 = arith.addi %iota3A, %add3A_2073 : vector<16xi32>
    %swap3A_2075 = arith.constant 0 : index
    %swap3A_2076 = tpu.vector_load %arg11[%swap3A_2075] {strides = array<i32>} : memref<64xi32, #tpu.memory_space<vmem>>, vector<16xi32>,
    tpu.vector_store %arg11[%swap3A_2075], %add3A_2074 {strides = array<i32>} : memref<64xi32, #tpu.memory_space<vmem>>, vector<16xi32>,
    %add3A_2077 = arith.constant 16 : i32
    %add3A_2078 = vector.broadcast %add3A_2077 : i32 to vector<16xi32>
    %add3A_2079 = arith.addi %iota3A, %add3A_2078 : vector<16xi32>
    %swap3A_2080 = arith.constant 16 : index
    %swap3A_2081 = tpu.vector_load %arg11[%swap3A_2080] {strides = array<i32>} : memref<64xi32, #tpu.memory_space<vmem>>, vector<16xi32>,
    tpu.vector_store %arg11[%swap3A_2080], %add3A_2079 {strides = array<i32>} : memref<64xi32, #tpu.memory_space<vmem>>, vector<16xi32>,
    %add3A_2082 = arith.constant 32 : i32
    %add3A_2083 = vector.broadcast %add3A_2082 : i32 to vector<16xi32>
    %add3A_2084 = arith.addi %iota3A, %add3A_2083 : vector<16xi32>
    %swap3A_2085 = arith.constant 32 : index
    %swap3A_2086 = tpu.vector_load %arg11[%swap3A_2085] {strides = array<i32>} : memref<64xi32, #tpu.memory_space<vmem>>, vector<16xi32>,
    tpu.vector_store %arg11[%swap3A_2085], %add3A_2084 {strides = array<i32>} : memref<64xi32, #tpu.memory_space<vmem>>, vector<16xi32>,
    %add3A_2087 = arith.constant 48 : i32
    %add3A_2088 = vector.broadcast %add3A_2087 : i32 to vector<16xi32>
    %add3A_2089 = arith.addi %iota3A, %add3A_2088 : vector<16xi32>
    %swap3A_2090 = arith.constant 48 : index
    %swap3A_2091 = tpu.vector_load %arg11[%swap3A_2090] {strides = array<i32>} : memref<64xi32, #tpu.memory_space<vmem>>, vector<16xi32>,
    tpu.vector_store %arg11[%swap3A_2090], %add3A_2089 {strides = array<i32>} : memref<64xi32, #tpu.memory_space<vmem>>, vector<16xi32>,
    %eq3A = arith.constant 0 : i32
    %eq3A_2092 = arith.cmpi eq, %arg1, %eq3A : i32
    %convert_element_type3A = arith.extui %eq3A_2092 : i1 to i32
    %cond3A = arith.constant 0 : i32
    %cond3A_2093 = arith.cmpi ne, %convert_element_type3A, %cond3A : i32
    scf.if %cond3A_2093 {
      "tpu.region"() ({
        %run_scoped3A = tpu.sem_alloc : memref<!tpu.dma_semaphore, #tpu.memory_space<semaphore_mem>>
        tpu.enqueue_dma source(%arg10 : memref<64x128xf32, #tpu.memory_space<vmem>>) target(%arg12 : memref<64x128xf32, #tpu.memory_space<vmem_shared>>) target_semaphore(%run_scoped3A : memref<!tpu.dma_semaphore, #tpu.memory_space<semaphore_mem>>)
        tpu.wait_dma2 semaphore(%run_scoped3A : memref<!tpu.dma_semaphore, #tpu.memory_space<semaphore_mem>>) src(%arg10 : memref<64x128xf32, #tpu.memory_space<vmem>>) dst(%arg12 : memref<64x128xf32, #tpu.memory_space<vmem_shared>>)
        tpu.yield
      }) : () -> ()
    } else {
    }
    %barrier3A = arith.constant 0 : index
    tpu.barrier barrier_id(%barrier3A)
    %dma_wait3A = tpu.memref_slice %arg3[%mul3A_2] : memref<160000xi32, #tpu.memory_space<hbm>> -> memref<5000xi32, #tpu.memory_space<hbm>>
    %dma_wait3A_2094 = tpu.memref_slice %arg3[%mul3A_2] : memref<160000xi32, #tpu.memory_space<hbm>> -> memref<5000xi32, #tpu.memory_space<hbm>>
    tpu.wait_dma2 semaphore(%arg17 : memref<!tpu.dma_semaphore, #tpu.memory_space<semaphore_mem>>) src(%dma_wait3A_2094 : memref<5000xi32, #tpu.memory_space<hbm>>) dst(%arg5 : memref<5000xi32, #tpu.memory_space<vmem>>)
    %add3A_2095 = arith.constant 0 : i32
    %add3A_2096 = vector.broadcast %add3A_2095 : i32 to vector<16xi32>
    %add3A_2097 = arith.addi %iota3A, %add3A_2096 : vector<16xi32>
    %broadcast_in_dim3A_2098 = arith.constant 0 : i32
    %broadcast_in_dim3A_2099 = vector.broadcast %broadcast_in_dim3A_2098 : i32 to vector<16xi32>
    %broadcast_in_dim3A_2100 = arith.constant 5000 : i32
    %broadcast_in_dim3A_2101 = vector.broadcast %broadcast_in_dim3A_2100 : i32 to vector<16xi32>
    %lt3A = arith.cmpi slt, %broadcast_in_dim3A_2099, %broadcast_in_dim3A_2101 : vector<16xi32>
    %add3A_2102 = arith.addi %broadcast_in_dim3A_2099, %broadcast_in_dim3A_2101 : vector<16xi32>
    %shift_right_arithmetic3A = arith.constant 1 : i32
    %shift_right_arithmetic3A_2103 = vector.broadcast %shift_right_arithmetic3A : i32 to vector<16xi32>
    %shift_right_arithmetic3A_2104 = arith.shrsi %add3A_2102, %shift_right_arithmetic3A_2103 : vector<16xi32>
    %min3A = arith.constant 4999 : i32
    %min3A_2105 = vector.broadcast %min3A : i32 to vector<16xi32>
    %min3A_2106 = arith.minsi %shift_right_arithmetic3A_2104, %min3A_2105 : vector<16xi32>
    %gather3A = tpu.vector_load_idx %arg5[%min3A_2106] : memref<5000xi32, #tpu.memory_space<vmem>>[vector<16xi32>], vector<16xi32>,
    %lt3A_2107 = arith.cmpi slt, %gather3A, %add3A_2097 : vector<16xi32>
    %and3A = arith.andi %lt3A, %lt3A_2107 : vector<16xi1>
    %add3A_2108 = arith.constant 1 : i32
    %add3A_2109 = vector.broadcast %add3A_2108 : i32 to vector<16xi32>
    %add3A_2110 = arith.addi %shift_right_arithmetic3A_2104, %add3A_2109 : vector<16xi32>
    %select_n3A = arith.select %and3A, %add3A_2110, %broadcast_in_dim3A_2099 : vector<16xi1>, vector<16xi32>
    %not3A = arith.constant dense<true> : vector<16xi1>
    %not3A_2111 = arith.xori %lt3A_2107, %not3A : vector<16xi1>
    %and3A_2112 = arith.andi %lt3A, %not3A_2111 : vector<16xi1>
    %select_n3A_2113 = arith.select %and3A_2112, %shift_right_arithmetic3A_2104, %broadcast_in_dim3A_2101 : vector<16xi1>, vector<16xi32>
    %lt3A_2114 = arith.cmpi slt, %select_n3A, %select_n3A_2113 : vector<16xi32>
    %add3A_2115 = arith.addi %select_n3A, %select_n3A_2113 : vector<16xi32>
    %shift_right_arithmetic3A_2116 = arith.constant 1 : i32
    %shift_right_arithmetic3A_2117 = vector.broadcast %shift_right_arithmetic3A_2116 : i32 to vector<16xi32>
    %shift_right_arithmetic3A_2118 = arith.shrsi %add3A_2115, %shift_right_arithmetic3A_2117 : vector<16xi32>
    %min3A_2119 = arith.constant 4999 : i32
    %min3A_2120 = vector.broadcast %min3A_2119 : i32 to vector<16xi32>
    %min3A_2121 = arith.minsi %shift_right_arithmetic3A_2118, %min3A_2120 : vector<16xi32>
    %gather3A_2122 = tpu.vector_load_idx %arg5[%min3A_2121] : memref<5000xi32, #tpu.memory_space<vmem>>[vector<16xi32>], vector<16xi32>,
    %lt3A_2123 = arith.cmpi slt, %gather3A_2122, %add3A_2097 : vector<16xi32>
    %and3A_2124 = arith.andi %lt3A_2114, %lt3A_2123 : vector<16xi1>
    %add3A_2125 = arith.constant 1 : i32
    %add3A_2126 = vector.broadcast %add3A_2125 : i32 to vector<16xi32>
    %add3A_2127 = arith.addi %shift_right_arithmetic3A_2118, %add3A_2126 : vector<16xi32>
    %select_n3A_2128 = arith.select %and3A_2124, %add3A_2127, %select_n3A : vector<16xi1>, vector<16xi32>
    %not3A_2129 = arith.constant dense<true> : vector<16xi1>
    %not3A_2130 = arith.xori %lt3A_2123, %not3A_2129 : vector<16xi1>
    %and3A_2131 = arith.andi %lt3A_2114, %not3A_2130 : vector<16xi1>
    %select_n3A_2132 = arith.select %and3A_2131, %shift_right_arithmetic3A_2118, %select_n3A_2113 : vector<16xi1>, vector<16xi32>
    %lt3A_2133 = arith.cmpi slt, %select_n3A_2128, %select_n3A_2132 : vector<16xi32>
    %add3A_2134 = arith.addi %select_n3A_2128, %select_n3A_2132 : vector<16xi32>
    %shift_right_arithmetic3A_2135 = arith.constant 1 : i32
    %shift_right_arithmetic3A_2136 = vector.broadcast %shift_right_arithmetic3A_2135 : i32 to vector<16xi32>
    %shift_right_arithmetic3A_2137 = arith.shrsi %add3A_2134, %shift_right_arithmetic3A_2136 : vector<16xi32>
    %min3A_2138 = arith.constant 4999 : i32
    %min3A_2139 = vector.broadcast %min3A_2138 : i32 to vector<16xi32>
    %min3A_2140 = arith.minsi %shift_right_arithmetic3A_2137, %min3A_2139 : vector<16xi32>
    %gather3A_2141 = tpu.vector_load_idx %arg5[%min3A_2140] : memref<5000xi32, #tpu.memory_space<vmem>>[vector<16xi32>], vector<16xi32>,
    %lt3A_2142 = arith.cmpi slt, %gather3A_2141, %add3A_2097 : vector<16xi32>
    %and3A_2143 = arith.andi %lt3A_2133, %lt3A_2142 : vector<16xi1>
    %add3A_2144 = arith.constant 1 : i32
    %add3A_2145 = vector.broadcast %add3A_2144 : i32 to vector<16xi32>
    %add3A_2146 = arith.addi %shift_right_arithmetic3A_2137, %add3A_2145 : vector<16xi32>
    %select_n3A_2147 = arith.select %and3A_2143, %add3A_2146, %select_n3A_2128 : vector<16xi1>, vector<16xi32>
    %not3A_2148 = arith.constant dense<true> : vector<16xi1>
    %not3A_2149 = arith.xori %lt3A_2142, %not3A_2148 : vector<16xi1>
    %and3A_2150 = arith.andi %lt3A_2133, %not3A_2149 : vector<16xi1>
    %select_n3A_2151 = arith.select %and3A_2150, %shift_right_arithmetic3A_2137, %select_n3A_2132 : vector<16xi1>, vector<16xi32>
    %lt3A_2152 = arith.cmpi slt, %select_n3A_2147, %select_n3A_2151 : vector<16xi32>
    %add3A_2153 = arith.addi %select_n3A_2147, %select_n3A_2151 : vector<16xi32>
    %shift_right_arithmetic3A_2154 = arith.constant 1 : i32
    %shift_right_arithmetic3A_2155 = vector.broadcast %shift_right_arithmetic3A_2154 : i32 to vector<16xi32>
    %shift_right_arithmetic3A_2156 = arith.shrsi %add3A_2153, %shift_right_arithmetic3A_2155 : vector<16xi32>
    %min3A_2157 = arith.constant 4999 : i32
    %min3A_2158 = vector.broadcast %min3A_2157 : i32 to vector<16xi32>
    %min3A_2159 = arith.minsi %shift_right_arithmetic3A_2156, %min3A_2158 : vector<16xi32>
    %gather3A_2160 = tpu.vector_load_idx %arg5[%min3A_2159] : memref<5000xi32, #tpu.memory_space<vmem>>[vector<16xi32>], vector<16xi32>,
    %lt3A_2161 = arith.cmpi slt, %gather3A_2160, %add3A_2097 : vector<16xi32>
    %and3A_2162 = arith.andi %lt3A_2152, %lt3A_2161 : vector<16xi1>
    %add3A_2163 = arith.constant 1 : i32
    %add3A_2164 = vector.broadcast %add3A_2163 : i32 to vector<16xi32>
    %add3A_2165 = arith.addi %shift_right_arithmetic3A_2156, %add3A_2164 : vector<16xi32>
    %select_n3A_2166 = arith.select %and3A_2162, %add3A_2165, %select_n3A_2147 : vector<16xi1>, vector<16xi32>
    %not3A_2167 = arith.constant dense<true> : vector<16xi1>
    %not3A_2168 = arith.xori %lt3A_2161, %not3A_2167 : vector<16xi1>
    %and3A_2169 = arith.andi %lt3A_2152, %not3A_2168 : vector<16xi1>
    %select_n3A_2170 = arith.select %and3A_2169, %shift_right_arithmetic3A_2156, %select_n3A_2151 : vector<16xi1>, vector<16xi32>
    %lt3A_2171 = arith.cmpi slt, %select_n3A_2166, %select_n3A_2170 : vector<16xi32>
    %add3A_2172 = arith.addi %select_n3A_2166, %select_n3A_2170 : vector<16xi32>
    %shift_right_arithmetic3A_2173 = arith.constant 1 : i32
    %shift_right_arithmetic3A_2174 = vector.broadcast %shift_right_arithmetic3A_2173 : i32 to vector<16xi32>
    %shift_right_arithmetic3A_2175 = arith.shrsi %add3A_2172, %shift_right_arithmetic3A_2174 : vector<16xi32>
    %min3A_2176 = arith.constant 4999 : i32
    %min3A_2177 = vector.broadcast %min3A_2176 : i32 to vector<16xi32>
    %min3A_2178 = arith.minsi %shift_right_arithmetic3A_2175, %min3A_2177 : vector<16xi32>
    %gather3A_2179 = tpu.vector_load_idx %arg5[%min3A_2178] : memref<5000xi32, #tpu.memory_space<vmem>>[vector<16xi32>], vector<16xi32>,
    %lt3A_2180 = arith.cmpi slt, %gather3A_2179, %add3A_2097 : vector<16xi32>
    %and3A_2181 = arith.andi %lt3A_2171, %lt3A_2180 : vector<16xi1>
    %add3A_2182 = arith.constant 1 : i32
    %add3A_2183 = vector.broadcast %add3A_2182 : i32 to vector<16xi32>
    %add3A_2184 = arith.addi %shift_right_arithmetic3A_2175, %add3A_2183 : vector<16xi32>
    %select_n3A_2185 = arith.select %and3A_2181, %add3A_2184, %select_n3A_2166 : vector<16xi1>, vector<16xi32>
    %not3A_2186 = arith.constant dense<true> : vector<16xi1>
    %not3A_2187 = arith.xori %lt3A_2180, %not3A_2186 : vector<16xi1>
    %and3A_2188 = arith.andi %lt3A_2171, %not3A_2187 : vector<16xi1>
    %select_n3A_2189 = arith.select %and3A_2188, %shift_right_arithmetic3A_2175, %select_n3A_2170 : vector<16xi1>, vector<16xi32>
    %lt3A_2190 = arith.cmpi slt, %select_n3A_2185, %select_n3A_2189 : vector<16xi32>
    %add3A_2191 = arith.addi %select_n3A_2185, %select_n3A_2189 : vector<16xi32>
    %shift_right_arithmetic3A_2192 = arith.constant 1 : i32
    %shift_right_arithmetic3A_2193 = vector.broadcast %shift_right_arithmetic3A_2192 : i32 to vector<16xi32>
    %shift_right_arithmetic3A_2194 = arith.shrsi %add3A_2191, %shift_right_arithmetic3A_2193 : vector<16xi32>
    %min3A_2195 = arith.constant 4999 : i32
    %min3A_2196 = vector.broadcast %min3A_2195 : i32 to vector<16xi32>
    %min3A_2197 = arith.minsi %shift_right_arithmetic3A_2194, %min3A_2196 : vector<16xi32>
    %gather3A_2198 = tpu.vector_load_idx %arg5[%min3A_2197] : memref<5000xi32, #tpu.memory_space<vmem>>[vector<16xi32>], vector<16xi32>,
    %lt3A_2199 = arith.cmpi slt, %gather3A_2198, %add3A_2097 : vector<16xi32>
    %and3A_2200 = arith.andi %lt3A_2190, %lt3A_2199 : vector<16xi1>
    %add3A_2201 = arith.constant 1 : i32
    %add3A_2202 = vector.broadcast %add3A_2201 : i32 to vector<16xi32>
    %add3A_2203 = arith.addi %shift_right_arithmetic3A_2194, %add3A_2202 : vector<16xi32>
    %select_n3A_2204 = arith.select %and3A_2200, %add3A_2203, %select_n3A_2185 : vector<16xi1>, vector<16xi32>
    %not3A_2205 = arith.constant dense<true> : vector<16xi1>
    %not3A_2206 = arith.xori %lt3A_2199, %not3A_2205 : vector<16xi1>
    %and3A_2207 = arith.andi %lt3A_2190, %not3A_2206 : vector<16xi1>
    %select_n3A_2208 = arith.select %and3A_2207, %shift_right_arithmetic3A_2194, %select_n3A_2189 : vector<16xi1>, vector<16xi32>
    %lt3A_2209 = arith.cmpi slt, %select_n3A_2204, %select_n3A_2208 : vector<16xi32>
    %add3A_2210 = arith.addi %select_n3A_2204, %select_n3A_2208 : vector<16xi32>
    %shift_right_arithmetic3A_2211 = arith.constant 1 : i32
    %shift_right_arithmetic3A_2212 = vector.broadcast %shift_right_arithmetic3A_2211 : i32 to vector<16xi32>
    %shift_right_arithmetic3A_2213 = arith.shrsi %add3A_2210, %shift_right_arithmetic3A_2212 : vector<16xi32>
    %min3A_2214 = arith.constant 4999 : i32
    %min3A_2215 = vector.broadcast %min3A_2214 : i32 to vector<16xi32>
    %min3A_2216 = arith.minsi %shift_right_arithmetic3A_2213, %min3A_2215 : vector<16xi32>
    %gather3A_2217 = tpu.vector_load_idx %arg5[%min3A_2216] : memref<5000xi32, #tpu.memory_space<vmem>>[vector<16xi32>], vector<16xi32>,
    %lt3A_2218 = arith.cmpi slt, %gather3A_2217, %add3A_2097 : vector<16xi32>
    %and3A_2219 = arith.andi %lt3A_2209, %lt3A_2218 : vector<16xi1>
    %add3A_2220 = arith.constant 1 : i32
    %add3A_2221 = vector.broadcast %add3A_2220 : i32 to vector<16xi32>
    %add3A_2222 = arith.addi %shift_right_arithmetic3A_2213, %add3A_2221 : vector<16xi32>
    %select_n3A_2223 = arith.select %and3A_2219, %add3A_2222, %select_n3A_2204 : vector<16xi1>, vector<16xi32>
    %not3A_2224 = arith.constant dense<true> : vector<16xi1>
    %not3A_2225 = arith.xori %lt3A_2218, %not3A_2224 : vector<16xi1>
    %and3A_2226 = arith.andi %lt3A_2209, %not3A_2225 : vector<16xi1>
    %select_n3A_2227 = arith.select %and3A_2226, %shift_right_arithmetic3A_2213, %select_n3A_2208 : vector<16xi1>, vector<16xi32>
    %lt3A_2228 = arith.cmpi slt, %select_n3A_2223, %select_n3A_2227 : vector<16xi32>
    %add3A_2229 = arith.addi %select_n3A_2223, %select_n3A_2227 : vector<16xi32>
    %shift_right_arithmetic3A_2230 = arith.constant 1 : i32
    %shift_right_arithmetic3A_2231 = vector.broadcast %shift_right_arithmetic3A_2230 : i32 to vector<16xi32>
    %shift_right_arithmetic3A_2232 = arith.shrsi %add3A_2229, %shift_right_arithmetic3A_2231 : vector<16xi32>
    %min3A_2233 = arith.constant 4999 : i32
    %min3A_2234 = vector.broadcast %min3A_2233 : i32 to vector<16xi32>
    %min3A_2235 = arith.minsi %shift_right_arithmetic3A_2232, %min3A_2234 : vector<16xi32>
    %gather3A_2236 = tpu.vector_load_idx %arg5[%min3A_2235] : memref<5000xi32, #tpu.memory_space<vmem>>[vector<16xi32>], vector<16xi32>,
    %lt3A_2237 = arith.cmpi slt, %gather3A_2236, %add3A_2097 : vector<16xi32>
    %and3A_2238 = arith.andi %lt3A_2228, %lt3A_2237 : vector<16xi1>
    %add3A_2239 = arith.constant 1 : i32
    %add3A_2240 = vector.broadcast %add3A_2239 : i32 to vector<16xi32>
    %add3A_2241 = arith.addi %shift_right_arithmetic3A_2232, %add3A_2240 : vector<16xi32>
    %select_n3A_2242 = arith.select %and3A_2238, %add3A_2241, %select_n3A_2223 : vector<16xi1>, vector<16xi32>
    %not3A_2243 = arith.constant dense<true> : vector<16xi1>
    %not3A_2244 = arith.xori %lt3A_2237, %not3A_2243 : vector<16xi1>
    %and3A_2245 = arith.andi %lt3A_2228, %not3A_2244 : vector<16xi1>
    %select_n3A_2246 = arith.select %and3A_2245, %shift_right_arithmetic3A_2232, %select_n3A_2227 : vector<16xi1>, vector<16xi32>
    %lt3A_2247 = arith.cmpi slt, %select_n3A_2242, %select_n3A_2246 : vector<16xi32>
    %add3A_2248 = arith.addi %select_n3A_2242, %select_n3A_2246 : vector<16xi32>
    %shift_right_arithmetic3A_2249 = arith.constant 1 : i32
    %shift_right_arithmetic3A_2250 = vector.broadcast %shift_right_arithmetic3A_2249 : i32 to vector<16xi32>
    %shift_right_arithmetic3A_2251 = arith.shrsi %add3A_2248, %shift_right_arithmetic3A_2250 : vector<16xi32>
    %min3A_2252 = arith.constant 4999 : i32
    %min3A_2253 = vector.broadcast %min3A_2252 : i32 to vector<16xi32>
    %min3A_2254 = arith.minsi %shift_right_arithmetic3A_2251, %min3A_2253 : vector<16xi32>
    %gather3A_2255 = tpu.vector_load_idx %arg5[%min3A_2254] : memref<5000xi32, #tpu.memory_space<vmem>>[vector<16xi32>], vector<16xi32>,
    %lt3A_2256 = arith.cmpi slt, %gather3A_2255, %add3A_2097 : vector<16xi32>
    %and3A_2257 = arith.andi %lt3A_2247, %lt3A_2256 : vector<16xi1>
    %add3A_2258 = arith.constant 1 : i32
    %add3A_2259 = vector.broadcast %add3A_2258 : i32 to vector<16xi32>
    %add3A_2260 = arith.addi %shift_right_arithmetic3A_2251, %add3A_2259 : vector<16xi32>
    %select_n3A_2261 = arith.select %and3A_2257, %add3A_2260, %select_n3A_2242 : vector<16xi1>, vector<16xi32>
    %not3A_2262 = arith.constant dense<true> : vector<16xi1>
    %not3A_2263 = arith.xori %lt3A_2256, %not3A_2262 : vector<16xi1>
    %and3A_2264 = arith.andi %lt3A_2247, %not3A_2263 : vector<16xi1>
    %select_n3A_2265 = arith.select %and3A_2264, %shift_right_arithmetic3A_2251, %select_n3A_2246 : vector<16xi1>, vector<16xi32>
    %lt3A_2266 = arith.cmpi slt, %select_n3A_2261, %select_n3A_2265 : vector<16xi32>
    %add3A_2267 = arith.addi %select_n3A_2261, %select_n3A_2265 : vector<16xi32>
    %shift_right_arithmetic3A_2268 = arith.constant 1 : i32
    %shift_right_arithmetic3A_2269 = vector.broadcast %shift_right_arithmetic3A_2268 : i32 to vector<16xi32>
    %shift_right_arithmetic3A_2270 = arith.shrsi %add3A_2267, %shift_right_arithmetic3A_2269 : vector<16xi32>
    %min3A_2271 = arith.constant 4999 : i32
    %min3A_2272 = vector.broadcast %min3A_2271 : i32 to vector<16xi32>
    %min3A_2273 = arith.minsi %shift_right_arithmetic3A_2270, %min3A_2272 : vector<16xi32>
    %gather3A_2274 = tpu.vector_load_idx %arg5[%min3A_2273] : memref<5000xi32, #tpu.memory_space<vmem>>[vector<16xi32>], vector<16xi32>,
    %lt3A_2275 = arith.cmpi slt, %gather3A_2274, %add3A_2097 : vector<16xi32>
    %and3A_2276 = arith.andi %lt3A_2266, %lt3A_2275 : vector<16xi1>
    %add3A_2277 = arith.constant 1 : i32
    %add3A_2278 = vector.broadcast %add3A_2277 : i32 to vector<16xi32>
    %add3A_2279 = arith.addi %shift_right_arithmetic3A_2270, %add3A_2278 : vector<16xi32>
    %select_n3A_2280 = arith.select %and3A_2276, %add3A_2279, %select_n3A_2261 : vector<16xi1>, vector<16xi32>
    %not3A_2281 = arith.constant dense<true> : vector<16xi1>
    %not3A_2282 = arith.xori %lt3A_2275, %not3A_2281 : vector<16xi1>
    %and3A_2283 = arith.andi %lt3A_2266, %not3A_2282 : vector<16xi1>
    %select_n3A_2284 = arith.select %and3A_2283, %shift_right_arithmetic3A_2270, %select_n3A_2265 : vector<16xi1>, vector<16xi32>
    %lt3A_2285 = arith.cmpi slt, %select_n3A_2280, %select_n3A_2284 : vector<16xi32>
    %add3A_2286 = arith.addi %select_n3A_2280, %select_n3A_2284 : vector<16xi32>
    %shift_right_arithmetic3A_2287 = arith.constant 1 : i32
    %shift_right_arithmetic3A_2288 = vector.broadcast %shift_right_arithmetic3A_2287 : i32 to vector<16xi32>
    %shift_right_arithmetic3A_2289 = arith.shrsi %add3A_2286, %shift_right_arithmetic3A_2288 : vector<16xi32>
    %min3A_2290 = arith.constant 4999 : i32
    %min3A_2291 = vector.broadcast %min3A_2290 : i32 to vector<16xi32>
    %min3A_2292 = arith.minsi %shift_right_arithmetic3A_2289, %min3A_2291 : vector<16xi32>
    %gather3A_2293 = tpu.vector_load_idx %arg5[%min3A_2292] : memref<5000xi32, #tpu.memory_space<vmem>>[vector<16xi32>], vector<16xi32>,
    %lt3A_2294 = arith.cmpi slt, %gather3A_2293, %add3A_2097 : vector<16xi32>
    %and3A_2295 = arith.andi %lt3A_2285, %lt3A_2294 : vector<16xi1>
    %add3A_2296 = arith.constant 1 : i32
    %add3A_2297 = vector.broadcast %add3A_2296 : i32 to vector<16xi32>
    %add3A_2298 = arith.addi %shift_right_arithmetic3A_2289, %add3A_2297 : vector<16xi32>
    %select_n3A_2299 = arith.select %and3A_2295, %add3A_2298, %select_n3A_2280 : vector<16xi1>, vector<16xi32>
    %not3A_2300 = arith.constant dense<true> : vector<16xi1>
    %not3A_2301 = arith.xori %lt3A_2294, %not3A_2300 : vector<16xi1>
    %and3A_2302 = arith.andi %lt3A_2285, %not3A_2301 : vector<16xi1>
    %select_n3A_2303 = arith.select %and3A_2302, %shift_right_arithmetic3A_2289, %select_n3A_2284 : vector<16xi1>, vector<16xi32>
    %lt3A_2304 = arith.cmpi slt, %select_n3A_2299, %select_n3A_2303 : vector<16xi32>
    %add3A_2305 = arith.addi %select_n3A_2299, %select_n3A_2303 : vector<16xi32>
    %shift_right_arithmetic3A_2306 = arith.constant 1 : i32
    %shift_right_arithmetic3A_2307 = vector.broadcast %shift_right_arithmetic3A_2306 : i32 to vector<16xi32>
    %shift_right_arithmetic3A_2308 = arith.shrsi %add3A_2305, %shift_right_arithmetic3A_2307 : vector<16xi32>
    %min3A_2309 = arith.constant 4999 : i32
    %min3A_2310 = vector.broadcast %min3A_2309 : i32 to vector<16xi32>
    %min3A_2311 = arith.minsi %shift_right_arithmetic3A_2308, %min3A_2310 : vector<16xi32>
    %gather3A_2312 = tpu.vector_load_idx %arg5[%min3A_2311] : memref<5000xi32, #tpu.memory_space<vmem>>[vector<16xi32>], vector<16xi32>,
    %lt3A_2313 = arith.cmpi slt, %gather3A_2312, %add3A_2097 : vector<16xi32>
    %and3A_2314 = arith.andi %lt3A_2304, %lt3A_2313 : vector<16xi1>
    %add3A_2315 = arith.constant 1 : i32
    %add3A_2316 = vector.broadcast %add3A_2315 : i32 to vector<16xi32>
    %add3A_2317 = arith.addi %shift_right_arithmetic3A_2308, %add3A_2316 : vector<16xi32>
    %select_n3A_2318 = arith.select %and3A_2314, %add3A_2317, %select_n3A_2299 : vector<16xi1>, vector<16xi32>
    %not3A_2319 = arith.constant dense<true> : vector<16xi1>
    %not3A_2320 = arith.xori %lt3A_2313, %not3A_2319 : vector<16xi1>
    %and3A_2321 = arith.andi %lt3A_2304, %not3A_2320 : vector<16xi1>
    %select_n3A_2322 = arith.select %and3A_2321, %shift_right_arithmetic3A_2308, %select_n3A_2303 : vector<16xi1>, vector<16xi32>
    %lt3A_2323 = arith.cmpi slt, %select_n3A_2318, %select_n3A_2322 : vector<16xi32>
    %add3A_2324 = arith.addi %select_n3A_2318, %select_n3A_2322 : vector<16xi32>
    %shift_right_arithmetic3A_2325 = arith.constant 1 : i32
    %shift_right_arithmetic3A_2326 = vector.broadcast %shift_right_arithmetic3A_2325 : i32 to vector<16xi32>
    %shift_right_arithmetic3A_2327 = arith.shrsi %add3A_2324, %shift_right_arithmetic3A_2326 : vector<16xi32>
    %min3A_2328 = arith.constant 4999 : i32
    %min3A_2329 = vector.broadcast %min3A_2328 : i32 to vector<16xi32>
    %min3A_2330 = arith.minsi %shift_right_arithmetic3A_2327, %min3A_2329 : vector<16xi32>
    %gather3A_2331 = tpu.vector_load_idx %arg5[%min3A_2330] : memref<5000xi32, #tpu.memory_space<vmem>>[vector<16xi32>], vector<16xi32>,
    %lt3A_2332 = arith.cmpi slt, %gather3A_2331, %add3A_2097 : vector<16xi32>
    %and3A_2333 = arith.andi %lt3A_2323, %lt3A_2332 : vector<16xi1>
    %add3A_2334 = arith.constant 1 : i32
    %add3A_2335 = vector.broadcast %add3A_2334 : i32 to vector<16xi32>
    %add3A_2336 = arith.addi %shift_right_arithmetic3A_2327, %add3A_2335 : vector<16xi32>
    %select_n3A_2337 = arith.select %and3A_2333, %add3A_2336, %select_n3A_2318 : vector<16xi1>, vector<16xi32>
    %not3A_2338 = arith.constant dense<true> : vector<16xi1>
    %not3A_2339 = arith.xori %lt3A_2332, %not3A_2338 : vector<16xi1>
    %and3A_2340 = arith.andi %lt3A_2323, %not3A_2339 : vector<16xi1>
    %select_n3A_2341 = arith.select %and3A_2340, %shift_right_arithmetic3A_2327, %select_n3A_2322 : vector<16xi1>, vector<16xi32>
    %add3A_2342 = arith.constant 16 : i32
    %add3A_2343 = vector.broadcast %add3A_2342 : i32 to vector<16xi32>
    %add3A_2344 = arith.addi %iota3A, %add3A_2343 : vector<16xi32>
    %broadcast_in_dim3A_2345 = arith.constant 0 : i32
    %broadcast_in_dim3A_2346 = vector.broadcast %broadcast_in_dim3A_2345 : i32 to vector<16xi32>
    %broadcast_in_dim3A_2347 = arith.constant 5000 : i32
    %broadcast_in_dim3A_2348 = vector.broadcast %broadcast_in_dim3A_2347 : i32 to vector<16xi32>
    %lt3A_2349 = arith.cmpi slt, %broadcast_in_dim3A_2346, %broadcast_in_dim3A_2348 : vector<16xi32>
    %add3A_2350 = arith.addi %broadcast_in_dim3A_2346, %broadcast_in_dim3A_2348 : vector<16xi32>
    %shift_right_arithmetic3A_2351 = arith.constant 1 : i32
    %shift_right_arithmetic3A_2352 = vector.broadcast %shift_right_arithmetic3A_2351 : i32 to vector<16xi32>
    %shift_right_arithmetic3A_2353 = arith.shrsi %add3A_2350, %shift_right_arithmetic3A_2352 : vector<16xi32>
    %min3A_2354 = arith.constant 4999 : i32
    %min3A_2355 = vector.broadcast %min3A_2354 : i32 to vector<16xi32>
    %min3A_2356 = arith.minsi %shift_right_arithmetic3A_2353, %min3A_2355 : vector<16xi32>
    %gather3A_2357 = tpu.vector_load_idx %arg5[%min3A_2356] : memref<5000xi32, #tpu.memory_space<vmem>>[vector<16xi32>], vector<16xi32>,
    %lt3A_2358 = arith.cmpi slt, %gather3A_2357, %add3A_2344 : vector<16xi32>
    %and3A_2359 = arith.andi %lt3A_2349, %lt3A_2358 : vector<16xi1>
    %add3A_2360 = arith.constant 1 : i32
    %add3A_2361 = vector.broadcast %add3A_2360 : i32 to vector<16xi32>
    %add3A_2362 = arith.addi %shift_right_arithmetic3A_2353, %add3A_2361 : vector<16xi32>
    %select_n3A_2363 = arith.select %and3A_2359, %add3A_2362, %broadcast_in_dim3A_2346 : vector<16xi1>, vector<16xi32>
    %not3A_2364 = arith.constant dense<true> : vector<16xi1>
    %not3A_2365 = arith.xori %lt3A_2358, %not3A_2364 : vector<16xi1>
    %and3A_2366 = arith.andi %lt3A_2349, %not3A_2365 : vector<16xi1>
    %select_n3A_2367 = arith.select %and3A_2366, %shift_right_arithmetic3A_2353, %broadcast_in_dim3A_2348 : vector<16xi1>, vector<16xi32>
    %lt3A_2368 = arith.cmpi slt, %select_n3A_2363, %select_n3A_2367 : vector<16xi32>
    %add3A_2369 = arith.addi %select_n3A_2363, %select_n3A_2367 : vector<16xi32>
    %shift_right_arithmetic3A_2370 = arith.constant 1 : i32
    %shift_right_arithmetic3A_2371 = vector.broadcast %shift_right_arithmetic3A_2370 : i32 to vector<16xi32>
    %shift_right_arithmetic3A_2372 = arith.shrsi %add3A_2369, %shift_right_arithmetic3A_2371 : vector<16xi32>
    %min3A_2373 = arith.constant 4999 : i32
    %min3A_2374 = vector.broadcast %min3A_2373 : i32 to vector<16xi32>
    %min3A_2375 = arith.minsi %shift_right_arithmetic3A_2372, %min3A_2374 : vector<16xi32>
    %gather3A_2376 = tpu.vector_load_idx %arg5[%min3A_2375] : memref<5000xi32, #tpu.memory_space<vmem>>[vector<16xi32>], vector<16xi32>,
    %lt3A_2377 = arith.cmpi slt, %gather3A_2376, %add3A_2344 : vector<16xi32>
    %and3A_2378 = arith.andi %lt3A_2368, %lt3A_2377 : vector<16xi1>
    %add3A_2379 = arith.constant 1 : i32
    %add3A_2380 = vector.broadcast %add3A_2379 : i32 to vector<16xi32>
    %add3A_2381 = arith.addi %shift_right_arithmetic3A_2372, %add3A_2380 : vector<16xi32>
    %select_n3A_2382 = arith.select %and3A_2378, %add3A_2381, %select_n3A_2363 : vector<16xi1>, vector<16xi32>
    %not3A_2383 = arith.constant dense<true> : vector<16xi1>
    %not3A_2384 = arith.xori %lt3A_2377, %not3A_2383 : vector<16xi1>
    %and3A_2385 = arith.andi %lt3A_2368, %not3A_2384 : vector<16xi1>
    %select_n3A_2386 = arith.select %and3A_2385, %shift_right_arithmetic3A_2372, %select_n3A_2367 : vector<16xi1>, vector<16xi32>
    %lt3A_2387 = arith.cmpi slt, %select_n3A_2382, %select_n3A_2386 : vector<16xi32>
    %add3A_2388 = arith.addi %select_n3A_2382, %select_n3A_2386 : vector<16xi32>
    %shift_right_arithmetic3A_2389 = arith.constant 1 : i32
    %shift_right_arithmetic3A_2390 = vector.broadcast %shift_right_arithmetic3A_2389 : i32 to vector<16xi32>
    %shift_right_arithmetic3A_2391 = arith.shrsi %add3A_2388, %shift_right_arithmetic3A_2390 : vector<16xi32>
    %min3A_2392 = arith.constant 4999 : i32
    %min3A_2393 = vector.broadcast %min3A_2392 : i32 to vector<16xi32>
    %min3A_2394 = arith.minsi %shift_right_arithmetic3A_2391, %min3A_2393 : vector<16xi32>
    %gather3A_2395 = tpu.vector_load_idx %arg5[%min3A_2394] : memref<5000xi32, #tpu.memory_space<vmem>>[vector<16xi32>], vector<16xi32>,
    %lt3A_2396 = arith.cmpi slt, %gather3A_2395, %add3A_2344 : vector<16xi32>
    %and3A_2397 = arith.andi %lt3A_2387, %lt3A_2396 : vector<16xi1>
    %add3A_2398 = arith.constant 1 : i32
    %add3A_2399 = vector.broadcast %add3A_2398 : i32 to vector<16xi32>
    %add3A_2400 = arith.addi %shift_right_arithmetic3A_2391, %add3A_2399 : vector<16xi32>
    %select_n3A_2401 = arith.select %and3A_2397, %add3A_2400, %select_n3A_2382 : vector<16xi1>, vector<16xi32>
    %not3A_2402 = arith.constant dense<true> : vector<16xi1>
    %not3A_2403 = arith.xori %lt3A_2396, %not3A_2402 : vector<16xi1>
    %and3A_2404 = arith.andi %lt3A_2387, %not3A_2403 : vector<16xi1>
    %select_n3A_2405 = arith.select %and3A_2404, %shift_right_arithmetic3A_2391, %select_n3A_2386 : vector<16xi1>, vector<16xi32>
    %lt3A_2406 = arith.cmpi slt, %select_n3A_2401, %select_n3A_2405 : vector<16xi32>
    %add3A_2407 = arith.addi %select_n3A_2401, %select_n3A_2405 : vector<16xi32>
    %shift_right_arithmetic3A_2408 = arith.constant 1 : i32
    %shift_right_arithmetic3A_2409 = vector.broadcast %shift_right_arithmetic3A_2408 : i32 to vector<16xi32>
    %shift_right_arithmetic3A_2410 = arith.shrsi %add3A_2407, %shift_right_arithmetic3A_2409 : vector<16xi32>
    %min3A_2411 = arith.constant 4999 : i32
    %min3A_2412 = vector.broadcast %min3A_2411 : i32 to vector<16xi32>
    %min3A_2413 = arith.minsi %shift_right_arithmetic3A_2410, %min3A_2412 : vector<16xi32>
    %gather3A_2414 = tpu.vector_load_idx %arg5[%min3A_2413] : memref<5000xi32, #tpu.memory_space<vmem>>[vector<16xi32>], vector<16xi32>,
    %lt3A_2415 = arith.cmpi slt, %gather3A_2414, %add3A_2344 : vector<16xi32>
    %and3A_2416 = arith.andi %lt3A_2406, %lt3A_2415 : vector<16xi1>
    %add3A_2417 = arith.constant 1 : i32
    %add3A_2418 = vector.broadcast %add3A_2417 : i32 to vector<16xi32>
    %add3A_2419 = arith.addi %shift_right_arithmetic3A_2410, %add3A_2418 : vector<16xi32>
    %select_n3A_2420 = arith.select %and3A_2416, %add3A_2419, %select_n3A_2401 : vector<16xi1>, vector<16xi32>
    %not3A_2421 = arith.constant dense<true> : vector<16xi1>
    %not3A_2422 = arith.xori %lt3A_2415, %not3A_2421 : vector<16xi1>
    %and3A_2423 = arith.andi %lt3A_2406, %not3A_2422 : vector<16xi1>
    %select_n3A_2424 = arith.select %and3A_2423, %shift_right_arithmetic3A_2410, %select_n3A_2405 : vector<16xi1>, vector<16xi32>
    %lt3A_2425 = arith.cmpi slt, %select_n3A_2420, %select_n3A_2424 : vector<16xi32>
    %add3A_2426 = arith.addi %select_n3A_2420, %select_n3A_2424 : vector<16xi32>
    %shift_right_arithmetic3A_2427 = arith.constant 1 : i32
    %shift_right_arithmetic3A_2428 = vector.broadcast %shift_right_arithmetic3A_2427 : i32 to vector<16xi32>
    %shift_right_arithmetic3A_2429 = arith.shrsi %add3A_2426, %shift_right_arithmetic3A_2428 : vector<16xi32>
    %min3A_2430 = arith.constant 4999 : i32
    %min3A_2431 = vector.broadcast %min3A_2430 : i32 to vector<16xi32>
    %min3A_2432 = arith.minsi %shift_right_arithmetic3A_2429, %min3A_2431 : vector<16xi32>
    %gather3A_2433 = tpu.vector_load_idx %arg5[%min3A_2432] : memref<5000xi32, #tpu.memory_space<vmem>>[vector<16xi32>], vector<16xi32>,
    %lt3A_2434 = arith.cmpi slt, %gather3A_2433, %add3A_2344 : vector<16xi32>
    %and3A_2435 = arith.andi %lt3A_2425, %lt3A_2434 : vector<16xi1>
    %add3A_2436 = arith.constant 1 : i32
    %add3A_2437 = vector.broadcast %add3A_2436 : i32 to vector<16xi32>
    %add3A_2438 = arith.addi %shift_right_arithmetic3A_2429, %add3A_2437 : vector<16xi32>
    %select_n3A_2439 = arith.select %and3A_2435, %add3A_2438, %select_n3A_2420 : vector<16xi1>, vector<16xi32>
    %not3A_2440 = arith.constant dense<true> : vector<16xi1>
    %not3A_2441 = arith.xori %lt3A_2434, %not3A_2440 : vector<16xi1>
    %and3A_2442 = arith.andi %lt3A_2425, %not3A_2441 : vector<16xi1>
    %select_n3A_2443 = arith.select %and3A_2442, %shift_right_arithmetic3A_2429, %select_n3A_2424 : vector<16xi1>, vector<16xi32>
    %lt3A_2444 = arith.cmpi slt, %select_n3A_2439, %select_n3A_2443 : vector<16xi32>
    %add3A_2445 = arith.addi %select_n3A_2439, %select_n3A_2443 : vector<16xi32>
    %shift_right_arithmetic3A_2446 = arith.constant 1 : i32
    %shift_right_arithmetic3A_2447 = vector.broadcast %shift_right_arithmetic3A_2446 : i32 to vector<16xi32>
    %shift_right_arithmetic3A_2448 = arith.shrsi %add3A_2445, %shift_right_arithmetic3A_2447 : vector<16xi32>
    %min3A_2449 = arith.constant 4999 : i32
    %min3A_2450 = vector.broadcast %min3A_2449 : i32 to vector<16xi32>
    %min3A_2451 = arith.minsi %shift_right_arithmetic3A_2448, %min3A_2450 : vector<16xi32>
    %gather3A_2452 = tpu.vector_load_idx %arg5[%min3A_2451] : memref<5000xi32, #tpu.memory_space<vmem>>[vector<16xi32>], vector<16xi32>,
    %lt3A_2453 = arith.cmpi slt, %gather3A_2452, %add3A_2344 : vector<16xi32>
    %and3A_2454 = arith.andi %lt3A_2444, %lt3A_2453 : vector<16xi1>
    %add3A_2455 = arith.constant 1 : i32
    %add3A_2456 = vector.broadcast %add3A_2455 : i32 to vector<16xi32>
    %add3A_2457 = arith.addi %shift_right_arithmetic3A_2448, %add3A_2456 : vector<16xi32>
    %select_n3A_2458 = arith.select %and3A_2454, %add3A_2457, %select_n3A_2439 : vector<16xi1>, vector<16xi32>
    %not3A_2459 = arith.constant dense<true> : vector<16xi1>
    %not3A_2460 = arith.xori %lt3A_2453, %not3A_2459 : vector<16xi1>
    %and3A_2461 = arith.andi %lt3A_2444, %not3A_2460 : vector<16xi1>
    %select_n3A_2462 = arith.select %and3A_2461, %shift_right_arithmetic3A_2448, %select_n3A_2443 : vector<16xi1>, vector<16xi32>
    %lt3A_2463 = arith.cmpi slt, %select_n3A_2458, %select_n3A_2462 : vector<16xi32>
    %add3A_2464 = arith.addi %select_n3A_2458, %select_n3A_2462 : vector<16xi32>
    %shift_right_arithmetic3A_2465 = arith.constant 1 : i32
    %shift_right_arithmetic3A_2466 = vector.broadcast %shift_right_arithmetic3A_2465 : i32 to vector<16xi32>
    %shift_right_arithmetic3A_2467 = arith.shrsi %add3A_2464, %shift_right_arithmetic3A_2466 : vector<16xi32>
    %min3A_2468 = arith.constant 4999 : i32
    %min3A_2469 = vector.broadcast %min3A_2468 : i32 to vector<16xi32>
    %min3A_2470 = arith.minsi %shift_right_arithmetic3A_2467, %min3A_2469 : vector<16xi32>
    %gather3A_2471 = tpu.vector_load_idx %arg5[%min3A_2470] : memref<5000xi32, #tpu.memory_space<vmem>>[vector<16xi32>], vector<16xi32>,
    %lt3A_2472 = arith.cmpi slt, %gather3A_2471, %add3A_2344 : vector<16xi32>
    %and3A_2473 = arith.andi %lt3A_2463, %lt3A_2472 : vector<16xi1>
    %add3A_2474 = arith.constant 1 : i32
    %add3A_2475 = vector.broadcast %add3A_2474 : i32 to vector<16xi32>
    %add3A_2476 = arith.addi %shift_right_arithmetic3A_2467, %add3A_2475 : vector<16xi32>
    %select_n3A_2477 = arith.select %and3A_2473, %add3A_2476, %select_n3A_2458 : vector<16xi1>, vector<16xi32>
    %not3A_2478 = arith.constant dense<true> : vector<16xi1>
    %not3A_2479 = arith.xori %lt3A_2472, %not3A_2478 : vector<16xi1>
    %and3A_2480 = arith.andi %lt3A_2463, %not3A_2479 : vector<16xi1>
    %select_n3A_2481 = arith.select %and3A_2480, %shift_right_arithmetic3A_2467, %select_n3A_2462 : vector<16xi1>, vector<16xi32>
    %lt3A_2482 = arith.cmpi slt, %select_n3A_2477, %select_n3A_2481 : vector<16xi32>
    %add3A_2483 = arith.addi %select_n3A_2477, %select_n3A_2481 : vector<16xi32>
    %shift_right_arithmetic3A_2484 = arith.constant 1 : i32
    %shift_right_arithmetic3A_2485 = vector.broadcast %shift_right_arithmetic3A_2484 : i32 to vector<16xi32>
    %shift_right_arithmetic3A_2486 = arith.shrsi %add3A_2483, %shift_right_arithmetic3A_2485 : vector<16xi32>
    %min3A_2487 = arith.constant 4999 : i32
    %min3A_2488 = vector.broadcast %min3A_2487 : i32 to vector<16xi32>
    %min3A_2489 = arith.minsi %shift_right_arithmetic3A_2486, %min3A_2488 : vector<16xi32>
    %gather3A_2490 = tpu.vector_load_idx %arg5[%min3A_2489] : memref<5000xi32, #tpu.memory_space<vmem>>[vector<16xi32>], vector<16xi32>,
    %lt3A_2491 = arith.cmpi slt, %gather3A_2490, %add3A_2344 : vector<16xi32>
    %and3A_2492 = arith.andi %lt3A_2482, %lt3A_2491 : vector<16xi1>
    %add3A_2493 = arith.constant 1 : i32
    %add3A_2494 = vector.broadcast %add3A_2493 : i32 to vector<16xi32>
    %add3A_2495 = arith.addi %shift_right_arithmetic3A_2486, %add3A_2494 : vector<16xi32>
    %select_n3A_2496 = arith.select %and3A_2492, %add3A_2495, %select_n3A_2477 : vector<16xi1>, vector<16xi32>
    %not3A_2497 = arith.constant dense<true> : vector<16xi1>
    %not3A_2498 = arith.xori %lt3A_2491, %not3A_2497 : vector<16xi1>
    %and3A_2499 = arith.andi %lt3A_2482, %not3A_2498 : vector<16xi1>
    %select_n3A_2500 = arith.select %and3A_2499, %shift_right_arithmetic3A_2486, %select_n3A_2481 : vector<16xi1>, vector<16xi32>
    %lt3A_2501 = arith.cmpi slt, %select_n3A_2496, %select_n3A_2500 : vector<16xi32>
    %add3A_2502 = arith.addi %select_n3A_2496, %select_n3A_2500 : vector<16xi32>
    %shift_right_arithmetic3A_2503 = arith.constant 1 : i32
    %shift_right_arithmetic3A_2504 = vector.broadcast %shift_right_arithmetic3A_2503 : i32 to vector<16xi32>
    %shift_right_arithmetic3A_2505 = arith.shrsi %add3A_2502, %shift_right_arithmetic3A_2504 : vector<16xi32>
    %min3A_2506 = arith.constant 4999 : i32
    %min3A_2507 = vector.broadcast %min3A_2506 : i32 to vector<16xi32>
    %min3A_2508 = arith.minsi %shift_right_arithmetic3A_2505, %min3A_2507 : vector<16xi32>
    %gather3A_2509 = tpu.vector_load_idx %arg5[%min3A_2508] : memref<5000xi32, #tpu.memory_space<vmem>>[vector<16xi32>], vector<16xi32>,
    %lt3A_2510 = arith.cmpi slt, %gather3A_2509, %add3A_2344 : vector<16xi32>
    %and3A_2511 = arith.andi %lt3A_2501, %lt3A_2510 : vector<16xi1>
    %add3A_2512 = arith.constant 1 : i32
    %add3A_2513 = vector.broadcast %add3A_2512 : i32 to vector<16xi32>
    %add3A_2514 = arith.addi %shift_right_arithmetic3A_2505, %add3A_2513 : vector<16xi32>
    %select_n3A_2515 = arith.select %and3A_2511, %add3A_2514, %select_n3A_2496 : vector<16xi1>, vector<16xi32>
    %not3A_2516 = arith.constant dense<true> : vector<16xi1>
    %not3A_2517 = arith.xori %lt3A_2510, %not3A_2516 : vector<16xi1>
    %and3A_2518 = arith.andi %lt3A_2501, %not3A_2517 : vector<16xi1>
    %select_n3A_2519 = arith.select %and3A_2518, %shift_right_arithmetic3A_2505, %select_n3A_2500 : vector<16xi1>, vector<16xi32>
    %lt3A_2520 = arith.cmpi slt, %select_n3A_2515, %select_n3A_2519 : vector<16xi32>
    %add3A_2521 = arith.addi %select_n3A_2515, %select_n3A_2519 : vector<16xi32>
    %shift_right_arithmetic3A_2522 = arith.constant 1 : i32
    %shift_right_arithmetic3A_2523 = vector.broadcast %shift_right_arithmetic3A_2522 : i32 to vector<16xi32>
    %shift_right_arithmetic3A_2524 = arith.shrsi %add3A_2521, %shift_right_arithmetic3A_2523 : vector<16xi32>
    %min3A_2525 = arith.constant 4999 : i32
    %min3A_2526 = vector.broadcast %min3A_2525 : i32 to vector<16xi32>
    %min3A_2527 = arith.minsi %shift_right_arithmetic3A_2524, %min3A_2526 : vector<16xi32>
    %gather3A_2528 = tpu.vector_load_idx %arg5[%min3A_2527] : memref<5000xi32, #tpu.memory_space<vmem>>[vector<16xi32>], vector<16xi32>,
    %lt3A_2529 = arith.cmpi slt, %gather3A_2528, %add3A_2344 : vector<16xi32>
    %and3A_2530 = arith.andi %lt3A_2520, %lt3A_2529 : vector<16xi1>
    %add3A_2531 = arith.constant 1 : i32
    %add3A_2532 = vector.broadcast %add3A_2531 : i32 to vector<16xi32>
    %add3A_2533 = arith.addi %shift_right_arithmetic3A_2524, %add3A_2532 : vector<16xi32>
    %select_n3A_2534 = arith.select %and3A_2530, %add3A_2533, %select_n3A_2515 : vector<16xi1>, vector<16xi32>
    %not3A_2535 = arith.constant dense<true> : vector<16xi1>
    %not3A_2536 = arith.xori %lt3A_2529, %not3A_2535 : vector<16xi1>
    %and3A_2537 = arith.andi %lt3A_2520, %not3A_2536 : vector<16xi1>
    %select_n3A_2538 = arith.select %and3A_2537, %shift_right_arithmetic3A_2524, %select_n3A_2519 : vector<16xi1>, vector<16xi32>
    %lt3A_2539 = arith.cmpi slt, %select_n3A_2534, %select_n3A_2538 : vector<16xi32>
    %add3A_2540 = arith.addi %select_n3A_2534, %select_n3A_2538 : vector<16xi32>
    %shift_right_arithmetic3A_2541 = arith.constant 1 : i32
    %shift_right_arithmetic3A_2542 = vector.broadcast %shift_right_arithmetic3A_2541 : i32 to vector<16xi32>
    %shift_right_arithmetic3A_2543 = arith.shrsi %add3A_2540, %shift_right_arithmetic3A_2542 : vector<16xi32>
    %min3A_2544 = arith.constant 4999 : i32
    %min3A_2545 = vector.broadcast %min3A_2544 : i32 to vector<16xi32>
    %min3A_2546 = arith.minsi %shift_right_arithmetic3A_2543, %min3A_2545 : vector<16xi32>
    %gather3A_2547 = tpu.vector_load_idx %arg5[%min3A_2546] : memref<5000xi32, #tpu.memory_space<vmem>>[vector<16xi32>], vector<16xi32>,
    %lt3A_2548 = arith.cmpi slt, %gather3A_2547, %add3A_2344 : vector<16xi32>
    %and3A_2549 = arith.andi %lt3A_2539, %lt3A_2548 : vector<16xi1>
    %add3A_2550 = arith.constant 1 : i32
    %add3A_2551 = vector.broadcast %add3A_2550 : i32 to vector<16xi32>
    %add3A_2552 = arith.addi %shift_right_arithmetic3A_2543, %add3A_2551 : vector<16xi32>
    %select_n3A_2553 = arith.select %and3A_2549, %add3A_2552, %select_n3A_2534 : vector<16xi1>, vector<16xi32>
    %not3A_2554 = arith.constant dense<true> : vector<16xi1>
    %not3A_2555 = arith.xori %lt3A_2548, %not3A_2554 : vector<16xi1>
    %and3A_2556 = arith.andi %lt3A_2539, %not3A_2555 : vector<16xi1>
    %select_n3A_2557 = arith.select %and3A_2556, %shift_right_arithmetic3A_2543, %select_n3A_2538 : vector<16xi1>, vector<16xi32>
    %lt3A_2558 = arith.cmpi slt, %select_n3A_2553, %select_n3A_2557 : vector<16xi32>
    %add3A_2559 = arith.addi %select_n3A_2553, %select_n3A_2557 : vector<16xi32>
    %shift_right_arithmetic3A_2560 = arith.constant 1 : i32
    %shift_right_arithmetic3A_2561 = vector.broadcast %shift_right_arithmetic3A_2560 : i32 to vector<16xi32>
    %shift_right_arithmetic3A_2562 = arith.shrsi %add3A_2559, %shift_right_arithmetic3A_2561 : vector<16xi32>
    %min3A_2563 = arith.constant 4999 : i32
    %min3A_2564 = vector.broadcast %min3A_2563 : i32 to vector<16xi32>
    %min3A_2565 = arith.minsi %shift_right_arithmetic3A_2562, %min3A_2564 : vector<16xi32>
    %gather3A_2566 = tpu.vector_load_idx %arg5[%min3A_2565] : memref<5000xi32, #tpu.memory_space<vmem>>[vector<16xi32>], vector<16xi32>,
    %lt3A_2567 = arith.cmpi slt, %gather3A_2566, %add3A_2344 : vector<16xi32>
    %and3A_2568 = arith.andi %lt3A_2558, %lt3A_2567 : vector<16xi1>
    %add3A_2569 = arith.constant 1 : i32
    %add3A_2570 = vector.broadcast %add3A_2569 : i32 to vector<16xi32>
    %add3A_2571 = arith.addi %shift_right_arithmetic3A_2562, %add3A_2570 : vector<16xi32>
    %select_n3A_2572 = arith.select %and3A_2568, %add3A_2571, %select_n3A_2553 : vector<16xi1>, vector<16xi32>
    %not3A_2573 = arith.constant dense<true> : vector<16xi1>
    %not3A_2574 = arith.xori %lt3A_2567, %not3A_2573 : vector<16xi1>
    %and3A_2575 = arith.andi %lt3A_2558, %not3A_2574 : vector<16xi1>
    %select_n3A_2576 = arith.select %and3A_2575, %shift_right_arithmetic3A_2562, %select_n3A_2557 : vector<16xi1>, vector<16xi32>
    %lt3A_2577 = arith.cmpi slt, %select_n3A_2572, %select_n3A_2576 : vector<16xi32>
    %add3A_2578 = arith.addi %select_n3A_2572, %select_n3A_2576 : vector<16xi32>
    %shift_right_arithmetic3A_2579 = arith.constant 1 : i32
    %shift_right_arithmetic3A_2580 = vector.broadcast %shift_right_arithmetic3A_2579 : i32 to vector<16xi32>
    %shift_right_arithmetic3A_2581 = arith.shrsi %add3A_2578, %shift_right_arithmetic3A_2580 : vector<16xi32>
    %min3A_2582 = arith.constant 4999 : i32
    %min3A_2583 = vector.broadcast %min3A_2582 : i32 to vector<16xi32>
    %min3A_2584 = arith.minsi %shift_right_arithmetic3A_2581, %min3A_2583 : vector<16xi32>
    %gather3A_2585 = tpu.vector_load_idx %arg5[%min3A_2584] : memref<5000xi32, #tpu.memory_space<vmem>>[vector<16xi32>], vector<16xi32>,
    %lt3A_2586 = arith.cmpi slt, %gather3A_2585, %add3A_2344 : vector<16xi32>
    %and3A_2587 = arith.andi %lt3A_2577, %lt3A_2586 : vector<16xi1>
    %add3A_2588 = arith.constant 1 : i32
    %add3A_2589 = vector.broadcast %add3A_2588 : i32 to vector<16xi32>
    %add3A_2590 = arith.addi %shift_right_arithmetic3A_2581, %add3A_2589 : vector<16xi32>
    %select_n3A_2591 = arith.select %and3A_2587, %add3A_2590, %select_n3A_2572 : vector<16xi1>, vector<16xi32>
    %not3A_2592 = arith.constant dense<true> : vector<16xi1>
    %not3A_2593 = arith.xori %lt3A_2586, %not3A_2592 : vector<16xi1>
    %and3A_2594 = arith.andi %lt3A_2577, %not3A_2593 : vector<16xi1>
    %select_n3A_2595 = arith.select %and3A_2594, %shift_right_arithmetic3A_2581, %select_n3A_2576 : vector<16xi1>, vector<16xi32>
    %broadcast_in_dim3A_2596 = arith.constant 0.000000e+00 : f32
    %broadcast_in_dim3A_2597 = vector.broadcast %broadcast_in_dim3A_2596 : f32 to vector<16xf32>
    %broadcast_in_dim3A_2598 = arith.constant 0.000000e+00 : f32
    %broadcast_in_dim3A_2599 = vector.broadcast %broadcast_in_dim3A_2598 : f32 to vector<16xf32>
    %broadcast_in_dim3A_2600 = arith.constant 0.000000e+00 : f32
    %broadcast_in_dim3A_2601 = vector.broadcast %broadcast_in_dim3A_2600 : f32 to vector<16xf32>
    %broadcast_in_dim3A_2602 = arith.constant 0.000000e+00 : f32
    %broadcast_in_dim3A_2603 = vector.broadcast %broadcast_in_dim3A_2602 : f32 to vector<16xf32>
    %broadcast_in_dim3A_2604 = arith.constant 0.000000e+00 : f32
    %broadcast_in_dim3A_2605 = vector.broadcast %broadcast_in_dim3A_2604 : f32 to vector<16xf32>
    %broadcast_in_dim3A_2606 = arith.constant 0.000000e+00 : f32
    %broadcast_in_dim3A_2607 = vector.broadcast %broadcast_in_dim3A_2606 : f32 to vector<16xf32>
    %broadcast_in_dim3A_2608 = arith.constant 0.000000e+00 : f32
    %broadcast_in_dim3A_2609 = vector.broadcast %broadcast_in_dim3A_2608 : f32 to vector<16xf32>
    %broadcast_in_dim3A_2610 = arith.constant 0.000000e+00 : f32
    %broadcast_in_dim3A_2611 = vector.broadcast %broadcast_in_dim3A_2610 : f32 to vector<16xf32>
    %broadcast_in_dim3A_2612 = arith.constant 0.000000e+00 : f32
    %broadcast_in_dim3A_2613 = vector.broadcast %broadcast_in_dim3A_2612 : f32 to vector<16xf32>
    %broadcast_in_dim3A_2614 = arith.constant 0.000000e+00 : f32
    %broadcast_in_dim3A_2615 = vector.broadcast %broadcast_in_dim3A_2614 : f32 to vector<16xf32>
    %broadcast_in_dim3A_2616 = arith.constant 0.000000e+00 : f32
    %broadcast_in_dim3A_2617 = vector.broadcast %broadcast_in_dim3A_2616 : f32 to vector<16xf32>
    %broadcast_in_dim3A_2618 = arith.constant 0.000000e+00 : f32
    %broadcast_in_dim3A_2619 = vector.broadcast %broadcast_in_dim3A_2618 : f32 to vector<16xf32>
    %broadcast_in_dim3A_2620 = arith.constant 0.000000e+00 : f32
    %broadcast_in_dim3A_2621 = vector.broadcast %broadcast_in_dim3A_2620 : f32 to vector<16xf32>
    %broadcast_in_dim3A_2622 = arith.constant 0.000000e+00 : f32
    %broadcast_in_dim3A_2623 = vector.broadcast %broadcast_in_dim3A_2622 : f32 to vector<16xf32>
    %broadcast_in_dim3A_2624 = arith.constant 0.000000e+00 : f32
    %broadcast_in_dim3A_2625 = vector.broadcast %broadcast_in_dim3A_2624 : f32 to vector<16xf32>
    %broadcast_in_dim3A_2626 = arith.constant 0.000000e+00 : f32
    %broadcast_in_dim3A_2627 = vector.broadcast %broadcast_in_dim3A_2626 : f32 to vector<16xf32>
    %scan3A = arith.constant 0 : i32
    %scan3A_2628 = arith.constant 0 : i32
    %scan3A_2629 = arith.constant 12 : i32
    %scan3A_2630 = arith.addi %scan3A_2628, %scan3A_2629 : i32
    %scan3A_2631 = arith.constant 1 : i32
    %scan3A_2632:17 = scf.for %scan3A_2828 = %scan3A_2628 to %scan3A_2630 step %scan3A_2631 iter_args(%scan3A_2829 = %scan3A, %scan3A_2830 = %broadcast_in_dim3A_2597, %scan3A_2831 = %broadcast_in_dim3A_2599, %scan3A_2832 = %broadcast_in_dim3A_2601, %scan3A_2833 = %broadcast_in_dim3A_2603, %scan3A_2834 = %broadcast_in_dim3A_2605, %scan3A_2835 = %broadcast_in_dim3A_2607, %scan3A_2836 = %broadcast_in_dim3A_2609, %scan3A_2837 = %broadcast_in_dim3A_2611, %scan3A_2838 = %broadcast_in_dim3A_2613, %scan3A_2839 = %broadcast_in_dim3A_2615, %scan3A_2840 = %broadcast_in_dim3A_2617, %scan3A_2841 = %broadcast_in_dim3A_2619, %scan3A_2842 = %broadcast_in_dim3A_2621, %scan3A_2843 = %broadcast_in_dim3A_2623, %scan3A_2844 = %broadcast_in_dim3A_2625, %scan3A_2845 = %broadcast_in_dim3A_2627) -> (i32, vector<16xf32>, vector<16xf32>, vector<16xf32>, vector<16xf32>, vector<16xf32>, vector<16xf32>, vector<16xf32>, vector<16xf32>, vector<16xf32>, vector<16xf32>, vector<16xf32>, vector<16xf32>, vector<16xf32>, vector<16xf32>, vector<16xf32>, vector<16xf32>)  : i32 {
      %mul3A_2846 = arith.constant 2 : i32
      %mul3A_2847 = arith.muli %scan3A_2828, %mul3A_2846 : i32
      %add3A_2848 = arith.constant 0 : i32
      %add3A_2849 = arith.addi %mul3A_2847, %add3A_2848 : i32
      %mul3A_2850 = arith.constant 200 : i32
      %mul3A_2851 = arith.muli %add3A_2849, %mul3A_2850 : i32
      %add3A_2852 = arith.addi %mul3A_2, %mul3A_2851 : i32
      %dma_wait3A_2853 = arith.constant 0 : i32
      %dma_wait3A_2854 = tpu.memref_slice %arg2[%add3A_2852, %dma_wait3A_2853] : memref<160000x256xf32, #tpu.memory_space<hbm>> -> memref<200x128xf32, #tpu.memory_space<hbm>>
      %dma_wait3A_2855 = arith.constant 0 : i32
      %dma_wait3A_2856 = tpu.memref_slice %arg2[%add3A_2852, %dma_wait3A_2855] : memref<160000x256xf32, #tpu.memory_space<hbm>> -> memref<200x128xf32, #tpu.memory_space<hbm>>
      tpu.wait_dma2 semaphore(%arg13 : memref<!tpu.dma_semaphore, #tpu.memory_space<semaphore_mem>>) src(%dma_wait3A_2856 : memref<200x128xf32, #tpu.memory_space<hbm>>) dst(%arg6 : memref<200x128xf32, #tpu.memory_space<vmem>>)
      %dma_wait3A_2857 = arith.constant 128 : i32
      %dma_wait3A_2858 = tpu.memref_slice %arg2[%add3A_2852, %dma_wait3A_2857] : memref<160000x256xf32, #tpu.memory_space<hbm>> -> memref<200x128xf32, #tpu.memory_space<hbm>>
      %dma_wait3A_2859 = arith.constant 128 : i32
      %dma_wait3A_2860 = tpu.memref_slice %arg2[%add3A_2852, %dma_wait3A_2859] : memref<160000x256xf32, #tpu.memory_space<hbm>> -> memref<200x128xf32, #tpu.memory_space<hbm>>
      tpu.wait_dma2 semaphore(%arg14 : memref<!tpu.dma_semaphore, #tpu.memory_space<semaphore_mem>>) src(%dma_wait3A_2860 : memref<200x128xf32, #tpu.memory_space<hbm>>) dst(%arg7 : memref<200x128xf32, #tpu.memory_space<vmem>>)
      %mul3A_2861 = arith.constant 200 : i32
      %mul3A_2862 = arith.muli %add3A_2849, %mul3A_2861 : i32
      %add3A_2863 = arith.constant 200 : i32
      %add3A_2864 = arith.addi %mul3A_2862, %add3A_2863 : i32
      %while3A_2865:18 = scf.while (%while3A_2900 = %mul3A_2862, %while3A_2901 = %scan3A_2829, %while3A_2902 = %scan3A_2830, %while3A_2903 = %scan3A_2831, %while3A_2904 = %scan3A_2832, %while3A_2905 = %scan3A_2833, %while3A_2906 = %scan3A_2834, %while3A_2907 = %scan3A_2835, %while3A_2908 = %scan3A_2836, %while3A_2909 = %scan3A_2837, %while3A_2910 = %scan3A_2838, %while3A_2911 = %scan3A_2839, %while3A_2912 = %scan3A_2840, %while3A_2913 = %scan3A_2841, %while3A_2914 = %scan3A_2842, %while3A_2915 = %scan3A_2843, %while3A_2916 = %scan3A_2844, %while3A_2917 = %scan3A_2845) : (i32, i32, vector<16xf32>, vector<16xf32>, vector<16xf32>, vector<16xf32>, vector<16xf32>, vector<16xf32>, vector<16xf32>, vector<16xf32>, vector<16xf32>, vector<16xf32>, vector<16xf32>, vector<16xf32>, vector<16xf32>, vector<16xf32>, vector<16xf32>, vector<16xf32>) -> (i32, i32, vector<16xf32>, vector<16xf32>, vector<16xf32>, vector<16xf32>, vector<16xf32>, vector<16xf32>, vector<16xf32>, vector<16xf32>, vector<16xf32>, vector<16xf32>, vector<16xf32>, vector<16xf32>, vector<16xf32>, vector<16xf32>, vector<16xf32>, vector<16xf32>) {
        %lt3A_2918 = arith.cmpi slt, %while3A_2900, %add3A_2864 : i32
        scf.condition(%lt3A_2918) %while3A_2900, %while3A_2901, %while3A_2902, %while3A_2903, %while3A_2904, %while3A_2905, %while3A_2906, %while3A_2907, %while3A_2908, %while3A_2909, %while3A_2910, %while3A_2911, %while3A_2912, %while3A_2913, %while3A_2914, %while3A_2915, %while3A_2916, %while3A_2917 : i32, i32, vector<16xf32>, vector<16xf32>, vector<16xf32>, vector<16xf32>, vector<16xf32>, vector<16xf32>, vector<16xf32>, vector<16xf32>, vector<16xf32>, vector<16xf32>, vector<16xf32>, vector<16xf32>, vector<16xf32>, vector<16xf32>, vector<16xf32>, vector<16xf32>
      } do {
      ^bb0(%while3A_2900: i32, %while3A_2901: i32, %while3A_2902: vector<16xf32>, %while3A_2903: vector<16xf32>, %while3A_2904: vector<16xf32>, %while3A_2905: vector<16xf32>, %while3A_2906: vector<16xf32>, %while3A_2907: vector<16xf32>, %while3A_2908: vector<16xf32>, %while3A_2909: vector<16xf32>, %while3A_2910: vector<16xf32>, %while3A_2911: vector<16xf32>, %while3A_2912: vector<16xf32>, %while3A_2913: vector<16xf32>, %while3A_2914: vector<16xf32>, %while3A_2915: vector<16xf32>, %while3A_2916: vector<16xf32>, %while3A_2917: vector<16xf32>):
        %add3A_2918 = arith.constant 1 : i32
        %add3A_2919 = arith.addi %while3A_2901, %add3A_2918 : i32
        %and3A_2920 = arith.constant 15 : i32
        %and3A_2921 = arith.andi %add3A_2919, %and3A_2920 : i32
        %eq3A_2922 = vector.broadcast %and3A_2921 : i32 to vector<16xi32>
        %eq3A_2923 = arith.cmpi eq, %iota3A, %eq3A_2922 : vector<16xi32>
        %jit3A = arith.constant 0 : i32
        %broadcast_in_dim3A_2924 = vector.broadcast %jit3A : i32 to vector<16xi32>
        %select_n3A_2925 = arith.select %eq3A_2923, %select_n3A_2337, %broadcast_in_dim3A_2924 : vector<16xi1>, vector<16xi32>
        %reduce_max3A = arith.constant true
        %reduce_max3A_2926 = vector.broadcast %reduce_max3A : i1 to vector<16xi1>
        %reduce_max3A_2927 = arith.constant -2147483648 : i32
        %reduce_max3A_2928 = vector.broadcast %reduce_max3A_2927 : i32 to vector<16xi32>
        %reduce_max3A_2929 = arith.xori %select_n3A_2925, %reduce_max3A_2928 : vector<16xi32>
        %reduce_max3A_2930 = tpu.scan <max>, %reduce_max3A_2929 masked %reduce_max3A_2926 : vector<16xi32>, vector<16xi1> -> vector<16xi32>
        %reduce_max3A_2931 = arith.xori %reduce_max3A_2930, %reduce_max3A_2928 : vector<16xi32>
        %reduce_max3A_2932 = vector.extract %reduce_max3A_2931[15] : i32 from vector<16xi32>
        %jit3A_2933 = arith.constant 0 : i32
        %broadcast_in_dim3A_2934 = vector.broadcast %jit3A_2933 : i32 to vector<16xi32>
        %select_n3A_2935 = arith.select %eq3A_2923, %select_n3A_2591, %broadcast_in_dim3A_2934 : vector<16xi1>, vector<16xi32>
        %reduce_max3A_2936 = arith.constant true
        %reduce_max3A_2937 = vector.broadcast %reduce_max3A_2936 : i1 to vector<16xi1>
        %reduce_max3A_2938 = arith.constant -2147483648 : i32
        %reduce_max3A_2939 = vector.broadcast %reduce_max3A_2938 : i32 to vector<16xi32>
        %reduce_max3A_2940 = arith.xori %select_n3A_2935, %reduce_max3A_2939 : vector<16xi32>
        %reduce_max3A_2941 = tpu.scan <max>, %reduce_max3A_2940 masked %reduce_max3A_2937 : vector<16xi32>, vector<16xi1> -> vector<16xi32>
        %reduce_max3A_2942 = arith.xori %reduce_max3A_2941, %reduce_max3A_2939 : vector<16xi32>
        %reduce_max3A_2943 = vector.extract %reduce_max3A_2942[15] : i32 from vector<16xi32>
        %lt3A_2944 = arith.constant 16 : i32
        %lt3A_2945 = arith.cmpi slt, %add3A_2919, %lt3A_2944 : i32
        %select_n3A_2946 = arith.select %lt3A_2945, %reduce_max3A_2932, %reduce_max3A_2943 : i32
        %ge3A = arith.constant 32 : i32
        %ge3A_2947 = arith.cmpi sge, %add3A_2919, %ge3A : i32
        %jit3A_2948 = arith.constant 5000 : i32
        %select_n3A_2949 = arith.select %ge3A_2947, %jit3A_2948, %select_n3A_2946 : i32
        %min3A_2950 = arith.minsi %select_n3A_2949, %add3A_2864 : i32
        %while3A_2951 = arith.subi %min3A_2950, %while3A_2900 : i32
        %while3A_2952 = arith.addi %while3A_2900, %while3A_2951 : i32
        %while3A_2953 = arith.constant 1 : i32
        %while3A_2954 = arith.divsi %while3A_2951, %while3A_2953 : i32
        %while3A_2955 = arith.muli %while3A_2954, %while3A_2953 : i32
        %while3A_2956 = arith.addi %while3A_2900, %while3A_2955 : i32
        %while3A_2957 = arith.constant 1 : i32
        %while3A_2958:16 = scf.for %while3A_3002 = %while3A_2900 to %while3A_2956 step %while3A_2957 iter_args(%while3A_3003 = %while3A_2902, %while3A_3004 = %while3A_2903, %while3A_3005 = %while3A_2904, %while3A_3006 = %while3A_2905, %while3A_3007 = %while3A_2906, %while3A_3008 = %while3A_2907, %while3A_3009 = %while3A_2908, %while3A_3010 = %while3A_2909, %while3A_3011 = %while3A_2910, %while3A_3012 = %while3A_2911, %while3A_3013 = %while3A_2912, %while3A_3014 = %while3A_2913, %while3A_3015 = %while3A_2914, %while3A_3016 = %while3A_2915, %while3A_3017 = %while3A_2916, %while3A_3018 = %while3A_2917) -> (vector<16xf32>, vector<16xf32>, vector<16xf32>, vector<16xf32>, vector<16xf32>, vector<16xf32>, vector<16xf32>, vector<16xf32>, vector<16xf32>, vector<16xf32>, vector<16xf32>, vector<16xf32>, vector<16xf32>, vector<16xf32>, vector<16xf32>, vector<16xf32>)  : i32 {
          %sub3A = arith.subi %while3A_3002, %mul3A_2862 : i32
          %get3A_3019 = arith.index_cast %sub3A : i32 to index
          %get3A_3020 = arith.constant 0 : index
          %get3A_3021 = tpu.vector_load %arg6[%get3A_3019, %get3A_3020] {strides = array<i32>} : memref<200x128xf32, #tpu.memory_space<vmem>>, vector<16xf32>,
          %add3A_3022 = arith.addf %while3A_3003, %get3A_3021 : vector<16xf32>
          %sub3A_3023 = arith.subi %while3A_3002, %mul3A_2862 : i32
          %get3A_3024 = arith.index_cast %sub3A_3023 : i32 to index
          %get3A_3025 = arith.constant 16 : index
          %get3A_3026 = tpu.vector_load %arg6[%get3A_3024, %get3A_3025] {strides = array<i32>} : memref<200x128xf32, #tpu.memory_space<vmem>>, vector<16xf32>,
          %add3A_3027 = arith.addf %while3A_3004, %get3A_3026 : vector<16xf32>
          %sub3A_3028 = arith.subi %while3A_3002, %mul3A_2862 : i32
          %get3A_3029 = arith.index_cast %sub3A_3028 : i32 to index
          %get3A_3030 = arith.constant 32 : index
          %get3A_3031 = tpu.vector_load %arg6[%get3A_3029, %get3A_3030] {strides = array<i32>} : memref<200x128xf32, #tpu.memory_space<vmem>>, vector<16xf32>,
          %add3A_3032 = arith.addf %while3A_3005, %get3A_3031 : vector<16xf32>
          %sub3A_3033 = arith.subi %while3A_3002, %mul3A_2862 : i32
          %get3A_3034 = arith.index_cast %sub3A_3033 : i32 to index
          %get3A_3035 = arith.constant 48 : index
          %get3A_3036 = tpu.vector_load %arg6[%get3A_3034, %get3A_3035] {strides = array<i32>} : memref<200x128xf32, #tpu.memory_space<vmem>>, vector<16xf32>,
          %add3A_3037 = arith.addf %while3A_3006, %get3A_3036 : vector<16xf32>
          %sub3A_3038 = arith.subi %while3A_3002, %mul3A_2862 : i32
          %get3A_3039 = arith.index_cast %sub3A_3038 : i32 to index
          %get3A_3040 = arith.constant 64 : index
          %get3A_3041 = tpu.vector_load %arg6[%get3A_3039, %get3A_3040] {strides = array<i32>} : memref<200x128xf32, #tpu.memory_space<vmem>>, vector<16xf32>,
          %add3A_3042 = arith.addf %while3A_3007, %get3A_3041 : vector<16xf32>
          %sub3A_3043 = arith.subi %while3A_3002, %mul3A_2862 : i32
          %get3A_3044 = arith.index_cast %sub3A_3043 : i32 to index
          %get3A_3045 = arith.constant 80 : index
          %get3A_3046 = tpu.vector_load %arg6[%get3A_3044, %get3A_3045] {strides = array<i32>} : memref<200x128xf32, #tpu.memory_space<vmem>>, vector<16xf32>,
          %add3A_3047 = arith.addf %while3A_3008, %get3A_3046 : vector<16xf32>
          %sub3A_3048 = arith.subi %while3A_3002, %mul3A_2862 : i32
          %get3A_3049 = arith.index_cast %sub3A_3048 : i32 to index
          %get3A_3050 = arith.constant 96 : index
          %get3A_3051 = tpu.vector_load %arg6[%get3A_3049, %get3A_3050] {strides = array<i32>} : memref<200x128xf32, #tpu.memory_space<vmem>>, vector<16xf32>,
          %add3A_3052 = arith.addf %while3A_3009, %get3A_3051 : vector<16xf32>
          %sub3A_3053 = arith.subi %while3A_3002, %mul3A_2862 : i32
          %get3A_3054 = arith.index_cast %sub3A_3053 : i32 to index
          %get3A_3055 = arith.constant 112 : index
          %get3A_3056 = tpu.vector_load %arg6[%get3A_3054, %get3A_3055] {strides = array<i32>} : memref<200x128xf32, #tpu.memory_space<vmem>>, vector<16xf32>,
          %add3A_3057 = arith.addf %while3A_3010, %get3A_3056 : vector<16xf32>
          %sub3A_3058 = arith.subi %while3A_3002, %mul3A_2862 : i32
          %get3A_3059 = arith.index_cast %sub3A_3058 : i32 to index
          %get3A_3060 = arith.constant 0 : index
          %get3A_3061 = tpu.vector_load %arg7[%get3A_3059, %get3A_3060] {strides = array<i32>} : memref<200x128xf32, #tpu.memory_space<vmem>>, vector<16xf32>,
          %add3A_3062 = arith.addf %while3A_3011, %get3A_3061 : vector<16xf32>
          %sub3A_3063 = arith.subi %while3A_3002, %mul3A_2862 : i32
          %get3A_3064 = arith.index_cast %sub3A_3063 : i32 to index
          %get3A_3065 = arith.constant 16 : index
          %get3A_3066 = tpu.vector_load %arg7[%get3A_3064, %get3A_3065] {strides = array<i32>} : memref<200x128xf32, #tpu.memory_space<vmem>>, vector<16xf32>,
          %add3A_3067 = arith.addf %while3A_3012, %get3A_3066 : vector<16xf32>
          %sub3A_3068 = arith.subi %while3A_3002, %mul3A_2862 : i32
          %get3A_3069 = arith.index_cast %sub3A_3068 : i32 to index
          %get3A_3070 = arith.constant 32 : index
          %get3A_3071 = tpu.vector_load %arg7[%get3A_3069, %get3A_3070] {strides = array<i32>} : memref<200x128xf32, #tpu.memory_space<vmem>>, vector<16xf32>,
          %add3A_3072 = arith.addf %while3A_3013, %get3A_3071 : vector<16xf32>
          %sub3A_3073 = arith.subi %while3A_3002, %mul3A_2862 : i32
          %get3A_3074 = arith.index_cast %sub3A_3073 : i32 to index
          %get3A_3075 = arith.constant 48 : index
          %get3A_3076 = tpu.vector_load %arg7[%get3A_3074, %get3A_3075] {strides = array<i32>} : memref<200x128xf32, #tpu.memory_space<vmem>>, vector<16xf32>,
          %add3A_3077 = arith.addf %while3A_3014, %get3A_3076 : vector<16xf32>
          %sub3A_3078 = arith.subi %while3A_3002, %mul3A_2862 : i32
          %get3A_3079 = arith.index_cast %sub3A_3078 : i32 to index
          %get3A_3080 = arith.constant 64 : index
          %get3A_3081 = tpu.vector_load %arg7[%get3A_3079, %get3A_3080] {strides = array<i32>} : memref<200x128xf32, #tpu.memory_space<vmem>>, vector<16xf32>,
          %add3A_3082 = arith.addf %while3A_3015, %get3A_3081 : vector<16xf32>
          %sub3A_3083 = arith.subi %while3A_3002, %mul3A_2862 : i32
          %get3A_3084 = arith.index_cast %sub3A_3083 : i32 to index
          %get3A_3085 = arith.constant 80 : index
          %get3A_3086 = tpu.vector_load %arg7[%get3A_3084, %get3A_3085] {strides = array<i32>} : memref<200x128xf32, #tpu.memory_space<vmem>>, vector<16xf32>,
          %add3A_3087 = arith.addf %while3A_3016, %get3A_3086 : vector<16xf32>
          %sub3A_3088 = arith.subi %while3A_3002, %mul3A_2862 : i32
          %get3A_3089 = arith.index_cast %sub3A_3088 : i32 to index
          %get3A_3090 = arith.constant 96 : index
          %get3A_3091 = tpu.vector_load %arg7[%get3A_3089, %get3A_3090] {strides = array<i32>} : memref<200x128xf32, #tpu.memory_space<vmem>>, vector<16xf32>,
          %add3A_3092 = arith.addf %while3A_3017, %get3A_3091 : vector<16xf32>
          %sub3A_3093 = arith.subi %while3A_3002, %mul3A_2862 : i32
          %get3A_3094 = arith.index_cast %sub3A_3093 : i32 to index
          %get3A_3095 = arith.constant 112 : index
          %get3A_3096 = tpu.vector_load %arg7[%get3A_3094, %get3A_3095] {strides = array<i32>} : memref<200x128xf32, #tpu.memory_space<vmem>>, vector<16xf32>,
          %add3A_3097 = arith.addf %while3A_3018, %get3A_3096 : vector<16xf32>
          scf.yield %add3A_3022, %add3A_3027, %add3A_3032, %add3A_3037, %add3A_3042, %add3A_3047, %add3A_3052, %add3A_3057, %add3A_3062, %add3A_3067, %add3A_3072, %add3A_3077, %add3A_3082, %add3A_3087, %add3A_3092, %add3A_3097 : vector<16xf32>, vector<16xf32>, vector<16xf32>, vector<16xf32>, vector<16xf32>, vector<16xf32>, vector<16xf32>, vector<16xf32>, vector<16xf32>, vector<16xf32>, vector<16xf32>, vector<16xf32>, vector<16xf32>, vector<16xf32>, vector<16xf32>, vector<16xf32>
        }
        %while3A_2959 = arith.constant 1 : i32
        %while3A_2960:16 = scf.for %while3A_3002 = %while3A_2956 to %while3A_2952 step %while3A_2959 iter_args(%while3A_3003 = %while3A_2958#0, %while3A_3004 = %while3A_2958#1, %while3A_3005 = %while3A_2958#2, %while3A_3006 = %while3A_2958#3, %while3A_3007 = %while3A_2958#4, %while3A_3008 = %while3A_2958#5, %while3A_3009 = %while3A_2958#6, %while3A_3010 = %while3A_2958#7, %while3A_3011 = %while3A_2958#8, %while3A_3012 = %while3A_2958#9, %while3A_3013 = %while3A_2958#10, %while3A_3014 = %while3A_2958#11, %while3A_3015 = %while3A_2958#12, %while3A_3016 = %while3A_2958#13, %while3A_3017 = %while3A_2958#14, %while3A_3018 = %while3A_2958#15) -> (vector<16xf32>, vector<16xf32>, vector<16xf32>, vector<16xf32>, vector<16xf32>, vector<16xf32>, vector<16xf32>, vector<16xf32>, vector<16xf32>, vector<16xf32>, vector<16xf32>, vector<16xf32>, vector<16xf32>, vector<16xf32>, vector<16xf32>, vector<16xf32>)  : i32 {
          %sub3A = arith.subi %while3A_3002, %mul3A_2862 : i32
          %get3A_3019 = arith.index_cast %sub3A : i32 to index
          %get3A_3020 = arith.constant 0 : index
          %get3A_3021 = tpu.vector_load %arg6[%get3A_3019, %get3A_3020] {strides = array<i32>} : memref<200x128xf32, #tpu.memory_space<vmem>>, vector<16xf32>,
          %add3A_3022 = arith.addf %while3A_3003, %get3A_3021 : vector<16xf32>
          %sub3A_3023 = arith.subi %while3A_3002, %mul3A_2862 : i32
          %get3A_3024 = arith.index_cast %sub3A_3023 : i32 to index
          %get3A_3025 = arith.constant 16 : index
          %get3A_3026 = tpu.vector_load %arg6[%get3A_3024, %get3A_3025] {strides = array<i32>} : memref<200x128xf32, #tpu.memory_space<vmem>>, vector<16xf32>,
          %add3A_3027 = arith.addf %while3A_3004, %get3A_3026 : vector<16xf32>
          %sub3A_3028 = arith.subi %while3A_3002, %mul3A_2862 : i32
          %get3A_3029 = arith.index_cast %sub3A_3028 : i32 to index
          %get3A_3030 = arith.constant 32 : index
          %get3A_3031 = tpu.vector_load %arg6[%get3A_3029, %get3A_3030] {strides = array<i32>} : memref<200x128xf32, #tpu.memory_space<vmem>>, vector<16xf32>,
          %add3A_3032 = arith.addf %while3A_3005, %get3A_3031 : vector<16xf32>
          %sub3A_3033 = arith.subi %while3A_3002, %mul3A_2862 : i32
          %get3A_3034 = arith.index_cast %sub3A_3033 : i32 to index
          %get3A_3035 = arith.constant 48 : index
          %get3A_3036 = tpu.vector_load %arg6[%get3A_3034, %get3A_3035] {strides = array<i32>} : memref<200x128xf32, #tpu.memory_space<vmem>>, vector<16xf32>,
          %add3A_3037 = arith.addf %while3A_3006, %get3A_3036 : vector<16xf32>
          %sub3A_3038 = arith.subi %while3A_3002, %mul3A_2862 : i32
          %get3A_3039 = arith.index_cast %sub3A_3038 : i32 to index
          %get3A_3040 = arith.constant 64 : index
          %get3A_3041 = tpu.vector_load %arg6[%get3A_3039, %get3A_3040] {strides = array<i32>} : memref<200x128xf32, #tpu.memory_space<vmem>>, vector<16xf32>,
          %add3A_3042 = arith.addf %while3A_3007, %get3A_3041 : vector<16xf32>
          %sub3A_3043 = arith.subi %while3A_3002, %mul3A_2862 : i32
          %get3A_3044 = arith.index_cast %sub3A_3043 : i32 to index
          %get3A_3045 = arith.constant 80 : index
          %get3A_3046 = tpu.vector_load %arg6[%get3A_3044, %get3A_3045] {strides = array<i32>} : memref<200x128xf32, #tpu.memory_space<vmem>>, vector<16xf32>,
          %add3A_3047 = arith.addf %while3A_3008, %get3A_3046 : vector<16xf32>
          %sub3A_3048 = arith.subi %while3A_3002, %mul3A_2862 : i32
          %get3A_3049 = arith.index_cast %sub3A_3048 : i32 to index
          %get3A_3050 = arith.constant 96 : index
          %get3A_3051 = tpu.vector_load %arg6[%get3A_3049, %get3A_3050] {strides = array<i32>} : memref<200x128xf32, #tpu.memory_space<vmem>>, vector<16xf32>,
          %add3A_3052 = arith.addf %while3A_3009, %get3A_3051 : vector<16xf32>
          %sub3A_3053 = arith.subi %while3A_3002, %mul3A_2862 : i32
          %get3A_3054 = arith.index_cast %sub3A_3053 : i32 to index
          %get3A_3055 = arith.constant 112 : index
          %get3A_3056 = tpu.vector_load %arg6[%get3A_3054, %get3A_3055] {strides = array<i32>} : memref<200x128xf32, #tpu.memory_space<vmem>>, vector<16xf32>,
          %add3A_3057 = arith.addf %while3A_3010, %get3A_3056 : vector<16xf32>
          %sub3A_3058 = arith.subi %while3A_3002, %mul3A_2862 : i32
          %get3A_3059 = arith.index_cast %sub3A_3058 : i32 to index
          %get3A_3060 = arith.constant 0 : index
          %get3A_3061 = tpu.vector_load %arg7[%get3A_3059, %get3A_3060] {strides = array<i32>} : memref<200x128xf32, #tpu.memory_space<vmem>>, vector<16xf32>,
          %add3A_3062 = arith.addf %while3A_3011, %get3A_3061 : vector<16xf32>
          %sub3A_3063 = arith.subi %while3A_3002, %mul3A_2862 : i32
          %get3A_3064 = arith.index_cast %sub3A_3063 : i32 to index
          %get3A_3065 = arith.constant 16 : index
          %get3A_3066 = tpu.vector_load %arg7[%get3A_3064, %get3A_3065] {strides = array<i32>} : memref<200x128xf32, #tpu.memory_space<vmem>>, vector<16xf32>,
          %add3A_3067 = arith.addf %while3A_3012, %get3A_3066 : vector<16xf32>
          %sub3A_3068 = arith.subi %while3A_3002, %mul3A_2862 : i32
          %get3A_3069 = arith.index_cast %sub3A_3068 : i32 to index
          %get3A_3070 = arith.constant 32 : index
          %get3A_3071 = tpu.vector_load %arg7[%get3A_3069, %get3A_3070] {strides = array<i32>} : memref<200x128xf32, #tpu.memory_space<vmem>>, vector<16xf32>,
          %add3A_3072 = arith.addf %while3A_3013, %get3A_3071 : vector<16xf32>
          %sub3A_3073 = arith.subi %while3A_3002, %mul3A_2862 : i32
          %get3A_3074 = arith.index_cast %sub3A_3073 : i32 to index
          %get3A_3075 = arith.constant 48 : index
          %get3A_3076 = tpu.vector_load %arg7[%get3A_3074, %get3A_3075] {strides = array<i32>} : memref<200x128xf32, #tpu.memory_space<vmem>>, vector<16xf32>,
          %add3A_3077 = arith.addf %while3A_3014, %get3A_3076 : vector<16xf32>
          %sub3A_3078 = arith.subi %while3A_3002, %mul3A_2862 : i32
          %get3A_3079 = arith.index_cast %sub3A_3078 : i32 to index
          %get3A_3080 = arith.constant 64 : index
          %get3A_3081 = tpu.vector_load %arg7[%get3A_3079, %get3A_3080] {strides = array<i32>} : memref<200x128xf32, #tpu.memory_space<vmem>>, vector<16xf32>,
          %add3A_3082 = arith.addf %while3A_3015, %get3A_3081 : vector<16xf32>
          %sub3A_3083 = arith.subi %while3A_3002, %mul3A_2862 : i32
          %get3A_3084 = arith.index_cast %sub3A_3083 : i32 to index
          %get3A_3085 = arith.constant 80 : index
          %get3A_3086 = tpu.vector_load %arg7[%get3A_3084, %get3A_3085] {strides = array<i32>} : memref<200x128xf32, #tpu.memory_space<vmem>>, vector<16xf32>,
          %add3A_3087 = arith.addf %while3A_3016, %get3A_3086 : vector<16xf32>
          %sub3A_3088 = arith.subi %while3A_3002, %mul3A_2862 : i32
          %get3A_3089 = arith.index_cast %sub3A_3088 : i32 to index
          %get3A_3090 = arith.constant 96 : index
          %get3A_3091 = tpu.vector_load %arg7[%get3A_3089, %get3A_3090] {strides = array<i32>} : memref<200x128xf32, #tpu.memory_space<vmem>>, vector<16xf32>,
          %add3A_3092 = arith.addf %while3A_3017, %get3A_3091 : vector<16xf32>
          %sub3A_3093 = arith.subi %while3A_3002, %mul3A_2862 : i32
          %get3A_3094 = arith.index_cast %sub3A_3093 : i32 to index
          %get3A_3095 = arith.constant 112 : index
          %get3A_3096 = tpu.vector_load %arg7[%get3A_3094, %get3A_3095] {strides = array<i32>} : memref<200x128xf32, #tpu.memory_space<vmem>>, vector<16xf32>,
          %add3A_3097 = arith.addf %while3A_3018, %get3A_3096 : vector<16xf32>
          scf.yield %add3A_3022, %add3A_3027, %add3A_3032, %add3A_3037, %add3A_3042, %add3A_3047, %add3A_3052, %add3A_3057, %add3A_3062, %add3A_3067, %add3A_3072, %add3A_3077, %add3A_3082, %add3A_3087, %add3A_3092, %add3A_3097 : vector<16xf32>, vector<16xf32>, vector<16xf32>, vector<16xf32>, vector<16xf32>, vector<16xf32>, vector<16xf32>, vector<16xf32>, vector<16xf32>, vector<16xf32>, vector<16xf32>, vector<16xf32>, vector<16xf32>, vector<16xf32>, vector<16xf32>, vector<16xf32>
        }
        %le3A = arith.cmpi sle, %select_n3A_2949, %add3A_2864 : i32
        %convert_element_type3A_2961 = arith.extui %le3A : i1 to i32
        %cond3A_2962 = arith.constant 0 : i32
        %cond3A_2963 = arith.cmpi ne, %convert_element_type3A_2961, %cond3A_2962 : i32
        scf.if %cond3A_2963 {
          %min3A_3002 = arith.constant 31 : i32
          %min3A_3003 = arith.minsi %while3A_2901, %min3A_3002 : i32
          %mul3A_3004 = arith.constant 2 : i32
          %mul3A_3005 = arith.muli %mul3A_3004, %min3A_3003 : i32
          %add3A_3006 = arith.constant 0 : i32
          %add3A_3007 = arith.addi %mul3A_3005, %add3A_3006 : i32
          %get3A_3008 = arith.index_cast %add3A_3007 : i32 to index
          %get3A_3009 = arith.constant 0 : index
          %get3A_3010 = tpu.vector_load %arg10[%get3A_3008, %get3A_3009] {strides = array<i32>} : memref<64x128xf32, #tpu.memory_space<vmem>>, vector<16xf32>,
          %add3A_3011 = arith.addf %get3A_3010, %while3A_2960#0 : vector<16xf32>
          %swap3A_3012 = arith.index_cast %add3A_3007 : i32 to index
          %swap3A_3013 = arith.constant 0 : index
          %swap3A_3014 = tpu.vector_load %arg10[%swap3A_3012, %swap3A_3013] {strides = array<i32>} : memref<64x128xf32, #tpu.memory_space<vmem>>, vector<16xf32>,
          tpu.vector_store %arg10[%swap3A_3012, %swap3A_3013], %add3A_3011 {strides = array<i32>} : memref<64x128xf32, #tpu.memory_space<vmem>>, vector<16xf32>,
          %mul3A_3015 = arith.constant 2 : i32
          %mul3A_3016 = arith.muli %mul3A_3015, %min3A_3003 : i32
          %add3A_3017 = arith.constant 0 : i32
          %add3A_3018 = arith.addi %mul3A_3016, %add3A_3017 : i32
          %get3A_3019 = arith.index_cast %add3A_3018 : i32 to index
          %get3A_3020 = arith.constant 16 : index
          %get3A_3021 = tpu.vector_load %arg10[%get3A_3019, %get3A_3020] {strides = array<i32>} : memref<64x128xf32, #tpu.memory_space<vmem>>, vector<16xf32>,
          %add3A_3022 = arith.addf %get3A_3021, %while3A_2960#1 : vector<16xf32>
          %swap3A_3023 = arith.index_cast %add3A_3018 : i32 to index
          %swap3A_3024 = arith.constant 16 : index
          %swap3A_3025 = tpu.vector_load %arg10[%swap3A_3023, %swap3A_3024] {strides = array<i32>} : memref<64x128xf32, #tpu.memory_space<vmem>>, vector<16xf32>,
          tpu.vector_store %arg10[%swap3A_3023, %swap3A_3024], %add3A_3022 {strides = array<i32>} : memref<64x128xf32, #tpu.memory_space<vmem>>, vector<16xf32>,
          %mul3A_3026 = arith.constant 2 : i32
          %mul3A_3027 = arith.muli %mul3A_3026, %min3A_3003 : i32
          %add3A_3028 = arith.constant 0 : i32
          %add3A_3029 = arith.addi %mul3A_3027, %add3A_3028 : i32
          %get3A_3030 = arith.index_cast %add3A_3029 : i32 to index
          %get3A_3031 = arith.constant 32 : index
          %get3A_3032 = tpu.vector_load %arg10[%get3A_3030, %get3A_3031] {strides = array<i32>} : memref<64x128xf32, #tpu.memory_space<vmem>>, vector<16xf32>,
          %add3A_3033 = arith.addf %get3A_3032, %while3A_2960#2 : vector<16xf32>
          %swap3A_3034 = arith.index_cast %add3A_3029 : i32 to index
          %swap3A_3035 = arith.constant 32 : index
          %swap3A_3036 = tpu.vector_load %arg10[%swap3A_3034, %swap3A_3035] {strides = array<i32>} : memref<64x128xf32, #tpu.memory_space<vmem>>, vector<16xf32>,
          tpu.vector_store %arg10[%swap3A_3034, %swap3A_3035], %add3A_3033 {strides = array<i32>} : memref<64x128xf32, #tpu.memory_space<vmem>>, vector<16xf32>,
          %mul3A_3037 = arith.constant 2 : i32
          %mul3A_3038 = arith.muli %mul3A_3037, %min3A_3003 : i32
          %add3A_3039 = arith.constant 0 : i32
          %add3A_3040 = arith.addi %mul3A_3038, %add3A_3039 : i32
          %get3A_3041 = arith.index_cast %add3A_3040 : i32 to index
          %get3A_3042 = arith.constant 48 : index
          %get3A_3043 = tpu.vector_load %arg10[%get3A_3041, %get3A_3042] {strides = array<i32>} : memref<64x128xf32, #tpu.memory_space<vmem>>, vector<16xf32>,
          %add3A_3044 = arith.addf %get3A_3043, %while3A_2960#3 : vector<16xf32>
          %swap3A_3045 = arith.index_cast %add3A_3040 : i32 to index
          %swap3A_3046 = arith.constant 48 : index
          %swap3A_3047 = tpu.vector_load %arg10[%swap3A_3045, %swap3A_3046] {strides = array<i32>} : memref<64x128xf32, #tpu.memory_space<vmem>>, vector<16xf32>,
          tpu.vector_store %arg10[%swap3A_3045, %swap3A_3046], %add3A_3044 {strides = array<i32>} : memref<64x128xf32, #tpu.memory_space<vmem>>, vector<16xf32>,
          %mul3A_3048 = arith.constant 2 : i32
          %mul3A_3049 = arith.muli %mul3A_3048, %min3A_3003 : i32
          %add3A_3050 = arith.constant 0 : i32
          %add3A_3051 = arith.addi %mul3A_3049, %add3A_3050 : i32
          %get3A_3052 = arith.index_cast %add3A_3051 : i32 to index
          %get3A_3053 = arith.constant 64 : index
          %get3A_3054 = tpu.vector_load %arg10[%get3A_3052, %get3A_3053] {strides = array<i32>} : memref<64x128xf32, #tpu.memory_space<vmem>>, vector<16xf32>,
          %add3A_3055 = arith.addf %get3A_3054, %while3A_2960#4 : vector<16xf32>
          %swap3A_3056 = arith.index_cast %add3A_3051 : i32 to index
          %swap3A_3057 = arith.constant 64 : index
          %swap3A_3058 = tpu.vector_load %arg10[%swap3A_3056, %swap3A_3057] {strides = array<i32>} : memref<64x128xf32, #tpu.memory_space<vmem>>, vector<16xf32>,
          tpu.vector_store %arg10[%swap3A_3056, %swap3A_3057], %add3A_3055 {strides = array<i32>} : memref<64x128xf32, #tpu.memory_space<vmem>>, vector<16xf32>,
          %mul3A_3059 = arith.constant 2 : i32
          %mul3A_3060 = arith.muli %mul3A_3059, %min3A_3003 : i32
          %add3A_3061 = arith.constant 0 : i32
          %add3A_3062 = arith.addi %mul3A_3060, %add3A_3061 : i32
          %get3A_3063 = arith.index_cast %add3A_3062 : i32 to index
          %get3A_3064 = arith.constant 80 : index
          %get3A_3065 = tpu.vector_load %arg10[%get3A_3063, %get3A_3064] {strides = array<i32>} : memref<64x128xf32, #tpu.memory_space<vmem>>, vector<16xf32>,
          %add3A_3066 = arith.addf %get3A_3065, %while3A_2960#5 : vector<16xf32>
          %swap3A_3067 = arith.index_cast %add3A_3062 : i32 to index
          %swap3A_3068 = arith.constant 80 : index
          %swap3A_3069 = tpu.vector_load %arg10[%swap3A_3067, %swap3A_3068] {strides = array<i32>} : memref<64x128xf32, #tpu.memory_space<vmem>>, vector<16xf32>,
          tpu.vector_store %arg10[%swap3A_3067, %swap3A_3068], %add3A_3066 {strides = array<i32>} : memref<64x128xf32, #tpu.memory_space<vmem>>, vector<16xf32>,
          %mul3A_3070 = arith.constant 2 : i32
          %mul3A_3071 = arith.muli %mul3A_3070, %min3A_3003 : i32
          %add3A_3072 = arith.constant 0 : i32
          %add3A_3073 = arith.addi %mul3A_3071, %add3A_3072 : i32
          %get3A_3074 = arith.index_cast %add3A_3073 : i32 to index
          %get3A_3075 = arith.constant 96 : index
          %get3A_3076 = tpu.vector_load %arg10[%get3A_3074, %get3A_3075] {strides = array<i32>} : memref<64x128xf32, #tpu.memory_space<vmem>>, vector<16xf32>,
          %add3A_3077 = arith.addf %get3A_3076, %while3A_2960#6 : vector<16xf32>
          %swap3A_3078 = arith.index_cast %add3A_3073 : i32 to index
          %swap3A_3079 = arith.constant 96 : index
          %swap3A_3080 = tpu.vector_load %arg10[%swap3A_3078, %swap3A_3079] {strides = array<i32>} : memref<64x128xf32, #tpu.memory_space<vmem>>, vector<16xf32>,
          tpu.vector_store %arg10[%swap3A_3078, %swap3A_3079], %add3A_3077 {strides = array<i32>} : memref<64x128xf32, #tpu.memory_space<vmem>>, vector<16xf32>,
          %mul3A_3081 = arith.constant 2 : i32
          %mul3A_3082 = arith.muli %mul3A_3081, %min3A_3003 : i32
          %add3A_3083 = arith.constant 0 : i32
          %add3A_3084 = arith.addi %mul3A_3082, %add3A_3083 : i32
          %get3A_3085 = arith.index_cast %add3A_3084 : i32 to index
          %get3A_3086 = arith.constant 112 : index
          %get3A_3087 = tpu.vector_load %arg10[%get3A_3085, %get3A_3086] {strides = array<i32>} : memref<64x128xf32, #tpu.memory_space<vmem>>, vector<16xf32>,
          %add3A_3088 = arith.addf %get3A_3087, %while3A_2960#7 : vector<16xf32>
          %swap3A_3089 = arith.index_cast %add3A_3084 : i32 to index
          %swap3A_3090 = arith.constant 112 : index
          %swap3A_3091 = tpu.vector_load %arg10[%swap3A_3089, %swap3A_3090] {strides = array<i32>} : memref<64x128xf32, #tpu.memory_space<vmem>>, vector<16xf32>,
          tpu.vector_store %arg10[%swap3A_3089, %swap3A_3090], %add3A_3088 {strides = array<i32>} : memref<64x128xf32, #tpu.memory_space<vmem>>, vector<16xf32>,
          %mul3A_3092 = arith.constant 2 : i32
          %mul3A_3093 = arith.muli %mul3A_3092, %min3A_3003 : i32
          %add3A_3094 = arith.constant 1 : i32
          %add3A_3095 = arith.addi %mul3A_3093, %add3A_3094 : i32
          %get3A_3096 = arith.index_cast %add3A_3095 : i32 to index
          %get3A_3097 = arith.constant 0 : index
          %get3A_3098 = tpu.vector_load %arg10[%get3A_3096, %get3A_3097] {strides = array<i32>} : memref<64x128xf32, #tpu.memory_space<vmem>>, vector<16xf32>,
          %add3A_3099 = arith.addf %get3A_3098, %while3A_2960#8 : vector<16xf32>
          %swap3A_3100 = arith.index_cast %add3A_3095 : i32 to index
          %swap3A_3101 = arith.constant 0 : index
          %swap3A_3102 = tpu.vector_load %arg10[%swap3A_3100, %swap3A_3101] {strides = array<i32>} : memref<64x128xf32, #tpu.memory_space<vmem>>, vector<16xf32>,
          tpu.vector_store %arg10[%swap3A_3100, %swap3A_3101], %add3A_3099 {strides = array<i32>} : memref<64x128xf32, #tpu.memory_space<vmem>>, vector<16xf32>,
          %mul3A_3103 = arith.constant 2 : i32
          %mul3A_3104 = arith.muli %mul3A_3103, %min3A_3003 : i32
          %add3A_3105 = arith.constant 1 : i32
          %add3A_3106 = arith.addi %mul3A_3104, %add3A_3105 : i32
          %get3A_3107 = arith.index_cast %add3A_3106 : i32 to index
          %get3A_3108 = arith.constant 16 : index
          %get3A_3109 = tpu.vector_load %arg10[%get3A_3107, %get3A_3108] {strides = array<i32>} : memref<64x128xf32, #tpu.memory_space<vmem>>, vector<16xf32>,
          %add3A_3110 = arith.addf %get3A_3109, %while3A_2960#9 : vector<16xf32>
          %swap3A_3111 = arith.index_cast %add3A_3106 : i32 to index
          %swap3A_3112 = arith.constant 16 : index
          %swap3A_3113 = tpu.vector_load %arg10[%swap3A_3111, %swap3A_3112] {strides = array<i32>} : memref<64x128xf32, #tpu.memory_space<vmem>>, vector<16xf32>,
          tpu.vector_store %arg10[%swap3A_3111, %swap3A_3112], %add3A_3110 {strides = array<i32>} : memref<64x128xf32, #tpu.memory_space<vmem>>, vector<16xf32>,
          %mul3A_3114 = arith.constant 2 : i32
          %mul3A_3115 = arith.muli %mul3A_3114, %min3A_3003 : i32
          %add3A_3116 = arith.constant 1 : i32
          %add3A_3117 = arith.addi %mul3A_3115, %add3A_3116 : i32
          %get3A_3118 = arith.index_cast %add3A_3117 : i32 to index
          %get3A_3119 = arith.constant 32 : index
          %get3A_3120 = tpu.vector_load %arg10[%get3A_3118, %get3A_3119] {strides = array<i32>} : memref<64x128xf32, #tpu.memory_space<vmem>>, vector<16xf32>,
          %add3A_3121 = arith.addf %get3A_3120, %while3A_2960#10 : vector<16xf32>
          %swap3A_3122 = arith.index_cast %add3A_3117 : i32 to index
          %swap3A_3123 = arith.constant 32 : index
          %swap3A_3124 = tpu.vector_load %arg10[%swap3A_3122, %swap3A_3123] {strides = array<i32>} : memref<64x128xf32, #tpu.memory_space<vmem>>, vector<16xf32>,
          tpu.vector_store %arg10[%swap3A_3122, %swap3A_3123], %add3A_3121 {strides = array<i32>} : memref<64x128xf32, #tpu.memory_space<vmem>>, vector<16xf32>,
          %mul3A_3125 = arith.constant 2 : i32
          %mul3A_3126 = arith.muli %mul3A_3125, %min3A_3003 : i32
          %add3A_3127 = arith.constant 1 : i32
          %add3A_3128 = arith.addi %mul3A_3126, %add3A_3127 : i32
          %get3A_3129 = arith.index_cast %add3A_3128 : i32 to index
          %get3A_3130 = arith.constant 48 : index
          %get3A_3131 = tpu.vector_load %arg10[%get3A_3129, %get3A_3130] {strides = array<i32>} : memref<64x128xf32, #tpu.memory_space<vmem>>, vector<16xf32>,
          %add3A_3132 = arith.addf %get3A_3131, %while3A_2960#11 : vector<16xf32>
          %swap3A_3133 = arith.index_cast %add3A_3128 : i32 to index
          %swap3A_3134 = arith.constant 48 : index
          %swap3A_3135 = tpu.vector_load %arg10[%swap3A_3133, %swap3A_3134] {strides = array<i32>} : memref<64x128xf32, #tpu.memory_space<vmem>>, vector<16xf32>,
          tpu.vector_store %arg10[%swap3A_3133, %swap3A_3134], %add3A_3132 {strides = array<i32>} : memref<64x128xf32, #tpu.memory_space<vmem>>, vector<16xf32>,
          %mul3A_3136 = arith.constant 2 : i32
          %mul3A_3137 = arith.muli %mul3A_3136, %min3A_3003 : i32
          %add3A_3138 = arith.constant 1 : i32
          %add3A_3139 = arith.addi %mul3A_3137, %add3A_3138 : i32
          %get3A_3140 = arith.index_cast %add3A_3139 : i32 to index
          %get3A_3141 = arith.constant 64 : index
          %get3A_3142 = tpu.vector_load %arg10[%get3A_3140, %get3A_3141] {strides = array<i32>} : memref<64x128xf32, #tpu.memory_space<vmem>>, vector<16xf32>,
          %add3A_3143 = arith.addf %get3A_3142, %while3A_2960#12 : vector<16xf32>
          %swap3A_3144 = arith.index_cast %add3A_3139 : i32 to index
          %swap3A_3145 = arith.constant 64 : index
          %swap3A_3146 = tpu.vector_load %arg10[%swap3A_3144, %swap3A_3145] {strides = array<i32>} : memref<64x128xf32, #tpu.memory_space<vmem>>, vector<16xf32>,
          tpu.vector_store %arg10[%swap3A_3144, %swap3A_3145], %add3A_3143 {strides = array<i32>} : memref<64x128xf32, #tpu.memory_space<vmem>>, vector<16xf32>,
          %mul3A_3147 = arith.constant 2 : i32
          %mul3A_3148 = arith.muli %mul3A_3147, %min3A_3003 : i32
          %add3A_3149 = arith.constant 1 : i32
          %add3A_3150 = arith.addi %mul3A_3148, %add3A_3149 : i32
          %get3A_3151 = arith.index_cast %add3A_3150 : i32 to index
          %get3A_3152 = arith.constant 80 : index
          %get3A_3153 = tpu.vector_load %arg10[%get3A_3151, %get3A_3152] {strides = array<i32>} : memref<64x128xf32, #tpu.memory_space<vmem>>, vector<16xf32>,
          %add3A_3154 = arith.addf %get3A_3153, %while3A_2960#13 : vector<16xf32>
          %swap3A_3155 = arith.index_cast %add3A_3150 : i32 to index
          %swap3A_3156 = arith.constant 80 : index
          %swap3A_3157 = tpu.vector_load %arg10[%swap3A_3155, %swap3A_3156] {strides = array<i32>} : memref<64x128xf32, #tpu.memory_space<vmem>>, vector<16xf32>,
          tpu.vector_store %arg10[%swap3A_3155, %swap3A_3156], %add3A_3154 {strides = array<i32>} : memref<64x128xf32, #tpu.memory_space<vmem>>, vector<16xf32>,
          %mul3A_3158 = arith.constant 2 : i32
          %mul3A_3159 = arith.muli %mul3A_3158, %min3A_3003 : i32
          %add3A_3160 = arith.constant 1 : i32
          %add3A_3161 = arith.addi %mul3A_3159, %add3A_3160 : i32
          %get3A_3162 = arith.index_cast %add3A_3161 : i32 to index
          %get3A_3163 = arith.constant 96 : index
          %get3A_3164 = tpu.vector_load %arg10[%get3A_3162, %get3A_3163] {strides = array<i32>} : memref<64x128xf32, #tpu.memory_space<vmem>>, vector<16xf32>,
          %add3A_3165 = arith.addf %get3A_3164, %while3A_2960#14 : vector<16xf32>
          %swap3A_3166 = arith.index_cast %add3A_3161 : i32 to index
          %swap3A_3167 = arith.constant 96 : index
          %swap3A_3168 = tpu.vector_load %arg10[%swap3A_3166, %swap3A_3167] {strides = array<i32>} : memref<64x128xf32, #tpu.memory_space<vmem>>, vector<16xf32>,
          tpu.vector_store %arg10[%swap3A_3166, %swap3A_3167], %add3A_3165 {strides = array<i32>} : memref<64x128xf32, #tpu.memory_space<vmem>>, vector<16xf32>,
          %mul3A_3169 = arith.constant 2 : i32
          %mul3A_3170 = arith.muli %mul3A_3169, %min3A_3003 : i32
          %add3A_3171 = arith.constant 1 : i32
          %add3A_3172 = arith.addi %mul3A_3170, %add3A_3171 : i32
          %get3A_3173 = arith.index_cast %add3A_3172 : i32 to index
          %get3A_3174 = arith.constant 112 : index
          %get3A_3175 = tpu.vector_load %arg10[%get3A_3173, %get3A_3174] {strides = array<i32>} : memref<64x128xf32, #tpu.memory_space<vmem>>, vector<16xf32>,
          %add3A_3176 = arith.addf %get3A_3175, %while3A_2960#15 : vector<16xf32>
          %swap3A_3177 = arith.index_cast %add3A_3172 : i32 to index
          %swap3A_3178 = arith.constant 112 : index
          %swap3A_3179 = tpu.vector_load %arg10[%swap3A_3177, %swap3A_3178] {strides = array<i32>} : memref<64x128xf32, #tpu.memory_space<vmem>>, vector<16xf32>,
          tpu.vector_store %arg10[%swap3A_3177, %swap3A_3178], %add3A_3176 {strides = array<i32>} : memref<64x128xf32, #tpu.memory_space<vmem>>, vector<16xf32>,
        } else {
        }
        %jit3A_2964 = arith.constant 0.000000e+00 : f32
        %jit3A_2965 = arith.constant 1.000000e+00 : f32
        %select_n3A_2966 = arith.select %le3A, %jit3A_2964, %jit3A_2965 : f32
        %mul3A_2967 = vector.broadcast %select_n3A_2966 : f32 to vector<16xf32>
        %mul3A_2968 = arith.mulf %while3A_2960#0, %mul3A_2967 : vector<16xf32>
        %mul3A_2969 = vector.broadcast %select_n3A_2966 : f32 to vector<16xf32>
        %mul3A_2970 = arith.mulf %while3A_2960#1, %mul3A_2969 : vector<16xf32>
        %mul3A_2971 = vector.broadcast %select_n3A_2966 : f32 to vector<16xf32>
        %mul3A_2972 = arith.mulf %while3A_2960#2, %mul3A_2971 : vector<16xf32>
        %mul3A_2973 = vector.broadcast %select_n3A_2966 : f32 to vector<16xf32>
        %mul3A_2974 = arith.mulf %while3A_2960#3, %mul3A_2973 : vector<16xf32>
        %mul3A_2975 = vector.broadcast %select_n3A_2966 : f32 to vector<16xf32>
        %mul3A_2976 = arith.mulf %while3A_2960#4, %mul3A_2975 : vector<16xf32>
        %mul3A_2977 = vector.broadcast %select_n3A_2966 : f32 to vector<16xf32>
        %mul3A_2978 = arith.mulf %while3A_2960#5, %mul3A_2977 : vector<16xf32>
        %mul3A_2979 = vector.broadcast %select_n3A_2966 : f32 to vector<16xf32>
        %mul3A_2980 = arith.mulf %while3A_2960#6, %mul3A_2979 : vector<16xf32>
        %mul3A_2981 = vector.broadcast %select_n3A_2966 : f32 to vector<16xf32>
        %mul3A_2982 = arith.mulf %while3A_2960#7, %mul3A_2981 : vector<16xf32>
        %mul3A_2983 = vector.broadcast %select_n3A_2966 : f32 to vector<16xf32>
        %mul3A_2984 = arith.mulf %while3A_2960#8, %mul3A_2983 : vector<16xf32>
        %mul3A_2985 = vector.broadcast %select_n3A_2966 : f32 to vector<16xf32>
        %mul3A_2986 = arith.mulf %while3A_2960#9, %mul3A_2985 : vector<16xf32>
        %mul3A_2987 = vector.broadcast %select_n3A_2966 : f32 to vector<16xf32>
        %mul3A_2988 = arith.mulf %while3A_2960#10, %mul3A_2987 : vector<16xf32>
        %mul3A_2989 = vector.broadcast %select_n3A_2966 : f32 to vector<16xf32>
        %mul3A_2990 = arith.mulf %while3A_2960#11, %mul3A_2989 : vector<16xf32>
        %mul3A_2991 = vector.broadcast %select_n3A_2966 : f32 to vector<16xf32>
        %mul3A_2992 = arith.mulf %while3A_2960#12, %mul3A_2991 : vector<16xf32>
        %mul3A_2993 = vector.broadcast %select_n3A_2966 : f32 to vector<16xf32>
        %mul3A_2994 = arith.mulf %while3A_2960#13, %mul3A_2993 : vector<16xf32>
        %mul3A_2995 = vector.broadcast %select_n3A_2966 : f32 to vector<16xf32>
        %mul3A_2996 = arith.mulf %while3A_2960#14, %mul3A_2995 : vector<16xf32>
        %mul3A_2997 = vector.broadcast %select_n3A_2966 : f32 to vector<16xf32>
        %mul3A_2998 = arith.mulf %while3A_2960#15, %mul3A_2997 : vector<16xf32>
        %add3A_2999 = arith.constant 1 : i32
        %add3A_3000 = arith.addi %while3A_2901, %add3A_2999 : i32
        %select_n3A_3001 = arith.select %le3A, %add3A_3000, %while3A_2901 : i32
        scf.yield %min3A_2950, %select_n3A_3001, %mul3A_2968, %mul3A_2970, %mul3A_2972, %mul3A_2974, %mul3A_2976, %mul3A_2978, %mul3A_2980, %mul3A_2982, %mul3A_2984, %mul3A_2986, %mul3A_2988, %mul3A_2990, %mul3A_2992, %mul3A_2994, %mul3A_2996, %mul3A_2998 : i32, i32, vector<16xf32>, vector<16xf32>, vector<16xf32>, vector<16xf32>, vector<16xf32>, vector<16xf32>, vector<16xf32>, vector<16xf32>, vector<16xf32>, vector<16xf32>, vector<16xf32>, vector<16xf32>, vector<16xf32>, vector<16xf32>, vector<16xf32>, vector<16xf32>
      }
      %add3A_2866 = arith.constant 2 : i32
      %add3A_2867 = arith.addi %add3A_2849, %add3A_2866 : i32
      %lt3A_2868 = arith.constant 25 : i32
      %lt3A_2869 = arith.cmpi slt, %add3A_2867, %lt3A_2868 : i32
      %convert_element_type3A_2870 = arith.extui %lt3A_2869 : i1 to i32
      %cond3A_2871 = arith.constant 0 : i32
      %cond3A_2872 = arith.cmpi ne, %convert_element_type3A_2870, %cond3A_2871 : i32
      scf.if %cond3A_2872 {
        %add3A_2900 = arith.constant 2 : i32
        %add3A_2901 = arith.addi %add3A_2849, %add3A_2900 : i32
        %mul3A_2902 = arith.constant 200 : i32
        %mul3A_2903 = arith.muli %add3A_2901, %mul3A_2902 : i32
        %add3A_2904 = arith.addi %mul3A_2, %mul3A_2903 : i32
        %dma_start3A_2905 = arith.constant 0 : i32
        %dma_start3A_2906 = tpu.memref_slice %arg2[%add3A_2904, %dma_start3A_2905] : memref<160000x256xf32, #tpu.memory_space<hbm>> -> memref<200x128xf32, #tpu.memory_space<hbm>>
        %dma_start3A_2907 = arith.constant 0 : i32
        %dma_start3A_2908 = tpu.memref_slice %arg2[%add3A_2904, %dma_start3A_2907] : memref<160000x256xf32, #tpu.memory_space<hbm>> -> memref<200x128xf32, #tpu.memory_space<hbm>>
        tpu.enqueue_dma source(%dma_start3A_2908 : memref<200x128xf32, #tpu.memory_space<hbm>>) target(%arg6 : memref<200x128xf32, #tpu.memory_space<vmem>>) target_semaphore(%arg13 : memref<!tpu.dma_semaphore, #tpu.memory_space<semaphore_mem>>)
        %dma_start3A_2909 = arith.constant 128 : i32
        %dma_start3A_2910 = tpu.memref_slice %arg2[%add3A_2904, %dma_start3A_2909] : memref<160000x256xf32, #tpu.memory_space<hbm>> -> memref<200x128xf32, #tpu.memory_space<hbm>>
        %dma_start3A_2911 = arith.constant 128 : i32
        %dma_start3A_2912 = tpu.memref_slice %arg2[%add3A_2904, %dma_start3A_2911] : memref<160000x256xf32, #tpu.memory_space<hbm>> -> memref<200x128xf32, #tpu.memory_space<hbm>>
        tpu.enqueue_dma source(%dma_start3A_2912 : memref<200x128xf32, #tpu.memory_space<hbm>>) target(%arg7 : memref<200x128xf32, #tpu.memory_space<vmem>>) target_semaphore(%arg14 : memref<!tpu.dma_semaphore, #tpu.memory_space<semaphore_mem>>)
      } else {
      }
      %mul3A_2873 = arith.constant 2 : i32
      %mul3A_2874 = arith.muli %scan3A_2828, %mul3A_2873 : i32
      %add3A_2875 = arith.constant 1 : i32
      %add3A_2876 = arith.addi %mul3A_2874, %add3A_2875 : i32
      %mul3A_2877 = arith.constant 200 : i32
      %mul3A_2878 = arith.muli %add3A_2876, %mul3A_2877 : i32
      %add3A_2879 = arith.addi %mul3A_2, %mul3A_2878 : i32
      %dma_wait3A_2880 = arith.constant 0 : i32
      %dma_wait3A_2881 = tpu.memref_slice %arg2[%add3A_2879, %dma_wait3A_2880] : memref<160000x256xf32, #tpu.memory_space<hbm>> -> memref<200x128xf32, #tpu.memory_space<hbm>>
      %dma_wait3A_2882 = arith.constant 0 : i32
      %dma_wait3A_2883 = tpu.memref_slice %arg2[%add3A_2879, %dma_wait3A_2882] : memref<160000x256xf32, #tpu.memory_space<hbm>> -> memref<200x128xf32, #tpu.memory_space<hbm>>
      tpu.wait_dma2 semaphore(%arg15 : memref<!tpu.dma_semaphore, #tpu.memory_space<semaphore_mem>>) src(%dma_wait3A_2883 : memref<200x128xf32, #tpu.memory_space<hbm>>) dst(%arg8 : memref<200x128xf32, #tpu.memory_space<vmem>>)
      %dma_wait3A_2884 = arith.constant 128 : i32
      %dma_wait3A_2885 = tpu.memref_slice %arg2[%add3A_2879, %dma_wait3A_2884] : memref<160000x256xf32, #tpu.memory_space<hbm>> -> memref<200x128xf32, #tpu.memory_space<hbm>>
      %dma_wait3A_2886 = arith.constant 128 : i32
      %dma_wait3A_2887 = tpu.memref_slice %arg2[%add3A_2879, %dma_wait3A_2886] : memref<160000x256xf32, #tpu.memory_space<hbm>> -> memref<200x128xf32, #tpu.memory_space<hbm>>
      tpu.wait_dma2 semaphore(%arg16 : memref<!tpu.dma_semaphore, #tpu.memory_space<semaphore_mem>>) src(%dma_wait3A_2887 : memref<200x128xf32, #tpu.memory_space<hbm>>) dst(%arg9 : memref<200x128xf32, #tpu.memory_space<vmem>>)
      %mul3A_2888 = arith.constant 200 : i32
      %mul3A_2889 = arith.muli %add3A_2876, %mul3A_2888 : i32
      %add3A_2890 = arith.constant 200 : i32
      %add3A_2891 = arith.addi %mul3A_2889, %add3A_2890 : i32
      %while3A_2892:18 = scf.while (%while3A_2900 = %mul3A_2889, %while3A_2901 = %while3A_2865#1, %while3A_2902 = %while3A_2865#2, %while3A_2903 = %while3A_2865#3, %while3A_2904 = %while3A_2865#4, %while3A_2905 = %while3A_2865#5, %while3A_2906 = %while3A_2865#6, %while3A_2907 = %while3A_2865#7, %while3A_2908 = %while3A_2865#8, %while3A_2909 = %while3A_2865#9, %while3A_2910 = %while3A_2865#10, %while3A_2911 = %while3A_2865#11, %while3A_2912 = %while3A_2865#12, %while3A_2913 = %while3A_2865#13, %while3A_2914 = %while3A_2865#14, %while3A_2915 = %while3A_2865#15, %while3A_2916 = %while3A_2865#16, %while3A_2917 = %while3A_2865#17) : (i32, i32, vector<16xf32>, vector<16xf32>, vector<16xf32>, vector<16xf32>, vector<16xf32>, vector<16xf32>, vector<16xf32>, vector<16xf32>, vector<16xf32>, vector<16xf32>, vector<16xf32>, vector<16xf32>, vector<16xf32>, vector<16xf32>, vector<16xf32>, vector<16xf32>) -> (i32, i32, vector<16xf32>, vector<16xf32>, vector<16xf32>, vector<16xf32>, vector<16xf32>, vector<16xf32>, vector<16xf32>, vector<16xf32>, vector<16xf32>, vector<16xf32>, vector<16xf32>, vector<16xf32>, vector<16xf32>, vector<16xf32>, vector<16xf32>, vector<16xf32>) {
        %lt3A_2918 = arith.cmpi slt, %while3A_2900, %add3A_2891 : i32
        scf.condition(%lt3A_2918) %while3A_2900, %while3A_2901, %while3A_2902, %while3A_2903, %while3A_2904, %while3A_2905, %while3A_2906, %while3A_2907, %while3A_2908, %while3A_2909, %while3A_2910, %while3A_2911, %while3A_2912, %while3A_2913, %while3A_2914, %while3A_2915, %while3A_2916, %while3A_2917 : i32, i32, vector<16xf32>, vector<16xf32>, vector<16xf32>, vector<16xf32>, vector<16xf32>, vector<16xf32>, vector<16xf32>, vector<16xf32>, vector<16xf32>, vector<16xf32>, vector<16xf32>, vector<16xf32>, vector<16xf32>, vector<16xf32>, vector<16xf32>, vector<16xf32>
      } do {
      ^bb0(%while3A_2900: i32, %while3A_2901: i32, %while3A_2902: vector<16xf32>, %while3A_2903: vector<16xf32>, %while3A_2904: vector<16xf32>, %while3A_2905: vector<16xf32>, %while3A_2906: vector<16xf32>, %while3A_2907: vector<16xf32>, %while3A_2908: vector<16xf32>, %while3A_2909: vector<16xf32>, %while3A_2910: vector<16xf32>, %while3A_2911: vector<16xf32>, %while3A_2912: vector<16xf32>, %while3A_2913: vector<16xf32>, %while3A_2914: vector<16xf32>, %while3A_2915: vector<16xf32>, %while3A_2916: vector<16xf32>, %while3A_2917: vector<16xf32>):
        %add3A_2918 = arith.constant 1 : i32
        %add3A_2919 = arith.addi %while3A_2901, %add3A_2918 : i32
        %and3A_2920 = arith.constant 15 : i32
        %and3A_2921 = arith.andi %add3A_2919, %and3A_2920 : i32
        %eq3A_2922 = vector.broadcast %and3A_2921 : i32 to vector<16xi32>
        %eq3A_2923 = arith.cmpi eq, %iota3A, %eq3A_2922 : vector<16xi32>
        %jit3A = arith.constant 0 : i32
        %broadcast_in_dim3A_2924 = vector.broadcast %jit3A : i32 to vector<16xi32>
        %select_n3A_2925 = arith.select %eq3A_2923, %select_n3A_2337, %broadcast_in_dim3A_2924 : vector<16xi1>, vector<16xi32>
        %reduce_max3A = arith.constant true
        %reduce_max3A_2926 = vector.broadcast %reduce_max3A : i1 to vector<16xi1>
        %reduce_max3A_2927 = arith.constant -2147483648 : i32
        %reduce_max3A_2928 = vector.broadcast %reduce_max3A_2927 : i32 to vector<16xi32>
        %reduce_max3A_2929 = arith.xori %select_n3A_2925, %reduce_max3A_2928 : vector<16xi32>
        %reduce_max3A_2930 = tpu.scan <max>, %reduce_max3A_2929 masked %reduce_max3A_2926 : vector<16xi32>, vector<16xi1> -> vector<16xi32>
        %reduce_max3A_2931 = arith.xori %reduce_max3A_2930, %reduce_max3A_2928 : vector<16xi32>
        %reduce_max3A_2932 = vector.extract %reduce_max3A_2931[15] : i32 from vector<16xi32>
        %jit3A_2933 = arith.constant 0 : i32
        %broadcast_in_dim3A_2934 = vector.broadcast %jit3A_2933 : i32 to vector<16xi32>
        %select_n3A_2935 = arith.select %eq3A_2923, %select_n3A_2591, %broadcast_in_dim3A_2934 : vector<16xi1>, vector<16xi32>
        %reduce_max3A_2936 = arith.constant true
        %reduce_max3A_2937 = vector.broadcast %reduce_max3A_2936 : i1 to vector<16xi1>
        %reduce_max3A_2938 = arith.constant -2147483648 : i32
        %reduce_max3A_2939 = vector.broadcast %reduce_max3A_2938 : i32 to vector<16xi32>
        %reduce_max3A_2940 = arith.xori %select_n3A_2935, %reduce_max3A_2939 : vector<16xi32>
        %reduce_max3A_2941 = tpu.scan <max>, %reduce_max3A_2940 masked %reduce_max3A_2937 : vector<16xi32>, vector<16xi1> -> vector<16xi32>
        %reduce_max3A_2942 = arith.xori %reduce_max3A_2941, %reduce_max3A_2939 : vector<16xi32>
        %reduce_max3A_2943 = vector.extract %reduce_max3A_2942[15] : i32 from vector<16xi32>
        %lt3A_2944 = arith.constant 16 : i32
        %lt3A_2945 = arith.cmpi slt, %add3A_2919, %lt3A_2944 : i32
        %select_n3A_2946 = arith.select %lt3A_2945, %reduce_max3A_2932, %reduce_max3A_2943 : i32
        %ge3A = arith.constant 32 : i32
        %ge3A_2947 = arith.cmpi sge, %add3A_2919, %ge3A : i32
        %jit3A_2948 = arith.constant 5000 : i32
        %select_n3A_2949 = arith.select %ge3A_2947, %jit3A_2948, %select_n3A_2946 : i32
        %min3A_2950 = arith.minsi %select_n3A_2949, %add3A_2891 : i32
        %while3A_2951 = arith.subi %min3A_2950, %while3A_2900 : i32
        %while3A_2952 = arith.addi %while3A_2900, %while3A_2951 : i32
        %while3A_2953 = arith.constant 1 : i32
        %while3A_2954 = arith.divsi %while3A_2951, %while3A_2953 : i32
        %while3A_2955 = arith.muli %while3A_2954, %while3A_2953 : i32
        %while3A_2956 = arith.addi %while3A_2900, %while3A_2955 : i32
        %while3A_2957 = arith.constant 1 : i32
        %while3A_2958:16 = scf.for %while3A_3002 = %while3A_2900 to %while3A_2956 step %while3A_2957 iter_args(%while3A_3003 = %while3A_2902, %while3A_3004 = %while3A_2903, %while3A_3005 = %while3A_2904, %while3A_3006 = %while3A_2905, %while3A_3007 = %while3A_2906, %while3A_3008 = %while3A_2907, %while3A_3009 = %while3A_2908, %while3A_3010 = %while3A_2909, %while3A_3011 = %while3A_2910, %while3A_3012 = %while3A_2911, %while3A_3013 = %while3A_2912, %while3A_3014 = %while3A_2913, %while3A_3015 = %while3A_2914, %while3A_3016 = %while3A_2915, %while3A_3017 = %while3A_2916, %while3A_3018 = %while3A_2917) -> (vector<16xf32>, vector<16xf32>, vector<16xf32>, vector<16xf32>, vector<16xf32>, vector<16xf32>, vector<16xf32>, vector<16xf32>, vector<16xf32>, vector<16xf32>, vector<16xf32>, vector<16xf32>, vector<16xf32>, vector<16xf32>, vector<16xf32>, vector<16xf32>)  : i32 {
          %sub3A = arith.subi %while3A_3002, %mul3A_2889 : i32
          %get3A_3019 = arith.index_cast %sub3A : i32 to index
          %get3A_3020 = arith.constant 0 : index
          %get3A_3021 = tpu.vector_load %arg8[%get3A_3019, %get3A_3020] {strides = array<i32>} : memref<200x128xf32, #tpu.memory_space<vmem>>, vector<16xf32>,
          %add3A_3022 = arith.addf %while3A_3003, %get3A_3021 : vector<16xf32>
          %sub3A_3023 = arith.subi %while3A_3002, %mul3A_2889 : i32
          %get3A_3024 = arith.index_cast %sub3A_3023 : i32 to index
          %get3A_3025 = arith.constant 16 : index
          %get3A_3026 = tpu.vector_load %arg8[%get3A_3024, %get3A_3025] {strides = array<i32>} : memref<200x128xf32, #tpu.memory_space<vmem>>, vector<16xf32>,
          %add3A_3027 = arith.addf %while3A_3004, %get3A_3026 : vector<16xf32>
          %sub3A_3028 = arith.subi %while3A_3002, %mul3A_2889 : i32
          %get3A_3029 = arith.index_cast %sub3A_3028 : i32 to index
          %get3A_3030 = arith.constant 32 : index
          %get3A_3031 = tpu.vector_load %arg8[%get3A_3029, %get3A_3030] {strides = array<i32>} : memref<200x128xf32, #tpu.memory_space<vmem>>, vector<16xf32>,
          %add3A_3032 = arith.addf %while3A_3005, %get3A_3031 : vector<16xf32>
          %sub3A_3033 = arith.subi %while3A_3002, %mul3A_2889 : i32
          %get3A_3034 = arith.index_cast %sub3A_3033 : i32 to index
          %get3A_3035 = arith.constant 48 : index
          %get3A_3036 = tpu.vector_load %arg8[%get3A_3034, %get3A_3035] {strides = array<i32>} : memref<200x128xf32, #tpu.memory_space<vmem>>, vector<16xf32>,
          %add3A_3037 = arith.addf %while3A_3006, %get3A_3036 : vector<16xf32>
          %sub3A_3038 = arith.subi %while3A_3002, %mul3A_2889 : i32
          %get3A_3039 = arith.index_cast %sub3A_3038 : i32 to index
          %get3A_3040 = arith.constant 64 : index
          %get3A_3041 = tpu.vector_load %arg8[%get3A_3039, %get3A_3040] {strides = array<i32>} : memref<200x128xf32, #tpu.memory_space<vmem>>, vector<16xf32>,
          %add3A_3042 = arith.addf %while3A_3007, %get3A_3041 : vector<16xf32>
          %sub3A_3043 = arith.subi %while3A_3002, %mul3A_2889 : i32
          %get3A_3044 = arith.index_cast %sub3A_3043 : i32 to index
          %get3A_3045 = arith.constant 80 : index
          %get3A_3046 = tpu.vector_load %arg8[%get3A_3044, %get3A_3045] {strides = array<i32>} : memref<200x128xf32, #tpu.memory_space<vmem>>, vector<16xf32>,
          %add3A_3047 = arith.addf %while3A_3008, %get3A_3046 : vector<16xf32>
          %sub3A_3048 = arith.subi %while3A_3002, %mul3A_2889 : i32
          %get3A_3049 = arith.index_cast %sub3A_3048 : i32 to index
          %get3A_3050 = arith.constant 96 : index
          %get3A_3051 = tpu.vector_load %arg8[%get3A_3049, %get3A_3050] {strides = array<i32>} : memref<200x128xf32, #tpu.memory_space<vmem>>, vector<16xf32>,
          %add3A_3052 = arith.addf %while3A_3009, %get3A_3051 : vector<16xf32>
          %sub3A_3053 = arith.subi %while3A_3002, %mul3A_2889 : i32
          %get3A_3054 = arith.index_cast %sub3A_3053 : i32 to index
          %get3A_3055 = arith.constant 112 : index
          %get3A_3056 = tpu.vector_load %arg8[%get3A_3054, %get3A_3055] {strides = array<i32>} : memref<200x128xf32, #tpu.memory_space<vmem>>, vector<16xf32>,
          %add3A_3057 = arith.addf %while3A_3010, %get3A_3056 : vector<16xf32>
          %sub3A_3058 = arith.subi %while3A_3002, %mul3A_2889 : i32
          %get3A_3059 = arith.index_cast %sub3A_3058 : i32 to index
          %get3A_3060 = arith.constant 0 : index
          %get3A_3061 = tpu.vector_load %arg9[%get3A_3059, %get3A_3060] {strides = array<i32>} : memref<200x128xf32, #tpu.memory_space<vmem>>, vector<16xf32>,
          %add3A_3062 = arith.addf %while3A_3011, %get3A_3061 : vector<16xf32>
          %sub3A_3063 = arith.subi %while3A_3002, %mul3A_2889 : i32
          %get3A_3064 = arith.index_cast %sub3A_3063 : i32 to index
          %get3A_3065 = arith.constant 16 : index
          %get3A_3066 = tpu.vector_load %arg9[%get3A_3064, %get3A_3065] {strides = array<i32>} : memref<200x128xf32, #tpu.memory_space<vmem>>, vector<16xf32>,
          %add3A_3067 = arith.addf %while3A_3012, %get3A_3066 : vector<16xf32>
          %sub3A_3068 = arith.subi %while3A_3002, %mul3A_2889 : i32
          %get3A_3069 = arith.index_cast %sub3A_3068 : i32 to index
          %get3A_3070 = arith.constant 32 : index
          %get3A_3071 = tpu.vector_load %arg9[%get3A_3069, %get3A_3070] {strides = array<i32>} : memref<200x128xf32, #tpu.memory_space<vmem>>, vector<16xf32>,
          %add3A_3072 = arith.addf %while3A_3013, %get3A_3071 : vector<16xf32>
          %sub3A_3073 = arith.subi %while3A_3002, %mul3A_2889 : i32
          %get3A_3074 = arith.index_cast %sub3A_3073 : i32 to index
          %get3A_3075 = arith.constant 48 : index
          %get3A_3076 = tpu.vector_load %arg9[%get3A_3074, %get3A_3075] {strides = array<i32>} : memref<200x128xf32, #tpu.memory_space<vmem>>, vector<16xf32>,
          %add3A_3077 = arith.addf %while3A_3014, %get3A_3076 : vector<16xf32>
          %sub3A_3078 = arith.subi %while3A_3002, %mul3A_2889 : i32
          %get3A_3079 = arith.index_cast %sub3A_3078 : i32 to index
          %get3A_3080 = arith.constant 64 : index
          %get3A_3081 = tpu.vector_load %arg9[%get3A_3079, %get3A_3080] {strides = array<i32>} : memref<200x128xf32, #tpu.memory_space<vmem>>, vector<16xf32>,
          %add3A_3082 = arith.addf %while3A_3015, %get3A_3081 : vector<16xf32>
          %sub3A_3083 = arith.subi %while3A_3002, %mul3A_2889 : i32
          %get3A_3084 = arith.index_cast %sub3A_3083 : i32 to index
          %get3A_3085 = arith.constant 80 : index
          %get3A_3086 = tpu.vector_load %arg9[%get3A_3084, %get3A_3085] {strides = array<i32>} : memref<200x128xf32, #tpu.memory_space<vmem>>, vector<16xf32>,
          %add3A_3087 = arith.addf %while3A_3016, %get3A_3086 : vector<16xf32>
          %sub3A_3088 = arith.subi %while3A_3002, %mul3A_2889 : i32
          %get3A_3089 = arith.index_cast %sub3A_3088 : i32 to index
          %get3A_3090 = arith.constant 96 : index
          %get3A_3091 = tpu.vector_load %arg9[%get3A_3089, %get3A_3090] {strides = array<i32>} : memref<200x128xf32, #tpu.memory_space<vmem>>, vector<16xf32>,
          %add3A_3092 = arith.addf %while3A_3017, %get3A_3091 : vector<16xf32>
          %sub3A_3093 = arith.subi %while3A_3002, %mul3A_2889 : i32
          %get3A_3094 = arith.index_cast %sub3A_3093 : i32 to index
          %get3A_3095 = arith.constant 112 : index
          %get3A_3096 = tpu.vector_load %arg9[%get3A_3094, %get3A_3095] {strides = array<i32>} : memref<200x128xf32, #tpu.memory_space<vmem>>, vector<16xf32>,
          %add3A_3097 = arith.addf %while3A_3018, %get3A_3096 : vector<16xf32>
          scf.yield %add3A_3022, %add3A_3027, %add3A_3032, %add3A_3037, %add3A_3042, %add3A_3047, %add3A_3052, %add3A_3057, %add3A_3062, %add3A_3067, %add3A_3072, %add3A_3077, %add3A_3082, %add3A_3087, %add3A_3092, %add3A_3097 : vector<16xf32>, vector<16xf32>, vector<16xf32>, vector<16xf32>, vector<16xf32>, vector<16xf32>, vector<16xf32>, vector<16xf32>, vector<16xf32>, vector<16xf32>, vector<16xf32>, vector<16xf32>, vector<16xf32>, vector<16xf32>, vector<16xf32>, vector<16xf32>
        }
        %while3A_2959 = arith.constant 1 : i32
        %while3A_2960:16 = scf.for %while3A_3002 = %while3A_2956 to %while3A_2952 step %while3A_2959 iter_args(%while3A_3003 = %while3A_2958#0, %while3A_3004 = %while3A_2958#1, %while3A_3005 = %while3A_2958#2, %while3A_3006 = %while3A_2958#3, %while3A_3007 = %while3A_2958#4, %while3A_3008 = %while3A_2958#5, %while3A_3009 = %while3A_2958#6, %while3A_3010 = %while3A_2958#7, %while3A_3011 = %while3A_2958#8, %while3A_3012 = %while3A_2958#9, %while3A_3013 = %while3A_2958#10, %while3A_3014 = %while3A_2958#11, %while3A_3015 = %while3A_2958#12, %while3A_3016 = %while3A_2958#13, %while3A_3017 = %while3A_2958#14, %while3A_3018 = %while3A_2958#15) -> (vector<16xf32>, vector<16xf32>, vector<16xf32>, vector<16xf32>, vector<16xf32>, vector<16xf32>, vector<16xf32>, vector<16xf32>, vector<16xf32>, vector<16xf32>, vector<16xf32>, vector<16xf32>, vector<16xf32>, vector<16xf32>, vector<16xf32>, vector<16xf32>)  : i32 {
          %sub3A = arith.subi %while3A_3002, %mul3A_2889 : i32
          %get3A_3019 = arith.index_cast %sub3A : i32 to index
          %get3A_3020 = arith.constant 0 : index
          %get3A_3021 = tpu.vector_load %arg8[%get3A_3019, %get3A_3020] {strides = array<i32>} : memref<200x128xf32, #tpu.memory_space<vmem>>, vector<16xf32>,
          %add3A_3022 = arith.addf %while3A_3003, %get3A_3021 : vector<16xf32>
          %sub3A_3023 = arith.subi %while3A_3002, %mul3A_2889 : i32
          %get3A_3024 = arith.index_cast %sub3A_3023 : i32 to index
          %get3A_3025 = arith.constant 16 : index
          %get3A_3026 = tpu.vector_load %arg8[%get3A_3024, %get3A_3025] {strides = array<i32>} : memref<200x128xf32, #tpu.memory_space<vmem>>, vector<16xf32>,
          %add3A_3027 = arith.addf %while3A_3004, %get3A_3026 : vector<16xf32>
          %sub3A_3028 = arith.subi %while3A_3002, %mul3A_2889 : i32
          %get3A_3029 = arith.index_cast %sub3A_3028 : i32 to index
          %get3A_3030 = arith.constant 32 : index
          %get3A_3031 = tpu.vector_load %arg8[%get3A_3029, %get3A_3030] {strides = array<i32>} : memref<200x128xf32, #tpu.memory_space<vmem>>, vector<16xf32>,
          %add3A_3032 = arith.addf %while3A_3005, %get3A_3031 : vector<16xf32>
          %sub3A_3033 = arith.subi %while3A_3002, %mul3A_2889 : i32
          %get3A_3034 = arith.index_cast %sub3A_3033 : i32 to index
          %get3A_3035 = arith.constant 48 : index
          %get3A_3036 = tpu.vector_load %arg8[%get3A_3034, %get3A_3035] {strides = array<i32>} : memref<200x128xf32, #tpu.memory_space<vmem>>, vector<16xf32>,
          %add3A_3037 = arith.addf %while3A_3006, %get3A_3036 : vector<16xf32>
          %sub3A_3038 = arith.subi %while3A_3002, %mul3A_2889 : i32
          %get3A_3039 = arith.index_cast %sub3A_3038 : i32 to index
          %get3A_3040 = arith.constant 64 : index
          %get3A_3041 = tpu.vector_load %arg8[%get3A_3039, %get3A_3040] {strides = array<i32>} : memref<200x128xf32, #tpu.memory_space<vmem>>, vector<16xf32>,
          %add3A_3042 = arith.addf %while3A_3007, %get3A_3041 : vector<16xf32>
          %sub3A_3043 = arith.subi %while3A_3002, %mul3A_2889 : i32
          %get3A_3044 = arith.index_cast %sub3A_3043 : i32 to index
          %get3A_3045 = arith.constant 80 : index
          %get3A_3046 = tpu.vector_load %arg8[%get3A_3044, %get3A_3045] {strides = array<i32>} : memref<200x128xf32, #tpu.memory_space<vmem>>, vector<16xf32>,
          %add3A_3047 = arith.addf %while3A_3008, %get3A_3046 : vector<16xf32>
          %sub3A_3048 = arith.subi %while3A_3002, %mul3A_2889 : i32
          %get3A_3049 = arith.index_cast %sub3A_3048 : i32 to index
          %get3A_3050 = arith.constant 96 : index
          %get3A_3051 = tpu.vector_load %arg8[%get3A_3049, %get3A_3050] {strides = array<i32>} : memref<200x128xf32, #tpu.memory_space<vmem>>, vector<16xf32>,
          %add3A_3052 = arith.addf %while3A_3009, %get3A_3051 : vector<16xf32>
          %sub3A_3053 = arith.subi %while3A_3002, %mul3A_2889 : i32
          %get3A_3054 = arith.index_cast %sub3A_3053 : i32 to index
          %get3A_3055 = arith.constant 112 : index
          %get3A_3056 = tpu.vector_load %arg8[%get3A_3054, %get3A_3055] {strides = array<i32>} : memref<200x128xf32, #tpu.memory_space<vmem>>, vector<16xf32>,
          %add3A_3057 = arith.addf %while3A_3010, %get3A_3056 : vector<16xf32>
          %sub3A_3058 = arith.subi %while3A_3002, %mul3A_2889 : i32
          %get3A_3059 = arith.index_cast %sub3A_3058 : i32 to index
          %get3A_3060 = arith.constant 0 : index
          %get3A_3061 = tpu.vector_load %arg9[%get3A_3059, %get3A_3060] {strides = array<i32>} : memref<200x128xf32, #tpu.memory_space<vmem>>, vector<16xf32>,
          %add3A_3062 = arith.addf %while3A_3011, %get3A_3061 : vector<16xf32>
          %sub3A_3063 = arith.subi %while3A_3002, %mul3A_2889 : i32
          %get3A_3064 = arith.index_cast %sub3A_3063 : i32 to index
          %get3A_3065 = arith.constant 16 : index
          %get3A_3066 = tpu.vector_load %arg9[%get3A_3064, %get3A_3065] {strides = array<i32>} : memref<200x128xf32, #tpu.memory_space<vmem>>, vector<16xf32>,
          %add3A_3067 = arith.addf %while3A_3012, %get3A_3066 : vector<16xf32>
          %sub3A_3068 = arith.subi %while3A_3002, %mul3A_2889 : i32
          %get3A_3069 = arith.index_cast %sub3A_3068 : i32 to index
          %get3A_3070 = arith.constant 32 : index
          %get3A_3071 = tpu.vector_load %arg9[%get3A_3069, %get3A_3070] {strides = array<i32>} : memref<200x128xf32, #tpu.memory_space<vmem>>, vector<16xf32>,
          %add3A_3072 = arith.addf %while3A_3013, %get3A_3071 : vector<16xf32>
          %sub3A_3073 = arith.subi %while3A_3002, %mul3A_2889 : i32
          %get3A_3074 = arith.index_cast %sub3A_3073 : i32 to index
          %get3A_3075 = arith.constant 48 : index
          %get3A_3076 = tpu.vector_load %arg9[%get3A_3074, %get3A_3075] {strides = array<i32>} : memref<200x128xf32, #tpu.memory_space<vmem>>, vector<16xf32>,
          %add3A_3077 = arith.addf %while3A_3014, %get3A_3076 : vector<16xf32>
          %sub3A_3078 = arith.subi %while3A_3002, %mul3A_2889 : i32
          %get3A_3079 = arith.index_cast %sub3A_3078 : i32 to index
          %get3A_3080 = arith.constant 64 : index
          %get3A_3081 = tpu.vector_load %arg9[%get3A_3079, %get3A_3080] {strides = array<i32>} : memref<200x128xf32, #tpu.memory_space<vmem>>, vector<16xf32>,
          %add3A_3082 = arith.addf %while3A_3015, %get3A_3081 : vector<16xf32>
          %sub3A_3083 = arith.subi %while3A_3002, %mul3A_2889 : i32
          %get3A_3084 = arith.index_cast %sub3A_3083 : i32 to index
          %get3A_3085 = arith.constant 80 : index
          %get3A_3086 = tpu.vector_load %arg9[%get3A_3084, %get3A_3085] {strides = array<i32>} : memref<200x128xf32, #tpu.memory_space<vmem>>, vector<16xf32>,
          %add3A_3087 = arith.addf %while3A_3016, %get3A_3086 : vector<16xf32>
          %sub3A_3088 = arith.subi %while3A_3002, %mul3A_2889 : i32
          %get3A_3089 = arith.index_cast %sub3A_3088 : i32 to index
          %get3A_3090 = arith.constant 96 : index
          %get3A_3091 = tpu.vector_load %arg9[%get3A_3089, %get3A_3090] {strides = array<i32>} : memref<200x128xf32, #tpu.memory_space<vmem>>, vector<16xf32>,
          %add3A_3092 = arith.addf %while3A_3017, %get3A_3091 : vector<16xf32>
          %sub3A_3093 = arith.subi %while3A_3002, %mul3A_2889 : i32
          %get3A_3094 = arith.index_cast %sub3A_3093 : i32 to index
          %get3A_3095 = arith.constant 112 : index
          %get3A_3096 = tpu.vector_load %arg9[%get3A_3094, %get3A_3095] {strides = array<i32>} : memref<200x128xf32, #tpu.memory_space<vmem>>, vector<16xf32>,
          %add3A_3097 = arith.addf %while3A_3018, %get3A_3096 : vector<16xf32>
          scf.yield %add3A_3022, %add3A_3027, %add3A_3032, %add3A_3037, %add3A_3042, %add3A_3047, %add3A_3052, %add3A_3057, %add3A_3062, %add3A_3067, %add3A_3072, %add3A_3077, %add3A_3082, %add3A_3087, %add3A_3092, %add3A_3097 : vector<16xf32>, vector<16xf32>, vector<16xf32>, vector<16xf32>, vector<16xf32>, vector<16xf32>, vector<16xf32>, vector<16xf32>, vector<16xf32>, vector<16xf32>, vector<16xf32>, vector<16xf32>, vector<16xf32>, vector<16xf32>, vector<16xf32>, vector<16xf32>
        }
        %le3A = arith.cmpi sle, %select_n3A_2949, %add3A_2891 : i32
        %convert_element_type3A_2961 = arith.extui %le3A : i1 to i32
        %cond3A_2962 = arith.constant 0 : i32
        %cond3A_2963 = arith.cmpi ne, %convert_element_type3A_2961, %cond3A_2962 : i32
        scf.if %cond3A_2963 {
          %min3A_3002 = arith.constant 31 : i32
          %min3A_3003 = arith.minsi %while3A_2901, %min3A_3002 : i32
          %mul3A_3004 = arith.constant 2 : i32
          %mul3A_3005 = arith.muli %mul3A_3004, %min3A_3003 : i32
          %add3A_3006 = arith.constant 0 : i32
          %add3A_3007 = arith.addi %mul3A_3005, %add3A_3006 : i32
          %get3A_3008 = arith.index_cast %add3A_3007 : i32 to index
          %get3A_3009 = arith.constant 0 : index
          %get3A_3010 = tpu.vector_load %arg10[%get3A_3008, %get3A_3009] {strides = array<i32>} : memref<64x128xf32, #tpu.memory_space<vmem>>, vector<16xf32>,
          %add3A_3011 = arith.addf %get3A_3010, %while3A_2960#0 : vector<16xf32>
          %swap3A_3012 = arith.index_cast %add3A_3007 : i32 to index
          %swap3A_3013 = arith.constant 0 : index
          %swap3A_3014 = tpu.vector_load %arg10[%swap3A_3012, %swap3A_3013] {strides = array<i32>} : memref<64x128xf32, #tpu.memory_space<vmem>>, vector<16xf32>,
          tpu.vector_store %arg10[%swap3A_3012, %swap3A_3013], %add3A_3011 {strides = array<i32>} : memref<64x128xf32, #tpu.memory_space<vmem>>, vector<16xf32>,
          %mul3A_3015 = arith.constant 2 : i32
          %mul3A_3016 = arith.muli %mul3A_3015, %min3A_3003 : i32
          %add3A_3017 = arith.constant 0 : i32
          %add3A_3018 = arith.addi %mul3A_3016, %add3A_3017 : i32
          %get3A_3019 = arith.index_cast %add3A_3018 : i32 to index
          %get3A_3020 = arith.constant 16 : index
          %get3A_3021 = tpu.vector_load %arg10[%get3A_3019, %get3A_3020] {strides = array<i32>} : memref<64x128xf32, #tpu.memory_space<vmem>>, vector<16xf32>,
          %add3A_3022 = arith.addf %get3A_3021, %while3A_2960#1 : vector<16xf32>
          %swap3A_3023 = arith.index_cast %add3A_3018 : i32 to index
          %swap3A_3024 = arith.constant 16 : index
          %swap3A_3025 = tpu.vector_load %arg10[%swap3A_3023, %swap3A_3024] {strides = array<i32>} : memref<64x128xf32, #tpu.memory_space<vmem>>, vector<16xf32>,
          tpu.vector_store %arg10[%swap3A_3023, %swap3A_3024], %add3A_3022 {strides = array<i32>} : memref<64x128xf32, #tpu.memory_space<vmem>>, vector<16xf32>,
          %mul3A_3026 = arith.constant 2 : i32
          %mul3A_3027 = arith.muli %mul3A_3026, %min3A_3003 : i32
          %add3A_3028 = arith.constant 0 : i32
          %add3A_3029 = arith.addi %mul3A_3027, %add3A_3028 : i32
          %get3A_3030 = arith.index_cast %add3A_3029 : i32 to index
          %get3A_3031 = arith.constant 32 : index
          %get3A_3032 = tpu.vector_load %arg10[%get3A_3030, %get3A_3031] {strides = array<i32>} : memref<64x128xf32, #tpu.memory_space<vmem>>, vector<16xf32>,
          %add3A_3033 = arith.addf %get3A_3032, %while3A_2960#2 : vector<16xf32>
          %swap3A_3034 = arith.index_cast %add3A_3029 : i32 to index
          %swap3A_3035 = arith.constant 32 : index
          %swap3A_3036 = tpu.vector_load %arg10[%swap3A_3034, %swap3A_3035] {strides = array<i32>} : memref<64x128xf32, #tpu.memory_space<vmem>>, vector<16xf32>,
          tpu.vector_store %arg10[%swap3A_3034, %swap3A_3035], %add3A_3033 {strides = array<i32>} : memref<64x128xf32, #tpu.memory_space<vmem>>, vector<16xf32>,
          %mul3A_3037 = arith.constant 2 : i32
          %mul3A_3038 = arith.muli %mul3A_3037, %min3A_3003 : i32
          %add3A_3039 = arith.constant 0 : i32
          %add3A_3040 = arith.addi %mul3A_3038, %add3A_3039 : i32
          %get3A_3041 = arith.index_cast %add3A_3040 : i32 to index
          %get3A_3042 = arith.constant 48 : index
          %get3A_3043 = tpu.vector_load %arg10[%get3A_3041, %get3A_3042] {strides = array<i32>} : memref<64x128xf32, #tpu.memory_space<vmem>>, vector<16xf32>,
          %add3A_3044 = arith.addf %get3A_3043, %while3A_2960#3 : vector<16xf32>
          %swap3A_3045 = arith.index_cast %add3A_3040 : i32 to index
          %swap3A_3046 = arith.constant 48 : index
          %swap3A_3047 = tpu.vector_load %arg10[%swap3A_3045, %swap3A_3046] {strides = array<i32>} : memref<64x128xf32, #tpu.memory_space<vmem>>, vector<16xf32>,
          tpu.vector_store %arg10[%swap3A_3045, %swap3A_3046], %add3A_3044 {strides = array<i32>} : memref<64x128xf32, #tpu.memory_space<vmem>>, vector<16xf32>,
          %mul3A_3048 = arith.constant 2 : i32
          %mul3A_3049 = arith.muli %mul3A_3048, %min3A_3003 : i32
          %add3A_3050 = arith.constant 0 : i32
          %add3A_3051 = arith.addi %mul3A_3049, %add3A_3050 : i32
          %get3A_3052 = arith.index_cast %add3A_3051 : i32 to index
          %get3A_3053 = arith.constant 64 : index
          %get3A_3054 = tpu.vector_load %arg10[%get3A_3052, %get3A_3053] {strides = array<i32>} : memref<64x128xf32, #tpu.memory_space<vmem>>, vector<16xf32>,
          %add3A_3055 = arith.addf %get3A_3054, %while3A_2960#4 : vector<16xf32>
          %swap3A_3056 = arith.index_cast %add3A_3051 : i32 to index
          %swap3A_3057 = arith.constant 64 : index
          %swap3A_3058 = tpu.vector_load %arg10[%swap3A_3056, %swap3A_3057] {strides = array<i32>} : memref<64x128xf32, #tpu.memory_space<vmem>>, vector<16xf32>,
          tpu.vector_store %arg10[%swap3A_3056, %swap3A_3057], %add3A_3055 {strides = array<i32>} : memref<64x128xf32, #tpu.memory_space<vmem>>, vector<16xf32>,
          %mul3A_3059 = arith.constant 2 : i32
          %mul3A_3060 = arith.muli %mul3A_3059, %min3A_3003 : i32
          %add3A_3061 = arith.constant 0 : i32
          %add3A_3062 = arith.addi %mul3A_3060, %add3A_3061 : i32
          %get3A_3063 = arith.index_cast %add3A_3062 : i32 to index
          %get3A_3064 = arith.constant 80 : index
          %get3A_3065 = tpu.vector_load %arg10[%get3A_3063, %get3A_3064] {strides = array<i32>} : memref<64x128xf32, #tpu.memory_space<vmem>>, vector<16xf32>,
          %add3A_3066 = arith.addf %get3A_3065, %while3A_2960#5 : vector<16xf32>
          %swap3A_3067 = arith.index_cast %add3A_3062 : i32 to index
          %swap3A_3068 = arith.constant 80 : index
          %swap3A_3069 = tpu.vector_load %arg10[%swap3A_3067, %swap3A_3068] {strides = array<i32>} : memref<64x128xf32, #tpu.memory_space<vmem>>, vector<16xf32>,
          tpu.vector_store %arg10[%swap3A_3067, %swap3A_3068], %add3A_3066 {strides = array<i32>} : memref<64x128xf32, #tpu.memory_space<vmem>>, vector<16xf32>,
          %mul3A_3070 = arith.constant 2 : i32
          %mul3A_3071 = arith.muli %mul3A_3070, %min3A_3003 : i32
          %add3A_3072 = arith.constant 0 : i32
          %add3A_3073 = arith.addi %mul3A_3071, %add3A_3072 : i32
          %get3A_3074 = arith.index_cast %add3A_3073 : i32 to index
          %get3A_3075 = arith.constant 96 : index
          %get3A_3076 = tpu.vector_load %arg10[%get3A_3074, %get3A_3075] {strides = array<i32>} : memref<64x128xf32, #tpu.memory_space<vmem>>, vector<16xf32>,
          %add3A_3077 = arith.addf %get3A_3076, %while3A_2960#6 : vector<16xf32>
          %swap3A_3078 = arith.index_cast %add3A_3073 : i32 to index
          %swap3A_3079 = arith.constant 96 : index
          %swap3A_3080 = tpu.vector_load %arg10[%swap3A_3078, %swap3A_3079] {strides = array<i32>} : memref<64x128xf32, #tpu.memory_space<vmem>>, vector<16xf32>,
          tpu.vector_store %arg10[%swap3A_3078, %swap3A_3079], %add3A_3077 {strides = array<i32>} : memref<64x128xf32, #tpu.memory_space<vmem>>, vector<16xf32>,
          %mul3A_3081 = arith.constant 2 : i32
          %mul3A_3082 = arith.muli %mul3A_3081, %min3A_3003 : i32
          %add3A_3083 = arith.constant 0 : i32
          %add3A_3084 = arith.addi %mul3A_3082, %add3A_3083 : i32
          %get3A_3085 = arith.index_cast %add3A_3084 : i32 to index
          %get3A_3086 = arith.constant 112 : index
          %get3A_3087 = tpu.vector_load %arg10[%get3A_3085, %get3A_3086] {strides = array<i32>} : memref<64x128xf32, #tpu.memory_space<vmem>>, vector<16xf32>,
          %add3A_3088 = arith.addf %get3A_3087, %while3A_2960#7 : vector<16xf32>
          %swap3A_3089 = arith.index_cast %add3A_3084 : i32 to index
          %swap3A_3090 = arith.constant 112 : index
          %swap3A_3091 = tpu.vector_load %arg10[%swap3A_3089, %swap3A_3090] {strides = array<i32>} : memref<64x128xf32, #tpu.memory_space<vmem>>, vector<16xf32>,
          tpu.vector_store %arg10[%swap3A_3089, %swap3A_3090], %add3A_3088 {strides = array<i32>} : memref<64x128xf32, #tpu.memory_space<vmem>>, vector<16xf32>,
          %mul3A_3092 = arith.constant 2 : i32
          %mul3A_3093 = arith.muli %mul3A_3092, %min3A_3003 : i32
          %add3A_3094 = arith.constant 1 : i32
          %add3A_3095 = arith.addi %mul3A_3093, %add3A_3094 : i32
          %get3A_3096 = arith.index_cast %add3A_3095 : i32 to index
          %get3A_3097 = arith.constant 0 : index
          %get3A_3098 = tpu.vector_load %arg10[%get3A_3096, %get3A_3097] {strides = array<i32>} : memref<64x128xf32, #tpu.memory_space<vmem>>, vector<16xf32>,
          %add3A_3099 = arith.addf %get3A_3098, %while3A_2960#8 : vector<16xf32>
          %swap3A_3100 = arith.index_cast %add3A_3095 : i32 to index
          %swap3A_3101 = arith.constant 0 : index
          %swap3A_3102 = tpu.vector_load %arg10[%swap3A_3100, %swap3A_3101] {strides = array<i32>} : memref<64x128xf32, #tpu.memory_space<vmem>>, vector<16xf32>,
          tpu.vector_store %arg10[%swap3A_3100, %swap3A_3101], %add3A_3099 {strides = array<i32>} : memref<64x128xf32, #tpu.memory_space<vmem>>, vector<16xf32>,
          %mul3A_3103 = arith.constant 2 : i32
          %mul3A_3104 = arith.muli %mul3A_3103, %min3A_3003 : i32
          %add3A_3105 = arith.constant 1 : i32
          %add3A_3106 = arith.addi %mul3A_3104, %add3A_3105 : i32
          %get3A_3107 = arith.index_cast %add3A_3106 : i32 to index
          %get3A_3108 = arith.constant 16 : index
          %get3A_3109 = tpu.vector_load %arg10[%get3A_3107, %get3A_3108] {strides = array<i32>} : memref<64x128xf32, #tpu.memory_space<vmem>>, vector<16xf32>,
          %add3A_3110 = arith.addf %get3A_3109, %while3A_2960#9 : vector<16xf32>
          %swap3A_3111 = arith.index_cast %add3A_3106 : i32 to index
          %swap3A_3112 = arith.constant 16 : index
          %swap3A_3113 = tpu.vector_load %arg10[%swap3A_3111, %swap3A_3112] {strides = array<i32>} : memref<64x128xf32, #tpu.memory_space<vmem>>, vector<16xf32>,
          tpu.vector_store %arg10[%swap3A_3111, %swap3A_3112], %add3A_3110 {strides = array<i32>} : memref<64x128xf32, #tpu.memory_space<vmem>>, vector<16xf32>,
          %mul3A_3114 = arith.constant 2 : i32
          %mul3A_3115 = arith.muli %mul3A_3114, %min3A_3003 : i32
          %add3A_3116 = arith.constant 1 : i32
          %add3A_3117 = arith.addi %mul3A_3115, %add3A_3116 : i32
          %get3A_3118 = arith.index_cast %add3A_3117 : i32 to index
          %get3A_3119 = arith.constant 32 : index
          %get3A_3120 = tpu.vector_load %arg10[%get3A_3118, %get3A_3119] {strides = array<i32>} : memref<64x128xf32, #tpu.memory_space<vmem>>, vector<16xf32>,
          %add3A_3121 = arith.addf %get3A_3120, %while3A_2960#10 : vector<16xf32>
          %swap3A_3122 = arith.index_cast %add3A_3117 : i32 to index
          %swap3A_3123 = arith.constant 32 : index
          %swap3A_3124 = tpu.vector_load %arg10[%swap3A_3122, %swap3A_3123] {strides = array<i32>} : memref<64x128xf32, #tpu.memory_space<vmem>>, vector<16xf32>,
          tpu.vector_store %arg10[%swap3A_3122, %swap3A_3123], %add3A_3121 {strides = array<i32>} : memref<64x128xf32, #tpu.memory_space<vmem>>, vector<16xf32>,
          %mul3A_3125 = arith.constant 2 : i32
          %mul3A_3126 = arith.muli %mul3A_3125, %min3A_3003 : i32
          %add3A_3127 = arith.constant 1 : i32
          %add3A_3128 = arith.addi %mul3A_3126, %add3A_3127 : i32
          %get3A_3129 = arith.index_cast %add3A_3128 : i32 to index
          %get3A_3130 = arith.constant 48 : index
          %get3A_3131 = tpu.vector_load %arg10[%get3A_3129, %get3A_3130] {strides = array<i32>} : memref<64x128xf32, #tpu.memory_space<vmem>>, vector<16xf32>,
          %add3A_3132 = arith.addf %get3A_3131, %while3A_2960#11 : vector<16xf32>
          %swap3A_3133 = arith.index_cast %add3A_3128 : i32 to index
          %swap3A_3134 = arith.constant 48 : index
          %swap3A_3135 = tpu.vector_load %arg10[%swap3A_3133, %swap3A_3134] {strides = array<i32>} : memref<64x128xf32, #tpu.memory_space<vmem>>, vector<16xf32>,
          tpu.vector_store %arg10[%swap3A_3133, %swap3A_3134], %add3A_3132 {strides = array<i32>} : memref<64x128xf32, #tpu.memory_space<vmem>>, vector<16xf32>,
          %mul3A_3136 = arith.constant 2 : i32
          %mul3A_3137 = arith.muli %mul3A_3136, %min3A_3003 : i32
          %add3A_3138 = arith.constant 1 : i32
          %add3A_3139 = arith.addi %mul3A_3137, %add3A_3138 : i32
          %get3A_3140 = arith.index_cast %add3A_3139 : i32 to index
          %get3A_3141 = arith.constant 64 : index
          %get3A_3142 = tpu.vector_load %arg10[%get3A_3140, %get3A_3141] {strides = array<i32>} : memref<64x128xf32, #tpu.memory_space<vmem>>, vector<16xf32>,
          %add3A_3143 = arith.addf %get3A_3142, %while3A_2960#12 : vector<16xf32>
          %swap3A_3144 = arith.index_cast %add3A_3139 : i32 to index
          %swap3A_3145 = arith.constant 64 : index
          %swap3A_3146 = tpu.vector_load %arg10[%swap3A_3144, %swap3A_3145] {strides = array<i32>} : memref<64x128xf32, #tpu.memory_space<vmem>>, vector<16xf32>,
          tpu.vector_store %arg10[%swap3A_3144, %swap3A_3145], %add3A_3143 {strides = array<i32>} : memref<64x128xf32, #tpu.memory_space<vmem>>, vector<16xf32>,
          %mul3A_3147 = arith.constant 2 : i32
          %mul3A_3148 = arith.muli %mul3A_3147, %min3A_3003 : i32
          %add3A_3149 = arith.constant 1 : i32
          %add3A_3150 = arith.addi %mul3A_3148, %add3A_3149 : i32
          %get3A_3151 = arith.index_cast %add3A_3150 : i32 to index
          %get3A_3152 = arith.constant 80 : index
          %get3A_3153 = tpu.vector_load %arg10[%get3A_3151, %get3A_3152] {strides = array<i32>} : memref<64x128xf32, #tpu.memory_space<vmem>>, vector<16xf32>,
          %add3A_3154 = arith.addf %get3A_3153, %while3A_2960#13 : vector<16xf32>
          %swap3A_3155 = arith.index_cast %add3A_3150 : i32 to index
          %swap3A_3156 = arith.constant 80 : index
          %swap3A_3157 = tpu.vector_load %arg10[%swap3A_3155, %swap3A_3156] {strides = array<i32>} : memref<64x128xf32, #tpu.memory_space<vmem>>, vector<16xf32>,
          tpu.vector_store %arg10[%swap3A_3155, %swap3A_3156], %add3A_3154 {strides = array<i32>} : memref<64x128xf32, #tpu.memory_space<vmem>>, vector<16xf32>,
          %mul3A_3158 = arith.constant 2 : i32
          %mul3A_3159 = arith.muli %mul3A_3158, %min3A_3003 : i32
          %add3A_3160 = arith.constant 1 : i32
          %add3A_3161 = arith.addi %mul3A_3159, %add3A_3160 : i32
          %get3A_3162 = arith.index_cast %add3A_3161 : i32 to index
          %get3A_3163 = arith.constant 96 : index
          %get3A_3164 = tpu.vector_load %arg10[%get3A_3162, %get3A_3163] {strides = array<i32>} : memref<64x128xf32, #tpu.memory_space<vmem>>, vector<16xf32>,
          %add3A_3165 = arith.addf %get3A_3164, %while3A_2960#14 : vector<16xf32>
          %swap3A_3166 = arith.index_cast %add3A_3161 : i32 to index
          %swap3A_3167 = arith.constant 96 : index
          %swap3A_3168 = tpu.vector_load %arg10[%swap3A_3166, %swap3A_3167] {strides = array<i32>} : memref<64x128xf32, #tpu.memory_space<vmem>>, vector<16xf32>,
          tpu.vector_store %arg10[%swap3A_3166, %swap3A_3167], %add3A_3165 {strides = array<i32>} : memref<64x128xf32, #tpu.memory_space<vmem>>, vector<16xf32>,
          %mul3A_3169 = arith.constant 2 : i32
          %mul3A_3170 = arith.muli %mul3A_3169, %min3A_3003 : i32
          %add3A_3171 = arith.constant 1 : i32
          %add3A_3172 = arith.addi %mul3A_3170, %add3A_3171 : i32
          %get3A_3173 = arith.index_cast %add3A_3172 : i32 to index
          %get3A_3174 = arith.constant 112 : index
          %get3A_3175 = tpu.vector_load %arg10[%get3A_3173, %get3A_3174] {strides = array<i32>} : memref<64x128xf32, #tpu.memory_space<vmem>>, vector<16xf32>,
          %add3A_3176 = arith.addf %get3A_3175, %while3A_2960#15 : vector<16xf32>
          %swap3A_3177 = arith.index_cast %add3A_3172 : i32 to index
          %swap3A_3178 = arith.constant 112 : index
          %swap3A_3179 = tpu.vector_load %arg10[%swap3A_3177, %swap3A_3178] {strides = array<i32>} : memref<64x128xf32, #tpu.memory_space<vmem>>, vector<16xf32>,
          tpu.vector_store %arg10[%swap3A_3177, %swap3A_3178], %add3A_3176 {strides = array<i32>} : memref<64x128xf32, #tpu.memory_space<vmem>>, vector<16xf32>,
        } else {
        }
        %jit3A_2964 = arith.constant 0.000000e+00 : f32
        %jit3A_2965 = arith.constant 1.000000e+00 : f32
        %select_n3A_2966 = arith.select %le3A, %jit3A_2964, %jit3A_2965 : f32
        %mul3A_2967 = vector.broadcast %select_n3A_2966 : f32 to vector<16xf32>
        %mul3A_2968 = arith.mulf %while3A_2960#0, %mul3A_2967 : vector<16xf32>
        %mul3A_2969 = vector.broadcast %select_n3A_2966 : f32 to vector<16xf32>
        %mul3A_2970 = arith.mulf %while3A_2960#1, %mul3A_2969 : vector<16xf32>
        %mul3A_2971 = vector.broadcast %select_n3A_2966 : f32 to vector<16xf32>
        %mul3A_2972 = arith.mulf %while3A_2960#2, %mul3A_2971 : vector<16xf32>
        %mul3A_2973 = vector.broadcast %select_n3A_2966 : f32 to vector<16xf32>
        %mul3A_2974 = arith.mulf %while3A_2960#3, %mul3A_2973 : vector<16xf32>
        %mul3A_2975 = vector.broadcast %select_n3A_2966 : f32 to vector<16xf32>
        %mul3A_2976 = arith.mulf %while3A_2960#4, %mul3A_2975 : vector<16xf32>
        %mul3A_2977 = vector.broadcast %select_n3A_2966 : f32 to vector<16xf32>
        %mul3A_2978 = arith.mulf %while3A_2960#5, %mul3A_2977 : vector<16xf32>
        %mul3A_2979 = vector.broadcast %select_n3A_2966 : f32 to vector<16xf32>
        %mul3A_2980 = arith.mulf %while3A_2960#6, %mul3A_2979 : vector<16xf32>
        %mul3A_2981 = vector.broadcast %select_n3A_2966 : f32 to vector<16xf32>
        %mul3A_2982 = arith.mulf %while3A_2960#7, %mul3A_2981 : vector<16xf32>
        %mul3A_2983 = vector.broadcast %select_n3A_2966 : f32 to vector<16xf32>
        %mul3A_2984 = arith.mulf %while3A_2960#8, %mul3A_2983 : vector<16xf32>
        %mul3A_2985 = vector.broadcast %select_n3A_2966 : f32 to vector<16xf32>
        %mul3A_2986 = arith.mulf %while3A_2960#9, %mul3A_2985 : vector<16xf32>
        %mul3A_2987 = vector.broadcast %select_n3A_2966 : f32 to vector<16xf32>
        %mul3A_2988 = arith.mulf %while3A_2960#10, %mul3A_2987 : vector<16xf32>
        %mul3A_2989 = vector.broadcast %select_n3A_2966 : f32 to vector<16xf32>
        %mul3A_2990 = arith.mulf %while3A_2960#11, %mul3A_2989 : vector<16xf32>
        %mul3A_2991 = vector.broadcast %select_n3A_2966 : f32 to vector<16xf32>
        %mul3A_2992 = arith.mulf %while3A_2960#12, %mul3A_2991 : vector<16xf32>
        %mul3A_2993 = vector.broadcast %select_n3A_2966 : f32 to vector<16xf32>
        %mul3A_2994 = arith.mulf %while3A_2960#13, %mul3A_2993 : vector<16xf32>
        %mul3A_2995 = vector.broadcast %select_n3A_2966 : f32 to vector<16xf32>
        %mul3A_2996 = arith.mulf %while3A_2960#14, %mul3A_2995 : vector<16xf32>
        %mul3A_2997 = vector.broadcast %select_n3A_2966 : f32 to vector<16xf32>
        %mul3A_2998 = arith.mulf %while3A_2960#15, %mul3A_2997 : vector<16xf32>
        %add3A_2999 = arith.constant 1 : i32
        %add3A_3000 = arith.addi %while3A_2901, %add3A_2999 : i32
        %select_n3A_3001 = arith.select %le3A, %add3A_3000, %while3A_2901 : i32
        scf.yield %min3A_2950, %select_n3A_3001, %mul3A_2968, %mul3A_2970, %mul3A_2972, %mul3A_2974, %mul3A_2976, %mul3A_2978, %mul3A_2980, %mul3A_2982, %mul3A_2984, %mul3A_2986, %mul3A_2988, %mul3A_2990, %mul3A_2992, %mul3A_2994, %mul3A_2996, %mul3A_2998 : i32, i32, vector<16xf32>, vector<16xf32>, vector<16xf32>, vector<16xf32>, vector<16xf32>, vector<16xf32>, vector<16xf32>, vector<16xf32>, vector<16xf32>, vector<16xf32>, vector<16xf32>, vector<16xf32>, vector<16xf32>, vector<16xf32>, vector<16xf32>, vector<16xf32>
      }
      %add3A_2893 = arith.constant 2 : i32
      %add3A_2894 = arith.addi %add3A_2876, %add3A_2893 : i32
      %lt3A_2895 = arith.constant 25 : i32
      %lt3A_2896 = arith.cmpi slt, %add3A_2894, %lt3A_2895 : i32
      %convert_element_type3A_2897 = arith.extui %lt3A_2896 : i1 to i32
      %cond3A_2898 = arith.constant 0 : i32
      %cond3A_2899 = arith.cmpi ne, %convert_element_type3A_2897, %cond3A_2898 : i32
      scf.if %cond3A_2899 {
        %add3A_2900 = arith.constant 2 : i32
        %add3A_2901 = arith.addi %add3A_2876, %add3A_2900 : i32
        %mul3A_2902 = arith.constant 200 : i32
        %mul3A_2903 = arith.muli %add3A_2901, %mul3A_2902 : i32
        %add3A_2904 = arith.addi %mul3A_2, %mul3A_2903 : i32
        %dma_start3A_2905 = arith.constant 0 : i32
        %dma_start3A_2906 = tpu.memref_slice %arg2[%add3A_2904, %dma_start3A_2905] : memref<160000x256xf32, #tpu.memory_space<hbm>> -> memref<200x128xf32, #tpu.memory_space<hbm>>
        %dma_start3A_2907 = arith.constant 0 : i32
        %dma_start3A_2908 = tpu.memref_slice %arg2[%add3A_2904, %dma_start3A_2907] : memref<160000x256xf32, #tpu.memory_space<hbm>> -> memref<200x128xf32, #tpu.memory_space<hbm>>
        tpu.enqueue_dma source(%dma_start3A_2908 : memref<200x128xf32, #tpu.memory_space<hbm>>) target(%arg8 : memref<200x128xf32, #tpu.memory_space<vmem>>) target_semaphore(%arg15 : memref<!tpu.dma_semaphore, #tpu.memory_space<semaphore_mem>>)
        %dma_start3A_2909 = arith.constant 128 : i32
        %dma_start3A_2910 = tpu.memref_slice %arg2[%add3A_2904, %dma_start3A_2909] : memref<160000x256xf32, #tpu.memory_space<hbm>> -> memref<200x128xf32, #tpu.memory_space<hbm>>
        %dma_start3A_2911 = arith.constant 128 : i32
        %dma_start3A_2912 = tpu.memref_slice %arg2[%add3A_2904, %dma_start3A_2911] : memref<160000x256xf32, #tpu.memory_space<hbm>> -> memref<200x128xf32, #tpu.memory_space<hbm>>
        tpu.enqueue_dma source(%dma_start3A_2912 : memref<200x128xf32, #tpu.memory_space<hbm>>) target(%arg9 : memref<200x128xf32, #tpu.memory_space<vmem>>) target_semaphore(%arg16 : memref<!tpu.dma_semaphore, #tpu.memory_space<semaphore_mem>>)
      } else {
      }
      scf.yield %while3A_2892#1, %while3A_2892#2, %while3A_2892#3, %while3A_2892#4, %while3A_2892#5, %while3A_2892#6, %while3A_2892#7, %while3A_2892#8, %while3A_2892#9, %while3A_2892#10, %while3A_2892#11, %while3A_2892#12, %while3A_2892#13, %while3A_2892#14, %while3A_2892#15, %while3A_2892#16, %while3A_2892#17 : i32, vector<16xf32>, vector<16xf32>, vector<16xf32>, vector<16xf32>, vector<16xf32>, vector<16xf32>, vector<16xf32>, vector<16xf32>, vector<16xf32>, vector<16xf32>, vector<16xf32>, vector<16xf32>, vector<16xf32>, vector<16xf32>, vector<16xf32>, vector<16xf32>
    }
    %scan3A_2633 = arith.constant 12 : i32
    %add3A_2634 = arith.constant 4800 : i32
    %add3A_2635 = arith.addi %mul3A_2, %add3A_2634 : i32
    %dma_wait3A_2636 = arith.constant 0 : i32
    %dma_wait3A_2637 = tpu.memref_slice %arg2[%add3A_2635, %dma_wait3A_2636] : memref<160000x256xf32, #tpu.memory_space<hbm>> -> memref<200x128xf32, #tpu.memory_space<hbm>>
    %dma_wait3A_2638 = arith.constant 0 : i32
    %dma_wait3A_2639 = tpu.memref_slice %arg2[%add3A_2635, %dma_wait3A_2638] : memref<160000x256xf32, #tpu.memory_space<hbm>> -> memref<200x128xf32, #tpu.memory_space<hbm>>
    tpu.wait_dma2 semaphore(%arg13 : memref<!tpu.dma_semaphore, #tpu.memory_space<semaphore_mem>>) src(%dma_wait3A_2639 : memref<200x128xf32, #tpu.memory_space<hbm>>) dst(%arg6 : memref<200x128xf32, #tpu.memory_space<vmem>>)
    %dma_wait3A_2640 = arith.constant 128 : i32
    %dma_wait3A_2641 = tpu.memref_slice %arg2[%add3A_2635, %dma_wait3A_2640] : memref<160000x256xf32, #tpu.memory_space<hbm>> -> memref<200x128xf32, #tpu.memory_space<hbm>>
    %dma_wait3A_2642 = arith.constant 128 : i32
    %dma_wait3A_2643 = tpu.memref_slice %arg2[%add3A_2635, %dma_wait3A_2642] : memref<160000x256xf32, #tpu.memory_space<hbm>> -> memref<200x128xf32, #tpu.memory_space<hbm>>
    tpu.wait_dma2 semaphore(%arg14 : memref<!tpu.dma_semaphore, #tpu.memory_space<semaphore_mem>>) src(%dma_wait3A_2643 : memref<200x128xf32, #tpu.memory_space<hbm>>) dst(%arg7 : memref<200x128xf32, #tpu.memory_space<vmem>>)
    %while3A = arith.constant 4800 : i32
    %while3A_2644:18 = scf.while (%while3A_2828 = %while3A, %while3A_2829 = %scan3A_2632#0, %while3A_2830 = %scan3A_2632#1, %while3A_2831 = %scan3A_2632#2, %while3A_2832 = %scan3A_2632#3, %while3A_2833 = %scan3A_2632#4, %while3A_2834 = %scan3A_2632#5, %while3A_2835 = %scan3A_2632#6, %while3A_2836 = %scan3A_2632#7, %while3A_2837 = %scan3A_2632#8, %while3A_2838 = %scan3A_2632#9, %while3A_2839 = %scan3A_2632#10, %while3A_2840 = %scan3A_2632#11, %while3A_2841 = %scan3A_2632#12, %while3A_2842 = %scan3A_2632#13, %while3A_2843 = %scan3A_2632#14, %while3A_2844 = %scan3A_2632#15, %while3A_2845 = %scan3A_2632#16) : (i32, i32, vector<16xf32>, vector<16xf32>, vector<16xf32>, vector<16xf32>, vector<16xf32>, vector<16xf32>, vector<16xf32>, vector<16xf32>, vector<16xf32>, vector<16xf32>, vector<16xf32>, vector<16xf32>, vector<16xf32>, vector<16xf32>, vector<16xf32>, vector<16xf32>) -> (i32, i32, vector<16xf32>, vector<16xf32>, vector<16xf32>, vector<16xf32>, vector<16xf32>, vector<16xf32>, vector<16xf32>, vector<16xf32>, vector<16xf32>, vector<16xf32>, vector<16xf32>, vector<16xf32>, vector<16xf32>, vector<16xf32>, vector<16xf32>, vector<16xf32>) {
      %lt3A_2846 = arith.constant 5000 : i32
      %lt3A_2847 = arith.cmpi slt, %while3A_2828, %lt3A_2846 : i32
      scf.condition(%lt3A_2847) %while3A_2828, %while3A_2829, %while3A_2830, %while3A_2831, %while3A_2832, %while3A_2833, %while3A_2834, %while3A_2835, %while3A_2836, %while3A_2837, %while3A_2838, %while3A_2839, %while3A_2840, %while3A_2841, %while3A_2842, %while3A_2843, %while3A_2844, %while3A_2845 : i32, i32, vector<16xf32>, vector<16xf32>, vector<16xf32>, vector<16xf32>, vector<16xf32>, vector<16xf32>, vector<16xf32>, vector<16xf32>, vector<16xf32>, vector<16xf32>, vector<16xf32>, vector<16xf32>, vector<16xf32>, vector<16xf32>, vector<16xf32>, vector<16xf32>
    } do {
    ^bb0(%while3A_2828: i32, %while3A_2829: i32, %while3A_2830: vector<16xf32>, %while3A_2831: vector<16xf32>, %while3A_2832: vector<16xf32>, %while3A_2833: vector<16xf32>, %while3A_2834: vector<16xf32>, %while3A_2835: vector<16xf32>, %while3A_2836: vector<16xf32>, %while3A_2837: vector<16xf32>, %while3A_2838: vector<16xf32>, %while3A_2839: vector<16xf32>, %while3A_2840: vector<16xf32>, %while3A_2841: vector<16xf32>, %while3A_2842: vector<16xf32>, %while3A_2843: vector<16xf32>, %while3A_2844: vector<16xf32>, %while3A_2845: vector<16xf32>):
      %add3A_2846 = arith.constant 1 : i32
      %add3A_2847 = arith.addi %while3A_2829, %add3A_2846 : i32
      %and3A_2848 = arith.constant 15 : i32
      %and3A_2849 = arith.andi %add3A_2847, %and3A_2848 : i32
      %eq3A_2850 = vector.broadcast %and3A_2849 : i32 to vector<16xi32>
      %eq3A_2851 = arith.cmpi eq, %iota3A, %eq3A_2850 : vector<16xi32>
      %jit3A = arith.constant 0 : i32
      %broadcast_in_dim3A_2852 = vector.broadcast %jit3A : i32 to vector<16xi32>
      %select_n3A_2853 = arith.select %eq3A_2851, %select_n3A_2337, %broadcast_in_dim3A_2852 : vector<16xi1>, vector<16xi32>
      %reduce_max3A = arith.constant true
      %reduce_max3A_2854 = vector.broadcast %reduce_max3A : i1 to vector<16xi1>
      %reduce_max3A_2855 = arith.constant -2147483648 : i32
      %reduce_max3A_2856 = vector.broadcast %reduce_max3A_2855 : i32 to vector<16xi32>
      %reduce_max3A_2857 = arith.xori %select_n3A_2853, %reduce_max3A_2856 : vector<16xi32>
      %reduce_max3A_2858 = tpu.scan <max>, %reduce_max3A_2857 masked %reduce_max3A_2854 : vector<16xi32>, vector<16xi1> -> vector<16xi32>
      %reduce_max3A_2859 = arith.xori %reduce_max3A_2858, %reduce_max3A_2856 : vector<16xi32>
      %reduce_max3A_2860 = vector.extract %reduce_max3A_2859[15] : i32 from vector<16xi32>
      %jit3A_2861 = arith.constant 0 : i32
      %broadcast_in_dim3A_2862 = vector.broadcast %jit3A_2861 : i32 to vector<16xi32>
      %select_n3A_2863 = arith.select %eq3A_2851, %select_n3A_2591, %broadcast_in_dim3A_2862 : vector<16xi1>, vector<16xi32>
      %reduce_max3A_2864 = arith.constant true
      %reduce_max3A_2865 = vector.broadcast %reduce_max3A_2864 : i1 to vector<16xi1>
      %reduce_max3A_2866 = arith.constant -2147483648 : i32
      %reduce_max3A_2867 = vector.broadcast %reduce_max3A_2866 : i32 to vector<16xi32>
      %reduce_max3A_2868 = arith.xori %select_n3A_2863, %reduce_max3A_2867 : vector<16xi32>
      %reduce_max3A_2869 = tpu.scan <max>, %reduce_max3A_2868 masked %reduce_max3A_2865 : vector<16xi32>, vector<16xi1> -> vector<16xi32>
      %reduce_max3A_2870 = arith.xori %reduce_max3A_2869, %reduce_max3A_2867 : vector<16xi32>
      %reduce_max3A_2871 = vector.extract %reduce_max3A_2870[15] : i32 from vector<16xi32>
      %lt3A_2872 = arith.constant 16 : i32
      %lt3A_2873 = arith.cmpi slt, %add3A_2847, %lt3A_2872 : i32
      %select_n3A_2874 = arith.select %lt3A_2873, %reduce_max3A_2860, %reduce_max3A_2871 : i32
      %ge3A = arith.constant 32 : i32
      %ge3A_2875 = arith.cmpi sge, %add3A_2847, %ge3A : i32
      %jit3A_2876 = arith.constant 5000 : i32
      %select_n3A_2877 = arith.select %ge3A_2875, %jit3A_2876, %select_n3A_2874 : i32
      %min3A_2878 = arith.constant 5000 : i32
      %min3A_2879 = arith.minsi %select_n3A_2877, %min3A_2878 : i32
      %while3A_2880 = arith.subi %min3A_2879, %while3A_2828 : i32
      %while3A_2881 = arith.addi %while3A_2828, %while3A_2880 : i32
      %while3A_2882 = arith.constant 1 : i32
      %while3A_2883 = arith.divsi %while3A_2880, %while3A_2882 : i32
      %while3A_2884 = arith.muli %while3A_2883, %while3A_2882 : i32
      %while3A_2885 = arith.addi %while3A_2828, %while3A_2884 : i32
      %while3A_2886 = arith.constant 1 : i32
      %while3A_2887:16 = scf.for %while3A_2932 = %while3A_2828 to %while3A_2885 step %while3A_2886 iter_args(%while3A_2933 = %while3A_2830, %while3A_2934 = %while3A_2831, %while3A_2935 = %while3A_2832, %while3A_2936 = %while3A_2833, %while3A_2937 = %while3A_2834, %while3A_2938 = %while3A_2835, %while3A_2939 = %while3A_2836, %while3A_2940 = %while3A_2837, %while3A_2941 = %while3A_2838, %while3A_2942 = %while3A_2839, %while3A_2943 = %while3A_2840, %while3A_2944 = %while3A_2841, %while3A_2945 = %while3A_2842, %while3A_2946 = %while3A_2843, %while3A_2947 = %while3A_2844, %while3A_2948 = %while3A_2845) -> (vector<16xf32>, vector<16xf32>, vector<16xf32>, vector<16xf32>, vector<16xf32>, vector<16xf32>, vector<16xf32>, vector<16xf32>, vector<16xf32>, vector<16xf32>, vector<16xf32>, vector<16xf32>, vector<16xf32>, vector<16xf32>, vector<16xf32>, vector<16xf32>)  : i32 {
        %sub3A = arith.constant 4800 : i32
        %sub3A_2949 = arith.subi %while3A_2932, %sub3A : i32
        %get3A_2950 = arith.index_cast %sub3A_2949 : i32 to index
        %get3A_2951 = arith.constant 0 : index
        %get3A_2952 = tpu.vector_load %arg6[%get3A_2950, %get3A_2951] {strides = array<i32>} : memref<200x128xf32, #tpu.memory_space<vmem>>, vector<16xf32>,
        %add3A_2953 = arith.addf %while3A_2933, %get3A_2952 : vector<16xf32>
        %sub3A_2954 = arith.constant 4800 : i32
        %sub3A_2955 = arith.subi %while3A_2932, %sub3A_2954 : i32
        %get3A_2956 = arith.index_cast %sub3A_2955 : i32 to index
        %get3A_2957 = arith.constant 16 : index
        %get3A_2958 = tpu.vector_load %arg6[%get3A_2956, %get3A_2957] {strides = array<i32>} : memref<200x128xf32, #tpu.memory_space<vmem>>, vector<16xf32>,
        %add3A_2959 = arith.addf %while3A_2934, %get3A_2958 : vector<16xf32>
        %sub3A_2960 = arith.constant 4800 : i32
        %sub3A_2961 = arith.subi %while3A_2932, %sub3A_2960 : i32
        %get3A_2962 = arith.index_cast %sub3A_2961 : i32 to index
        %get3A_2963 = arith.constant 32 : index
        %get3A_2964 = tpu.vector_load %arg6[%get3A_2962, %get3A_2963] {strides = array<i32>} : memref<200x128xf32, #tpu.memory_space<vmem>>, vector<16xf32>,
        %add3A_2965 = arith.addf %while3A_2935, %get3A_2964 : vector<16xf32>
        %sub3A_2966 = arith.constant 4800 : i32
        %sub3A_2967 = arith.subi %while3A_2932, %sub3A_2966 : i32
        %get3A_2968 = arith.index_cast %sub3A_2967 : i32 to index
        %get3A_2969 = arith.constant 48 : index
        %get3A_2970 = tpu.vector_load %arg6[%get3A_2968, %get3A_2969] {strides = array<i32>} : memref<200x128xf32, #tpu.memory_space<vmem>>, vector<16xf32>,
        %add3A_2971 = arith.addf %while3A_2936, %get3A_2970 : vector<16xf32>
        %sub3A_2972 = arith.constant 4800 : i32
        %sub3A_2973 = arith.subi %while3A_2932, %sub3A_2972 : i32
        %get3A_2974 = arith.index_cast %sub3A_2973 : i32 to index
        %get3A_2975 = arith.constant 64 : index
        %get3A_2976 = tpu.vector_load %arg6[%get3A_2974, %get3A_2975] {strides = array<i32>} : memref<200x128xf32, #tpu.memory_space<vmem>>, vector<16xf32>,
        %add3A_2977 = arith.addf %while3A_2937, %get3A_2976 : vector<16xf32>
        %sub3A_2978 = arith.constant 4800 : i32
        %sub3A_2979 = arith.subi %while3A_2932, %sub3A_2978 : i32
        %get3A_2980 = arith.index_cast %sub3A_2979 : i32 to index
        %get3A_2981 = arith.constant 80 : index
        %get3A_2982 = tpu.vector_load %arg6[%get3A_2980, %get3A_2981] {strides = array<i32>} : memref<200x128xf32, #tpu.memory_space<vmem>>, vector<16xf32>,
        %add3A_2983 = arith.addf %while3A_2938, %get3A_2982 : vector<16xf32>
        %sub3A_2984 = arith.constant 4800 : i32
        %sub3A_2985 = arith.subi %while3A_2932, %sub3A_2984 : i32
        %get3A_2986 = arith.index_cast %sub3A_2985 : i32 to index
        %get3A_2987 = arith.constant 96 : index
        %get3A_2988 = tpu.vector_load %arg6[%get3A_2986, %get3A_2987] {strides = array<i32>} : memref<200x128xf32, #tpu.memory_space<vmem>>, vector<16xf32>,
        %add3A_2989 = arith.addf %while3A_2939, %get3A_2988 : vector<16xf32>
        %sub3A_2990 = arith.constant 4800 : i32
        %sub3A_2991 = arith.subi %while3A_2932, %sub3A_2990 : i32
        %get3A_2992 = arith.index_cast %sub3A_2991 : i32 to index
        %get3A_2993 = arith.constant 112 : index
        %get3A_2994 = tpu.vector_load %arg6[%get3A_2992, %get3A_2993] {strides = array<i32>} : memref<200x128xf32, #tpu.memory_space<vmem>>, vector<16xf32>,
        %add3A_2995 = arith.addf %while3A_2940, %get3A_2994 : vector<16xf32>
        %sub3A_2996 = arith.constant 4800 : i32
        %sub3A_2997 = arith.subi %while3A_2932, %sub3A_2996 : i32
        %get3A_2998 = arith.index_cast %sub3A_2997 : i32 to index
        %get3A_2999 = arith.constant 0 : index
        %get3A_3000 = tpu.vector_load %arg7[%get3A_2998, %get3A_2999] {strides = array<i32>} : memref<200x128xf32, #tpu.memory_space<vmem>>, vector<16xf32>,
        %add3A_3001 = arith.addf %while3A_2941, %get3A_3000 : vector<16xf32>
        %sub3A_3002 = arith.constant 4800 : i32
        %sub3A_3003 = arith.subi %while3A_2932, %sub3A_3002 : i32
        %get3A_3004 = arith.index_cast %sub3A_3003 : i32 to index
        %get3A_3005 = arith.constant 16 : index
        %get3A_3006 = tpu.vector_load %arg7[%get3A_3004, %get3A_3005] {strides = array<i32>} : memref<200x128xf32, #tpu.memory_space<vmem>>, vector<16xf32>,
        %add3A_3007 = arith.addf %while3A_2942, %get3A_3006 : vector<16xf32>
        %sub3A_3008 = arith.constant 4800 : i32
        %sub3A_3009 = arith.subi %while3A_2932, %sub3A_3008 : i32
        %get3A_3010 = arith.index_cast %sub3A_3009 : i32 to index
        %get3A_3011 = arith.constant 32 : index
        %get3A_3012 = tpu.vector_load %arg7[%get3A_3010, %get3A_3011] {strides = array<i32>} : memref<200x128xf32, #tpu.memory_space<vmem>>, vector<16xf32>,
        %add3A_3013 = arith.addf %while3A_2943, %get3A_3012 : vector<16xf32>
        %sub3A_3014 = arith.constant 4800 : i32
        %sub3A_3015 = arith.subi %while3A_2932, %sub3A_3014 : i32
        %get3A_3016 = arith.index_cast %sub3A_3015 : i32 to index
        %get3A_3017 = arith.constant 48 : index
        %get3A_3018 = tpu.vector_load %arg7[%get3A_3016, %get3A_3017] {strides = array<i32>} : memref<200x128xf32, #tpu.memory_space<vmem>>, vector<16xf32>,
        %add3A_3019 = arith.addf %while3A_2944, %get3A_3018 : vector<16xf32>
        %sub3A_3020 = arith.constant 4800 : i32
        %sub3A_3021 = arith.subi %while3A_2932, %sub3A_3020 : i32
        %get3A_3022 = arith.index_cast %sub3A_3021 : i32 to index
        %get3A_3023 = arith.constant 64 : index
        %get3A_3024 = tpu.vector_load %arg7[%get3A_3022, %get3A_3023] {strides = array<i32>} : memref<200x128xf32, #tpu.memory_space<vmem>>, vector<16xf32>,
        %add3A_3025 = arith.addf %while3A_2945, %get3A_3024 : vector<16xf32>
        %sub3A_3026 = arith.constant 4800 : i32
        %sub3A_3027 = arith.subi %while3A_2932, %sub3A_3026 : i32
        %get3A_3028 = arith.index_cast %sub3A_3027 : i32 to index
        %get3A_3029 = arith.constant 80 : index
        %get3A_3030 = tpu.vector_load %arg7[%get3A_3028, %get3A_3029] {strides = array<i32>} : memref<200x128xf32, #tpu.memory_space<vmem>>, vector<16xf32>,
        %add3A_3031 = arith.addf %while3A_2946, %get3A_3030 : vector<16xf32>
        %sub3A_3032 = arith.constant 4800 : i32
        %sub3A_3033 = arith.subi %while3A_2932, %sub3A_3032 : i32
        %get3A_3034 = arith.index_cast %sub3A_3033 : i32 to index
        %get3A_3035 = arith.constant 96 : index
        %get3A_3036 = tpu.vector_load %arg7[%get3A_3034, %get3A_3035] {strides = array<i32>} : memref<200x128xf32, #tpu.memory_space<vmem>>, vector<16xf32>,
        %add3A_3037 = arith.addf %while3A_2947, %get3A_3036 : vector<16xf32>
        %sub3A_3038 = arith.constant 4800 : i32
        %sub3A_3039 = arith.subi %while3A_2932, %sub3A_3038 : i32
        %get3A_3040 = arith.index_cast %sub3A_3039 : i32 to index
        %get3A_3041 = arith.constant 112 : index
        %get3A_3042 = tpu.vector_load %arg7[%get3A_3040, %get3A_3041] {strides = array<i32>} : memref<200x128xf32, #tpu.memory_space<vmem>>, vector<16xf32>,
        %add3A_3043 = arith.addf %while3A_2948, %get3A_3042 : vector<16xf32>
        scf.yield %add3A_2953, %add3A_2959, %add3A_2965, %add3A_2971, %add3A_2977, %add3A_2983, %add3A_2989, %add3A_2995, %add3A_3001, %add3A_3007, %add3A_3013, %add3A_3019, %add3A_3025, %add3A_3031, %add3A_3037, %add3A_3043 : vector<16xf32>, vector<16xf32>, vector<16xf32>, vector<16xf32>, vector<16xf32>, vector<16xf32>, vector<16xf32>, vector<16xf32>, vector<16xf32>, vector<16xf32>, vector<16xf32>, vector<16xf32>, vector<16xf32>, vector<16xf32>, vector<16xf32>, vector<16xf32>
      }
      %while3A_2888 = arith.constant 1 : i32
      %while3A_2889:16 = scf.for %while3A_2932 = %while3A_2885 to %while3A_2881 step %while3A_2888 iter_args(%while3A_2933 = %while3A_2887#0, %while3A_2934 = %while3A_2887#1, %while3A_2935 = %while3A_2887#2, %while3A_2936 = %while3A_2887#3, %while3A_2937 = %while3A_2887#4, %while3A_2938 = %while3A_2887#5, %while3A_2939 = %while3A_2887#6, %while3A_2940 = %while3A_2887#7, %while3A_2941 = %while3A_2887#8, %while3A_2942 = %while3A_2887#9, %while3A_2943 = %while3A_2887#10, %while3A_2944 = %while3A_2887#11, %while3A_2945 = %while3A_2887#12, %while3A_2946 = %while3A_2887#13, %while3A_2947 = %while3A_2887#14, %while3A_2948 = %while3A_2887#15) -> (vector<16xf32>, vector<16xf32>, vector<16xf32>, vector<16xf32>, vector<16xf32>, vector<16xf32>, vector<16xf32>, vector<16xf32>, vector<16xf32>, vector<16xf32>, vector<16xf32>, vector<16xf32>, vector<16xf32>, vector<16xf32>, vector<16xf32>, vector<16xf32>)  : i32 {
        %sub3A = arith.constant 4800 : i32
        %sub3A_2949 = arith.subi %while3A_2932, %sub3A : i32
        %get3A_2950 = arith.index_cast %sub3A_2949 : i32 to index
        %get3A_2951 = arith.constant 0 : index
        %get3A_2952 = tpu.vector_load %arg6[%get3A_2950, %get3A_2951] {strides = array<i32>} : memref<200x128xf32, #tpu.memory_space<vmem>>, vector<16xf32>,
        %add3A_2953 = arith.addf %while3A_2933, %get3A_2952 : vector<16xf32>
        %sub3A_2954 = arith.constant 4800 : i32
        %sub3A_2955 = arith.subi %while3A_2932, %sub3A_2954 : i32
        %get3A_2956 = arith.index_cast %sub3A_2955 : i32 to index
        %get3A_2957 = arith.constant 16 : index
        %get3A_2958 = tpu.vector_load %arg6[%get3A_2956, %get3A_2957] {strides = array<i32>} : memref<200x128xf32, #tpu.memory_space<vmem>>, vector<16xf32>,
        %add3A_2959 = arith.addf %while3A_2934, %get3A_2958 : vector<16xf32>
        %sub3A_2960 = arith.constant 4800 : i32
        %sub3A_2961 = arith.subi %while3A_2932, %sub3A_2960 : i32
        %get3A_2962 = arith.index_cast %sub3A_2961 : i32 to index
        %get3A_2963 = arith.constant 32 : index
        %get3A_2964 = tpu.vector_load %arg6[%get3A_2962, %get3A_2963] {strides = array<i32>} : memref<200x128xf32, #tpu.memory_space<vmem>>, vector<16xf32>,
        %add3A_2965 = arith.addf %while3A_2935, %get3A_2964 : vector<16xf32>
        %sub3A_2966 = arith.constant 4800 : i32
        %sub3A_2967 = arith.subi %while3A_2932, %sub3A_2966 : i32
        %get3A_2968 = arith.index_cast %sub3A_2967 : i32 to index
        %get3A_2969 = arith.constant 48 : index
        %get3A_2970 = tpu.vector_load %arg6[%get3A_2968, %get3A_2969] {strides = array<i32>} : memref<200x128xf32, #tpu.memory_space<vmem>>, vector<16xf32>,
        %add3A_2971 = arith.addf %while3A_2936, %get3A_2970 : vector<16xf32>
        %sub3A_2972 = arith.constant 4800 : i32
        %sub3A_2973 = arith.subi %while3A_2932, %sub3A_2972 : i32
        %get3A_2974 = arith.index_cast %sub3A_2973 : i32 to index
        %get3A_2975 = arith.constant 64 : index
        %get3A_2976 = tpu.vector_load %arg6[%get3A_2974, %get3A_2975] {strides = array<i32>} : memref<200x128xf32, #tpu.memory_space<vmem>>, vector<16xf32>,
        %add3A_2977 = arith.addf %while3A_2937, %get3A_2976 : vector<16xf32>
        %sub3A_2978 = arith.constant 4800 : i32
        %sub3A_2979 = arith.subi %while3A_2932, %sub3A_2978 : i32
        %get3A_2980 = arith.index_cast %sub3A_2979 : i32 to index
        %get3A_2981 = arith.constant 80 : index
        %get3A_2982 = tpu.vector_load %arg6[%get3A_2980, %get3A_2981] {strides = array<i32>} : memref<200x128xf32, #tpu.memory_space<vmem>>, vector<16xf32>,
        %add3A_2983 = arith.addf %while3A_2938, %get3A_2982 : vector<16xf32>
        %sub3A_2984 = arith.constant 4800 : i32
        %sub3A_2985 = arith.subi %while3A_2932, %sub3A_2984 : i32
        %get3A_2986 = arith.index_cast %sub3A_2985 : i32 to index
        %get3A_2987 = arith.constant 96 : index
        %get3A_2988 = tpu.vector_load %arg6[%get3A_2986, %get3A_2987] {strides = array<i32>} : memref<200x128xf32, #tpu.memory_space<vmem>>, vector<16xf32>,
        %add3A_2989 = arith.addf %while3A_2939, %get3A_2988 : vector<16xf32>
        %sub3A_2990 = arith.constant 4800 : i32
        %sub3A_2991 = arith.subi %while3A_2932, %sub3A_2990 : i32
        %get3A_2992 = arith.index_cast %sub3A_2991 : i32 to index
        %get3A_2993 = arith.constant 112 : index
        %get3A_2994 = tpu.vector_load %arg6[%get3A_2992, %get3A_2993] {strides = array<i32>} : memref<200x128xf32, #tpu.memory_space<vmem>>, vector<16xf32>,
        %add3A_2995 = arith.addf %while3A_2940, %get3A_2994 : vector<16xf32>
        %sub3A_2996 = arith.constant 4800 : i32
        %sub3A_2997 = arith.subi %while3A_2932, %sub3A_2996 : i32
        %get3A_2998 = arith.index_cast %sub3A_2997 : i32 to index
        %get3A_2999 = arith.constant 0 : index
        %get3A_3000 = tpu.vector_load %arg7[%get3A_2998, %get3A_2999] {strides = array<i32>} : memref<200x128xf32, #tpu.memory_space<vmem>>, vector<16xf32>,
        %add3A_3001 = arith.addf %while3A_2941, %get3A_3000 : vector<16xf32>
        %sub3A_3002 = arith.constant 4800 : i32
        %sub3A_3003 = arith.subi %while3A_2932, %sub3A_3002 : i32
        %get3A_3004 = arith.index_cast %sub3A_3003 : i32 to index
        %get3A_3005 = arith.constant 16 : index
        %get3A_3006 = tpu.vector_load %arg7[%get3A_3004, %get3A_3005] {strides = array<i32>} : memref<200x128xf32, #tpu.memory_space<vmem>>, vector<16xf32>,
        %add3A_3007 = arith.addf %while3A_2942, %get3A_3006 : vector<16xf32>
        %sub3A_3008 = arith.constant 4800 : i32
        %sub3A_3009 = arith.subi %while3A_2932, %sub3A_3008 : i32
        %get3A_3010 = arith.index_cast %sub3A_3009 : i32 to index
        %get3A_3011 = arith.constant 32 : index
        %get3A_3012 = tpu.vector_load %arg7[%get3A_3010, %get3A_3011] {strides = array<i32>} : memref<200x128xf32, #tpu.memory_space<vmem>>, vector<16xf32>,
        %add3A_3013 = arith.addf %while3A_2943, %get3A_3012 : vector<16xf32>
        %sub3A_3014 = arith.constant 4800 : i32
        %sub3A_3015 = arith.subi %while3A_2932, %sub3A_3014 : i32
        %get3A_3016 = arith.index_cast %sub3A_3015 : i32 to index
        %get3A_3017 = arith.constant 48 : index
        %get3A_3018 = tpu.vector_load %arg7[%get3A_3016, %get3A_3017] {strides = array<i32>} : memref<200x128xf32, #tpu.memory_space<vmem>>, vector<16xf32>,
        %add3A_3019 = arith.addf %while3A_2944, %get3A_3018 : vector<16xf32>
        %sub3A_3020 = arith.constant 4800 : i32
        %sub3A_3021 = arith.subi %while3A_2932, %sub3A_3020 : i32
        %get3A_3022 = arith.index_cast %sub3A_3021 : i32 to index
        %get3A_3023 = arith.constant 64 : index
        %get3A_3024 = tpu.vector_load %arg7[%get3A_3022, %get3A_3023] {strides = array<i32>} : memref<200x128xf32, #tpu.memory_space<vmem>>, vector<16xf32>,
        %add3A_3025 = arith.addf %while3A_2945, %get3A_3024 : vector<16xf32>
        %sub3A_3026 = arith.constant 4800 : i32
        %sub3A_3027 = arith.subi %while3A_2932, %sub3A_3026 : i32
        %get3A_3028 = arith.index_cast %sub3A_3027 : i32 to index
        %get3A_3029 = arith.constant 80 : index
        %get3A_3030 = tpu.vector_load %arg7[%get3A_3028, %get3A_3029] {strides = array<i32>} : memref<200x128xf32, #tpu.memory_space<vmem>>, vector<16xf32>,
        %add3A_3031 = arith.addf %while3A_2946, %get3A_3030 : vector<16xf32>
        %sub3A_3032 = arith.constant 4800 : i32
        %sub3A_3033 = arith.subi %while3A_2932, %sub3A_3032 : i32
        %get3A_3034 = arith.index_cast %sub3A_3033 : i32 to index
        %get3A_3035 = arith.constant 96 : index
        %get3A_3036 = tpu.vector_load %arg7[%get3A_3034, %get3A_3035] {strides = array<i32>} : memref<200x128xf32, #tpu.memory_space<vmem>>, vector<16xf32>,
        %add3A_3037 = arith.addf %while3A_2947, %get3A_3036 : vector<16xf32>
        %sub3A_3038 = arith.constant 4800 : i32
        %sub3A_3039 = arith.subi %while3A_2932, %sub3A_3038 : i32
        %get3A_3040 = arith.index_cast %sub3A_3039 : i32 to index
        %get3A_3041 = arith.constant 112 : index
        %get3A_3042 = tpu.vector_load %arg7[%get3A_3040, %get3A_3041] {strides = array<i32>} : memref<200x128xf32, #tpu.memory_space<vmem>>, vector<16xf32>,
        %add3A_3043 = arith.addf %while3A_2948, %get3A_3042 : vector<16xf32>
        scf.yield %add3A_2953, %add3A_2959, %add3A_2965, %add3A_2971, %add3A_2977, %add3A_2983, %add3A_2989, %add3A_2995, %add3A_3001, %add3A_3007, %add3A_3013, %add3A_3019, %add3A_3025, %add3A_3031, %add3A_3037, %add3A_3043 : vector<16xf32>, vector<16xf32>, vector<16xf32>, vector<16xf32>, vector<16xf32>, vector<16xf32>, vector<16xf32>, vector<16xf32>, vector<16xf32>, vector<16xf32>, vector<16xf32>, vector<16xf32>, vector<16xf32>, vector<16xf32>, vector<16xf32>, vector<16xf32>
      }
      %le3A = arith.constant 5000 : i32
      %le3A_2890 = arith.cmpi sle, %select_n3A_2877, %le3A : i32
      %convert_element_type3A_2891 = arith.extui %le3A_2890 : i1 to i32
      %cond3A_2892 = arith.constant 0 : i32
      %cond3A_2893 = arith.cmpi ne, %convert_element_type3A_2891, %cond3A_2892 : i32
      scf.if %cond3A_2893 {
        %min3A_2932 = arith.constant 31 : i32
        %min3A_2933 = arith.minsi %while3A_2829, %min3A_2932 : i32
        %mul3A_2934 = arith.constant 2 : i32
        %mul3A_2935 = arith.muli %mul3A_2934, %min3A_2933 : i32
        %add3A_2936 = arith.constant 0 : i32
        %add3A_2937 = arith.addi %mul3A_2935, %add3A_2936 : i32
        %get3A_2938 = arith.index_cast %add3A_2937 : i32 to index
        %get3A_2939 = arith.constant 0 : index
        %get3A_2940 = tpu.vector_load %arg10[%get3A_2938, %get3A_2939] {strides = array<i32>} : memref<64x128xf32, #tpu.memory_space<vmem>>, vector<16xf32>,
        %add3A_2941 = arith.addf %get3A_2940, %while3A_2889#0 : vector<16xf32>
        %swap3A_2942 = arith.index_cast %add3A_2937 : i32 to index
        %swap3A_2943 = arith.constant 0 : index
        %swap3A_2944 = tpu.vector_load %arg10[%swap3A_2942, %swap3A_2943] {strides = array<i32>} : memref<64x128xf32, #tpu.memory_space<vmem>>, vector<16xf32>,
        tpu.vector_store %arg10[%swap3A_2942, %swap3A_2943], %add3A_2941 {strides = array<i32>} : memref<64x128xf32, #tpu.memory_space<vmem>>, vector<16xf32>,
        %mul3A_2945 = arith.constant 2 : i32
        %mul3A_2946 = arith.muli %mul3A_2945, %min3A_2933 : i32
        %add3A_2947 = arith.constant 0 : i32
        %add3A_2948 = arith.addi %mul3A_2946, %add3A_2947 : i32
        %get3A_2949 = arith.index_cast %add3A_2948 : i32 to index
        %get3A_2950 = arith.constant 16 : index
        %get3A_2951 = tpu.vector_load %arg10[%get3A_2949, %get3A_2950] {strides = array<i32>} : memref<64x128xf32, #tpu.memory_space<vmem>>, vector<16xf32>,
        %add3A_2952 = arith.addf %get3A_2951, %while3A_2889#1 : vector<16xf32>
        %swap3A_2953 = arith.index_cast %add3A_2948 : i32 to index
        %swap3A_2954 = arith.constant 16 : index
        %swap3A_2955 = tpu.vector_load %arg10[%swap3A_2953, %swap3A_2954] {strides = array<i32>} : memref<64x128xf32, #tpu.memory_space<vmem>>, vector<16xf32>,
        tpu.vector_store %arg10[%swap3A_2953, %swap3A_2954], %add3A_2952 {strides = array<i32>} : memref<64x128xf32, #tpu.memory_space<vmem>>, vector<16xf32>,
        %mul3A_2956 = arith.constant 2 : i32
        %mul3A_2957 = arith.muli %mul3A_2956, %min3A_2933 : i32
        %add3A_2958 = arith.constant 0 : i32
        %add3A_2959 = arith.addi %mul3A_2957, %add3A_2958 : i32
        %get3A_2960 = arith.index_cast %add3A_2959 : i32 to index
        %get3A_2961 = arith.constant 32 : index
        %get3A_2962 = tpu.vector_load %arg10[%get3A_2960, %get3A_2961] {strides = array<i32>} : memref<64x128xf32, #tpu.memory_space<vmem>>, vector<16xf32>,
        %add3A_2963 = arith.addf %get3A_2962, %while3A_2889#2 : vector<16xf32>
        %swap3A_2964 = arith.index_cast %add3A_2959 : i32 to index
        %swap3A_2965 = arith.constant 32 : index
        %swap3A_2966 = tpu.vector_load %arg10[%swap3A_2964, %swap3A_2965] {strides = array<i32>} : memref<64x128xf32, #tpu.memory_space<vmem>>, vector<16xf32>,
        tpu.vector_store %arg10[%swap3A_2964, %swap3A_2965], %add3A_2963 {strides = array<i32>} : memref<64x128xf32, #tpu.memory_space<vmem>>, vector<16xf32>,
        %mul3A_2967 = arith.constant 2 : i32
        %mul3A_2968 = arith.muli %mul3A_2967, %min3A_2933 : i32
        %add3A_2969 = arith.constant 0 : i32
        %add3A_2970 = arith.addi %mul3A_2968, %add3A_2969 : i32
        %get3A_2971 = arith.index_cast %add3A_2970 : i32 to index
        %get3A_2972 = arith.constant 48 : index
        %get3A_2973 = tpu.vector_load %arg10[%get3A_2971, %get3A_2972] {strides = array<i32>} : memref<64x128xf32, #tpu.memory_space<vmem>>, vector<16xf32>,
        %add3A_2974 = arith.addf %get3A_2973, %while3A_2889#3 : vector<16xf32>
        %swap3A_2975 = arith.index_cast %add3A_2970 : i32 to index
        %swap3A_2976 = arith.constant 48 : index
        %swap3A_2977 = tpu.vector_load %arg10[%swap3A_2975, %swap3A_2976] {strides = array<i32>} : memref<64x128xf32, #tpu.memory_space<vmem>>, vector<16xf32>,
        tpu.vector_store %arg10[%swap3A_2975, %swap3A_2976], %add3A_2974 {strides = array<i32>} : memref<64x128xf32, #tpu.memory_space<vmem>>, vector<16xf32>,
        %mul3A_2978 = arith.constant 2 : i32
        %mul3A_2979 = arith.muli %mul3A_2978, %min3A_2933 : i32
        %add3A_2980 = arith.constant 0 : i32
        %add3A_2981 = arith.addi %mul3A_2979, %add3A_2980 : i32
        %get3A_2982 = arith.index_cast %add3A_2981 : i32 to index
        %get3A_2983 = arith.constant 64 : index
        %get3A_2984 = tpu.vector_load %arg10[%get3A_2982, %get3A_2983] {strides = array<i32>} : memref<64x128xf32, #tpu.memory_space<vmem>>, vector<16xf32>,
        %add3A_2985 = arith.addf %get3A_2984, %while3A_2889#4 : vector<16xf32>
        %swap3A_2986 = arith.index_cast %add3A_2981 : i32 to index
        %swap3A_2987 = arith.constant 64 : index
        %swap3A_2988 = tpu.vector_load %arg10[%swap3A_2986, %swap3A_2987] {strides = array<i32>} : memref<64x128xf32, #tpu.memory_space<vmem>>, vector<16xf32>,
        tpu.vector_store %arg10[%swap3A_2986, %swap3A_2987], %add3A_2985 {strides = array<i32>} : memref<64x128xf32, #tpu.memory_space<vmem>>, vector<16xf32>,
        %mul3A_2989 = arith.constant 2 : i32
        %mul3A_2990 = arith.muli %mul3A_2989, %min3A_2933 : i32
        %add3A_2991 = arith.constant 0 : i32
        %add3A_2992 = arith.addi %mul3A_2990, %add3A_2991 : i32
        %get3A_2993 = arith.index_cast %add3A_2992 : i32 to index
        %get3A_2994 = arith.constant 80 : index
        %get3A_2995 = tpu.vector_load %arg10[%get3A_2993, %get3A_2994] {strides = array<i32>} : memref<64x128xf32, #tpu.memory_space<vmem>>, vector<16xf32>,
        %add3A_2996 = arith.addf %get3A_2995, %while3A_2889#5 : vector<16xf32>
        %swap3A_2997 = arith.index_cast %add3A_2992 : i32 to index
        %swap3A_2998 = arith.constant 80 : index
        %swap3A_2999 = tpu.vector_load %arg10[%swap3A_2997, %swap3A_2998] {strides = array<i32>} : memref<64x128xf32, #tpu.memory_space<vmem>>, vector<16xf32>,
        tpu.vector_store %arg10[%swap3A_2997, %swap3A_2998], %add3A_2996 {strides = array<i32>} : memref<64x128xf32, #tpu.memory_space<vmem>>, vector<16xf32>,
        %mul3A_3000 = arith.constant 2 : i32
        %mul3A_3001 = arith.muli %mul3A_3000, %min3A_2933 : i32
        %add3A_3002 = arith.constant 0 : i32
        %add3A_3003 = arith.addi %mul3A_3001, %add3A_3002 : i32
        %get3A_3004 = arith.index_cast %add3A_3003 : i32 to index
        %get3A_3005 = arith.constant 96 : index
        %get3A_3006 = tpu.vector_load %arg10[%get3A_3004, %get3A_3005] {strides = array<i32>} : memref<64x128xf32, #tpu.memory_space<vmem>>, vector<16xf32>,
        %add3A_3007 = arith.addf %get3A_3006, %while3A_2889#6 : vector<16xf32>
        %swap3A_3008 = arith.index_cast %add3A_3003 : i32 to index
        %swap3A_3009 = arith.constant 96 : index
        %swap3A_3010 = tpu.vector_load %arg10[%swap3A_3008, %swap3A_3009] {strides = array<i32>} : memref<64x128xf32, #tpu.memory_space<vmem>>, vector<16xf32>,
        tpu.vector_store %arg10[%swap3A_3008, %swap3A_3009], %add3A_3007 {strides = array<i32>} : memref<64x128xf32, #tpu.memory_space<vmem>>, vector<16xf32>,
        %mul3A_3011 = arith.constant 2 : i32
        %mul3A_3012 = arith.muli %mul3A_3011, %min3A_2933 : i32
        %add3A_3013 = arith.constant 0 : i32
        %add3A_3014 = arith.addi %mul3A_3012, %add3A_3013 : i32
        %get3A_3015 = arith.index_cast %add3A_3014 : i32 to index
        %get3A_3016 = arith.constant 112 : index
        %get3A_3017 = tpu.vector_load %arg10[%get3A_3015, %get3A_3016] {strides = array<i32>} : memref<64x128xf32, #tpu.memory_space<vmem>>, vector<16xf32>,
        %add3A_3018 = arith.addf %get3A_3017, %while3A_2889#7 : vector<16xf32>
        %swap3A_3019 = arith.index_cast %add3A_3014 : i32 to index
        %swap3A_3020 = arith.constant 112 : index
        %swap3A_3021 = tpu.vector_load %arg10[%swap3A_3019, %swap3A_3020] {strides = array<i32>} : memref<64x128xf32, #tpu.memory_space<vmem>>, vector<16xf32>,
        tpu.vector_store %arg10[%swap3A_3019, %swap3A_3020], %add3A_3018 {strides = array<i32>} : memref<64x128xf32, #tpu.memory_space<vmem>>, vector<16xf32>,
        %mul3A_3022 = arith.constant 2 : i32
        %mul3A_3023 = arith.muli %mul3A_3022, %min3A_2933 : i32
        %add3A_3024 = arith.constant 1 : i32
        %add3A_3025 = arith.addi %mul3A_3023, %add3A_3024 : i32
        %get3A_3026 = arith.index_cast %add3A_3025 : i32 to index
        %get3A_3027 = arith.constant 0 : index
        %get3A_3028 = tpu.vector_load %arg10[%get3A_3026, %get3A_3027] {strides = array<i32>} : memref<64x128xf32, #tpu.memory_space<vmem>>, vector<16xf32>,
        %add3A_3029 = arith.addf %get3A_3028, %while3A_2889#8 : vector<16xf32>
        %swap3A_3030 = arith.index_cast %add3A_3025 : i32 to index
        %swap3A_3031 = arith.constant 0 : index
        %swap3A_3032 = tpu.vector_load %arg10[%swap3A_3030, %swap3A_3031] {strides = array<i32>} : memref<64x128xf32, #tpu.memory_space<vmem>>, vector<16xf32>,
        tpu.vector_store %arg10[%swap3A_3030, %swap3A_3031], %add3A_3029 {strides = array<i32>} : memref<64x128xf32, #tpu.memory_space<vmem>>, vector<16xf32>,
        %mul3A_3033 = arith.constant 2 : i32
        %mul3A_3034 = arith.muli %mul3A_3033, %min3A_2933 : i32
        %add3A_3035 = arith.constant 1 : i32
        %add3A_3036 = arith.addi %mul3A_3034, %add3A_3035 : i32
        %get3A_3037 = arith.index_cast %add3A_3036 : i32 to index
        %get3A_3038 = arith.constant 16 : index
        %get3A_3039 = tpu.vector_load %arg10[%get3A_3037, %get3A_3038] {strides = array<i32>} : memref<64x128xf32, #tpu.memory_space<vmem>>, vector<16xf32>,
        %add3A_3040 = arith.addf %get3A_3039, %while3A_2889#9 : vector<16xf32>
        %swap3A_3041 = arith.index_cast %add3A_3036 : i32 to index
        %swap3A_3042 = arith.constant 16 : index
        %swap3A_3043 = tpu.vector_load %arg10[%swap3A_3041, %swap3A_3042] {strides = array<i32>} : memref<64x128xf32, #tpu.memory_space<vmem>>, vector<16xf32>,
        tpu.vector_store %arg10[%swap3A_3041, %swap3A_3042], %add3A_3040 {strides = array<i32>} : memref<64x128xf32, #tpu.memory_space<vmem>>, vector<16xf32>,
        %mul3A_3044 = arith.constant 2 : i32
        %mul3A_3045 = arith.muli %mul3A_3044, %min3A_2933 : i32
        %add3A_3046 = arith.constant 1 : i32
        %add3A_3047 = arith.addi %mul3A_3045, %add3A_3046 : i32
        %get3A_3048 = arith.index_cast %add3A_3047 : i32 to index
        %get3A_3049 = arith.constant 32 : index
        %get3A_3050 = tpu.vector_load %arg10[%get3A_3048, %get3A_3049] {strides = array<i32>} : memref<64x128xf32, #tpu.memory_space<vmem>>, vector<16xf32>,
        %add3A_3051 = arith.addf %get3A_3050, %while3A_2889#10 : vector<16xf32>
        %swap3A_3052 = arith.index_cast %add3A_3047 : i32 to index
        %swap3A_3053 = arith.constant 32 : index
        %swap3A_3054 = tpu.vector_load %arg10[%swap3A_3052, %swap3A_3053] {strides = array<i32>} : memref<64x128xf32, #tpu.memory_space<vmem>>, vector<16xf32>,
        tpu.vector_store %arg10[%swap3A_3052, %swap3A_3053], %add3A_3051 {strides = array<i32>} : memref<64x128xf32, #tpu.memory_space<vmem>>, vector<16xf32>,
        %mul3A_3055 = arith.constant 2 : i32
        %mul3A_3056 = arith.muli %mul3A_3055, %min3A_2933 : i32
        %add3A_3057 = arith.constant 1 : i32
        %add3A_3058 = arith.addi %mul3A_3056, %add3A_3057 : i32
        %get3A_3059 = arith.index_cast %add3A_3058 : i32 to index
        %get3A_3060 = arith.constant 48 : index
        %get3A_3061 = tpu.vector_load %arg10[%get3A_3059, %get3A_3060] {strides = array<i32>} : memref<64x128xf32, #tpu.memory_space<vmem>>, vector<16xf32>,
        %add3A_3062 = arith.addf %get3A_3061, %while3A_2889#11 : vector<16xf32>
        %swap3A_3063 = arith.index_cast %add3A_3058 : i32 to index
        %swap3A_3064 = arith.constant 48 : index
        %swap3A_3065 = tpu.vector_load %arg10[%swap3A_3063, %swap3A_3064] {strides = array<i32>} : memref<64x128xf32, #tpu.memory_space<vmem>>, vector<16xf32>,
        tpu.vector_store %arg10[%swap3A_3063, %swap3A_3064], %add3A_3062 {strides = array<i32>} : memref<64x128xf32, #tpu.memory_space<vmem>>, vector<16xf32>,
        %mul3A_3066 = arith.constant 2 : i32
        %mul3A_3067 = arith.muli %mul3A_3066, %min3A_2933 : i32
        %add3A_3068 = arith.constant 1 : i32
        %add3A_3069 = arith.addi %mul3A_3067, %add3A_3068 : i32
        %get3A_3070 = arith.index_cast %add3A_3069 : i32 to index
        %get3A_3071 = arith.constant 64 : index
        %get3A_3072 = tpu.vector_load %arg10[%get3A_3070, %get3A_3071] {strides = array<i32>} : memref<64x128xf32, #tpu.memory_space<vmem>>, vector<16xf32>,
        %add3A_3073 = arith.addf %get3A_3072, %while3A_2889#12 : vector<16xf32>
        %swap3A_3074 = arith.index_cast %add3A_3069 : i32 to index
        %swap3A_3075 = arith.constant 64 : index
        %swap3A_3076 = tpu.vector_load %arg10[%swap3A_3074, %swap3A_3075] {strides = array<i32>} : memref<64x128xf32, #tpu.memory_space<vmem>>, vector<16xf32>,
        tpu.vector_store %arg10[%swap3A_3074, %swap3A_3075], %add3A_3073 {strides = array<i32>} : memref<64x128xf32, #tpu.memory_space<vmem>>, vector<16xf32>,
        %mul3A_3077 = arith.constant 2 : i32
        %mul3A_3078 = arith.muli %mul3A_3077, %min3A_2933 : i32
        %add3A_3079 = arith.constant 1 : i32
        %add3A_3080 = arith.addi %mul3A_3078, %add3A_3079 : i32
        %get3A_3081 = arith.index_cast %add3A_3080 : i32 to index
        %get3A_3082 = arith.constant 80 : index
        %get3A_3083 = tpu.vector_load %arg10[%get3A_3081, %get3A_3082] {strides = array<i32>} : memref<64x128xf32, #tpu.memory_space<vmem>>, vector<16xf32>,
        %add3A_3084 = arith.addf %get3A_3083, %while3A_2889#13 : vector<16xf32>
        %swap3A_3085 = arith.index_cast %add3A_3080 : i32 to index
        %swap3A_3086 = arith.constant 80 : index
        %swap3A_3087 = tpu.vector_load %arg10[%swap3A_3085, %swap3A_3086] {strides = array<i32>} : memref<64x128xf32, #tpu.memory_space<vmem>>, vector<16xf32>,
        tpu.vector_store %arg10[%swap3A_3085, %swap3A_3086], %add3A_3084 {strides = array<i32>} : memref<64x128xf32, #tpu.memory_space<vmem>>, vector<16xf32>,
        %mul3A_3088 = arith.constant 2 : i32
        %mul3A_3089 = arith.muli %mul3A_3088, %min3A_2933 : i32
        %add3A_3090 = arith.constant 1 : i32
        %add3A_3091 = arith.addi %mul3A_3089, %add3A_3090 : i32
        %get3A_3092 = arith.index_cast %add3A_3091 : i32 to index
        %get3A_3093 = arith.constant 96 : index
        %get3A_3094 = tpu.vector_load %arg10[%get3A_3092, %get3A_3093] {strides = array<i32>} : memref<64x128xf32, #tpu.memory_space<vmem>>, vector<16xf32>,
        %add3A_3095 = arith.addf %get3A_3094, %while3A_2889#14 : vector<16xf32>
        %swap3A_3096 = arith.index_cast %add3A_3091 : i32 to index
        %swap3A_3097 = arith.constant 96 : index
        %swap3A_3098 = tpu.vector_load %arg10[%swap3A_3096, %swap3A_3097] {strides = array<i32>} : memref<64x128xf32, #tpu.memory_space<vmem>>, vector<16xf32>,
        tpu.vector_store %arg10[%swap3A_3096, %swap3A_3097], %add3A_3095 {strides = array<i32>} : memref<64x128xf32, #tpu.memory_space<vmem>>, vector<16xf32>,
        %mul3A_3099 = arith.constant 2 : i32
        %mul3A_3100 = arith.muli %mul3A_3099, %min3A_2933 : i32
        %add3A_3101 = arith.constant 1 : i32
        %add3A_3102 = arith.addi %mul3A_3100, %add3A_3101 : i32
        %get3A_3103 = arith.index_cast %add3A_3102 : i32 to index
        %get3A_3104 = arith.constant 112 : index
        %get3A_3105 = tpu.vector_load %arg10[%get3A_3103, %get3A_3104] {strides = array<i32>} : memref<64x128xf32, #tpu.memory_space<vmem>>, vector<16xf32>,
        %add3A_3106 = arith.addf %get3A_3105, %while3A_2889#15 : vector<16xf32>
        %swap3A_3107 = arith.index_cast %add3A_3102 : i32 to index
        %swap3A_3108 = arith.constant 112 : index
        %swap3A_3109 = tpu.vector_load %arg10[%swap3A_3107, %swap3A_3108] {strides = array<i32>} : memref<64x128xf32, #tpu.memory_space<vmem>>, vector<16xf32>,
        tpu.vector_store %arg10[%swap3A_3107, %swap3A_3108], %add3A_3106 {strides = array<i32>} : memref<64x128xf32, #tpu.memory_space<vmem>>, vector<16xf32>,
      } else {
      }
      %jit3A_2894 = arith.constant 0.000000e+00 : f32
      %jit3A_2895 = arith.constant 1.000000e+00 : f32
      %select_n3A_2896 = arith.select %le3A_2890, %jit3A_2894, %jit3A_2895 : f32
      %mul3A_2897 = vector.broadcast %select_n3A_2896 : f32 to vector<16xf32>
      %mul3A_2898 = arith.mulf %while3A_2889#0, %mul3A_2897 : vector<16xf32>
      %mul3A_2899 = vector.broadcast %select_n3A_2896 : f32 to vector<16xf32>
      %mul3A_2900 = arith.mulf %while3A_2889#1, %mul3A_2899 : vector<16xf32>
      %mul3A_2901 = vector.broadcast %select_n3A_2896 : f32 to vector<16xf32>
      %mul3A_2902 = arith.mulf %while3A_2889#2, %mul3A_2901 : vector<16xf32>
      %mul3A_2903 = vector.broadcast %select_n3A_2896 : f32 to vector<16xf32>
      %mul3A_2904 = arith.mulf %while3A_2889#3, %mul3A_2903 : vector<16xf32>
      %mul3A_2905 = vector.broadcast %select_n3A_2896 : f32 to vector<16xf32>
      %mul3A_2906 = arith.mulf %while3A_2889#4, %mul3A_2905 : vector<16xf32>
      %mul3A_2907 = vector.broadcast %select_n3A_2896 : f32 to vector<16xf32>
      %mul3A_2908 = arith.mulf %while3A_2889#5, %mul3A_2907 : vector<16xf32>
      %mul3A_2909 = vector.broadcast %select_n3A_2896 : f32 to vector<16xf32>
      %mul3A_2910 = arith.mulf %while3A_2889#6, %mul3A_2909 : vector<16xf32>
      %mul3A_2911 = vector.broadcast %select_n3A_2896 : f32 to vector<16xf32>
      %mul3A_2912 = arith.mulf %while3A_2889#7, %mul3A_2911 : vector<16xf32>
      %mul3A_2913 = vector.broadcast %select_n3A_2896 : f32 to vector<16xf32>
      %mul3A_2914 = arith.mulf %while3A_2889#8, %mul3A_2913 : vector<16xf32>
      %mul3A_2915 = vector.broadcast %select_n3A_2896 : f32 to vector<16xf32>
      %mul3A_2916 = arith.mulf %while3A_2889#9, %mul3A_2915 : vector<16xf32>
      %mul3A_2917 = vector.broadcast %select_n3A_2896 : f32 to vector<16xf32>
      %mul3A_2918 = arith.mulf %while3A_2889#10, %mul3A_2917 : vector<16xf32>
      %mul3A_2919 = vector.broadcast %select_n3A_2896 : f32 to vector<16xf32>
      %mul3A_2920 = arith.mulf %while3A_2889#11, %mul3A_2919 : vector<16xf32>
      %mul3A_2921 = vector.broadcast %select_n3A_2896 : f32 to vector<16xf32>
      %mul3A_2922 = arith.mulf %while3A_2889#12, %mul3A_2921 : vector<16xf32>
      %mul3A_2923 = vector.broadcast %select_n3A_2896 : f32 to vector<16xf32>
      %mul3A_2924 = arith.mulf %while3A_2889#13, %mul3A_2923 : vector<16xf32>
      %mul3A_2925 = vector.broadcast %select_n3A_2896 : f32 to vector<16xf32>
      %mul3A_2926 = arith.mulf %while3A_2889#14, %mul3A_2925 : vector<16xf32>
      %mul3A_2927 = vector.broadcast %select_n3A_2896 : f32 to vector<16xf32>
      %mul3A_2928 = arith.mulf %while3A_2889#15, %mul3A_2927 : vector<16xf32>
      %add3A_2929 = arith.constant 1 : i32
      %add3A_2930 = arith.addi %while3A_2829, %add3A_2929 : i32
      %select_n3A_2931 = arith.select %le3A_2890, %add3A_2930, %while3A_2829 : i32
      scf.yield %min3A_2879, %select_n3A_2931, %mul3A_2898, %mul3A_2900, %mul3A_2902, %mul3A_2904, %mul3A_2906, %mul3A_2908, %mul3A_2910, %mul3A_2912, %mul3A_2914, %mul3A_2916, %mul3A_2918, %mul3A_2920, %mul3A_2922, %mul3A_2924, %mul3A_2926, %mul3A_2928 : i32, i32, vector<16xf32>, vector<16xf32>, vector<16xf32>, vector<16xf32>, vector<16xf32>, vector<16xf32>, vector<16xf32>, vector<16xf32>, vector<16xf32>, vector<16xf32>, vector<16xf32>, vector<16xf32>, vector<16xf32>, vector<16xf32>, vector<16xf32>, vector<16xf32>
    }
    %min3A_2645 = arith.constant 31 : i32
    %min3A_2646 = arith.minsi %while3A_2644#1, %min3A_2645 : i32
    %mul3A_2647 = arith.constant 2 : i32
    %mul3A_2648 = arith.muli %mul3A_2647, %min3A_2646 : i32
    %add3A_2649 = arith.constant 0 : i32
    %add3A_2650 = arith.addi %mul3A_2648, %add3A_2649 : i32
    %get3A = arith.index_cast %add3A_2650 : i32 to index
    %get3A_2651 = arith.constant 0 : index
    %get3A_2652 = tpu.vector_load %arg10[%get3A, %get3A_2651] {strides = array<i32>} : memref<64x128xf32, #tpu.memory_space<vmem>>, vector<16xf32>,
    %add3A_2653 = arith.addf %get3A_2652, %while3A_2644#2 : vector<16xf32>
    %swap3A_2654 = arith.index_cast %add3A_2650 : i32 to index
    %swap3A_2655 = arith.constant 0 : index
    %swap3A_2656 = tpu.vector_load %arg10[%swap3A_2654, %swap3A_2655] {strides = array<i32>} : memref<64x128xf32, #tpu.memory_space<vmem>>, vector<16xf32>,
    tpu.vector_store %arg10[%swap3A_2654, %swap3A_2655], %add3A_2653 {strides = array<i32>} : memref<64x128xf32, #tpu.memory_space<vmem>>, vector<16xf32>,
    %mul3A_2657 = arith.constant 2 : i32
    %mul3A_2658 = arith.muli %mul3A_2657, %min3A_2646 : i32
    %add3A_2659 = arith.constant 0 : i32
    %add3A_2660 = arith.addi %mul3A_2658, %add3A_2659 : i32
    %get3A_2661 = arith.index_cast %add3A_2660 : i32 to index
    %get3A_2662 = arith.constant 16 : index
    %get3A_2663 = tpu.vector_load %arg10[%get3A_2661, %get3A_2662] {strides = array<i32>} : memref<64x128xf32, #tpu.memory_space<vmem>>, vector<16xf32>,
    %add3A_2664 = arith.addf %get3A_2663, %while3A_2644#3 : vector<16xf32>
    %swap3A_2665 = arith.index_cast %add3A_2660 : i32 to index
    %swap3A_2666 = arith.constant 16 : index
    %swap3A_2667 = tpu.vector_load %arg10[%swap3A_2665, %swap3A_2666] {strides = array<i32>} : memref<64x128xf32, #tpu.memory_space<vmem>>, vector<16xf32>,
    tpu.vector_store %arg10[%swap3A_2665, %swap3A_2666], %add3A_2664 {strides = array<i32>} : memref<64x128xf32, #tpu.memory_space<vmem>>, vector<16xf32>,
    %mul3A_2668 = arith.constant 2 : i32
    %mul3A_2669 = arith.muli %mul3A_2668, %min3A_2646 : i32
    %add3A_2670 = arith.constant 0 : i32
    %add3A_2671 = arith.addi %mul3A_2669, %add3A_2670 : i32
    %get3A_2672 = arith.index_cast %add3A_2671 : i32 to index
    %get3A_2673 = arith.constant 32 : index
    %get3A_2674 = tpu.vector_load %arg10[%get3A_2672, %get3A_2673] {strides = array<i32>} : memref<64x128xf32, #tpu.memory_space<vmem>>, vector<16xf32>,
    %add3A_2675 = arith.addf %get3A_2674, %while3A_2644#4 : vector<16xf32>
    %swap3A_2676 = arith.index_cast %add3A_2671 : i32 to index
    %swap3A_2677 = arith.constant 32 : index
    %swap3A_2678 = tpu.vector_load %arg10[%swap3A_2676, %swap3A_2677] {strides = array<i32>} : memref<64x128xf32, #tpu.memory_space<vmem>>, vector<16xf32>,
    tpu.vector_store %arg10[%swap3A_2676, %swap3A_2677], %add3A_2675 {strides = array<i32>} : memref<64x128xf32, #tpu.memory_space<vmem>>, vector<16xf32>,
    %mul3A_2679 = arith.constant 2 : i32
    %mul3A_2680 = arith.muli %mul3A_2679, %min3A_2646 : i32
    %add3A_2681 = arith.constant 0 : i32
    %add3A_2682 = arith.addi %mul3A_2680, %add3A_2681 : i32
    %get3A_2683 = arith.index_cast %add3A_2682 : i32 to index
    %get3A_2684 = arith.constant 48 : index
    %get3A_2685 = tpu.vector_load %arg10[%get3A_2683, %get3A_2684] {strides = array<i32>} : memref<64x128xf32, #tpu.memory_space<vmem>>, vector<16xf32>,
    %add3A_2686 = arith.addf %get3A_2685, %while3A_2644#5 : vector<16xf32>
    %swap3A_2687 = arith.index_cast %add3A_2682 : i32 to index
    %swap3A_2688 = arith.constant 48 : index
    %swap3A_2689 = tpu.vector_load %arg10[%swap3A_2687, %swap3A_2688] {strides = array<i32>} : memref<64x128xf32, #tpu.memory_space<vmem>>, vector<16xf32>,
    tpu.vector_store %arg10[%swap3A_2687, %swap3A_2688], %add3A_2686 {strides = array<i32>} : memref<64x128xf32, #tpu.memory_space<vmem>>, vector<16xf32>,
    %mul3A_2690 = arith.constant 2 : i32
    %mul3A_2691 = arith.muli %mul3A_2690, %min3A_2646 : i32
    %add3A_2692 = arith.constant 0 : i32
    %add3A_2693 = arith.addi %mul3A_2691, %add3A_2692 : i32
    %get3A_2694 = arith.index_cast %add3A_2693 : i32 to index
    %get3A_2695 = arith.constant 64 : index
    %get3A_2696 = tpu.vector_load %arg10[%get3A_2694, %get3A_2695] {strides = array<i32>} : memref<64x128xf32, #tpu.memory_space<vmem>>, vector<16xf32>,
    %add3A_2697 = arith.addf %get3A_2696, %while3A_2644#6 : vector<16xf32>
    %swap3A_2698 = arith.index_cast %add3A_2693 : i32 to index
    %swap3A_2699 = arith.constant 64 : index
    %swap3A_2700 = tpu.vector_load %arg10[%swap3A_2698, %swap3A_2699] {strides = array<i32>} : memref<64x128xf32, #tpu.memory_space<vmem>>, vector<16xf32>,
    tpu.vector_store %arg10[%swap3A_2698, %swap3A_2699], %add3A_2697 {strides = array<i32>} : memref<64x128xf32, #tpu.memory_space<vmem>>, vector<16xf32>,
    %mul3A_2701 = arith.constant 2 : i32
    %mul3A_2702 = arith.muli %mul3A_2701, %min3A_2646 : i32
    %add3A_2703 = arith.constant 0 : i32
    %add3A_2704 = arith.addi %mul3A_2702, %add3A_2703 : i32
    %get3A_2705 = arith.index_cast %add3A_2704 : i32 to index
    %get3A_2706 = arith.constant 80 : index
    %get3A_2707 = tpu.vector_load %arg10[%get3A_2705, %get3A_2706] {strides = array<i32>} : memref<64x128xf32, #tpu.memory_space<vmem>>, vector<16xf32>,
    %add3A_2708 = arith.addf %get3A_2707, %while3A_2644#7 : vector<16xf32>
    %swap3A_2709 = arith.index_cast %add3A_2704 : i32 to index
    %swap3A_2710 = arith.constant 80 : index
    %swap3A_2711 = tpu.vector_load %arg10[%swap3A_2709, %swap3A_2710] {strides = array<i32>} : memref<64x128xf32, #tpu.memory_space<vmem>>, vector<16xf32>,
    tpu.vector_store %arg10[%swap3A_2709, %swap3A_2710], %add3A_2708 {strides = array<i32>} : memref<64x128xf32, #tpu.memory_space<vmem>>, vector<16xf32>,
    %mul3A_2712 = arith.constant 2 : i32
    %mul3A_2713 = arith.muli %mul3A_2712, %min3A_2646 : i32
    %add3A_2714 = arith.constant 0 : i32
    %add3A_2715 = arith.addi %mul3A_2713, %add3A_2714 : i32
    %get3A_2716 = arith.index_cast %add3A_2715 : i32 to index
    %get3A_2717 = arith.constant 96 : index
    %get3A_2718 = tpu.vector_load %arg10[%get3A_2716, %get3A_2717] {strides = array<i32>} : memref<64x128xf32, #tpu.memory_space<vmem>>, vector<16xf32>,
    %add3A_2719 = arith.addf %get3A_2718, %while3A_2644#8 : vector<16xf32>
    %swap3A_2720 = arith.index_cast %add3A_2715 : i32 to index
    %swap3A_2721 = arith.constant 96 : index
    %swap3A_2722 = tpu.vector_load %arg10[%swap3A_2720, %swap3A_2721] {strides = array<i32>} : memref<64x128xf32, #tpu.memory_space<vmem>>, vector<16xf32>,
    tpu.vector_store %arg10[%swap3A_2720, %swap3A_2721], %add3A_2719 {strides = array<i32>} : memref<64x128xf32, #tpu.memory_space<vmem>>, vector<16xf32>,
    %mul3A_2723 = arith.constant 2 : i32
    %mul3A_2724 = arith.muli %mul3A_2723, %min3A_2646 : i32
    %add3A_2725 = arith.constant 0 : i32
    %add3A_2726 = arith.addi %mul3A_2724, %add3A_2725 : i32
    %get3A_2727 = arith.index_cast %add3A_2726 : i32 to index
    %get3A_2728 = arith.constant 112 : index
    %get3A_2729 = tpu.vector_load %arg10[%get3A_2727, %get3A_2728] {strides = array<i32>} : memref<64x128xf32, #tpu.memory_space<vmem>>, vector<16xf32>,
    %add3A_2730 = arith.addf %get3A_2729, %while3A_2644#9 : vector<16xf32>
    %swap3A_2731 = arith.index_cast %add3A_2726 : i32 to index
    %swap3A_2732 = arith.constant 112 : index
    %swap3A_2733 = tpu.vector_load %arg10[%swap3A_2731, %swap3A_2732] {strides = array<i32>} : memref<64x128xf32, #tpu.memory_space<vmem>>, vector<16xf32>,
    tpu.vector_store %arg10[%swap3A_2731, %swap3A_2732], %add3A_2730 {strides = array<i32>} : memref<64x128xf32, #tpu.memory_space<vmem>>, vector<16xf32>,
    %mul3A_2734 = arith.constant 2 : i32
    %mul3A_2735 = arith.muli %mul3A_2734, %min3A_2646 : i32
    %add3A_2736 = arith.constant 1 : i32
    %add3A_2737 = arith.addi %mul3A_2735, %add3A_2736 : i32
    %get3A_2738 = arith.index_cast %add3A_2737 : i32 to index
    %get3A_2739 = arith.constant 0 : index
    %get3A_2740 = tpu.vector_load %arg10[%get3A_2738, %get3A_2739] {strides = array<i32>} : memref<64x128xf32, #tpu.memory_space<vmem>>, vector<16xf32>,
    %add3A_2741 = arith.addf %get3A_2740, %while3A_2644#10 : vector<16xf32>
    %swap3A_2742 = arith.index_cast %add3A_2737 : i32 to index
    %swap3A_2743 = arith.constant 0 : index
    %swap3A_2744 = tpu.vector_load %arg10[%swap3A_2742, %swap3A_2743] {strides = array<i32>} : memref<64x128xf32, #tpu.memory_space<vmem>>, vector<16xf32>,
    tpu.vector_store %arg10[%swap3A_2742, %swap3A_2743], %add3A_2741 {strides = array<i32>} : memref<64x128xf32, #tpu.memory_space<vmem>>, vector<16xf32>,
    %mul3A_2745 = arith.constant 2 : i32
    %mul3A_2746 = arith.muli %mul3A_2745, %min3A_2646 : i32
    %add3A_2747 = arith.constant 1 : i32
    %add3A_2748 = arith.addi %mul3A_2746, %add3A_2747 : i32
    %get3A_2749 = arith.index_cast %add3A_2748 : i32 to index
    %get3A_2750 = arith.constant 16 : index
    %get3A_2751 = tpu.vector_load %arg10[%get3A_2749, %get3A_2750] {strides = array<i32>} : memref<64x128xf32, #tpu.memory_space<vmem>>, vector<16xf32>,
    %add3A_2752 = arith.addf %get3A_2751, %while3A_2644#11 : vector<16xf32>
    %swap3A_2753 = arith.index_cast %add3A_2748 : i32 to index
    %swap3A_2754 = arith.constant 16 : index
    %swap3A_2755 = tpu.vector_load %arg10[%swap3A_2753, %swap3A_2754] {strides = array<i32>} : memref<64x128xf32, #tpu.memory_space<vmem>>, vector<16xf32>,
    tpu.vector_store %arg10[%swap3A_2753, %swap3A_2754], %add3A_2752 {strides = array<i32>} : memref<64x128xf32, #tpu.memory_space<vmem>>, vector<16xf32>,
    %mul3A_2756 = arith.constant 2 : i32
    %mul3A_2757 = arith.muli %mul3A_2756, %min3A_2646 : i32
    %add3A_2758 = arith.constant 1 : i32
    %add3A_2759 = arith.addi %mul3A_2757, %add3A_2758 : i32
    %get3A_2760 = arith.index_cast %add3A_2759 : i32 to index
    %get3A_2761 = arith.constant 32 : index
    %get3A_2762 = tpu.vector_load %arg10[%get3A_2760, %get3A_2761] {strides = array<i32>} : memref<64x128xf32, #tpu.memory_space<vmem>>, vector<16xf32>,
    %add3A_2763 = arith.addf %get3A_2762, %while3A_2644#12 : vector<16xf32>
    %swap3A_2764 = arith.index_cast %add3A_2759 : i32 to index
    %swap3A_2765 = arith.constant 32 : index
    %swap3A_2766 = tpu.vector_load %arg10[%swap3A_2764, %swap3A_2765] {strides = array<i32>} : memref<64x128xf32, #tpu.memory_space<vmem>>, vector<16xf32>,
    tpu.vector_store %arg10[%swap3A_2764, %swap3A_2765], %add3A_2763 {strides = array<i32>} : memref<64x128xf32, #tpu.memory_space<vmem>>, vector<16xf32>,
    %mul3A_2767 = arith.constant 2 : i32
    %mul3A_2768 = arith.muli %mul3A_2767, %min3A_2646 : i32
    %add3A_2769 = arith.constant 1 : i32
    %add3A_2770 = arith.addi %mul3A_2768, %add3A_2769 : i32
    %get3A_2771 = arith.index_cast %add3A_2770 : i32 to index
    %get3A_2772 = arith.constant 48 : index
    %get3A_2773 = tpu.vector_load %arg10[%get3A_2771, %get3A_2772] {strides = array<i32>} : memref<64x128xf32, #tpu.memory_space<vmem>>, vector<16xf32>,
    %add3A_2774 = arith.addf %get3A_2773, %while3A_2644#13 : vector<16xf32>
    %swap3A_2775 = arith.index_cast %add3A_2770 : i32 to index
    %swap3A_2776 = arith.constant 48 : index
    %swap3A_2777 = tpu.vector_load %arg10[%swap3A_2775, %swap3A_2776] {strides = array<i32>} : memref<64x128xf32, #tpu.memory_space<vmem>>, vector<16xf32>,
    tpu.vector_store %arg10[%swap3A_2775, %swap3A_2776], %add3A_2774 {strides = array<i32>} : memref<64x128xf32, #tpu.memory_space<vmem>>, vector<16xf32>,
    %mul3A_2778 = arith.constant 2 : i32
    %mul3A_2779 = arith.muli %mul3A_2778, %min3A_2646 : i32
    %add3A_2780 = arith.constant 1 : i32
    %add3A_2781 = arith.addi %mul3A_2779, %add3A_2780 : i32
    %get3A_2782 = arith.index_cast %add3A_2781 : i32 to index
    %get3A_2783 = arith.constant 64 : index
    %get3A_2784 = tpu.vector_load %arg10[%get3A_2782, %get3A_2783] {strides = array<i32>} : memref<64x128xf32, #tpu.memory_space<vmem>>, vector<16xf32>,
    %add3A_2785 = arith.addf %get3A_2784, %while3A_2644#14 : vector<16xf32>
    %swap3A_2786 = arith.index_cast %add3A_2781 : i32 to index
    %swap3A_2787 = arith.constant 64 : index
    %swap3A_2788 = tpu.vector_load %arg10[%swap3A_2786, %swap3A_2787] {strides = array<i32>} : memref<64x128xf32, #tpu.memory_space<vmem>>, vector<16xf32>,
    tpu.vector_store %arg10[%swap3A_2786, %swap3A_2787], %add3A_2785 {strides = array<i32>} : memref<64x128xf32, #tpu.memory_space<vmem>>, vector<16xf32>,
    %mul3A_2789 = arith.constant 2 : i32
    %mul3A_2790 = arith.muli %mul3A_2789, %min3A_2646 : i32
    %add3A_2791 = arith.constant 1 : i32
    %add3A_2792 = arith.addi %mul3A_2790, %add3A_2791 : i32
    %get3A_2793 = arith.index_cast %add3A_2792 : i32 to index
    %get3A_2794 = arith.constant 80 : index
    %get3A_2795 = tpu.vector_load %arg10[%get3A_2793, %get3A_2794] {strides = array<i32>} : memref<64x128xf32, #tpu.memory_space<vmem>>, vector<16xf32>,
    %add3A_2796 = arith.addf %get3A_2795, %while3A_2644#15 : vector<16xf32>
    %swap3A_2797 = arith.index_cast %add3A_2792 : i32 to index
    %swap3A_2798 = arith.constant 80 : index
    %swap3A_2799 = tpu.vector_load %arg10[%swap3A_2797, %swap3A_2798] {strides = array<i32>} : memref<64x128xf32, #tpu.memory_space<vmem>>, vector<16xf32>,
    tpu.vector_store %arg10[%swap3A_2797, %swap3A_2798], %add3A_2796 {strides = array<i32>} : memref<64x128xf32, #tpu.memory_space<vmem>>, vector<16xf32>,
    %mul3A_2800 = arith.constant 2 : i32
    %mul3A_2801 = arith.muli %mul3A_2800, %min3A_2646 : i32
    %add3A_2802 = arith.constant 1 : i32
    %add3A_2803 = arith.addi %mul3A_2801, %add3A_2802 : i32
    %get3A_2804 = arith.index_cast %add3A_2803 : i32 to index
    %get3A_2805 = arith.constant 96 : index
    %get3A_2806 = tpu.vector_load %arg10[%get3A_2804, %get3A_2805] {strides = array<i32>} : memref<64x128xf32, #tpu.memory_space<vmem>>, vector<16xf32>,
    %add3A_2807 = arith.addf %get3A_2806, %while3A_2644#16 : vector<16xf32>
    %swap3A_2808 = arith.index_cast %add3A_2803 : i32 to index
    %swap3A_2809 = arith.constant 96 : index
    %swap3A_2810 = tpu.vector_load %arg10[%swap3A_2808, %swap3A_2809] {strides = array<i32>} : memref<64x128xf32, #tpu.memory_space<vmem>>, vector<16xf32>,
    tpu.vector_store %arg10[%swap3A_2808, %swap3A_2809], %add3A_2807 {strides = array<i32>} : memref<64x128xf32, #tpu.memory_space<vmem>>, vector<16xf32>,
    %mul3A_2811 = arith.constant 2 : i32
    %mul3A_2812 = arith.muli %mul3A_2811, %min3A_2646 : i32
    %add3A_2813 = arith.constant 1 : i32
    %add3A_2814 = arith.addi %mul3A_2812, %add3A_2813 : i32
    %get3A_2815 = arith.index_cast %add3A_2814 : i32 to index
    %get3A_2816 = arith.constant 112 : index
    %get3A_2817 = tpu.vector_load %arg10[%get3A_2815, %get3A_2816] {strides = array<i32>} : memref<64x128xf32, #tpu.memory_space<vmem>>, vector<16xf32>,
    %add3A_2818 = arith.addf %get3A_2817, %while3A_2644#17 : vector<16xf32>
    %swap3A_2819 = arith.index_cast %add3A_2814 : i32 to index
    %swap3A_2820 = arith.constant 112 : index
    %swap3A_2821 = tpu.vector_load %arg10[%swap3A_2819, %swap3A_2820] {strides = array<i32>} : memref<64x128xf32, #tpu.memory_space<vmem>>, vector<16xf32>,
    tpu.vector_store %arg10[%swap3A_2819, %swap3A_2820], %add3A_2818 {strides = array<i32>} : memref<64x128xf32, #tpu.memory_space<vmem>>, vector<16xf32>,
    "tpu.region"() ({
      %run_scoped3A = tpu.sem_alloc : memref<!tpu.dma_semaphore, #tpu.memory_space<semaphore_mem>>
      %dma_start3A_2828 = arith.constant 0 : i32
      %dma_start3A_2829 = arith.constant 0 : i32
      %dma_start3A_2830 = tpu.memref_slice %arg12[%dma_start3A_2828, %dma_start3A_2829] : memref<64x128xf32, #tpu.memory_space<vmem_shared>> -> memref<64x128xf32, #tpu.memory_space<vmem_shared>>
      tpu.enqueue_indirect_dma source(%arg10 : memref<64x128xf32, #tpu.memory_space<vmem>>) target(%dma_start3A_2830 : memref<64x128xf32, #tpu.memory_space<vmem_shared>>) offsets(%arg11 : memref<64xi32, #tpu.memory_space<vmem>>) semaphore(%run_scoped3A : memref<!tpu.dma_semaphore, #tpu.memory_space<semaphore_mem>>) {add = true}
      %dma_wait3A_2831 = arith.constant 0 : i32
      %dma_wait3A_2832 = arith.constant 0 : i32
      %dma_wait3A_2833 = tpu.memref_slice %arg12[%dma_wait3A_2831, %dma_wait3A_2832] : memref<64x128xf32, #tpu.memory_space<vmem_shared>> -> memref<64x128xf32, #tpu.memory_space<vmem_shared>>
      tpu.wait_indirect_dma semaphore(%run_scoped3A : memref<!tpu.dma_semaphore, #tpu.memory_space<semaphore_mem>>) src(%arg10 : memref<64x128xf32, #tpu.memory_space<vmem>>) dst(%dma_wait3A_2833 : memref<64x128xf32, #tpu.memory_space<vmem_shared>>)
      tpu.yield
    }) : () -> ()
    %barrier3A_2822 = arith.constant 0 : index
    tpu.barrier barrier_id(%barrier3A_2822)
    %eq3A_2823 = arith.constant 0 : i32
    %eq3A_2824 = arith.cmpi eq, %arg1, %eq3A_2823 : i32
    %convert_element_type3A_2825 = arith.extui %eq3A_2824 : i1 to i32
    %cond3A_2826 = arith.constant 0 : i32
    %cond3A_2827 = arith.cmpi ne, %convert_element_type3A_2825, %cond3A_2826 : i32
    scf.if %cond3A_2827 {
      %mul3A_2828 = arith.constant 32 : i32
      %mul3A_2829 = arith.muli %arg0, %mul3A_2828 : i32
      %mul3A_2830 = arith.constant 2 : i32
      %mul3A_2831 = arith.muli %mul3A_2829, %mul3A_2830 : i32
      "tpu.region"() ({
        %run_scoped3A = tpu.sem_alloc : memref<!tpu.dma_semaphore, #tpu.memory_space<semaphore_mem>>
        %dma_start3A_2832 = arith.constant 0 : i32
        %dma_start3A_2833 = tpu.memref_slice %arg4[%mul3A_2831, %dma_start3A_2832] : memref<128x128xf32, #tpu.memory_space<hbm>> -> memref<64x128xf32, #tpu.memory_space<hbm>>
        tpu.enqueue_dma source(%arg12 : memref<64x128xf32, #tpu.memory_space<vmem_shared>>) target(%dma_start3A_2833 : memref<64x128xf32, #tpu.memory_space<hbm>>) target_semaphore(%run_scoped3A : memref<!tpu.dma_semaphore, #tpu.memory_space<semaphore_mem>>)
        %dma_wait3A_2834 = arith.constant 0 : i32
        %dma_wait3A_2835 = tpu.memref_slice %arg4[%mul3A_2831, %dma_wait3A_2834] : memref<128x128xf32, #tpu.memory_space<hbm>> -> memref<64x128xf32, #tpu.memory_space<hbm>>
        tpu.wait_dma2 semaphore(%run_scoped3A : memref<!tpu.dma_semaphore, #tpu.memory_space<semaphore_mem>>) src(%arg12 : memref<64x128xf32, #tpu.memory_space<vmem_shared>>) dst(%dma_wait3A_2835 : memref<64x128xf32, #tpu.memory_space<hbm>>)
        tpu.yield
      }) : () -> ()
    } else {
    }
    return
  }
}

module attributes {stable_mosaic.version = 14 : i64} {
  func.func @body(%arg0: memref<2x32x256xf32, #tpu.memory_space<vmem>>, %arg1: memref<32x256xf32, #tpu.memory_space<vmem>>) attributes {dimension_semantics = [], scalar_prefetch = 0 : i64, scratch_operands = 0 : i64, tpu.core_type = #tpu.core_type<tc>} {
    %get3A = arith.constant 0 : index
    %get3A_0 = arith.constant 0 : index
    %get3A_1 = arith.constant 0 : index
    %get3A_2 = vector.load %arg0[%get3A, %get3A_0, %get3A_1] : memref<2x32x256xf32, #tpu.memory_space<vmem>>, vector<1x32x256xf32>
    %get3A_3 = vector.shape_cast %get3A_2 : vector<1x32x256xf32> to vector<32x256xf32>
    %get3A_4 = arith.constant 1 : index
    %get3A_5 = arith.constant 0 : index
    %get3A_6 = arith.constant 0 : index
    %get3A_7 = vector.load %arg0[%get3A_4, %get3A_5, %get3A_6] : memref<2x32x256xf32, #tpu.memory_space<vmem>>, vector<1x32x256xf32>
    %get3A_8 = vector.shape_cast %get3A_7 : vector<1x32x256xf32> to vector<32x256xf32>
    %add3A = arith.addf %get3A_3, %get3A_8 : vector<32x256xf32>
    %swap3A = arith.constant 0 : index
    %swap3A_9 = arith.constant 0 : index
    %swap3A_10 = vector.load %arg1[%swap3A, %swap3A_9] : memref<32x256xf32, #tpu.memory_space<vmem>>, vector<32x256xf32>
    tpu.vector_store %arg1[%swap3A, %swap3A_9], %add3A {strides = array<i32>} : memref<32x256xf32, #tpu.memory_space<vmem>>, vector<32x256xf32>,
    return
  }
}

</mosaic_0001>

<sc_bundles>
// kernel: kernel.4.cloned.1.call-start
scs
__scs_entry_jumppad:
0x0: {  	(pc) =	sbr.rel $0x88, $3  }
0x1: {  	(tag) =	ssettag $0x0;
	lr =	simm.s32 $0x1  }
0x2: {  	[smem:$0x3F9F] =	sst lr;
	_ =	strace $0xD0000000  }
0x3: {  	_ = 	snop  }
0x4: {  	_ = 	snop  }
0x5: {  	_ = 	snop  }
0x6: {  	_ = 	snop  }
0x7: {  	_ = 	snop  }
__scs_overlays_trampoline_lowered:
0x8: {  	[smem:$0x3FAE] =	sst s0  }
0x9: {  	[smem:$0x3FAF] =	sst s1  }
0xa: {  	[smem:$0x3FB0] =	sst s2  }
0xb: {  	[smem:$0x3FB1] =	sst s3  }
0xc: {  	[smem:$0x3FB2] =	sst s4  }
0xd: {  	[smem:$0x3FB3] =	sst s5  }
0xe: {  	[smem:$0x3FB4] =	sst s6  }
0xf: {  	[smem:$0x3FB5] =	sst s7  }
0x10: {  	[smem:$0x3FB6] =	sst s8  }
0x11: {  	[smem:$0x3FB7] =	sst s9;
	s0 =	simm.s32 @!p0 $0x0  }
0x12: {  	s1 =	sld [smem:$0x3F9D];
	s0 =	simm.s32 @p0 $0x1  }
0x13: {  	[smem:$0x3FB8] =	sst s0;
	s0 =	simm.s32 @!p1 $0x0  }
0x14: {  	s2 =	sld [smem:$0x3F9C];
	s0 =	simm.s32 @p1 $0x1  }
0x15: {  	[smem:$0x3FB9] =	sst s0;
	s0 =	simm.s32 @!p2 $0x0  }
0x16: {  	s3 =	sld [smem:$0x3FDB];
	s0 =	simm.s32 @p2 $0x1  }
0x17: {  	s4 =	simm.s32 $0x1BF5;
	[smem:$0x3FBB] =	sst s0  }
0x18: {  	s0 =	sld [smem:$0x3F9E];
	_ =	swait.ge [sflag:s4], $0x0  }
0x19: {  	s7 =	sld [smem:$0x3F9F]  }
0x1a: {  	s8 =	sadd.s32 $0xFFFFE003, lr  }
0x1b: {  	s9 =	sadd.s32 $0xFFFFFEF7, lr;
	s5 =	simm.s32 $0xFFFFFFFF;
	p2 =	slt.u32 s8, $0xFFFFF086  }
0x1c: {  	p1 =	slt.u32 s9, $0xF7A;
	s5 =	simm.s32 @!p2 $0x0  }
0x1d: {  	s5 =	simm.s32 @p1 $0x1;
	p0 =	seq.s32 s7, s2  }
0x1e: {  	s7 =	smul.u32 @!p0 $0xF7A, s2;
	p2 =	seq.s32 @!p0 s5, $0x0  }
0x1f: {  	s9 =	smul.u32 $0xF7A, s1;
	s8 =	simm.s32 @!p0 $0x1BF5;
	p2 =	por !p2, p0  }
0x20: {  	[sflag:s8] =	ssyncset.s32 @!p0 $0xFFFFF086;
	s6 =	sadd.s32 @!p0 s3, s7;
	s7 =	simm.s32 @!p0 $0x108  }
0x21: {  	s3 =	sadd.s32 s3, s9;
	s6 =	sadd.s32 @!p0 $0x88, s6;
	s7 =	simm.s32 @p2 $0x1082  }
0x22: {  	[simem:s7], [sflag:s8] =	dma.local @!p0 [hbm:s6], $0xF7A  }
0x23: {  	s9 =	sor.u32 $0xD0000000, s2;
	s6 =	simm.s32 $0x108;
	_ =	swait.ge @!p0 [sflag:s8], $0x0  }
0x24: {  	s3 =	sadd.s32 $0x88, s3;
	s6 =	simm.s32 @!p1 $0x1082;
	[sflag:s4] =	ssyncset.s32 $0xFFFFF086  }
0x25: {  	[simem:s6], [sflag:s4] =	dma.local [hbm:s3], $0xF7A  }
0x26: {  	[smem:$0x3F9F] =	sst s1;
	(tag) =	ssettag s2;
	_ =	strace s9  }
0x27: {  	s1 =	sld [smem:$0x3FAF]  }
0x28: {  	s2 =	sld [smem:$0x3FB0]  }
0x29: {  	s4 =	sld [smem:$0x3FB2]  }
0x2a: {  	p0 =	seq.s32 s5, $0x0;
	s5 =	sld [smem:$0x3FB3]  }
0x2b: {  	s6 =	sld [smem:$0x3FB4]  }
0x2c: {  	s7 =	sld [smem:$0x3FB5]  }
0x2d: {  	s3 =	simm.s32 $0x108;
	s8 =	sld [smem:$0x3FB6]  }
0x2e: {  	s3 =	simm.s32 @!p0 $0x1082;
	s9 =	sld [smem:$0x3FB7]  }
0x2f: {  	lr =	sadd.s32 s0, s3;
	s0 =	sld [smem:$0x3FAE]  }
0x30: {  	s3 =	sld [smem:$0x3FB1]  }
0x31: {  	[smem:$0x3FBA] =	sst s10  }
0x32: {  	s10 =	sld [smem:$0x3FB8];
	_ =	sdelay $0x3  }
0x33: {  	p0 =	seq.s32 s10, $0x1;
	s10 =	sld [smem:$0x3FBA];
	_ =	sdelay $0x3  }
0x34: {  	[smem:$0x3FBA] =	sst s10  }
0x35: {  	s10 =	sld [smem:$0x3FB9];
	_ =	sdelay $0x3  }
0x36: {  	p1 =	seq.s32 s10, $0x1;
	s10 =	sld [smem:$0x3FBA];
	_ =	sdelay $0x3  }
0x37: {  	[smem:$0x3FBA] =	sst s10  }
0x38: {  	s10 =	sld [smem:$0x3FBB]  }
0x39: {  	_ = 	snop;
	(pc) =	sbr.ind lr, $3  }
0x3a: {  	_ = 	snop  }
0x3b: {  	_ = 	snop  }
0x3c: {  	p2 =	seq.s32 s10, $0x1;
	s10 =	sld [smem:$0x3FBA]  }
0x3d: {  	_ =	shalt  }
0x3e: {  	_ =	shalt  }
0x3f: {  	_ =	shalt  }
0x40: {  	_ =	shalt  }
0x41: {  	_ =	shalt  }
0x42: {  	_ =	shalt  }
0x43: {  	_ =	shalt  }
0x44: {  	_ =	shalt  }
0x45: {  	_ =	shalt  }
0x46: {  	_ =	shalt  }
0x47: {  	_ =	shalt  }
0x48: {  	_ =	shalt  }
0x49: {  	_ =	shalt  }
0x4a: {  	_ =	shalt  }
0x4b: {  	_ =	shalt  }
0x4c: {  	_ =	shalt  }
0x4d: {  	_ =	shalt  }
0x4e: {  	_ =	shalt  }
0x4f: {  	_ =	shalt  }
0x50: {  	_ =	shalt  }
0x51: {  	_ =	shalt  }
0x52: {  	_ =	shalt  }
0x53: {  	_ =	shalt  }
0x54: {  	_ =	shalt  }
0x55: {  	_ =	shalt  }
0x56: {  	_ =	shalt  }
0x57: {  	_ =	shalt  }
0x58: {  	_ =	shalt  }
0x59: {  	_ =	shalt  }
0x5a: {  	_ =	shalt  }
0x5b: {  	_ =	shalt  }
0x5c: {  	_ =	shalt  }
0x5d: {  	_ =	shalt  }
0x5e: {  	_ =	shalt  }
0x5f: {  	_ =	shalt  }
0x60: {  	_ =	shalt  }
0x61: {  	_ =	shalt  }
0x62: {  	_ =	shalt  }
0x63: {  	_ =	shalt  }
0x64: {  	_ =	shalt  }
0x65: {  	_ =	shalt  }
0x66: {  	_ =	shalt  }
0x67: {  	_ =	shalt  }
0x68: {  	_ =	shalt  }
0x69: {  	_ =	shalt  }
0x6a: {  	_ =	shalt  }
0x6b: {  	_ =	shalt  }
0x6c: {  	_ =	shalt  }
0x6d: {  	_ =	shalt  }
0x6e: {  	_ =	shalt  }
0x6f: {  	_ =	shalt  }
0x70: {  	_ =	shalt  }
0x71: {  	_ =	shalt  }
0x72: {  	_ =	shalt  }
0x73: {  	_ =	shalt  }
0x74: {  	_ =	shalt  }
0x75: {  	_ =	shalt  }
0x76: {  	_ =	shalt  }
0x77: {  	_ =	shalt  }
0x78: {  	_ =	shalt  }
0x79: {  	_ =	shalt  }
0x7a: {  	_ =	shalt  }
0x7b: {  	_ =	shalt  }
0x7c: {  	_ =	shalt  }
0x7d: {  	_ =	shalt  }
0x7e: {  	_ =	shalt  }
0x7f: {  	_ =	shalt  }
0x80: {  	_ =	shalt  }
0x81: {  	_ =	shalt  }
0x82: {  	_ =	shalt  }
0x83: {  	_ =	shalt  }
0x84: {  	_ =	shalt  }
0x85: {  	_ =	shalt  }
0x86: {  	_ =	shalt  }
0x87: {  	_ =	shalt  }
.Lfunc_end0:
.L_simem_size_0:
called_computation_lowered:
.L_overlay_start_0:
0x88: {  	s2 =	sld [smem:$0x3FD9]  }
0x89: {  	s3 =	sld [smem:$0x3FFE];
	_ =	sdelay $0x1  }
0x8a: {  	s1 =	srdreg.scid  }
0x8b: {  	s0 =	sand.u32 $0x1, s1  }
0x8c: {  	s17 =	sshll.u32 s0, $0xA;
	s2 =	sadd.s32 s3, s2  }
0x8d: {  	s2 =	sadd.s32 s2, s17  }
0x8e: {  	[smem:$0x3FC6] =	sst s2  }
0x8f: {  	_ = 	snop  }
0x90: {  	s2 =	sld [smem:$0x3FC9]  }
0x91: {  	s18 =	sld [smem:$0x3FC8];
	(tm) =	ssettm $0x1  }
0x92: {  	s4 =	sld [smem:$0x3FFB];
	_ =	sdelay $0x3  }
0x93: {  	_ =	strace s4  }
0x94: {  	s4 =	sld [smem:$0x3FFC];
	_ =	sdelay $0x3  }
0x95: {  	_ =	strace s4  }
0x96: {  	s4 =	sld [smem:$0x3FFD];
	_ =	sdelay $0x3  }
0x97: {  	_ =	strace s4  }
0x98: {  	_ =	strace $0x8FFFFFFF  }
0x99: {  	s19 =	sld [smem:$0x3FDB];
	_ =	sdelay $0x1  }
0x9a: {  	s5 =	simm.s32 $_scs_section_size  }
0x9b: {  	s6 =	simm.s32 $_size__tile_overlayer_lowered;
	s7 =	simm.s32 $_tile_overlayer_lowered  }
0x9c: {  	s22 =	simm.s32 $0x1BFF;
	s21 =	sshll.u32 s7, $0x1;
	s4 =	sadd.s32 s5, s19  }
0x9d: {  	s8 =	simm.s32 $0x0;
	s20 =	sshll.u32 s6, $0x1;
	s6 =	sadd.s32 s21, s4  }
0x9e: {  	[timem:s8], [sflag:s22] =	dma.local [hbm:s6], s20  }
0x9f: {  	_ =	swait.ge [sflag:s22], s20  }
0xa0: {  	s5 =	ssub.s32 $0x0, s20;
	[sflag:s22] =	ssyncset.done $0x0  }
0xa1: {  	[sflag:s22] =	ssyncadd.s32 s5;
	_ =	sdelay $0x1  }
0xa2: {  	s23 =	simm.s32 $0x1B8B  }
0xa3: {  	_ =	swait.ge [sflag:s23], $0x1  }
0xa4: {  	[sflag:s23] =	ssyncset.done $0x0  }
0xa5: {  	s25 =	simm.s32 $0x1B8E;
	s24 =	sld [smem:$0x3FFE];
	[sflag:s23] =	ssyncadd.s32 $0xFFFFFFFF  }
0xa6: {  	s26 =	simm.s32 $execute0_lowered;
	[smem:$0x3FD2] =	sst s25  }
0xa7: {  	s6 =	sshll.u32 s26, $0x1;
	_ =	strace $0x80000046;
	[dreg:$0x1] =	wrdreg $0xFFFFFFFF  }
0xa8: {  	s28 =	simm.s32 $_size_execute0_lowered;
	s4 =	sadd.s32 s4, s6;
	[dreg:$0x0] =	wrdreg $0x0  }
0xa9: {  	s6 =	sshll.u32 s28, $0x1;
	[dreg:$0x2] =	wrdreg s4  }
0xaa: {  	[dreg:$0x3] =	wrdreg s6  }
0xab: {  	[dreg:$0x4] =	wrdreg $0xC0  }
0xac: {  	_ =	task [dreg:s8], $0x5FFFF  }
0xad: {  	[dreg:$0x1] =	wrdreg $0xFFFFFFFF  }
0xae: {  	[dreg:$0x0] =	wrdreg $0x60  }
0xaf: {  	[dreg:$0x2] =	wrdreg s2  }
0xb0: {  	[dreg:$0x3] =	wrdreg s18  }
0xb1: {  	[dreg:$0x4] =	wrdreg s24  }
0xb2: {  	[dreg:$0x5] =	wrdreg $0x1C4800  }
0xb3: {  	[dreg:$0x6] =	wrdreg $0x9  }
0xb4: {  	_ =	task.clear_ibuf [dreg:s8], $0x7FFFF;
	_ =	strace $0x90000046  }
0xb5: {  	s29 =	simm.s32 $0x9;
	_ =	strace $0x80000048  }
0xb6: {  	_ =	swait.ge [sflag:s29], $0x1  }
0xb7: {  	[sflag:s29] =	ssyncadd.s32 $0xFFFFFFFF  }
0xb8: {  	_ =	strace $0x90000048  }
0xb9: {  	_ =	sfence  }
0xba: {  	s30 =	sld [smem:$0x0];
	_ =	sdelay $0x2  }
0xbb: {  	s31 =	sshll.u32 s1, $0xD;
	s1 =	sshrl.u32 s1, $0x2  }
0xbc: {  	s3 =	sand.u32 $0x4000, s31;
	s1 =	sadd.s32 s1, s30  }
0xbd: {  	s0 =	sor.u32 s3, s0;
	s1 =	sshll.u32 s1, $0x11  }
0xbe: {  	s0 =	sor.u32 s1, s0  }
0xbf: {  	s0 =	sadd.s32 $0x8F2B, s0  }
0xc0: {  	[sflag:s0] =	ssyncadd.remote.s32 $0x1  }
0xc1: {  	_ =	sfence.sel $0xFFFF  }
0xc2: {  	[dreg:$0x0] =	wrdreg $0xFFFFFFFF;
	(pc) =	sbr.abs _section_cstart, $3  }
0xc3: {  	[dreg:$0x1] =	wrdreg $0xFFFFFFFF  }
0xc4: {  	_ =	task.clear_ibuf [dreg:s8], $0x2FFFF;
	_ =	strace $0x9FFFFFFF  }
0xc5: {  	(tm) =	ssettm $0x7FFFFFFF  }
tec
execute0_lowered:
.L_overlay_start_1:
0x0: {  	(tag) =	ssettag $0x1  }
0x1: {  	s1 =	rddreg [dreg:$0x0]  }
0x2: {  	s0 =	rddreg [dreg:$0x1]  }
0x3: {  	s2 =	rddreg [dreg:$0x2]  }
0x4: {  	s13 =	rddreg [dreg:$0x3];
	s3 =	srdreg.scid  }
0x5: {  	s6 =	stileid.u32;
	s14 =	simm.s32 $0x400;
	s15 =	simm.s32 $0x800  }
0x6: {  	s16 =	simm.s32 $0x1400;
	s17 =	simm.s32 $0x7800;
	s18 =	simm.s32 $0xDC00  }
0x7: {  	s19 =	simm.s32 $0x14000;
	s21 =	simm.s32 $0x1;
	s4 =	sand.u32 $0x1, s3  }
0x8: {  	s22 =	simm.s32 $0x2;
	s3 =	simm.s32 $0x0;
	s5 =	sshll.u32 s4, $0x4  }
0x9: {  	[smem:$0x7FF] =	sst s3;
	s7 =	sshll.u32 s4, $0xA;
	s5 =	sor.u32 s6, s5  }
0xa: {  	s8 =	ssub.s32 $0x2, s4;
	_ =	strace $0x80000047;
	s9 =	smul.u32 $0x138800, s5  }
0xb: {  	s2 =	sadd.s32 s7, s2;
	s24 =	sshrl.u32 s8, $0x1;
	s4 =	smul.u32 $0x1388, s5  }
0xc: {  	s5 =	sadd.s32 $0x80, s1;
	s7 =	ssub.s32 s8, s24;
	s29 =	sadd.s32 $0x400, s2  }
0xd: {  	[dreg:$0xa] =	wrdreg s29;
	s31 =	smax.u32 s7, $0x1;
	s9 =	sshrl.u32 s9, $0x3  }
0xe: {  	[dreg:$0xb] =	wrdreg s31;
	s25 =	sadd.s32 s1, s9;
	s9 =	sadd.s32 s9, s5  }
.Ltmp0:
0xf: {  	s28 =	sshrl.u32 s4, $0x3;
	[dreg:$0x6] =	wrdreg s9;
	(pc) =	sbr.rel .LBB2_1-.Ltmp0, $4  }
0x10: {  	v0 =	vimm.f32 $0.0e+00;
	v1 =	vlaneseq.u32;
	s23 =	simm.s32 $0x3;
	s0 =	sadd.s32 s0, s28;
	[dreg:$0x5] =	wrdreg s25  }
0x11: {  	v5 =	vimm.s32 $0x9C4;
	v7 =	vimm.s32 $0x9C5;
	v8 =	vimm.s32 $0x1388;
	s30 =	simm.s32 $0x0;
	s26 =	sadd.s32 $0x1900, s25;
	[dreg:$0x9] =	wrdreg s0  }
0x12: {  	v9 =	vimm.s32 $0xEA6;
	p0 =	sne.s32 s6, $0x0;
	v2 =	vor.u32 $0x10, v1;
	v3 =	vor.u32 $0x20, v1;
	s8 =	sadd.s32 $0x1980, s25;
	[dreg:$0x7] =	wrdreg s26  }
0x13: {  	v4 =	vor.u32 $0x30, v1;
	v6 =	vadd.s32 $0xFFFFFFFF, v1;
	v10 =	vadd.s32 $0xF, v1;
	s24 =	simm.s32 $0x4;
	s11 =	sadd.s32 $0x258, s4;
	[dreg:$0x8] =	wrdreg s8  }
.LBB2_31:
0x14: {  	p1 =	slt.s32 s0, $0x1F  }
0x15: {  	s0 =	simm.s32 @!p1 $0x1F  }
0x16: {  	s0 =	sshll.u32 s0, $0xA  }
0x17: {  	s0 =	sshra.s32 s0, $0x2  }
0x18: {  	v24 =	vld [tilespmem:s0+$0x1A400]  }
0x19: {  	v25 =	vld [tilespmem:s0+$0x1A410]  }
0x1a: {  	v29 =	vld [tilespmem:s0+$0x1A420]  }
0x1b: {  	v30 =	vld [tilespmem:s0+$0x1A430]  }
0x1c: {  	v31 =	vld [tilespmem:s0+$0x1A440]  }
0x1d: {  	v50 =	vld [tilespmem:s0+$0x1A450];
	v24 =	vadd.f32 v24, v28  }
0x1e: {  	v51 =	vld [tilespmem:s0+$0x1A460];
	v25 =	vadd.f32 v25, v27  }
0x1f: {  	v53 =	vld [tilespmem:s0+$0x1A470];
	v52 =	vadd.f32 v29, v26;
	[tilespmem:s0+$0x1A400] =	vst v24  }
0x20: {  	v54 =	vld [tilespmem:s0+$0x1A480];
	v23 =	vadd.f32 v30, v23;
	[tilespmem:s0+$0x1A410] =	vst v25  }
0x21: {  	v55 =	vld [tilespmem:s0+$0x1A490];
	v22 =	vadd.f32 v31, v22;
	[tilespmem:s0+$0x1A420] =	vst v52  }
0x22: {  	v56 =	vld [tilespmem:s0+$0x1A4A0];
	v21 =	vadd.f32 v50, v21;
	[tilespmem:s0+$0x1A430] =	vst v23  }
0x23: {  	v57 =	vld [tilespmem:s0+$0x1A4B0];
	v20 =	vadd.f32 v51, v20;
	[tilespmem:s0+$0x1A440] =	vst v22  }
0x24: {  	v58 =	vld [tilespmem:s0+$0x1A4C0];
	v19 =	vadd.f32 v53, v19;
	[tilespmem:s0+$0x1A450] =	vst v21  }
0x25: {  	v59 =	vld [tilespmem:s0+$0x1A4D0];
	v18 =	vadd.f32 v54, v18;
	[tilespmem:s0+$0x1A460] =	vst v20  }
0x26: {  	v60 =	vld [tilespmem:s0+$0x1A4E0];
	v17 =	vadd.f32 v55, v17;
	[tilespmem:s0+$0x1A470] =	vst v19  }
0x27: {  	v61 =	vld [tilespmem:s0+$0x1A4F0];
	v15 =	vadd.f32 v56, v15;
	[tilespmem:s0+$0x1A480] =	vst v18  }
0x28: {  	v12 =	vadd.f32 v57, v12;
	[tilespmem:s0+$0x1A490] =	vst v17  }
0x29: {  	v62 =	vadd.f32 v58, v16;
	[tilespmem:s0+$0x1A4A0] =	vst v15  }
0x2a: {  	v63 =	vadd.f32 v59, v14;
	[tilespmem:s0+$0x1A4B0] =	vst v12  }
0x2b: {  	v13 =	vadd.f32 v60, v13;
	[tilespmem:s0+$0x1A4C0] =	vst v62  }
0x2c: {  	v11 =	vadd.f32 v61, v11;
	[tilespmem:s0+$0x1A4D0] =	vst v63  }
0x2d: {  	s28 =	simm.s32 $0x40;
	[tilespmem:s0+$0x1A4E0] =	vst v13  }
0x2e: {  	s2 =	simm.s32 $0x1C400;
	s6 =	simm.s32 $0x1A400;
	s29 =	simm.s32 $0x6;
	[tilespmem:s0+$0x1A4F0] =	vst v11  }
0x2f: {  	[spmem:s13] =	stream.indirect.scatter.add.f32 [tilespmem:s6], [sflag:$0x6], $0x80, s2, s28, $0xb8;
	[tilespmem:$0x1C680] =	vst v63  }
0x30: {  	_ =	swait.ge [sflag:s29], $0x2000  }
0x31: {  	[sflag:s29] =	ssyncset.done $0x0  }
0x32: {  	[sflag:s29] =	ssyncadd.s32 $0xFFFFE000  }
0x33: {  	[bflag:$0x0] =	sbarrier.arrive $0xFFFF  }
0x34: {  	s0 =	sshrl.u32 @!p0 s13, $0x3;
	s2 =	simm.s32 @!p0 $0x1C06;
	s6 =	rddreg [dreg:$0xa]  }
0x35: {  	[hbm:s6], [sflag:s2] =	dma.local @!p0 [spmem:s0], $0x400  }
0x36: {  	s0 =	simm.s32 @!p0 $0x6  }
0x37: {  	_ =	swait.ge @!p0 [sflag:s0], $0x400  }
0x38: {  	s30 =	sadd.s32 $0x1, s30;
	s31 =	rddreg [dreg:$0xb]  }
0x39: {  	p1 =	sne.s32 s30, s31  }
.Ltmp1:
0x3a: {  	_ = 	snop;
	(pc) =	sbr.rel @!p1 .LBB2_32-.Ltmp1, $3  }
0x3b: {  	_ =	sdelay $0x1  }
0x3c: {  	[sflag:s0] =	ssyncset.done @!p0 $0x0  }
0x3d: {  	[sflag:s0] =	ssyncadd.s32 @!p0 $0xFFFFFC00  }
.LBB2_1:
0x3e: {  	s0 =	rddreg [dreg:$0x5]  }
0x3f: {  	[tilespmem:s16], [sflag:$0x1] =	stream.strided.gather [hbm4b:s0+s14], $0x6400, s15, s14, $0x38;
	[tilespmem:$0x1C680] =	vst v63  }
0x40: {  	s20 =	rddreg [dreg:$0x6]  }
0x41: {  	[tilespmem:s17], [sflag:$0x2] =	stream.strided.gather [hbm4b:s20+s14], $0x6400, s15, s14, $0x38;
	[tilespmem:$0x1C680] =	vst v63  }
0x42: {  	s25 =	rddreg [dreg:$0x7]  }
0x43: {  	[tilespmem:s18], [sflag:$0x3] =	stream.strided.gather [hbm4b:s25+s14], $0x6400, s15, s14, $0x38;
	[tilespmem:$0x1C680] =	vst v63  }
0x44: {  	s26 =	rddreg [dreg:$0x8]  }
0x45: {  	[tilespmem:s19], [sflag:$0x4] =	stream.strided.gather [hbm4b:s26+s14], $0x6400, s15, s14, $0x38;
	[tilespmem:$0x1C680] =	vst v63  }
0x46: {  	s29 =	rddreg [dreg:$0x9]  }
0x47: {  	[tilespmem:s3], [sflag:$0x5] =	stream.linear.gather [hbm4b:s29+s3], $0x1388, $0x38;
	[tilespmem:$0x1C680] =	vst v63  }
0x48: {  	[tilespmem:$0x1A400] =	vst v0  }
0x49: {  	[tilespmem:$0x1A410] =	vst v0  }
0x4a: {  	[tilespmem:$0x1A420] =	vst v0  }
0x4b: {  	[tilespmem:$0x1A430] =	vst v0  }
0x4c: {  	[tilespmem:$0x1A440] =	vst v0  }
0x4d: {  	[tilespmem:$0x1A450] =	vst v0  }
0x4e: {  	[tilespmem:$0x1A460] =	vst v0  }
0x4f: {  	[tilespmem:$0x1A470] =	vst v0  }
0x50: {  	[tilespmem:$0x1A480] =	vst v0  }
0x51: {  	[tilespmem:$0x1A490] =	vst v0  }
0x52: {  	[tilespmem:$0x1A4A0] =	vst v0  }
0x53: {  	[tilespmem:$0x1A4B0] =	vst v0  }
0x54: {  	[tilespmem:$0x1A4C0] =	vst v0  }
0x55: {  	[tilespmem:$0x1A4D0] =	vst v0  }
0x56: {  	[tilespmem:$0x1A4E0] =	vst v0  }
0x57: {  	[tilespmem:$0x1A4F0] =	vst v0  }
0x58: {  	[tilespmem:$0x1A500] =	vst v0  }
0x59: {  	[tilespmem:$0x1A510] =	vst v0  }
0x5a: {  	[tilespmem:$0x1A520] =	vst v0  }
0x5b: {  	[tilespmem:$0x1A530] =	vst v0  }
0x5c: {  	[tilespmem:$0x1A540] =	vst v0  }
0x5d: {  	[tilespmem:$0x1A550] =	vst v0  }
0x5e: {  	[tilespmem:$0x1A560] =	vst v0  }
0x5f: {  	[tilespmem:$0x1A570] =	vst v0  }
0x60: {  	[tilespmem:$0x1A580] =	vst v0  }
0x61: {  	[tilespmem:$0x1A590] =	vst v0  }
0x62: {  	[tilespmem:$0x1A5A0] =	vst v0  }
0x63: {  	[tilespmem:$0x1A5B0] =	vst v0  }
0x64: {  	[tilespmem:$0x1A5C0] =	vst v0  }
0x65: {  	[tilespmem:$0x1A5D0] =	vst v0  }
0x66: {  	[tilespmem:$0x1A5E0] =	vst v0  }
0x67: {  	[tilespmem:$0x1A5F0] =	vst v0  }
0x68: {  	[tilespmem:$0x1A600] =	vst v0  }
0x69: {  	[tilespmem:$0x1A610] =	vst v0  }
0x6a: {  	[tilespmem:$0x1A620] =	vst v0  }
0x6b: {  	[tilespmem:$0x1A630] =	vst v0  }
0x6c: {  	[tilespmem:$0x1A640] =	vst v0  }
0x6d: {  	[tilespmem:$0x1A650] =	vst v0  }
0x6e: {  	[tilespmem:$0x1A660] =	vst v0  }
0x6f: {  	[tilespmem:$0x1A670] =	vst v0  }
0x70: {  	[tilespmem:$0x1A680] =	vst v0  }
0x71: {  	[tilespmem:$0x1A690] =	vst v0  }
0x72: {  	[tilespmem:$0x1A6A0] =	vst v0  }
0x73: {  	[tilespmem:$0x1A6B0] =	vst v0  }
0x74: {  	[tilespmem:$0x1A6C0] =	vst v0  }
0x75: {  	[tilespmem:$0x1A6D0] =	vst v0  }
0x76: {  	[tilespmem:$0x1A6E0] =	vst v0  }
0x77: {  	[tilespmem:$0x1A6F0] =	vst v0  }
0x78: {  	[tilespmem:$0x1A700] =	vst v0  }
0x79: {  	[tilespmem:$0x1A710] =	vst v0  }
0x7a: {  	[tilespmem:$0x1A720] =	vst v0  }
0x7b: {  	[tilespmem:$0x1A730] =	vst v0  }
0x7c: {  	[tilespmem:$0x1A740] =	vst v0  }
0x7d: {  	[tilespmem:$0x1A750] =	vst v0  }
0x7e: {  	[tilespmem:$0x1A760] =	vst v0  }
0x7f: {  	[tilespmem:$0x1A770] =	vst v0  }
0x80: {  	[tilespmem:$0x1A780] =	vst v0  }
0x81: {  	[tilespmem:$0x1A790] =	vst v0  }
0x82: {  	[tilespmem:$0x1A7A0] =	vst v0  }
0x83: {  	[tilespmem:$0x1A7B0] =	vst v0  }
0x84: {  	[tilespmem:$0x1A7C0] =	vst v0  }
0x85: {  	[tilespmem:$0x1A7D0] =	vst v0  }
0x86: {  	[tilespmem:$0x1A7E0] =	vst v0  }
0x87: {  	[tilespmem:$0x1A7F0] =	vst v0  }
0x88: {  	[tilespmem:$0x1A800] =	vst v0  }
0x89: {  	[tilespmem:$0x1A810] =	vst v0  }
0x8a: {  	[tilespmem:$0x1A820] =	vst v0  }
0x8b: {  	[tilespmem:$0x1A830] =	vst v0  }
0x8c: {  	[tilespmem:$0x1A840] =	vst v0  }
0x8d: {  	[tilespmem:$0x1A850] =	vst v0  }
0x8e: {  	[tilespmem:$0x1A860] =	vst v0  }
0x8f: {  	[tilespmem:$0x1A870] =	vst v0  }
0x90: {  	[tilespmem:$0x1A880] =	vst v0  }
0x91: {  	[tilespmem:$0x1A890] =	vst v0  }
0x92: {  	[tilespmem:$0x1A8A0] =	vst v0  }
0x93: {  	[tilespmem:$0x1A8B0] =	vst v0  }
0x94: {  	[tilespmem:$0x1A8C0] =	vst v0  }
0x95: {  	[tilespmem:$0x1A8D0] =	vst v0  }
0x96: {  	[tilespmem:$0x1A8E0] =	vst v0  }
0x97: {  	[tilespmem:$0x1A8F0] =	vst v0  }
0x98: {  	[tilespmem:$0x1A900] =	vst v0  }
0x99: {  	[tilespmem:$0x1A910] =	vst v0  }
0x9a: {  	[tilespmem:$0x1A920] =	vst v0  }
0x9b: {  	[tilespmem:$0x1A930] =	vst v0  }
0x9c: {  	[tilespmem:$0x1A940] =	vst v0  }
0x9d: {  	[tilespmem:$0x1A950] =	vst v0  }
0x9e: {  	[tilespmem:$0x1A960] =	vst v0  }
0x9f: {  	[tilespmem:$0x1A970] =	vst v0  }
0xa0: {  	[tilespmem:$0x1A980] =	vst v0  }
0xa1: {  	[tilespmem:$0x1A990] =	vst v0  }
0xa2: {  	[tilespmem:$0x1A9A0] =	vst v0  }
0xa3: {  	[tilespmem:$0x1A9B0] =	vst v0  }
0xa4: {  	[tilespmem:$0x1A9C0] =	vst v0  }
0xa5: {  	[tilespmem:$0x1A9D0] =	vst v0  }
0xa6: {  	[tilespmem:$0x1A9E0] =	vst v0  }
0xa7: {  	[tilespmem:$0x1A9F0] =	vst v0  }
0xa8: {  	[tilespmem:$0x1AA00] =	vst v0  }
0xa9: {  	[tilespmem:$0x1AA10] =	vst v0  }
0xaa: {  	[tilespmem:$0x1AA20] =	vst v0  }
0xab: {  	[tilespmem:$0x1AA30] =	vst v0  }
0xac: {  	[tilespmem:$0x1AA40] =	vst v0  }
0xad: {  	[tilespmem:$0x1AA50] =	vst v0  }
0xae: {  	[tilespmem:$0x1AA60] =	vst v0  }
0xaf: {  	[tilespmem:$0x1AA70] =	vst v0  }
0xb0: {  	[tilespmem:$0x1AA80] =	vst v0  }
0xb1: {  	[tilespmem:$0x1AA90] =	vst v0  }
0xb2: {  	[tilespmem:$0x1AAA0] =	vst v0  }
0xb3: {  	[tilespmem:$0x1AAB0] =	vst v0  }
0xb4: {  	[tilespmem:$0x1AAC0] =	vst v0  }
0xb5: {  	[tilespmem:$0x1AAD0] =	vst v0  }
0xb6: {  	[tilespmem:$0x1AAE0] =	vst v0  }
0xb7: {  	[tilespmem:$0x1AAF0] =	vst v0  }
0xb8: {  	[tilespmem:$0x1AB00] =	vst v0  }
0xb9: {  	[tilespmem:$0x1AB10] =	vst v0  }
0xba: {  	[tilespmem:$0x1AB20] =	vst v0  }
0xbb: {  	[tilespmem:$0x1AB30] =	vst v0  }
0xbc: {  	[tilespmem:$0x1AB40] =	vst v0  }
0xbd: {  	[tilespmem:$0x1AB50] =	vst v0  }
0xbe: {  	[tilespmem:$0x1AB60] =	vst v0  }
0xbf: {  	[tilespmem:$0x1AB70] =	vst v0  }
0xc0: {  	[tilespmem:$0x1AB80] =	vst v0  }
0xc1: {  	[tilespmem:$0x1AB90] =	vst v0  }
0xc2: {  	[tilespmem:$0x1ABA0] =	vst v0  }
0xc3: {  	[tilespmem:$0x1ABB0] =	vst v0  }
0xc4: {  	[tilespmem:$0x1ABC0] =	vst v0  }
0xc5: {  	[tilespmem:$0x1ABD0] =	vst v0  }
0xc6: {  	[tilespmem:$0x1ABE0] =	vst v0  }
0xc7: {  	[tilespmem:$0x1ABF0] =	vst v0  }
0xc8: {  	[tilespmem:$0x1AC00] =	vst v0  }
0xc9: {  	[tilespmem:$0x1AC10] =	vst v0  }
0xca: {  	[tilespmem:$0x1AC20] =	vst v0  }
0xcb: {  	[tilespmem:$0x1AC30] =	vst v0  }
0xcc: {  	[tilespmem:$0x1AC40] =	vst v0  }
0xcd: {  	[tilespmem:$0x1AC50] =	vst v0  }
0xce: {  	[tilespmem:$0x1AC60] =	vst v0  }
0xcf: {  	[tilespmem:$0x1AC70] =	vst v0  }
0xd0: {  	[tilespmem:$0x1AC80] =	vst v0  }
0xd1: {  	[tilespmem:$0x1AC90] =	vst v0  }
0xd2: {  	[tilespmem:$0x1ACA0] =	vst v0  }
0xd3: {  	[tilespmem:$0x1ACB0] =	vst v0  }
0xd4: {  	[tilespmem:$0x1ACC0] =	vst v0  }
0xd5: {  	[tilespmem:$0x1ACD0] =	vst v0  }
0xd6: {  	[tilespmem:$0x1ACE0] =	vst v0  }
0xd7: {  	[tilespmem:$0x1ACF0] =	vst v0  }
0xd8: {  	[tilespmem:$0x1AD00] =	vst v0  }
0xd9: {  	[tilespmem:$0x1AD10] =	vst v0  }
0xda: {  	[tilespmem:$0x1AD20] =	vst v0  }
0xdb: {  	[tilespmem:$0x1AD30] =	vst v0  }
0xdc: {  	[tilespmem:$0x1AD40] =	vst v0  }
0xdd: {  	[tilespmem:$0x1AD50] =	vst v0  }
0xde: {  	[tilespmem:$0x1AD60] =	vst v0  }
0xdf: {  	[tilespmem:$0x1AD70] =	vst v0  }
0xe0: {  	[tilespmem:$0x1AD80] =	vst v0  }
0xe1: {  	[tilespmem:$0x1AD90] =	vst v0  }
0xe2: {  	[tilespmem:$0x1ADA0] =	vst v0  }
0xe3: {  	[tilespmem:$0x1ADB0] =	vst v0  }
0xe4: {  	[tilespmem:$0x1ADC0] =	vst v0  }
0xe5: {  	[tilespmem:$0x1ADD0] =	vst v0  }
0xe6: {  	[tilespmem:$0x1ADE0] =	vst v0  }
0xe7: {  	[tilespmem:$0x1ADF0] =	vst v0  }
0xe8: {  	[tilespmem:$0x1AE00] =	vst v0  }
0xe9: {  	[tilespmem:$0x1AE10] =	vst v0  }
0xea: {  	[tilespmem:$0x1AE20] =	vst v0  }
0xeb: {  	[tilespmem:$0x1AE30] =	vst v0  }
0xec: {  	[tilespmem:$0x1AE40] =	vst v0  }
0xed: {  	[tilespmem:$0x1AE50] =	vst v0  }
0xee: {  	[tilespmem:$0x1AE60] =	vst v0  }
0xef: {  	[tilespmem:$0x1AE70] =	vst v0  }
0xf0: {  	[tilespmem:$0x1AE80] =	vst v0  }
0xf1: {  	[tilespmem:$0x1AE90] =	vst v0  }
0xf2: {  	[tilespmem:$0x1AEA0] =	vst v0  }
0xf3: {  	[tilespmem:$0x1AEB0] =	vst v0  }
0xf4: {  	[tilespmem:$0x1AEC0] =	vst v0  }
0xf5: {  	[tilespmem:$0x1AED0] =	vst v0  }
0xf6: {  	[tilespmem:$0x1AEE0] =	vst v0  }
0xf7: {  	[tilespmem:$0x1AEF0] =	vst v0  }
0xf8: {  	[tilespmem:$0x1AF00] =	vst v0  }
0xf9: {  	[tilespmem:$0x1AF10] =	vst v0  }
0xfa: {  	[tilespmem:$0x1AF20] =	vst v0  }
0xfb: {  	[tilespmem:$0x1AF30] =	vst v0  }
0xfc: {  	[tilespmem:$0x1AF40] =	vst v0  }
0xfd: {  	[tilespmem:$0x1AF50] =	vst v0  }
0xfe: {  	[tilespmem:$0x1AF60] =	vst v0  }
0xff: {  	[tilespmem:$0x1AF70] =	vst v0  }
0x100: {  	[tilespmem:$0x1AF80] =	vst v0  }
0x101: {  	[tilespmem:$0x1AF90] =	vst v0  }
0x102: {  	[tilespmem:$0x1AFA0] =	vst v0  }
0x103: {  	[tilespmem:$0x1AFB0] =	vst v0  }
0x104: {  	[tilespmem:$0x1AFC0] =	vst v0  }
0x105: {  	[tilespmem:$0x1AFD0] =	vst v0  }
0x106: {  	[tilespmem:$0x1AFE0] =	vst v0  }
0x107: {  	[tilespmem:$0x1AFF0] =	vst v0  }
0x108: {  	[tilespmem:$0x1B000] =	vst v0  }
0x109: {  	[tilespmem:$0x1B010] =	vst v0  }
0x10a: {  	[tilespmem:$0x1B020] =	vst v0  }
0x10b: {  	[tilespmem:$0x1B030] =	vst v0  }
0x10c: {  	[tilespmem:$0x1B040] =	vst v0  }
0x10d: {  	[tilespmem:$0x1B050] =	vst v0  }
0x10e: {  	[tilespmem:$0x1B060] =	vst v0  }
0x10f: {  	[tilespmem:$0x1B070] =	vst v0  }
0x110: {  	[tilespmem:$0x1B080] =	vst v0  }
0x111: {  	[tilespmem:$0x1B090] =	vst v0  }
0x112: {  	[tilespmem:$0x1B0A0] =	vst v0  }
0x113: {  	[tilespmem:$0x1B0B0] =	vst v0  }
0x114: {  	[tilespmem:$0x1B0C0] =	vst v0  }
0x115: {  	[tilespmem:$0x1B0D0] =	vst v0  }
0x116: {  	[tilespmem:$0x1B0E0] =	vst v0  }
0x117: {  	[tilespmem:$0x1B0F0] =	vst v0  }
0x118: {  	[tilespmem:$0x1B100] =	vst v0  }
0x119: {  	[tilespmem:$0x1B110] =	vst v0  }
0x11a: {  	[tilespmem:$0x1B120] =	vst v0  }
0x11b: {  	[tilespmem:$0x1B130] =	vst v0  }
0x11c: {  	[tilespmem:$0x1B140] =	vst v0  }
0x11d: {  	[tilespmem:$0x1B150] =	vst v0  }
0x11e: {  	[tilespmem:$0x1B160] =	vst v0  }
0x11f: {  	[tilespmem:$0x1B170] =	vst v0  }
0x120: {  	[tilespmem:$0x1B180] =	vst v0  }
0x121: {  	[tilespmem:$0x1B190] =	vst v0  }
0x122: {  	[tilespmem:$0x1B1A0] =	vst v0  }
0x123: {  	[tilespmem:$0x1B1B0] =	vst v0  }
0x124: {  	[tilespmem:$0x1B1C0] =	vst v0  }
0x125: {  	[tilespmem:$0x1B1D0] =	vst v0  }
0x126: {  	[tilespmem:$0x1B1E0] =	vst v0  }
0x127: {  	[tilespmem:$0x1B1F0] =	vst v0  }
0x128: {  	[tilespmem:$0x1B200] =	vst v0  }
0x129: {  	[tilespmem:$0x1B210] =	vst v0  }
0x12a: {  	[tilespmem:$0x1B220] =	vst v0  }
0x12b: {  	[tilespmem:$0x1B230] =	vst v0  }
0x12c: {  	[tilespmem:$0x1B240] =	vst v0  }
0x12d: {  	[tilespmem:$0x1B250] =	vst v0  }
0x12e: {  	[tilespmem:$0x1B260] =	vst v0  }
0x12f: {  	[tilespmem:$0x1B270] =	vst v0  }
0x130: {  	[tilespmem:$0x1B280] =	vst v0  }
0x131: {  	[tilespmem:$0x1B290] =	vst v0  }
0x132: {  	[tilespmem:$0x1B2A0] =	vst v0  }
0x133: {  	[tilespmem:$0x1B2B0] =	vst v0  }
0x134: {  	[tilespmem:$0x1B2C0] =	vst v0  }
0x135: {  	[tilespmem:$0x1B2D0] =	vst v0  }
0x136: {  	[tilespmem:$0x1B2E0] =	vst v0  }
0x137: {  	[tilespmem:$0x1B2F0] =	vst v0  }
0x138: {  	[tilespmem:$0x1B300] =	vst v0  }
0x139: {  	[tilespmem:$0x1B310] =	vst v0  }
0x13a: {  	[tilespmem:$0x1B320] =	vst v0  }
0x13b: {  	[tilespmem:$0x1B330] =	vst v0  }
0x13c: {  	[tilespmem:$0x1B340] =	vst v0  }
0x13d: {  	[tilespmem:$0x1B350] =	vst v0  }
0x13e: {  	[tilespmem:$0x1B360] =	vst v0  }
0x13f: {  	[tilespmem:$0x1B370] =	vst v0  }
0x140: {  	[tilespmem:$0x1B380] =	vst v0  }
0x141: {  	[tilespmem:$0x1B390] =	vst v0  }
0x142: {  	[tilespmem:$0x1B3A0] =	vst v0  }
0x143: {  	[tilespmem:$0x1B3B0] =	vst v0  }
0x144: {  	[tilespmem:$0x1B3C0] =	vst v0  }
0x145: {  	[tilespmem:$0x1B3D0] =	vst v0  }
0x146: {  	[tilespmem:$0x1B3E0] =	vst v0  }
0x147: {  	[tilespmem:$0x1B3F0] =	vst v0  }
0x148: {  	[tilespmem:$0x1B400] =	vst v0  }
0x149: {  	[tilespmem:$0x1B410] =	vst v0  }
0x14a: {  	[tilespmem:$0x1B420] =	vst v0  }
0x14b: {  	[tilespmem:$0x1B430] =	vst v0  }
0x14c: {  	[tilespmem:$0x1B440] =	vst v0  }
0x14d: {  	[tilespmem:$0x1B450] =	vst v0  }
0x14e: {  	[tilespmem:$0x1B460] =	vst v0  }
0x14f: {  	[tilespmem:$0x1B470] =	vst v0  }
0x150: {  	[tilespmem:$0x1B480] =	vst v0  }
0x151: {  	[tilespmem:$0x1B490] =	vst v0  }
0x152: {  	[tilespmem:$0x1B4A0] =	vst v0  }
0x153: {  	[tilespmem:$0x1B4B0] =	vst v0  }
0x154: {  	[tilespmem:$0x1B4C0] =	vst v0  }
0x155: {  	[tilespmem:$0x1B4D0] =	vst v0  }
0x156: {  	[tilespmem:$0x1B4E0] =	vst v0  }
0x157: {  	[tilespmem:$0x1B4F0] =	vst v0  }
0x158: {  	[tilespmem:$0x1B500] =	vst v0  }
0x159: {  	[tilespmem:$0x1B510] =	vst v0  }
0x15a: {  	[tilespmem:$0x1B520] =	vst v0  }
0x15b: {  	[tilespmem:$0x1B530] =	vst v0  }
0x15c: {  	[tilespmem:$0x1B540] =	vst v0  }
0x15d: {  	[tilespmem:$0x1B550] =	vst v0  }
0x15e: {  	[tilespmem:$0x1B560] =	vst v0  }
0x15f: {  	[tilespmem:$0x1B570] =	vst v0  }
0x160: {  	[tilespmem:$0x1B580] =	vst v0  }
0x161: {  	[tilespmem:$0x1B590] =	vst v0  }
0x162: {  	[tilespmem:$0x1B5A0] =	vst v0  }
0x163: {  	[tilespmem:$0x1B5B0] =	vst v0  }
0x164: {  	[tilespmem:$0x1B5C0] =	vst v0  }
0x165: {  	[tilespmem:$0x1B5D0] =	vst v0  }
0x166: {  	[tilespmem:$0x1B5E0] =	vst v0  }
0x167: {  	[tilespmem:$0x1B5F0] =	vst v0  }
0x168: {  	[tilespmem:$0x1B600] =	vst v0  }
0x169: {  	[tilespmem:$0x1B610] =	vst v0  }
0x16a: {  	[tilespmem:$0x1B620] =	vst v0  }
0x16b: {  	[tilespmem:$0x1B630] =	vst v0  }
0x16c: {  	[tilespmem:$0x1B640] =	vst v0  }
0x16d: {  	[tilespmem:$0x1B650] =	vst v0  }
0x16e: {  	[tilespmem:$0x1B660] =	vst v0  }
0x16f: {  	[tilespmem:$0x1B670] =	vst v0  }
0x170: {  	[tilespmem:$0x1B680] =	vst v0  }
0x171: {  	[tilespmem:$0x1B690] =	vst v0  }
0x172: {  	[tilespmem:$0x1B6A0] =	vst v0  }
0x173: {  	[tilespmem:$0x1B6B0] =	vst v0  }
0x174: {  	[tilespmem:$0x1B6C0] =	vst v0  }
0x175: {  	[tilespmem:$0x1C430] =	vst v4  }
0x176: {  	[tilespmem:$0x1B6E0] =	vst v0  }
0x177: {  	[tilespmem:$0x1B6F0] =	vst v0  }
0x178: {  	[tilespmem:$0x1B700] =	vst v0  }
0x179: {  	[tilespmem:$0x1B710] =	vst v0  }
0x17a: {  	[tilespmem:$0x1B720] =	vst v0  }
0x17b: {  	[tilespmem:$0x1B730] =	vst v0  }
0x17c: {  	[tilespmem:$0x1B740] =	vst v0  }
0x17d: {  	[tilespmem:$0x1B750] =	vst v0  }
0x17e: {  	[tilespmem:$0x1B760] =	vst v0  }
0x17f: {  	[tilespmem:$0x1B770] =	vst v0  }
0x180: {  	[tilespmem:$0x1B780] =	vst v0  }
0x181: {  	[tilespmem:$0x1B790] =	vst v0  }
0x182: {  	[tilespmem:$0x1B7A0] =	vst v0  }
0x183: {  	[tilespmem:$0x1B7B0] =	vst v0  }
0x184: {  	[tilespmem:$0x1B7C0] =	vst v0  }
0x185: {  	[tilespmem:$0x1B7D0] =	vst v0  }
0x186: {  	[tilespmem:$0x1B7E0] =	vst v0  }
0x187: {  	[tilespmem:$0x1B7F0] =	vst v0  }
0x188: {  	[tilespmem:$0x1B800] =	vst v0  }
0x189: {  	[tilespmem:$0x1B810] =	vst v0  }
0x18a: {  	[tilespmem:$0x1B820] =	vst v0  }
0x18b: {  	[tilespmem:$0x1B830] =	vst v0  }
0x18c: {  	[tilespmem:$0x1B840] =	vst v0  }
0x18d: {  	[tilespmem:$0x1B850] =	vst v0  }
0x18e: {  	[tilespmem:$0x1B860] =	vst v0  }
0x18f: {  	[tilespmem:$0x1B870] =	vst v0  }
0x190: {  	[tilespmem:$0x1B880] =	vst v0  }
0x191: {  	[tilespmem:$0x1B890] =	vst v0  }
0x192: {  	[tilespmem:$0x1B8A0] =	vst v0  }
0x193: {  	[tilespmem:$0x1B8B0] =	vst v0  }
0x194: {  	[tilespmem:$0x1B8C0] =	vst v0  }
0x195: {  	[tilespmem:$0x1B8D0] =	vst v0  }
0x196: {  	[tilespmem:$0x1B8E0] =	vst v0  }
0x197: {  	[tilespmem:$0x1B8F0] =	vst v0  }
0x198: {  	[tilespmem:$0x1B900] =	vst v0  }
0x199: {  	[tilespmem:$0x1B910] =	vst v0  }
0x19a: {  	[tilespmem:$0x1B920] =	vst v0  }
0x19b: {  	[tilespmem:$0x1B930] =	vst v0  }
0x19c: {  	[tilespmem:$0x1B940] =	vst v0  }
0x19d: {  	[tilespmem:$0x1B950] =	vst v0  }
0x19e: {  	[tilespmem:$0x1B960] =	vst v0  }
0x19f: {  	[tilespmem:$0x1B970] =	vst v0  }
0x1a0: {  	[tilespmem:$0x1B980] =	vst v0  }
0x1a1: {  	[tilespmem:$0x1B990] =	vst v0  }
0x1a2: {  	[tilespmem:$0x1B9A0] =	vst v0  }
0x1a3: {  	[tilespmem:$0x1B9B0] =	vst v0  }
0x1a4: {  	[tilespmem:$0x1B9C0] =	vst v0  }
0x1a5: {  	[tilespmem:$0x1B9D0] =	vst v0  }
0x1a6: {  	[tilespmem:$0x1B9E0] =	vst v0  }
0x1a7: {  	[tilespmem:$0x1B9F0] =	vst v0  }
0x1a8: {  	[tilespmem:$0x1BA00] =	vst v0  }
0x1a9: {  	[tilespmem:$0x1BA10] =	vst v0  }
0x1aa: {  	[tilespmem:$0x1BA20] =	vst v0  }
0x1ab: {  	[tilespmem:$0x1BA30] =	vst v0  }
0x1ac: {  	[tilespmem:$0x1BA40] =	vst v0  }
0x1ad: {  	[tilespmem:$0x1BA50] =	vst v0  }
0x1ae: {  	[tilespmem:$0x1BA60] =	vst v0  }
0x1af: {  	[tilespmem:$0x1BA70] =	vst v0  }
0x1b0: {  	[tilespmem:$0x1BA80] =	vst v0  }
0x1b1: {  	[tilespmem:$0x1BA90] =	vst v0  }
0x1b2: {  	[tilespmem:$0x1BAA0] =	vst v0  }
0x1b3: {  	[tilespmem:$0x1BAB0] =	vst v0  }
0x1b4: {  	[tilespmem:$0x1BAC0] =	vst v0  }
0x1b5: {  	[tilespmem:$0x1BAD0] =	vst v0  }
0x1b6: {  	[tilespmem:$0x1BAE0] =	vst v0  }
0x1b7: {  	[tilespmem:$0x1BAF0] =	vst v0  }
0x1b8: {  	[tilespmem:$0x1BB00] =	vst v0  }
0x1b9: {  	[tilespmem:$0x1BB10] =	vst v0  }
0x1ba: {  	[tilespmem:$0x1BB20] =	vst v0  }
0x1bb: {  	[tilespmem:$0x1BB30] =	vst v0  }
0x1bc: {  	[tilespmem:$0x1BB40] =	vst v0  }
0x1bd: {  	[tilespmem:$0x1BB50] =	vst v0  }
0x1be: {  	[tilespmem:$0x1BB60] =	vst v0  }
0x1bf: {  	[tilespmem:$0x1BB70] =	vst v0  }
0x1c0: {  	[tilespmem:$0x1BB80] =	vst v0  }
0x1c1: {  	[tilespmem:$0x1BB90] =	vst v0  }
0x1c2: {  	[tilespmem:$0x1BBA0] =	vst v0  }
0x1c3: {  	[tilespmem:$0x1BBB0] =	vst v0  }
0x1c4: {  	[tilespmem:$0x1BBC0] =	vst v0  }
0x1c5: {  	[tilespmem:$0x1BBD0] =	vst v0  }
0x1c6: {  	[tilespmem:$0x1BBE0] =	vst v0  }
0x1c7: {  	[tilespmem:$0x1BBF0] =	vst v0  }
0x1c8: {  	[tilespmem:$0x1BC00] =	vst v0  }
0x1c9: {  	[tilespmem:$0x1BC10] =	vst v0  }
0x1ca: {  	[tilespmem:$0x1BC20] =	vst v0  }
0x1cb: {  	[tilespmem:$0x1BC30] =	vst v0  }
0x1cc: {  	[tilespmem:$0x1BC40] =	vst v0  }
0x1cd: {  	[tilespmem:$0x1BC50] =	vst v0  }
0x1ce: {  	[tilespmem:$0x1BC60] =	vst v0  }
0x1cf: {  	[tilespmem:$0x1BC70] =	vst v0  }
0x1d0: {  	[tilespmem:$0x1BC80] =	vst v0  }
0x1d1: {  	[tilespmem:$0x1BC90] =	vst v0  }
0x1d2: {  	[tilespmem:$0x1BCA0] =	vst v0  }
0x1d3: {  	[tilespmem:$0x1BCB0] =	vst v0  }
0x1d4: {  	[tilespmem:$0x1BCC0] =	vst v0  }
0x1d5: {  	[tilespmem:$0x1BCD0] =	vst v0  }
0x1d6: {  	[tilespmem:$0x1BCE0] =	vst v0  }
0x1d7: {  	[tilespmem:$0x1BCF0] =	vst v0  }
0x1d8: {  	[tilespmem:$0x1BD00] =	vst v0  }
0x1d9: {  	[tilespmem:$0x1BD10] =	vst v0  }
0x1da: {  	[tilespmem:$0x1BD20] =	vst v0  }
0x1db: {  	[tilespmem:$0x1BD30] =	vst v0  }
0x1dc: {  	[tilespmem:$0x1BD40] =	vst v0  }
0x1dd: {  	[tilespmem:$0x1BD50] =	vst v0  }
0x1de: {  	[tilespmem:$0x1BD60] =	vst v0  }
0x1df: {  	[tilespmem:$0x1BD70] =	vst v0  }
0x1e0: {  	[tilespmem:$0x1BD80] =	vst v0  }
0x1e1: {  	[tilespmem:$0x1BD90] =	vst v0  }
0x1e2: {  	[tilespmem:$0x1BDA0] =	vst v0  }
0x1e3: {  	[tilespmem:$0x1BDB0] =	vst v0  }
0x1e4: {  	[tilespmem:$0x1BDC0] =	vst v0  }
0x1e5: {  	[tilespmem:$0x1BDD0] =	vst v0  }
0x1e6: {  	[tilespmem:$0x1BDE0] =	vst v0  }
0x1e7: {  	[tilespmem:$0x1BDF0] =	vst v0  }
0x1e8: {  	[tilespmem:$0x1BE00] =	vst v0  }
0x1e9: {  	[tilespmem:$0x1BE10] =	vst v0  }
0x1ea: {  	[tilespmem:$0x1BE20] =	vst v0  }
0x1eb: {  	[tilespmem:$0x1BE30] =	vst v0  }
0x1ec: {  	[tilespmem:$0x1BE40] =	vst v0  }
0x1ed: {  	[tilespmem:$0x1BE50] =	vst v0  }
0x1ee: {  	[tilespmem:$0x1BE60] =	vst v0  }
0x1ef: {  	[tilespmem:$0x1BE70] =	vst v0  }
0x1f0: {  	[tilespmem:$0x1BE80] =	vst v0  }
0x1f1: {  	[tilespmem:$0x1BE90] =	vst v0  }
0x1f2: {  	[tilespmem:$0x1BEA0] =	vst v0  }
0x1f3: {  	[tilespmem:$0x1BEB0] =	vst v0  }
0x1f4: {  	[tilespmem:$0x1BEC0] =	vst v0  }
0x1f5: {  	[tilespmem:$0x1BED0] =	vst v0  }
0x1f6: {  	[tilespmem:$0x1BEE0] =	vst v0  }
0x1f7: {  	[tilespmem:$0x1BEF0] =	vst v0  }
0x1f8: {  	[tilespmem:$0x1BF00] =	vst v0  }
0x1f9: {  	[tilespmem:$0x1BF10] =	vst v0  }
0x1fa: {  	[tilespmem:$0x1BF20] =	vst v0  }
0x1fb: {  	[tilespmem:$0x1BF30] =	vst v0  }
0x1fc: {  	[tilespmem:$0x1BF40] =	vst v0  }
0x1fd: {  	[tilespmem:$0x1BF50] =	vst v0  }
0x1fe: {  	[tilespmem:$0x1BF60] =	vst v0  }
0x1ff: {  	[tilespmem:$0x1BF70] =	vst v0  }
0x200: {  	[tilespmem:$0x1BF80] =	vst v0  }
0x201: {  	[tilespmem:$0x1BF90] =	vst v0  }
0x202: {  	[tilespmem:$0x1BFA0] =	vst v0  }
0x203: {  	[tilespmem:$0x1BFB0] =	vst v0  }
0x204: {  	[tilespmem:$0x1BFC0] =	vst v0  }
0x205: {  	[tilespmem:$0x1BFD0] =	vst v0  }
0x206: {  	[tilespmem:$0x1BFE0] =	vst v0  }
0x207: {  	[tilespmem:$0x1BFF0] =	vst v0  }
0x208: {  	[tilespmem:$0x1C000] =	vst v0  }
0x209: {  	[tilespmem:$0x1C010] =	vst v0  }
0x20a: {  	[tilespmem:$0x1C020] =	vst v0  }
0x20b: {  	[tilespmem:$0x1C030] =	vst v0  }
0x20c: {  	[tilespmem:$0x1C040] =	vst v0  }
0x20d: {  	[tilespmem:$0x1C050] =	vst v0  }
0x20e: {  	[tilespmem:$0x1C060] =	vst v0  }
0x20f: {  	[tilespmem:$0x1C070] =	vst v0  }
0x210: {  	[tilespmem:$0x1C080] =	vst v0  }
0x211: {  	[tilespmem:$0x1C090] =	vst v0  }
0x212: {  	[tilespmem:$0x1C0A0] =	vst v0  }
0x213: {  	[tilespmem:$0x1C0B0] =	vst v0  }
0x214: {  	[tilespmem:$0x1C0C0] =	vst v0  }
0x215: {  	[tilespmem:$0x1C0D0] =	vst v0  }
0x216: {  	[tilespmem:$0x1C0E0] =	vst v0  }
0x217: {  	[tilespmem:$0x1C0F0] =	vst v0  }
0x218: {  	[tilespmem:$0x1C100] =	vst v0  }
0x219: {  	[tilespmem:$0x1C110] =	vst v0  }
0x21a: {  	[tilespmem:$0x1C120] =	vst v0  }
0x21b: {  	[tilespmem:$0x1C130] =	vst v0  }
0x21c: {  	[tilespmem:$0x1C140] =	vst v0  }
0x21d: {  	[tilespmem:$0x1C150] =	vst v0  }
0x21e: {  	[tilespmem:$0x1C160] =	vst v0  }
0x21f: {  	[tilespmem:$0x1C170] =	vst v0  }
0x220: {  	[tilespmem:$0x1C180] =	vst v0  }
0x221: {  	[tilespmem:$0x1C190] =	vst v0  }
0x222: {  	[tilespmem:$0x1C1A0] =	vst v0  }
0x223: {  	[tilespmem:$0x1C1B0] =	vst v0  }
0x224: {  	[tilespmem:$0x1C1C0] =	vst v0  }
0x225: {  	[tilespmem:$0x1C1D0] =	vst v0  }
0x226: {  	[tilespmem:$0x1C1E0] =	vst v0  }
0x227: {  	[tilespmem:$0x1C1F0] =	vst v0  }
0x228: {  	[tilespmem:$0x1C200] =	vst v0  }
0x229: {  	[tilespmem:$0x1C210] =	vst v0  }
0x22a: {  	[tilespmem:$0x1C220] =	vst v0  }
0x22b: {  	[tilespmem:$0x1C230] =	vst v0  }
0x22c: {  	[tilespmem:$0x1C240] =	vst v0  }
0x22d: {  	[tilespmem:$0x1C250] =	vst v0  }
0x22e: {  	[tilespmem:$0x1C260] =	vst v0  }
0x22f: {  	[tilespmem:$0x1C270] =	vst v0  }
0x230: {  	[tilespmem:$0x1C280] =	vst v0  }
0x231: {  	[tilespmem:$0x1C290] =	vst v0  }
0x232: {  	[tilespmem:$0x1C2A0] =	vst v0  }
0x233: {  	[tilespmem:$0x1C2B0] =	vst v0  }
0x234: {  	[tilespmem:$0x1C2C0] =	vst v0  }
0x235: {  	[tilespmem:$0x1C2D0] =	vst v0  }
0x236: {  	[tilespmem:$0x1C2E0] =	vst v0  }
0x237: {  	[tilespmem:$0x1C2F0] =	vst v0  }
0x238: {  	[tilespmem:$0x1C300] =	vst v0  }
0x239: {  	[tilespmem:$0x1C310] =	vst v0  }
0x23a: {  	[tilespmem:$0x1C320] =	vst v0  }
0x23b: {  	[tilespmem:$0x1C330] =	vst v0  }
0x23c: {  	[tilespmem:$0x1C340] =	vst v0  }
0x23d: {  	[tilespmem:$0x1C350] =	vst v0  }
0x23e: {  	[tilespmem:$0x1C360] =	vst v0  }
0x23f: {  	[tilespmem:$0x1C370] =	vst v0  }
0x240: {  	[tilespmem:$0x1C380] =	vst v0  }
0x241: {  	[tilespmem:$0x1C390] =	vst v0  }
0x242: {  	[tilespmem:$0x1C3A0] =	vst v0  }
0x243: {  	[tilespmem:$0x1C3B0] =	vst v0  }
0x244: {  	[tilespmem:$0x1C3C0] =	vst v0  }
0x245: {  	[tilespmem:$0x1C3D0] =	vst v0  }
0x246: {  	[tilespmem:$0x1C3E0] =	vst v0  }
0x247: {  	[tilespmem:$0x1C3F0] =	vst v0  }
0x248: {  	[tilespmem:$0x1C400] =	vst v1  }
0x249: {  	[tilespmem:$0x1C410] =	vst v2  }
0x24a: {  	[tilespmem:$0x1C420] =	vst v3  }
0x24b: {  	s0 =	simm.s32 @!p0 $0x1A400;
	[tilespmem:$0x1B6D0] =	vst v0  }
0x24c: {  	[spmem:s13] =	stream.linear.scatter @!p0 [tilespmem:s0], [sflag:$0x6], $0x2000, $0x38;
	[tilespmem:$0x1C680] =	vst v63  }
0x24d: {  	s0 =	simm.s32 @!p0 $0x6  }
0x24e: {  	_ =	swait.ge @!p0 [sflag:s0], $0x2000  }
0x24f: {  	[sflag:s0] =	ssyncset.done @!p0 $0x0  }
0x250: {  	[sflag:s0] =	ssyncadd.s32 @!p0 $0xFFFFE000  }
0x251: {  	s31 =	simm.s32 $0x5;
	[bflag:$0x0] =	sbarrier.arrive $0xFFFF  }
0x252: {  	_ =	swait.ge [sflag:s31], $0x1388  }
0x253: {  	[sflag:s31] =	ssyncset.done $0x0  }
0x254: {  	[sflag:s31] =	ssyncadd.s32 $0xFFFFEC78  }
0x255: {  	v11 =	vld.idx.msk [tilespmem:v5+s3+$0x0], $0xffff;
	_ =	sdelay $0x4  }
0x256: {  	vm0 =	vgt.s32 v11, v6  }
0x257: {  	v12 =	vsel vm0, $0x4E2, v9;
	_ =	sdelay $0x4  }
0x258: {  	vm1 =	vgt.s32 v11, v10;
	v13 =	vld.idx.msk [tilespmem:v12+s3+$0x0], $0xffff  }
0x259: {  	v11 =	vsel vm1, $0x4E2, v9;
	_ =	sdelay $0x3  }
0x25a: {  	v14 =	vsel vm0, $0x9C4, v8;
	vm2 =	vgt.s32 v13, v6  }
0x25b: {  	v15 =	vor.u32 $0x1, v12;
	v12 =	vsel vm2, v12, v14;
	v14 =	vld.idx.msk [tilespmem:v11+s3+$0x0], $0xffff  }
0x25c: {  	v13 =	vsel vm0, $0x0, v7  }
0x25d: {  	v13 =	vsel vm2, v13, v15;
	v15 =	vadd.s32 $0xFFFFFFFF, v12  }
0x25e: {  	v15 =	vadd.s32 v15, v13  }
0x25f: {  	v15 =	vadd.s32 $0x1, v15  }
0x260: {  	v16 =	vsel vm1, $0x9C4, v8;
	v15 =	vshrl.u32 v15, $0x1;
	vm11 =	vgt.s32 v14, v10  }
0x261: {  	v17 =	vor.u32 $0x1, v11;
	v14 =	vsel vm1, $0x0, v7;
	v11 =	vsel vm11, v11, v16  }
0x262: {  	v14 =	vsel vm11, v14, v17;
	v16 =	vadd.s32 $0xFFFFFFFF, v11  }
0x263: {  	v16 =	vadd.s32 v16, v14  }
0x264: {  	v16 =	vadd.s32 $0x1, v16  }
0x265: {  	v17 =	vld.idx.msk [tilespmem:v15+s3+$0x0], $0xffff;
	v16 =	vshrl.u32 v16, $0x1;
	_ =	sdelay $0x4  }
0x266: {  	vm12 =	vlt.u32 v13, v12;
	vm13 =	vge.s32 v17, v1;
	vm14 =	vlt.s32 v17, v1;
	v18 =	vld.idx.msk [tilespmem:v16+s3+$0x0], $0xffff  }
0x267: {  	v17 =	vadd.s32 $0x1, v15;
	vm2 =	vmand vm14, vm12;
	vm0 =	vmand vm12, vm13  }
0x268: {  	v13 =	vsel vm2, v17, v13;
	v12 =	vsel vm0, v15, v12  }
0x269: {  	v15 =	vxor.u32 v12, v13  }
0x26a: {  	vm15 =	vlt.u32 v14, v11;
	v17 =	vand.u32 v12, v13;
	v15 =	vshrl.u32 v15, $0x1  }
0x26b: {  	v15 =	vadd.s32 v15, v17;
	vm4 =	vge.s32 v18, v2;
	vm5 =	vlt.s32 v18, v2  }
0x26c: {  	v17 =	vadd.s32 $0x1, v16;
	vm2 =	vmand vm5, vm15;
	vm0 =	vmand vm15, vm4  }
0x26d: {  	v14 =	vsel vm2, v17, v14;
	v11 =	vsel vm0, v16, v11  }
0x26e: {  	v16 =	vxor.u32 v11, v14  }
0x26f: {  	v17 =	vand.u32 v11, v14;
	v16 =	vshrl.u32 v16, $0x1  }
0x270: {  	v18 =	vld.idx.msk [tilespmem:v15+s3+$0x0], $0xffff;
	v16 =	vadd.s32 v16, v17;
	_ =	sdelay $0x4  }
0x271: {  	vm6 =	vlt.u32 v13, v12;
	vm7 =	vge.s32 v18, v1;
	vm8 =	vlt.s32 v18, v1;
	v17 =	vld.idx.msk [tilespmem:v16+s3+$0x0], $0xffff  }
0x272: {  	v18 =	vadd.s32 $0x1, v15;
	vm2 =	vmand vm8, vm6;
	vm0 =	vmand vm6, vm7  }
0x273: {  	v13 =	vsel vm2, v18, v13;
	v12 =	vsel vm0, v15, v12  }
0x274: {  	v15 =	vadd.s32 v12, v13  }
0x275: {  	v15 =	vshrl.u32 v15, $0x1  }
0x276: {  	vm9 =	vlt.u32 v14, v11;
	vm10 =	vge.s32 v17, v2;
	vm11 =	vlt.s32 v17, v2  }
0x277: {  	v17 =	vadd.s32 $0x1, v16;
	vm2 =	vmand vm11, vm9;
	vm0 =	vmand vm9, vm10  }
0x278: {  	v14 =	vsel vm2, v17, v14;
	v11 =	vsel vm0, v16, v11  }
0x279: {  	v16 =	vadd.s32 v11, v14  }
0x27a: {  	v17 =	vld.idx.msk [tilespmem:v15+s3+$0x0], $0xffff;
	v16 =	vshrl.u32 v16, $0x1;
	_ =	sdelay $0x4  }
0x27b: {  	vm12 =	vlt.u32 v13, v12;
	vm13 =	vge.s32 v17, v1;
	vm14 =	vlt.s32 v17, v1;
	v17 =	vld.idx.msk [tilespmem:v16+s3+$0x0], $0xffff  }
0x27c: {  	v18 =	vadd.s32 $0x1, v15;
	vm2 =	vmand vm14, vm12;
	vm0 =	vmand vm12, vm13  }
0x27d: {  	v13 =	vsel vm2, v18, v13;
	v12 =	vsel vm0, v15, v12  }
0x27e: {  	v15 =	vadd.s32 v12, v13  }
0x27f: {  	v15 =	vshrl.u32 v15, $0x1  }
0x280: {  	vm15 =	vlt.u32 v14, v11;
	vm4 =	vge.s32 v17, v2;
	vm5 =	vlt.s32 v17, v2  }
0x281: {  	v17 =	vadd.s32 $0x1, v16;
	vm2 =	vmand vm5, vm15;
	vm0 =	vmand vm15, vm4  }
0x282: {  	v14 =	vsel vm2, v17, v14;
	v11 =	vsel vm0, v16, v11  }
0x283: {  	v16 =	vadd.s32 v11, v14  }
0x284: {  	v17 =	vld.idx.msk [tilespmem:v15+s3+$0x0], $0xffff;
	v16 =	vshrl.u32 v16, $0x1;
	_ =	sdelay $0x4  }
0x285: {  	vm6 =	vlt.u32 v13, v12;
	vm7 =	vge.s32 v17, v1;
	vm8 =	vlt.s32 v17, v1;
	v17 =	vld.idx.msk [tilespmem:v16+s3+$0x0], $0xffff  }
0x286: {  	v18 =	vadd.s32 $0x1, v15;
	vm2 =	vmand vm8, vm6;
	vm0 =	vmand vm6, vm7  }
0x287: {  	v13 =	vsel vm2, v18, v13;
	v12 =	vsel vm0, v15, v12  }
0x288: {  	v15 =	vadd.s32 v12, v13  }
0x289: {  	v15 =	vshrl.u32 v15, $0x1  }
0x28a: {  	vm9 =	vlt.u32 v14, v11;
	vm10 =	vge.s32 v17, v2;
	vm11 =	vlt.s32 v17, v2  }
0x28b: {  	v17 =	vadd.s32 $0x1, v16;
	vm2 =	vmand vm11, vm9;
	vm0 =	vmand vm9, vm10  }
0x28c: {  	v14 =	vsel vm2, v17, v14;
	v11 =	vsel vm0, v16, v11  }
0x28d: {  	v16 =	vadd.s32 v11, v14  }
0x28e: {  	v17 =	vld.idx.msk [tilespmem:v15+s3+$0x0], $0xffff;
	v16 =	vshrl.u32 v16, $0x1;
	_ =	sdelay $0x4  }
0x28f: {  	vm12 =	vlt.u32 v13, v12;
	vm13 =	vge.s32 v17, v1;
	vm14 =	vlt.s32 v17, v1;
	v17 =	vld.idx.msk [tilespmem:v16+s3+$0x0], $0xffff  }
0x290: {  	v18 =	vadd.s32 $0x1, v15;
	vm2 =	vmand vm14, vm12;
	vm0 =	vmand vm12, vm13  }
0x291: {  	v13 =	vsel vm2, v18, v13;
	v12 =	vsel vm0, v15, v12  }
0x292: {  	v15 =	vadd.s32 v12, v13  }
0x293: {  	v15 =	vshrl.u32 v15, $0x1  }
0x294: {  	vm15 =	vlt.u32 v14, v11;
	vm4 =	vge.s32 v17, v2;
	vm5 =	vlt.s32 v17, v2  }
0x295: {  	v17 =	vadd.s32 $0x1, v16;
	vm2 =	vmand vm5, vm15;
	vm0 =	vmand vm15, vm4  }
0x296: {  	v14 =	vsel vm2, v17, v14;
	v11 =	vsel vm0, v16, v11  }
0x297: {  	v16 =	vadd.s32 v11, v14  }
0x298: {  	v17 =	vld.idx.msk [tilespmem:v15+s3+$0x0], $0xffff;
	v16 =	vshrl.u32 v16, $0x1;
	_ =	sdelay $0x4  }
0x299: {  	vm6 =	vlt.u32 v13, v12;
	vm7 =	vge.s32 v17, v1;
	vm8 =	vlt.s32 v17, v1;
	v17 =	vld.idx.msk [tilespmem:v16+s3+$0x0], $0xffff  }
0x29a: {  	v18 =	vadd.s32 $0x1, v15;
	vm2 =	vmand vm8, vm6;
	vm0 =	vmand vm6, vm7  }
0x29b: {  	v13 =	vsel vm2, v18, v13;
	v12 =	vsel vm0, v15, v12  }
0x29c: {  	v15 =	vadd.s32 v12, v13  }
0x29d: {  	v15 =	vshrl.u32 v15, $0x1  }
0x29e: {  	vm9 =	vlt.u32 v14, v11;
	vm10 =	vge.s32 v17, v2;
	vm11 =	vlt.s32 v17, v2  }
0x29f: {  	v17 =	vadd.s32 $0x1, v16;
	vm2 =	vmand vm11, vm9;
	vm0 =	vmand vm9, vm10  }
0x2a0: {  	v14 =	vsel vm2, v17, v14;
	v11 =	vsel vm0, v16, v11  }
0x2a1: {  	v16 =	vadd.s32 v11, v14  }
0x2a2: {  	v17 =	vld.idx.msk [tilespmem:v15+s3+$0x0], $0xffff;
	v16 =	vshrl.u32 v16, $0x1;
	_ =	sdelay $0x4  }
0x2a3: {  	vm12 =	vlt.u32 v13, v12;
	vm13 =	vge.s32 v17, v1;
	vm14 =	vlt.s32 v17, v1;
	v17 =	vld.idx.msk [tilespmem:v16+s3+$0x0], $0xffff  }
0x2a4: {  	v18 =	vadd.s32 $0x1, v15;
	vm2 =	vmand vm14, vm12;
	vm0 =	vmand vm12, vm13  }
0x2a5: {  	v13 =	vsel vm2, v18, v13;
	v12 =	vsel vm0, v15, v12  }
0x2a6: {  	v15 =	vadd.s32 v12, v13  }
0x2a7: {  	v15 =	vshrl.u32 v15, $0x1  }
0x2a8: {  	vm15 =	vlt.u32 v14, v11;
	vm4 =	vge.s32 v17, v2;
	vm5 =	vlt.s32 v17, v2  }
0x2a9: {  	v17 =	vadd.s32 $0x1, v16;
	vm2 =	vmand vm5, vm15;
	vm0 =	vmand vm15, vm4  }
0x2aa: {  	v14 =	vsel vm2, v17, v14;
	v11 =	vsel vm0, v16, v11  }
0x2ab: {  	v16 =	vadd.s32 v11, v14  }
0x2ac: {  	v17 =	vld.idx.msk [tilespmem:v15+s3+$0x0], $0xffff;
	v16 =	vshrl.u32 v16, $0x1;
	_ =	sdelay $0x4  }
0x2ad: {  	vm6 =	vlt.u32 v13, v12;
	vm7 =	vge.s32 v17, v1;
	vm8 =	vlt.s32 v17, v1;
	v17 =	vld.idx.msk [tilespmem:v16+s3+$0x0], $0xffff  }
0x2ae: {  	v18 =	vadd.s32 $0x1, v15;
	vm2 =	vmand vm8, vm6;
	vm0 =	vmand vm6, vm7  }
0x2af: {  	v13 =	vsel vm2, v18, v13;
	v12 =	vsel vm0, v15, v12  }
0x2b0: {  	v15 =	vadd.s32 v12, v13  }
0x2b1: {  	v15 =	vshrl.u32 v15, $0x1  }
0x2b2: {  	vm9 =	vlt.u32 v14, v11;
	vm10 =	vge.s32 v17, v2;
	vm11 =	vlt.s32 v17, v2  }
0x2b3: {  	v17 =	vadd.s32 $0x1, v16;
	vm2 =	vmand vm11, vm9;
	vm0 =	vmand vm9, vm10  }
0x2b4: {  	v14 =	vsel vm2, v17, v14;
	v11 =	vsel vm0, v16, v11  }
0x2b5: {  	v16 =	vadd.s32 v11, v14  }
0x2b6: {  	v17 =	vld.idx.msk [tilespmem:v15+s3+$0x0], $0xffff;
	v16 =	vshrl.u32 v16, $0x1;
	_ =	sdelay $0x4  }
0x2b7: {  	vm13 =	vge.s32 v17, v1;
	vm14 =	vlt.s32 v17, v1;
	v17 =	vld.idx.msk [tilespmem:v16+s3+$0x0], $0xffff  }
0x2b8: {  	vm12 =	vlt.u32 v13, v12  }
0x2b9: {  	v18 =	vadd.s32 $0x1, v15;
	vm2 =	vmand vm14, vm12;
	vm0 =	vmand vm12, vm13  }
0x2ba: {  	v13 =	vsel vm2, v18, v13;
	v12 =	vsel vm0, v15, v12  }
0x2bb: {  	vm15 =	vlt.u32 v14, v11;
	v15 =	vadd.s32 v12, v13  }
0x2bc: {  	v15 =	vshrl.u32 v15, $0x1;
	vm4 =	vge.s32 v17, v2;
	vm5 =	vlt.s32 v17, v2  }
0x2bd: {  	v17 =	vadd.s32 $0x1, v16;
	vm2 =	vmand vm5, vm15;
	vm0 =	vmand vm15, vm4  }
0x2be: {  	v14 =	vsel vm2, v17, v14;
	v11 =	vsel vm0, v16, v11  }
0x2bf: {  	v16 =	vadd.s32 v11, v14  }
0x2c0: {  	v16 =	vshrl.u32 v16, $0x1;
	_ =	sdelay $0x1  }
0x2c1: {  	v17 =	vld.idx.msk [tilespmem:v15+s3+$0x0], $0xffff;
	_ =	sdelay $0x2  }
0x2c2: {  	v18 =	vld.idx.msk [tilespmem:v16+s3+$0x0], $0xffff;
	_ =	sdelay $0x1  }
0x2c3: {  	vm6 =	vlt.u32 v13, v12;
	vm7 =	vge.s32 v17, v1;
	vm8 =	vlt.s32 v17, v1  }
0x2c4: {  	v17 =	vadd.s32 $0x1, v15;
	vm2 =	vmand vm8, vm6;
	vm0 =	vmand vm6, vm7  }
0x2c5: {  	vm9 =	vlt.u32 v14, v11;
	v13 =	vsel vm2, v17, v13;
	v12 =	vsel vm0, v15, v12  }
0x2c6: {  	v15 =	vadd.s32 $0x1, v16;
	vm10 =	vge.s32 v18, v2;
	vm11 =	vlt.s32 v18, v2  }
0x2c7: {  	v17 =	vadd.s32 v12, v13;
	vm2 =	vmand vm11, vm9;
	vm0 =	vmand vm9, vm10  }
0x2c8: {  	v14 =	vsel vm2, v15, v14;
	v11 =	vsel vm0, v16, v11;
	v15 =	vshrl.u32 v17, $0x1  }
0x2c9: {  	v16 =	vadd.s32 v11, v14;
	v17 =	vmin.u32 v15, $0x1387  }
0x2ca: {  	v16 =	vshrl.u32 v16, $0x1  }
0x2cb: {  	v18 =	vmin.u32 v16, $0x1387;
	_ =	sdelay $0x2  }
0x2cc: {  	v17 =	vld.idx.msk [tilespmem:v17+s3+$0x0], $0xffff  }
0x2cd: {  	v19 =	vimm.f32 $0.0e+00  }
0x2ce: {  	v20 =	vimm.f32 $0.0e+00;
	v21 =	vimm.f32 $0.0e+00;
	v22 =	vimm.f32 $0.0e+00;
	v18 =	vld.idx.msk [tilespmem:v18+s3+$0x0], $0xffff  }
0x2cf: {  	v23 =	vimm.f32 $0.0e+00;
	v26 =	vimm.f32 $0.0e+00;
	v27 =	vimm.f32 $0.0e+00  }
0x2d0: {  	v28 =	vimm.f32 $0.0e+00;
	vm12 =	vlt.u32 v13, v12;
	vm14 =	vlt.u32 v14, v11  }
0x2d1: {  	v11 =	vadd.s32 $0x1, v15;
	v15 =	vimm.f32 $0.0e+00;
	vm13 =	vlt.s32 v17, v1  }
0x2d2: {  	v12 =	vadd.s32 $0x1, v16;
	v16 =	vimm.f32 $0.0e+00;
	vm0 =	vmand vm13, vm12  }
0x2d3: {  	v17 =	vimm.f32 $0.0e+00;
	vm15 =	vlt.s32 v18, v2;
	v11 =	vsel vm0, v11, v13  }
0x2d4: {  	v13 =	vimm.f32 $0.0e+00;
	v18 =	vimm.f32 $0.0e+00;
	vm1 =	vmand vm15, vm14  }
0x2d5: {  	s28 =	simm.s32 $0x0;
	s9 =	simm.s32 $0x0;
	s7 =	simm.s32 $0x0;
	v24 =	vxor.u32 $0x80000000, v11;
	v11 =	vimm.f32 $0.0e+00;
	v12 =	vsel vm1, v12, v14  }
0x2d6: {  	s25 =	simm.s32 $0x190;
	s26 =	simm.s32 $0xFFFFFF38;
	s0 =	simm.s32 $0xC8;
	v14 =	vimm.f32 $0.0e+00;
	v25 =	vxor.u32 $0x80000000, v12;
	v12 =	vimm.f32 $0.0e+00  }
.LBB2_2:
0x2d7: {  	_ =	swait.ge [sflag:s21], $0x6400  }
.Ltmp2:
0x2d8: {  	[sflag:s21] =	ssyncset.done $0x0;
	(pc) =	sbr.rel .LBB2_3-.Ltmp2, $4  }
0x2d9: {  	[sflag:s21] =	ssyncadd.s32 $0xFFFF9C00  }
0x2da: {  	s8 =	smul.u32 $0x190, s7;
	_ =	swait.ge [sflag:s22], $0x6400  }
0x2db: {  	[sflag:s22] =	ssyncset.done $0x0  }
0x2dc: {  	s10 =	sadd.s32 $0xC8, s8;
	s2 =	smov.u32 s8;
	[sflag:s22] =	ssyncadd.s32 $0xFFFF9C00  }
.LBB2_5:
0x2dd: {  	v30 =	vmov v16;
	v31 =	vmov v14;
	v32 =	vmov v13  }
.LBB2_9:
0x2de: {  	v37 =	vld [tilespmem:s2+$0xFFFFFFD0]  }
0x2df: {  	v38 =	vld [tilespmem:s2+$0xFFFFFFE0]  }
0x2e0: {  	v39 =	vld [tilespmem:s2+$0xFFFFFFF0]  }
0x2e1: {  	v40 =	vld [tilespmem:s2+$0x0]  }
0x2e2: {  	v41 =	vld [tilespmem:s2+$0x10]  }
0x2e3: {  	v42 =	vld [tilespmem:s2+$0x20]  }
0x2e4: {  	v43 =	vld [tilespmem:s2+$0xFFFFFFC0]  }
0x2e5: {  	v44 =	vld [tilespmem:s6+$0xFFFFFFC0]  }
0x2e6: {  	v45 =	vld [tilespmem:s6+$0xFFFFFFD0]  }
0x2e7: {  	v30 =	vadd.f32 @p2 v34, v30;
	v60 =	vld [tilespmem:s6+$0xFFFFFFE0]  }
0x2e8: {  	v31 =	vadd.f32 @p2 v35, v31;
	v32 =	vadd.f32 @p2 v36, v32;
	v61 =	vld [tilespmem:s6+$0xFFFFFFF0]  }
0x2e9: {  	v19 =	vadd.f32 v33, v19;
	v11 =	vadd.f32 v29, v11;
	v29 =	vld [tilespmem:s6+$0x0]  }
0x2ea: {  	v62 =	vld [tilespmem:s6+$0x10];
	v27 =	vadd.f32 v37, v27;
	v26 =	vadd.f32 v38, v26  }
0x2eb: {  	v63 =	vld [tilespmem:s6+$0x20];
	v23 =	vadd.f32 v39, v23;
	v22 =	vadd.f32 v40, v22  }
0x2ec: {  	v21 =	vadd.f32 v41, v21;
	v20 =	vadd.f32 v42, v20  }
0x2ed: {  	v16 =	vpsel p2, v30, v16;
	v28 =	vadd.f32 v43, v28;
	v18 =	vadd.f32 v44, v18  }
0x2ee: {  	v14 =	vpsel p2, v31, v14;
	v17 =	vadd.f32 v45, v17;
	v15 =	vadd.f32 v60, v15  }
0x2ef: {  	v13 =	vpsel p2, v32, v13;
	v12 =	vadd.f32 v61, v12;
	v16 =	vadd.f32 v29, v16  }
0x2f0: {  	v14 =	vadd.f32 v62, v14;
	v13 =	vadd.f32 v63, v13  }
.LBB2_10:
0x2f1: {  	p2 =	sgt.s32 s13, s10  }
0x2f2: {  	p3 =	slt.s32 @!p2 s9, $0x1F  }
0x2f3: {  	s2 =	smov.u32 s9;
	p3 =	por !p3, p2  }
0x2f4: {  	s2 =	simm.s32 @p3 $0x1F  }
0x2f5: {  	s2 =	sshll.u32 @!p2 s2, $0xA  }
0x2f6: {  	s2 =	sshra.s32 @!p2 s2, $0x2  }
0x2f7: {  	v29 =	vld @!p2 [tilespmem:s2+$0x1A400]  }
0x2f8: {  	v30 =	vld @!p2 [tilespmem:s2+$0x1A410]  }
0x2f9: {  	v31 =	vld @!p2 [tilespmem:s2+$0x1A420]  }
0x2fa: {  	v32 =	vld @!p2 [tilespmem:s2+$0x1A430]  }
0x2fb: {  	v33 =	vld @!p2 [tilespmem:s2+$0x1A440]  }
0x2fc: {  	v34 =	vld @!p2 [tilespmem:s2+$0x1A450];
	v29 =	vadd.f32 @!p2 v29, v28  }
0x2fd: {  	v35 =	vld @!p2 [tilespmem:s2+$0x1A460];
	v30 =	vadd.f32 @!p2 v30, v27  }
0x2fe: {  	[tilespmem:s2+$0x1A400] =	vst @!p2 v29;
	v29 =	vadd.f32 @!p2 v31, v26;
	v31 =	vld @!p2 [tilespmem:s2+$0x1A470]  }
0x2ff: {  	[tilespmem:s2+$0x1A410] =	vst @!p2 v30;
	v30 =	vadd.f32 @!p2 v32, v23;
	v32 =	vld @!p2 [tilespmem:s2+$0x1A480]  }
0x300: {  	[tilespmem:s2+$0x1A420] =	vst @!p2 v29;
	v29 =	vadd.f32 @!p2 v33, v22;
	v33 =	vld @!p2 [tilespmem:s2+$0x1A490]  }
0x301: {  	[tilespmem:s2+$0x1A430] =	vst @!p2 v30;
	v30 =	vadd.f32 @!p2 v34, v21;
	v34 =	vld @!p2 [tilespmem:s2+$0x1A4A0]  }
0x302: {  	[tilespmem:s2+$0x1A440] =	vst @!p2 v29;
	v29 =	vadd.f32 @!p2 v35, v20;
	v35 =	vld @!p2 [tilespmem:s2+$0x1A4B0]  }
0x303: {  	[tilespmem:s2+$0x1A450] =	vst @!p2 v30;
	v30 =	vadd.f32 @!p2 v31, v19;
	v31 =	vld @!p2 [tilespmem:s2+$0x1A4C0]  }
0x304: {  	s6 =	simm.f32 @!p2 $0.0e+00;
	[tilespmem:s2+$0x1A460] =	vst @!p2 v29;
	v29 =	vadd.f32 @!p2 v32, v18;
	v32 =	vld @!p2 [tilespmem:s2+$0x1A4D0]  }
0x305: {  	s6 =	simm.f32 @p2 $1.000000000e+00;
	[tilespmem:s2+$0x1A470] =	vst @!p2 v30;
	v30 =	vadd.f32 @!p2 v33, v17;
	v33 =	vld @!p2 [tilespmem:s2+$0x1A4E0]  }
0x306: {  	v28 =	vmul.f32 s6, v28;
	v27 =	vmul.f32 s6, v27;
	[tilespmem:s2+$0x1A480] =	vst @!p2 v29;
	v29 =	vadd.f32 @!p2 v34, v15;
	v34 =	vld @!p2 [tilespmem:s2+$0x1A4F0]  }
0x307: {  	v26 =	vmul.f32 s6, v26;
	v23 =	vmul.f32 s6, v23;
	[tilespmem:s2+$0x1A490] =	vst @!p2 v30;
	v30 =	vadd.f32 @!p2 v35, v12  }
0x308: {  	v22 =	vmul.f32 s6, v22;
	v21 =	vmul.f32 s6, v21;
	[tilespmem:s2+$0x1A4A0] =	vst @!p2 v29;
	v29 =	vadd.f32 @!p2 v31, v16  }
.Ltmp3:
0x309: {  	v20 =	vmul.f32 s6, v20;
	v19 =	vmul.f32 s6, v19;
	[tilespmem:s2+$0x1A4B0] =	vst @!p2 v30;
	v30 =	vadd.f32 @!p2 v32, v14;
	(pc) =	sbr.rel @!p1 .LBB2_11-.Ltmp3, $4  }
0x30a: {  	v18 =	vmul.f32 s6, v18;
	v17 =	vmul.f32 s6, v17;
	[tilespmem:s2+$0x1A4C0] =	vst @!p2 v29;
	v29 =	vadd.f32 @!p2 v33, v13  }
0x30b: {  	v15 =	vmul.f32 s6, v15;
	v16 =	vmul.f32 s6, v16;
	[tilespmem:s2+$0x1A4D0] =	vst @!p2 v30;
	v30 =	vadd.f32 @!p2 v34, v11  }
0x30c: {  	s31 =	smov.u32 @p2 s9;
	v14 =	vmul.f32 s6, v14;
	v13 =	vmul.f32 s6, v13;
	[tilespmem:s2+$0x1A4E0] =	vst @!p2 v29  }
0x30d: {  	s9 =	smov.u32 s31;
	v12 =	vmul.f32 s6, v12;
	v11 =	vmul.f32 s6, v11;
	[tilespmem:s2+$0x1A4F0] =	vst @!p2 v30;
	s2 =	smov.u32 s12  }
.LBB2_3:
0x30e: {  	s31 =	sadd.s32 $0x1, s9  }
0x30f: {  	s6 =	sand.u32 $0xF, s31  }
0x310: {  	v29 =	vmov s6  }
0x311: {  	vm0 =	veq.s32 v29, v1  }
0x312: {  	v29 =	vnsel vm0, $0x80000000, v24  }
0x313: {  	(xrf0) =	vmax.scan.msk.u32 $0xffff, v29;
	v29 =	vnsel vm0, $0x80000000, v25  }
0x314: {  	(xrf0) =	vmax.scan.msk.u32 $0xffff, v29;
	_ =	sdelay $0x4  }
0x315: {  	v29, _, _ =	vpop (xrf0)  }
0x316: {  	(v2sf) =	vpush v29, $0xF;
	v29, _, _ =	vpop (xrf0)  }
0x317: {  	(v2sf) =	vpush v29, $0xF;
	_ =	sdelay $0xd  }
0x318: {  	s6 =	spop (v2sf)  }
0x319: {  	p1 =	slt.s32 s31, $0x10;
	s12 =	spop (v2sf)  }
0x31a: {  	s12 =	smov.u32 @p1 s6  }
0x31b: {  	p1 =	sgt.s32 s31, $0x1F;
	s13 =	sxor.u32 $0x80000000, s12  }
0x31c: {  	s13 =	simm.s32 @p1 $0x1388  }
0x31d: {  	s12 =	smov.u32 s10;
	p1 =	slt.s32 s13, s10  }
0x31e: {  	s12 =	smov.u32 @p1 s13  }
0x31f: {  	p2 =	sge.s32 s2, s12  }
.Ltmp4:
0x320: {  	_ = 	snop;
	(pc) =	sbr.rel @p2 .LBB2_10-.Ltmp4, $1  }
0x321: {  	_ =	sdelay $0x3  }
0x322: {  	p2 =	slt.s32 s13, s0;
	s20 =	smov.u32 s0  }
0x323: {  	s20 =	smov.u32 @p2 s13  }
0x324: {  	s20 =	ssub.s32 s20, s2  }
0x325: {  	s6 =	sadd.s32 s2, s28;
	p3 =	sne.s32 s20, $0x1  }
.Ltmp5:
0x326: {  	s6 =	sshll.u32 s6, $0x9;
	(pc) =	sbr.rel @!p3 .LBB2_5-.Ltmp5, $4  }
0x327: {  	s29 =	sshra.s32 s6, $0x2  }
0x328: {  	s6 =	sadd.s32 $0x7840, s29  }
0x329: {  	s2 =	sadd.s32 $0x1440, s29;
	v29 =	vld [tilespmem:s6+$0x30]  }
0x32a: {  	p2 =	por $0x0, $0x0;
	s20 =	sadd.s32 $0xFFFFFFFF, s20;
	v33 =	vld [tilespmem:s2+$0x30]  }
0x32b: {  	v30 =	vld [tilespmem:s2+$0xFFFFFFD0]  }
0x32c: {  	v31 =	vld [tilespmem:s2+$0xFFFFFFE0]  }
0x32d: {  	v32 =	vld [tilespmem:s2+$0xFFFFFFF0]  }
0x32e: {  	v36 =	vld [tilespmem:s2+$0x0]  }
0x32f: {  	v37 =	vld [tilespmem:s2+$0x10]  }
0x330: {  	v38 =	vld [tilespmem:s2+$0x20]  }
0x331: {  	v39 =	vld [tilespmem:s2+$0xFFFFFFC0]  }
0x332: {  	v40 =	vld [tilespmem:s6+$0xFFFFFFC0]  }
0x333: {  	v41 =	vld [tilespmem:s6+$0xFFFFFFD0]  }
0x334: {  	v42 =	vld [tilespmem:s6+$0xFFFFFFE0];
	v11 =	vadd.f32 v29, v11  }
0x335: {  	v43 =	vld [tilespmem:s6+$0xFFFFFFF0];
	p3 =	sne.s32 s20, $0x1;
	v19 =	vadd.f32 v33, v19;
	v27 =	vadd.f32 v30, v27  }
.Ltmp6:
0x336: {  	v34 =	vld [tilespmem:s6+$0x0];
	v26 =	vadd.f32 v31, v26;
	v23 =	vadd.f32 v32, v23;
	(pc) =	sbr.rel @!p3 .LBB2_7-.Ltmp6, $4  }
0x337: {  	v35 =	vld [tilespmem:s6+$0x10];
	v22 =	vadd.f32 v36, v22;
	v21 =	vadd.f32 v37, v21  }
0x338: {  	s2 =	sadd.s32 $0x80, s2;
	v36 =	vld [tilespmem:s6+$0x20];
	v20 =	vadd.f32 v38, v20;
	v28 =	vadd.f32 v39, v28  }
0x339: {  	v33 =	vld [tilespmem:s2+$0x30];
	s6 =	sadd.s32 $0x80, s6;
	v18 =	vadd.f32 v40, v18;
	v17 =	vadd.f32 v41, v17  }
0x33a: {  	s20 =	sadd.s32 $0xFFFFFFFF, s20;
	p2 =	por $0x1, $0x1;
	v15 =	vadd.f32 v42, v15;
	v12 =	vadd.f32 v43, v12;
	v30 =	vmovc v16;
	v31 =	vmovc v14;
	v32 =	vmov v13;
	v29 =	vld [tilespmem:s6+$0x30]  }
.LBB2_8:
0x33b: {  	p3 =	sne.s32 s20, $0x1;
	v37 =	vld [tilespmem:s2+$0xFFFFFFD0];
	v30 =	vadd.f32 v34, v30  }
0x33c: {  	v31 =	vadd.f32 v35, v31;
	v34 =	vld [tilespmem:s2+$0xFFFFFFE0]  }
0x33d: {  	v32 =	vadd.f32 v36, v32;
	v35 =	vld [tilespmem:s2+$0xFFFFFFF0]  }
0x33e: {  	v36 =	vld [tilespmem:s2+$0x0]  }
0x33f: {  	v19 =	vadd.f32 v33, v19;
	v11 =	vadd.f32 v29, v11;
	v38 =	vld [tilespmem:s2+$0x10]  }
0x340: {  	v27 =	vadd.f32 v37, v27;
	v29 =	vld [tilespmem:s2+$0x20]  }
0x341: {  	v33 =	vld [tilespmem:s2+$0xFFFFFFC0];
	v26 =	vadd.f32 v34, v26  }
0x342: {  	v23 =	vadd.f32 v35, v23;
	v35 =	vld [tilespmem:s6+$0xFFFFFFC0]  }
0x343: {  	v22 =	vadd.f32 v36, v22;
	v36 =	vld [tilespmem:s6+$0xFFFFFFD0]  }
0x344: {  	v21 =	vadd.f32 v38, v21;
	v37 =	vld [tilespmem:s6+$0xFFFFFFE0]  }
0x345: {  	v20 =	vadd.f32 v29, v20;
	v38 =	vld [tilespmem:s6+$0xFFFFFFF0]  }
.Ltmp7:
0x346: {  	v28 =	vadd.f32 v33, v28;
	v34 =	vld [tilespmem:s6+$0x0];
	(pc) =	sbr.rel @p3 .LBB2_8-.Ltmp7, $4  }
0x347: {  	v18 =	vadd.f32 v35, v18;
	v35 =	vld [tilespmem:s6+$0x10]  }
0x348: {  	v17 =	vadd.f32 v36, v17;
	v36 =	vld [tilespmem:s6+$0x20];
	s6 =	sadd.s32 $0x80, s6  }
0x349: {  	s2 =	sadd.s32 $0x80, s2;
	v29 =	vld [tilespmem:s6+$0x30];
	v15 =	vadd.f32 v37, v15  }
0x34a: {  	s20 =	sadd.s32 $0xFFFFFFFF, s20;
	v33 =	vld [tilespmem:s2+$0x30];
	v12 =	vadd.f32 v38, v12  }
.Ltmp8:
0x34b: {  	_ = 	snop;
	(pc) =	sbr.rel .LBB2_9-.Ltmp8, $1  }
0x34c: {  	_ =	sdelay $0x3  }
.LBB2_7:
.Ltmp9:
0x34d: {  	(pc) =	sbr.rel .LBB2_9-.Ltmp9, $2  }
0x34e: {  	_ =	sdelay $0x2  }
0x34f: {  	v30 =	vmov v16;
	v31 =	vmov v14;
	v32 =	vmov v13  }
.LBB2_11:
0x350: {  	s13 =	sadd.s32 $0x190, s8  }
0x351: {  	s2 =	sadd.s32 s4, s13  }
0x352: {  	s2 =	sshll.u32 s2, $0x5  }
0x353: {  	s6 =	sadd.s32 s1, s2  }
0x354: {  	[tilespmem:s16], [sflag:$0x1] =	stream.strided.gather [hbm4b:s6+s14], $0x6400, s15, s14, $0x38;
	[tilespmem:$0x1C680] =	vst v63  }
0x355: {  	s2 =	sadd.s32 s2, s5  }
0x356: {  	[tilespmem:s17], [sflag:$0x2] =	stream.strided.gather [hbm4b:s2+s14], $0x6400, s15, s14, $0x38;
	[tilespmem:$0x1C680] =	vst v63  }
0x357: {  	_ =	swait.ge [sflag:s23], $0x6400  }
.Ltmp10:
0x358: {  	[sflag:s23] =	ssyncset.done $0x0;
	(pc) =	sbr.rel .LBB2_12-.Ltmp10, $4  }
0x359: {  	[sflag:s23] =	ssyncadd.s32 $0xFFFF9C00  }
0x35a: {  	_ =	swait.ge [sflag:s24], $0x6400  }
0x35b: {  	[sflag:s24] =	ssyncset.done $0x0  }
0x35c: {  	[sflag:s24] =	ssyncadd.s32 $0xFFFF9C00  }
.LBB2_14:
0x35d: {  	v30 =	vmov v16;
	v31 =	vmov v14;
	v32 =	vmov v13  }
.LBB2_18:
0x35e: {  	v37 =	vld [tilespmem:s2+$0xFFFFFFD0]  }
0x35f: {  	v38 =	vld [tilespmem:s2+$0xFFFFFFE0]  }
0x360: {  	v39 =	vld [tilespmem:s2+$0xFFFFFFF0]  }
0x361: {  	v40 =	vld [tilespmem:s2+$0x0]  }
0x362: {  	v41 =	vld [tilespmem:s2+$0x10]  }
0x363: {  	v42 =	vld [tilespmem:s2+$0x20]  }
0x364: {  	v43 =	vld [tilespmem:s2+$0xFFFFFFC0]  }
0x365: {  	v44 =	vld [tilespmem:s10+$0xFFFFFFC0]  }
0x366: {  	v45 =	vld [tilespmem:s10+$0xFFFFFFD0]  }
0x367: {  	v30 =	vadd.f32 @p2 v34, v30;
	v60 =	vld [tilespmem:s10+$0xFFFFFFE0]  }
0x368: {  	v31 =	vadd.f32 @p2 v35, v31;
	v32 =	vadd.f32 @p2 v36, v32;
	v61 =	vld [tilespmem:s10+$0xFFFFFFF0]  }
0x369: {  	v19 =	vadd.f32 v33, v19;
	v11 =	vadd.f32 v29, v11;
	v29 =	vld [tilespmem:s10+$0x0]  }
0x36a: {  	v62 =	vld [tilespmem:s10+$0x10];
	v27 =	vadd.f32 v37, v27;
	v26 =	vadd.f32 v38, v26  }
0x36b: {  	v63 =	vld [tilespmem:s10+$0x20];
	v23 =	vadd.f32 v39, v23;
	v22 =	vadd.f32 v40, v22  }
0x36c: {  	v21 =	vadd.f32 v41, v21;
	v20 =	vadd.f32 v42, v20  }
0x36d: {  	v16 =	vpsel p2, v30, v16;
	v28 =	vadd.f32 v43, v28;
	v18 =	vadd.f32 v44, v18  }
0x36e: {  	v14 =	vpsel p2, v31, v14;
	v17 =	vadd.f32 v45, v17;
	v15 =	vadd.f32 v60, v15  }
0x36f: {  	v13 =	vpsel p2, v32, v13;
	v12 =	vadd.f32 v61, v12;
	v16 =	vadd.f32 v29, v16  }
0x370: {  	v14 =	vadd.f32 v62, v14;
	v13 =	vadd.f32 v63, v13  }
.LBB2_19:
0x371: {  	p2 =	sgt.s32 s6, s13  }
0x372: {  	p3 =	slt.s32 @!p2 s31, $0x1F  }
0x373: {  	s2 =	smov.u32 s31;
	p3 =	por !p3, p2  }
0x374: {  	s2 =	simm.s32 @p3 $0x1F  }
0x375: {  	s2 =	sshll.u32 @!p2 s2, $0xA  }
0x376: {  	s2 =	sshra.s32 @!p2 s2, $0x2  }
0x377: {  	v29 =	vld @!p2 [tilespmem:s2+$0x1A400]  }
0x378: {  	v30 =	vld @!p2 [tilespmem:s2+$0x1A410]  }
0x379: {  	v31 =	vld @!p2 [tilespmem:s2+$0x1A420]  }
0x37a: {  	v32 =	vld @!p2 [tilespmem:s2+$0x1A430]  }
0x37b: {  	v33 =	vld @!p2 [tilespmem:s2+$0x1A440]  }
0x37c: {  	v34 =	vld @!p2 [tilespmem:s2+$0x1A450];
	v29 =	vadd.f32 @!p2 v29, v28  }
0x37d: {  	v35 =	vld @!p2 [tilespmem:s2+$0x1A460];
	v30 =	vadd.f32 @!p2 v30, v27  }
0x37e: {  	[tilespmem:s2+$0x1A400] =	vst @!p2 v29;
	v29 =	vadd.f32 @!p2 v31, v26;
	v31 =	vld @!p2 [tilespmem:s2+$0x1A470]  }
0x37f: {  	[tilespmem:s2+$0x1A410] =	vst @!p2 v30;
	v30 =	vadd.f32 @!p2 v32, v23;
	v32 =	vld @!p2 [tilespmem:s2+$0x1A480]  }
0x380: {  	[tilespmem:s2+$0x1A420] =	vst @!p2 v29;
	v29 =	vadd.f32 @!p2 v33, v22;
	v33 =	vld @!p2 [tilespmem:s2+$0x1A490]  }
0x381: {  	[tilespmem:s2+$0x1A430] =	vst @!p2 v30;
	v30 =	vadd.f32 @!p2 v34, v21;
	v34 =	vld @!p2 [tilespmem:s2+$0x1A4A0]  }
0x382: {  	[tilespmem:s2+$0x1A440] =	vst @!p2 v29;
	v29 =	vadd.f32 @!p2 v35, v20;
	v35 =	vld @!p2 [tilespmem:s2+$0x1A4B0]  }
0x383: {  	[tilespmem:s2+$0x1A450] =	vst @!p2 v30;
	v30 =	vadd.f32 @!p2 v31, v19;
	v31 =	vld @!p2 [tilespmem:s2+$0x1A4C0]  }
0x384: {  	s6 =	simm.f32 @!p2 $0.0e+00;
	[tilespmem:s2+$0x1A460] =	vst @!p2 v29;
	v29 =	vadd.f32 @!p2 v32, v18;
	v32 =	vld @!p2 [tilespmem:s2+$0x1A4D0]  }
0x385: {  	s6 =	simm.f32 @p2 $1.000000000e+00;
	[tilespmem:s2+$0x1A470] =	vst @!p2 v30;
	v30 =	vadd.f32 @!p2 v33, v17;
	v33 =	vld @!p2 [tilespmem:s2+$0x1A4E0]  }
0x386: {  	v28 =	vmul.f32 s6, v28;
	v27 =	vmul.f32 s6, v27;
	[tilespmem:s2+$0x1A480] =	vst @!p2 v29;
	v29 =	vadd.f32 @!p2 v34, v15;
	v34 =	vld @!p2 [tilespmem:s2+$0x1A4F0]  }
0x387: {  	v26 =	vmul.f32 s6, v26;
	v23 =	vmul.f32 s6, v23;
	[tilespmem:s2+$0x1A490] =	vst @!p2 v30;
	v30 =	vadd.f32 @!p2 v35, v12  }
0x388: {  	v22 =	vmul.f32 s6, v22;
	v21 =	vmul.f32 s6, v21;
	[tilespmem:s2+$0x1A4A0] =	vst @!p2 v29;
	v29 =	vadd.f32 @!p2 v31, v16  }
.Ltmp11:
0x389: {  	v20 =	vmul.f32 s6, v20;
	v19 =	vmul.f32 s6, v19;
	[tilespmem:s2+$0x1A4B0] =	vst @!p2 v30;
	v30 =	vadd.f32 @!p2 v32, v14;
	(pc) =	sbr.rel @!p1 .LBB2_20-.Ltmp11, $4  }
0x38a: {  	v18 =	vmul.f32 s6, v18;
	v17 =	vmul.f32 s6, v17;
	[tilespmem:s2+$0x1A4C0] =	vst @!p2 v29;
	v29 =	vadd.f32 @!p2 v33, v13  }
0x38b: {  	v15 =	vmul.f32 s6, v15;
	v16 =	vmul.f32 s6, v16;
	[tilespmem:s2+$0x1A4D0] =	vst @!p2 v30;
	v30 =	vadd.f32 @!p2 v34, v11  }
0x38c: {  	s9 =	smov.u32 @p2 s31;
	v14 =	vmul.f32 s6, v14;
	v13 =	vmul.f32 s6, v13;
	[tilespmem:s2+$0x1A4E0] =	vst @!p2 v29  }
0x38d: {  	s10 =	smov.u32 s12;
	s31 =	smov.u32 s9;
	v12 =	vmul.f32 s6, v12;
	v11 =	vmul.f32 s6, v11;
	[tilespmem:s2+$0x1A4F0] =	vst @!p2 v30  }
.LBB2_12:
0x38e: {  	s9 =	sadd.s32 $0x1, s31  }
0x38f: {  	s2 =	sand.u32 $0xF, s9  }
0x390: {  	v29 =	vmov s2  }
0x391: {  	vm0 =	veq.s32 v29, v1  }
0x392: {  	v29 =	vnsel vm0, $0x80000000, v24  }
0x393: {  	(xrf0) =	vmax.scan.msk.u32 $0xffff, v29;
	v29 =	vnsel vm0, $0x80000000, v25  }
0x394: {  	(xrf0) =	vmax.scan.msk.u32 $0xffff, v29;
	_ =	sdelay $0x4  }
0x395: {  	v29, _, _ =	vpop (xrf0)  }
0x396: {  	(v2sf) =	vpush v29, $0xF;
	v29, _, _ =	vpop (xrf0)  }
0x397: {  	(v2sf) =	vpush v29, $0xF;
	_ =	sdelay $0xd  }
0x398: {  	s2 =	spop (v2sf)  }
0x399: {  	p1 =	slt.s32 s9, $0x10;
	s6 =	spop (v2sf)  }
0x39a: {  	s6 =	smov.u32 @p1 s2  }
0x39b: {  	p1 =	sgt.s32 s9, $0x1F;
	s6 =	sxor.u32 $0x80000000, s6  }
0x39c: {  	s6 =	simm.s32 @p1 $0x1388  }
0x39d: {  	s12 =	smov.u32 s13;
	p1 =	slt.s32 s6, s13  }
0x39e: {  	s12 =	smov.u32 @p1 s6  }
0x39f: {  	p2 =	sge.s32 s10, s12  }
.Ltmp12:
0x3a0: {  	_ = 	snop;
	(pc) =	sbr.rel @p2 .LBB2_19-.Ltmp12, $1  }
0x3a1: {  	_ =	sdelay $0x3  }
0x3a2: {  	p2 =	slt.s32 s6, s25;
	s20 =	smov.u32 s25  }
0x3a3: {  	s20 =	smov.u32 @p2 s6  }
0x3a4: {  	s20 =	ssub.s32 s20, s10  }
0x3a5: {  	s2 =	sadd.s32 s10, s26;
	p3 =	sne.s32 s20, $0x1  }
.Ltmp13:
0x3a6: {  	s2 =	sshll.u32 s2, $0x9;
	(pc) =	sbr.rel @!p3 .LBB2_14-.Ltmp13, $4  }
0x3a7: {  	s2 =	sshra.s32 s2, $0x2  }
0x3a8: {  	s10 =	sadd.s32 $0x14040, s2  }
0x3a9: {  	s2 =	sadd.s32 $0xDC40, s2;
	v29 =	vld [tilespmem:s10+$0x30]  }
0x3aa: {  	p2 =	por $0x0, $0x0;
	s20 =	sadd.s32 $0xFFFFFFFF, s20;
	v33 =	vld [tilespmem:s2+$0x30]  }
0x3ab: {  	v30 =	vld [tilespmem:s2+$0xFFFFFFD0]  }
0x3ac: {  	v31 =	vld [tilespmem:s2+$0xFFFFFFE0]  }
0x3ad: {  	v32 =	vld [tilespmem:s2+$0xFFFFFFF0]  }
0x3ae: {  	v36 =	vld [tilespmem:s2+$0x0]  }
0x3af: {  	v37 =	vld [tilespmem:s2+$0x10]  }
0x3b0: {  	v38 =	vld [tilespmem:s2+$0x20]  }
0x3b1: {  	v39 =	vld [tilespmem:s2+$0xFFFFFFC0]  }
0x3b2: {  	v40 =	vld [tilespmem:s10+$0xFFFFFFC0]  }
0x3b3: {  	v41 =	vld [tilespmem:s10+$0xFFFFFFD0]  }
0x3b4: {  	v42 =	vld [tilespmem:s10+$0xFFFFFFE0];
	v11 =	vadd.f32 v29, v11  }
0x3b5: {  	v43 =	vld [tilespmem:s10+$0xFFFFFFF0];
	p3 =	sne.s32 s20, $0x1;
	v19 =	vadd.f32 v33, v19;
	v27 =	vadd.f32 v30, v27  }
.Ltmp14:
0x3b6: {  	v34 =	vld [tilespmem:s10+$0x0];
	v26 =	vadd.f32 v31, v26;
	v23 =	vadd.f32 v32, v23;
	(pc) =	sbr.rel @!p3 .LBB2_16-.Ltmp14, $4  }
0x3b7: {  	v35 =	vld [tilespmem:s10+$0x10];
	v22 =	vadd.f32 v36, v22;
	v21 =	vadd.f32 v37, v21  }
0x3b8: {  	s2 =	sadd.s32 $0x80, s2;
	v36 =	vld [tilespmem:s10+$0x20];
	v20 =	vadd.f32 v38, v20;
	v28 =	vadd.f32 v39, v28  }
0x3b9: {  	v33 =	vld [tilespmem:s2+$0x30];
	s10 =	sadd.s32 $0x80, s10;
	v18 =	vadd.f32 v40, v18;
	v17 =	vadd.f32 v41, v17  }
0x3ba: {  	s20 =	sadd.s32 $0xFFFFFFFF, s20;
	p2 =	por $0x1, $0x1;
	v15 =	vadd.f32 v42, v15;
	v12 =	vadd.f32 v43, v12;
	v30 =	vmovc v16;
	v31 =	vmovc v14;
	v32 =	vmov v13;
	v29 =	vld [tilespmem:s10+$0x30]  }
.LBB2_17:
0x3bb: {  	p3 =	sne.s32 s20, $0x1;
	v37 =	vld [tilespmem:s2+$0xFFFFFFD0];
	v30 =	vadd.f32 v34, v30  }
0x3bc: {  	v31 =	vadd.f32 v35, v31;
	v34 =	vld [tilespmem:s2+$0xFFFFFFE0]  }
0x3bd: {  	v32 =	vadd.f32 v36, v32;
	v35 =	vld [tilespmem:s2+$0xFFFFFFF0]  }
0x3be: {  	v36 =	vld [tilespmem:s2+$0x0]  }
0x3bf: {  	v19 =	vadd.f32 v33, v19;
	v11 =	vadd.f32 v29, v11;
	v38 =	vld [tilespmem:s2+$0x10]  }
0x3c0: {  	v27 =	vadd.f32 v37, v27;
	v29 =	vld [tilespmem:s2+$0x20]  }
0x3c1: {  	v33 =	vld [tilespmem:s2+$0xFFFFFFC0];
	v26 =	vadd.f32 v34, v26  }
0x3c2: {  	v23 =	vadd.f32 v35, v23;
	v35 =	vld [tilespmem:s10+$0xFFFFFFC0]  }
0x3c3: {  	v22 =	vadd.f32 v36, v22;
	v36 =	vld [tilespmem:s10+$0xFFFFFFD0]  }
0x3c4: {  	v21 =	vadd.f32 v38, v21;
	v37 =	vld [tilespmem:s10+$0xFFFFFFE0]  }
0x3c5: {  	v20 =	vadd.f32 v29, v20;
	v38 =	vld [tilespmem:s10+$0xFFFFFFF0]  }
.Ltmp15:
0x3c6: {  	v28 =	vadd.f32 v33, v28;
	v34 =	vld [tilespmem:s10+$0x0];
	(pc) =	sbr.rel @p3 .LBB2_17-.Ltmp15, $4  }
0x3c7: {  	v18 =	vadd.f32 v35, v18;
	v35 =	vld [tilespmem:s10+$0x10]  }
0x3c8: {  	v17 =	vadd.f32 v36, v17;
	v36 =	vld [tilespmem:s10+$0x20];
	s10 =	sadd.s32 $0x80, s10  }
0x3c9: {  	s2 =	sadd.s32 $0x80, s2;
	v29 =	vld [tilespmem:s10+$0x30];
	v15 =	vadd.f32 v37, v15  }
0x3ca: {  	s20 =	sadd.s32 $0xFFFFFFFF, s20;
	v33 =	vld [tilespmem:s2+$0x30];
	v12 =	vadd.f32 v38, v12  }
.Ltmp16:
0x3cb: {  	_ = 	snop;
	(pc) =	sbr.rel .LBB2_18-.Ltmp16, $1  }
0x3cc: {  	_ =	sdelay $0x3  }
.LBB2_16:
.Ltmp17:
0x3cd: {  	(pc) =	sbr.rel .LBB2_18-.Ltmp17, $2  }
0x3ce: {  	_ =	sdelay $0x2  }
0x3cf: {  	v30 =	vmov v16;
	v31 =	vmov v14;
	v32 =	vmov v13  }
.LBB2_20:
0x3d0: {  	p1 =	seq.s32 s7, $0xB  }
.Ltmp18:
0x3d1: {  	_ = 	snop;
	(pc) =	sbr.rel @p1 .LBB2_22-.Ltmp18, $1  }
0x3d2: {  	_ =	sdelay $0x3  }
0x3d3: {  	s2 =	sadd.s32 s8, s11  }
.Ltmp19:
0x3d4: {  	s7 =	sadd.s32 $0x1, s7;
	s2 =	sshll.u32 s2, $0x5;
	(pc) =	sbr.rel .LBB2_2-.Ltmp19, $4  }
0x3d5: {  	s0 =	sadd.s32 $0x190, s0;
	s25 =	sadd.s32 $0x190, s25;
	s6 =	sadd.s32 s1, s2  }
0x3d6: {  	[tilespmem:s18], [sflag:$0x3] =	stream.strided.gather [hbm4b:s6+s14], $0x6400, s15, s14, $0x38;
	[tilespmem:$0x1C680] =	vst v63  }
0x3d7: {  	s28 =	sadd.s32 $0xFFFFFE70, s28;
	s26 =	sadd.s32 $0xFFFFFE70, s26;
	s2 =	sadd.s32 s2, s5  }
0x3d8: {  	[tilespmem:s19], [sflag:$0x4] =	stream.strided.gather [hbm4b:s2+s14], $0x6400, s15, s14, $0x38;
	[tilespmem:$0x1C680] =	vst v63  }
.LBB2_22:
0x3d9: {  	_ =	swait.ge [sflag:s21], $0x6400  }
0x3da: {  	[sflag:s21] =	ssyncset.done $0x0  }
.Ltmp20:
0x3db: {  	[sflag:s21] =	ssyncadd.s32 $0xFFFF9C00;
	(pc) =	sbr.rel .LBB2_23-.Ltmp20, $4  }
0x3dc: {  	_ =	swait.ge [sflag:s22], $0x6400  }
0x3dd: {  	[sflag:s22] =	ssyncset.done $0x0  }
0x3de: {  	[sflag:s22] =	ssyncadd.s32 $0xFFFF9C00  }
0x3df: {  	s2 =	simm.s32 $0x12C0;
	s13 =	rddreg [dreg:$0x3]  }
.LBB2_25:
0x3e0: {  	v30 =	vmov v16;
	v31 =	vmov v14;
	v32 =	vmov v13  }
.LBB2_29:
0x3e1: {  	v37 =	vld [tilespmem:s2+$0x10]  }
0x3e2: {  	v38 =	vld [tilespmem:s2+$0x20]  }
0x3e3: {  	v39 =	vld [tilespmem:s2+$0x30]  }
0x3e4: {  	v40 =	vld [tilespmem:s2+$0x40]  }
0x3e5: {  	v41 =	vld [tilespmem:s2+$0x50]  }
0x3e6: {  	v42 =	vld [tilespmem:s2+$0x60]  }
0x3e7: {  	v43 =	vld [tilespmem:s2+$0x0]  }
0x3e8: {  	v44 =	vld [tilespmem:s8+$0x0]  }
0x3e9: {  	v45 =	vld [tilespmem:s8+$0x10]  }
0x3ea: {  	v30 =	vadd.f32 @p2 v34, v30;
	v60 =	vld [tilespmem:s8+$0x20]  }
0x3eb: {  	v31 =	vadd.f32 @p2 v35, v31;
	v32 =	vadd.f32 @p2 v36, v32;
	v61 =	vld [tilespmem:s8+$0x30]  }
0x3ec: {  	v19 =	vadd.f32 v33, v19;
	v11 =	vadd.f32 v29, v11;
	v29 =	vld [tilespmem:s8+$0x40]  }
0x3ed: {  	v62 =	vld [tilespmem:s8+$0x50];
	v27 =	vadd.f32 v37, v27;
	v26 =	vadd.f32 v38, v26  }
0x3ee: {  	v63 =	vld [tilespmem:s8+$0x60];
	v23 =	vadd.f32 v39, v23;
	v22 =	vadd.f32 v40, v22  }
0x3ef: {  	v21 =	vadd.f32 v41, v21;
	v20 =	vadd.f32 v42, v20  }
0x3f0: {  	v16 =	vpsel p2, v30, v16;
	v28 =	vadd.f32 v43, v28;
	v18 =	vadd.f32 v44, v18  }
0x3f1: {  	v14 =	vpsel p2, v31, v14;
	v17 =	vadd.f32 v45, v17;
	v15 =	vadd.f32 v60, v15  }
0x3f2: {  	v13 =	vpsel p2, v32, v13;
	v12 =	vadd.f32 v61, v12;
	v16 =	vadd.f32 v29, v16  }
0x3f3: {  	v14 =	vadd.f32 v62, v14;
	v13 =	vadd.f32 v63, v13  }
.LBB2_30:
0x3f4: {  	p2 =	sgt.s32 s6, $0x1388  }
0x3f5: {  	p3 =	slt.s32 @!p2 s9, $0x1F  }
0x3f6: {  	s2 =	smov.u32 s9;
	p3 =	por !p3, p2  }
0x3f7: {  	s2 =	simm.s32 @p3 $0x1F  }
0x3f8: {  	s2 =	sshll.u32 @!p2 s2, $0xA  }
0x3f9: {  	s2 =	sshra.s32 @!p2 s2, $0x2  }
0x3fa: {  	v29 =	vld @!p2 [tilespmem:s2+$0x1A400]  }
0x3fb: {  	v30 =	vld @!p2 [tilespmem:s2+$0x1A410]  }
0x3fc: {  	v31 =	vld @!p2 [tilespmem:s2+$0x1A420]  }
0x3fd: {  	v32 =	vld @!p2 [tilespmem:s2+$0x1A430]  }
0x3fe: {  	v33 =	vld @!p2 [tilespmem:s2+$0x1A440]  }
0x3ff: {  	v34 =	vld @!p2 [tilespmem:s2+$0x1A450];
	v29 =	vadd.f32 @!p2 v29, v28  }
0x400: {  	v35 =	vld @!p2 [tilespmem:s2+$0x1A460];
	v30 =	vadd.f32 @!p2 v30, v27  }
0x401: {  	[tilespmem:s2+$0x1A400] =	vst @!p2 v29;
	v29 =	vadd.f32 @!p2 v31, v26;
	v31 =	vld @!p2 [tilespmem:s2+$0x1A470]  }
0x402: {  	[tilespmem:s2+$0x1A410] =	vst @!p2 v30;
	v30 =	vadd.f32 @!p2 v32, v23;
	v32 =	vld @!p2 [tilespmem:s2+$0x1A480]  }
0x403: {  	[tilespmem:s2+$0x1A420] =	vst @!p2 v29;
	v29 =	vadd.f32 @!p2 v33, v22;
	v33 =	vld @!p2 [tilespmem:s2+$0x1A490]  }
0x404: {  	[tilespmem:s2+$0x1A430] =	vst @!p2 v30;
	v30 =	vadd.f32 @!p2 v34, v21;
	v34 =	vld @!p2 [tilespmem:s2+$0x1A4A0]  }
0x405: {  	[tilespmem:s2+$0x1A440] =	vst @!p2 v29;
	v29 =	vadd.f32 @!p2 v35, v20;
	v35 =	vld @!p2 [tilespmem:s2+$0x1A4B0]  }
0x406: {  	[tilespmem:s2+$0x1A450] =	vst @!p2 v30;
	v30 =	vadd.f32 @!p2 v31, v19;
	v31 =	vld @!p2 [tilespmem:s2+$0x1A4C0]  }
0x407: {  	s6 =	simm.f32 @!p2 $0.0e+00;
	[tilespmem:s2+$0x1A460] =	vst @!p2 v29;
	v29 =	vadd.f32 @!p2 v32, v18;
	v32 =	vld @!p2 [tilespmem:s2+$0x1A4D0]  }
0x408: {  	s6 =	simm.f32 @p2 $1.000000000e+00;
	[tilespmem:s2+$0x1A470] =	vst @!p2 v30;
	v30 =	vadd.f32 @!p2 v33, v17;
	v33 =	vld @!p2 [tilespmem:s2+$0x1A4E0]  }
0x409: {  	v28 =	vmul.f32 s6, v28;
	v27 =	vmul.f32 s6, v27;
	[tilespmem:s2+$0x1A480] =	vst @!p2 v29;
	v29 =	vadd.f32 @!p2 v34, v15;
	v34 =	vld @!p2 [tilespmem:s2+$0x1A4F0]  }
0x40a: {  	v26 =	vmul.f32 s6, v26;
	v23 =	vmul.f32 s6, v23;
	[tilespmem:s2+$0x1A490] =	vst @!p2 v30;
	v30 =	vadd.f32 @!p2 v35, v12  }
0x40b: {  	v22 =	vmul.f32 s6, v22;
	v21 =	vmul.f32 s6, v21;
	[tilespmem:s2+$0x1A4A0] =	vst @!p2 v29;
	v29 =	vadd.f32 @!p2 v31, v16  }
.Ltmp21:
0x40c: {  	v20 =	vmul.f32 s6, v20;
	v19 =	vmul.f32 s6, v19;
	[tilespmem:s2+$0x1A4B0] =	vst @!p2 v30;
	v30 =	vadd.f32 @!p2 v32, v14;
	(pc) =	sbr.rel @!p1 .LBB2_31-.Ltmp21, $4  }
0x40d: {  	v18 =	vmul.f32 s6, v18;
	v17 =	vmul.f32 s6, v17;
	[tilespmem:s2+$0x1A4C0] =	vst @!p2 v29;
	v29 =	vadd.f32 @!p2 v33, v13  }
0x40e: {  	v15 =	vmul.f32 s6, v15;
	v16 =	vmul.f32 s6, v16;
	[tilespmem:s2+$0x1A4D0] =	vst @!p2 v30;
	v30 =	vadd.f32 @!p2 v34, v11  }
0x40f: {  	s0 =	smov.u32 @p2 s9;
	v14 =	vmul.f32 s6, v14;
	v13 =	vmul.f32 s6, v13;
	[tilespmem:s2+$0x1A4E0] =	vst @!p2 v29  }
0x410: {  	s9 =	smov.u32 s0;
	v12 =	vmul.f32 s6, v12;
	v11 =	vmul.f32 s6, v11;
	[tilespmem:s2+$0x1A4F0] =	vst @!p2 v30;
	s2 =	smov.u32 s7  }
.LBB2_23:
0x411: {  	s0 =	sadd.s32 $0x1, s9  }
0x412: {  	s6 =	sand.u32 $0xF, s0  }
0x413: {  	v29 =	vmov s6  }
0x414: {  	vm0 =	veq.s32 v29, v1  }
0x415: {  	v29 =	vnsel vm0, $0x80000000, v24  }
0x416: {  	(xrf0) =	vmax.scan.msk.u32 $0xffff, v29;
	v29 =	vnsel vm0, $0x80000000, v25  }
0x417: {  	(xrf0) =	vmax.scan.msk.u32 $0xffff, v29;
	_ =	sdelay $0x4  }
0x418: {  	v29, _, _ =	vpop (xrf0)  }
0x419: {  	(v2sf) =	vpush v29, $0xF;
	v29, _, _ =	vpop (xrf0)  }
0x41a: {  	(v2sf) =	vpush v29, $0xF;
	_ =	sdelay $0xd  }
0x41b: {  	s6 =	spop (v2sf)  }
0x41c: {  	p1 =	slt.s32 s0, $0x10;
	s7 =	spop (v2sf)  }
0x41d: {  	s7 =	smov.u32 @p1 s6  }
0x41e: {  	p1 =	sgt.s32 s0, $0x1F;
	s6 =	sxor.u32 $0x80000000, s7  }
0x41f: {  	s6 =	simm.s32 @p1 $0x1388  }
0x420: {  	p1 =	slt.s32 s6, $0x1388;
	s7 =	smov.u32 s6  }
0x421: {  	s7 =	simm.s32 @!p1 $0x1388  }
0x422: {  	p2 =	sle.s32 s7, s2  }
.Ltmp22:
0x423: {  	_ = 	snop;
	(pc) =	sbr.rel @p2 .LBB2_30-.Ltmp22, $1  }
0x424: {  	_ =	sdelay $0x3  }
0x425: {  	s12 =	ssub.s32 s7, s2  }
0x426: {  	p3 =	sne.s32 s12, $0x1  }
.Ltmp23:
0x427: {  	s8 =	sshll.u32 s2, $0x9;
	(pc) =	sbr.rel @!p3 .LBB2_25-.Ltmp23, $4  }
0x428: {  	s10 =	sshra.s32 s8, $0x2  }
0x429: {  	s8 =	sadd.s32 $0xFFF71800, s10  }
0x42a: {  	s2 =	sadd.s32 $0xFFF6B400, s10;
	v29 =	vld [tilespmem:s8+$0x70]  }
0x42b: {  	p2 =	por $0x0, $0x0;
	s10 =	sadd.s32 $0xFFFFFFFF, s12;
	v33 =	vld [tilespmem:s2+$0x70]  }
0x42c: {  	v30 =	vld [tilespmem:s2+$0x10]  }
0x42d: {  	v31 =	vld [tilespmem:s2+$0x20]  }
0x42e: {  	v32 =	vld [tilespmem:s2+$0x30]  }
0x42f: {  	v36 =	vld [tilespmem:s2+$0x40]  }
0x430: {  	v37 =	vld [tilespmem:s2+$0x50]  }
0x431: {  	v38 =	vld [tilespmem:s2+$0x60]  }
0x432: {  	v39 =	vld [tilespmem:s2+$0x0]  }
0x433: {  	v40 =	vld [tilespmem:s8+$0x0]  }
0x434: {  	v41 =	vld [tilespmem:s8+$0x10]  }
0x435: {  	v42 =	vld [tilespmem:s8+$0x20];
	v11 =	vadd.f32 v29, v11  }
0x436: {  	v43 =	vld [tilespmem:s8+$0x30];
	p3 =	sne.s32 s10, $0x1;
	v19 =	vadd.f32 v33, v19;
	v27 =	vadd.f32 v30, v27  }
.Ltmp24:
0x437: {  	v34 =	vld [tilespmem:s8+$0x40];
	v26 =	vadd.f32 v31, v26;
	v23 =	vadd.f32 v32, v23;
	(pc) =	sbr.rel @!p3 .LBB2_27-.Ltmp24, $4  }
0x438: {  	v35 =	vld [tilespmem:s8+$0x50];
	v22 =	vadd.f32 v36, v22;
	v21 =	vadd.f32 v37, v21  }
0x439: {  	s2 =	sadd.s32 $0x80, s2;
	v36 =	vld [tilespmem:s8+$0x60];
	v20 =	vadd.f32 v38, v20;
	v28 =	vadd.f32 v39, v28  }
0x43a: {  	v33 =	vld [tilespmem:s2+$0x70];
	s8 =	sadd.s32 $0x80, s8;
	v18 =	vadd.f32 v40, v18;
	v17 =	vadd.f32 v41, v17  }
0x43b: {  	s10 =	sadd.s32 $0xFFFFFFFF, s10;
	p2 =	por $0x1, $0x1;
	v15 =	vadd.f32 v42, v15;
	v12 =	vadd.f32 v43, v12;
	v30 =	vmovc v16;
	v31 =	vmovc v14;
	v32 =	vmov v13;
	v29 =	vld [tilespmem:s8+$0x70]  }
.LBB2_28:
0x43c: {  	p3 =	sne.s32 s10, $0x1;
	v37 =	vld [tilespmem:s2+$0x10];
	v30 =	vadd.f32 v34, v30  }
0x43d: {  	v31 =	vadd.f32 v35, v31;
	v34 =	vld [tilespmem:s2+$0x20]  }
0x43e: {  	v32 =	vadd.f32 v36, v32;
	v35 =	vld [tilespmem:s2+$0x30]  }
0x43f: {  	v36 =	vld [tilespmem:s2+$0x40]  }
0x440: {  	v19 =	vadd.f32 v33, v19;
	v11 =	vadd.f32 v29, v11;
	v38 =	vld [tilespmem:s2+$0x50]  }
0x441: {  	v27 =	vadd.f32 v37, v27;
	v29 =	vld [tilespmem:s2+$0x60]  }
0x442: {  	v33 =	vld [tilespmem:s2+$0x0];
	v26 =	vadd.f32 v34, v26  }
0x443: {  	v23 =	vadd.f32 v35, v23;
	v35 =	vld [tilespmem:s8+$0x0]  }
0x444: {  	v22 =	vadd.f32 v36, v22;
	v36 =	vld [tilespmem:s8+$0x10]  }
0x445: {  	v21 =	vadd.f32 v38, v21;
	v37 =	vld [tilespmem:s8+$0x20]  }
0x446: {  	v20 =	vadd.f32 v29, v20;
	v38 =	vld [tilespmem:s8+$0x30]  }
.Ltmp25:
0x447: {  	v28 =	vadd.f32 v33, v28;
	v34 =	vld [tilespmem:s8+$0x40];
	(pc) =	sbr.rel @p3 .LBB2_28-.Ltmp25, $4  }
0x448: {  	v18 =	vadd.f32 v35, v18;
	v35 =	vld [tilespmem:s8+$0x50]  }
0x449: {  	v17 =	vadd.f32 v36, v17;
	v36 =	vld [tilespmem:s8+$0x60];
	s8 =	sadd.s32 $0x80, s8  }
0x44a: {  	s2 =	sadd.s32 $0x80, s2;
	v29 =	vld [tilespmem:s8+$0x70];
	v15 =	vadd.f32 v37, v15  }
0x44b: {  	s10 =	sadd.s32 $0xFFFFFFFF, s10;
	v33 =	vld [tilespmem:s2+$0x70];
	v12 =	vadd.f32 v38, v12  }
.Ltmp26:
0x44c: {  	_ = 	snop;
	(pc) =	sbr.rel .LBB2_29-.Ltmp26, $1  }
0x44d: {  	_ =	sdelay $0x3  }
.LBB2_27:
.Ltmp27:
0x44e: {  	(pc) =	sbr.rel .LBB2_29-.Ltmp27, $2  }
0x44f: {  	_ =	sdelay $0x2  }
0x450: {  	v30 =	vmov v16;
	v31 =	vmov v14;
	v32 =	vmov v13  }
.LBB2_32:
0x451: {  	_ =	sfence.sel $0x180000  }
0x452: {  	[bflag:$0x0] =	sbarrier.arrive $0xFFFF  }
0x453: {  	_ =	strace $0x90000047  }
0x454: {  	[bflag:$0x2] =	sbarrier.arrive $0xFFFF  }
0x455: {  	s0 =	rddreg [dreg:$0x4]  }
0x456: {  	s0 =	sadd.s32 @!p0 $0x100000, s0  }
0x457: {  	[sflag:s0] =	ssyncadd.tile.s32 @!p0 $0x1;
	_ =	shalt  }
.Lfunc_end2:
_tile_overlayer_lowered:
.L_overlay_start_2:
0x458: {  	(tag) =	ssettag $0x2  }
0x459: {  	s0 =	rddreg [dreg:$0x0];
	s2 =	stileid.u32  }
0x45a: {  	s1 =	rddreg [dreg:$0x1];
	p0 =	sne.s32 s2, $0x0  }
0x45b: {  	s3 =	rddreg [dreg:$0x2];
	[bflag:$0x3] =	sbarrier.arrive $0xFFFF;
	s2 =	simm.s32 @!p0 $0x1C06  }
0x45c: {  	[timem:s3], [sflag:s2] =	dma.local @!p0 [hbm:s0], s1  }
0x45d: {  	s0 =	simm.s32 @!p0 $0x6  }
0x45e: {  	_ =	swait.ge @!p0 [sflag:s0], s1  }
0x45f: {  	s1 =	ssub.s32 @!p0 $0x0, s1;
	[sflag:s0] =	ssyncset.done @!p0 $0x0  }
0x460: {  	[sflag:s0] =	ssyncadd.s32 @!p0 s1  }
0x461: {  	[bflag:$0x3] =	sbarrier.arrive $0xFFFF  }
0x462: {  	_ =	shalt  }

</sc_bundles>
